<compile_context>
chip_gen: v7x
topology: tpu7x:2x2x1
jax: 0.10.2.dev20260603
libtpu: 0.0.44.dev20260713+nightly
codegen_flags: <defaults>
</compile_context>

<pallas_src>
import functools

import jax
import jax.numpy as jnp
from jax import lax
from jax.experimental import pallas as pl
from jax.experimental.pallas import tpu as pltpu
from jax.experimental.pallas import tpu_sc as plsc

VOCAB = 100000
DIM = 1024
B, S = 4, 4096
TOKENS = B * S
EPS = 1e-12

NC, NS, L = 2, 16, 16
NW = NC * NS
TOK_PER_W = TOKENS // NW
CHUNK = 32
NCHUNK = TOK_PER_W // CHUNK
NSL = DIM // L

_mesh = plsc.VectorSubcoreMesh(
    core_axis_name="c", subcore_axis_name="s", num_cores=NC, num_subcores=NS
)


@functools.partial(
    pl.kernel,
    out_type=jax.ShapeDtypeStruct((TOKENS, DIM), jnp.float32),
    mesh=_mesh,
    compiler_params=pltpu.CompilerParams(needs_layout_passes=False),
    scratch_types=dict(
        idx_v=pltpu.VMEM((CHUNK,), jnp.int32),
        msk_v=pltpu.VMEM((CHUNK,), jnp.int32),
        t2_v=pltpu.VMEM((2, DIM), jnp.float32),
        p2_v=pltpu.VMEM((2, DIM), jnp.float32),
        base_v=pltpu.VMEM((DIM,), jnp.float32),
        delta_v=pltpu.VMEM((DIM,), jnp.float32),
        g_v=pltpu.VMEM((DIM,), jnp.float32),
        b_v=pltpu.VMEM((DIM,), jnp.float32),
        x_v=pltpu.VMEM((CHUNK, DIM), jnp.float32),
        sem=pltpu.SemaphoreType.DMA,
    ),
)
def _emb_ln_kernel(ids_hbm, msk_hbm, word_hbm, pos_hbm, type_hbm, gamma_hbm,
                   beta_hbm, out_hbm, *, idx_v, msk_v, t2_v, p2_v, base_v,
                   delta_v, g_v, b_v, x_v, sem):
    wid = lax.axis_index("s") * NC + lax.axis_index("c")

    pltpu.sync_copy(type_hbm, t2_v)
    pltpu.sync_copy(pos_hbm.at[pl.ds(0, 2)], p2_v)
    pltpu.sync_copy(gamma_hbm, g_v)
    pltpu.sync_copy(beta_hbm, b_v)
    for j in range(NSL):
        sl = pl.ds(j * L, L)
        c0 = t2_v[0, sl] + p2_v[0, sl]
        c1 = t2_v[1, sl] + p2_v[1, sl]
        base_v[sl] = c0
        delta_v[sl] = c1 - c0

    def token_body(t, _):
        t16 = jnp.full((L,), t, dtype=jnp.int32)
        mf = plsc.load_gather(msk_v, [t16]).astype(jnp.float32)

        sx = jnp.zeros((L,), jnp.float32)
        sq = jnp.zeros((L,), jnp.float32)
        for j in range(NSL):
            sl = pl.ds(j * L, L)
            v = x_v[t, sl] + base_v[sl] + mf * delta_v[sl]
            x_v[t, sl] = v
            sx = sx + v
            sq = sq + v * v
        s1 = jnp.sum(sx)
        s2 = jnp.sum(sq)
        mean = s1 * (1.0 / DIM)
        var = s2 * (1.0 / DIM) - mean * mean

        a = jnp.full((L,), var + EPS, jnp.float32)
        i = plsc.bitcast(a, jnp.int32)
        y = plsc.bitcast(jnp.int32(0x5F3759DF) - (i >> 1), jnp.float32)
        half = -0.5 * a
        for _ in range(3):
            y = y * (1.5 + half * y * y)

        p = y
        q = jnp.full((L,), -mean, jnp.float32) * y

        for j in range(NSL):
            sl = pl.ds(j * L, L)
            v = x_v[t, sl]
            x_v[t, sl] = (v * p + q) * g_v[sl] + b_v[sl]
        return 0

    def chunk_body(c, _):
        tok = wid * TOK_PER_W + c * CHUNK
        rows = pl.ds(tok, CHUNK)
        pltpu.sync_copy(ids_hbm.at[rows], idx_v)
        pltpu.sync_copy(msk_hbm.at[rows], msk_v)
        pltpu.async_copy(word_hbm.at[idx_v], x_v, sem).wait()
        lax.fori_loop(0, CHUNK, token_body, 0)
        pltpu.sync_copy(x_v, out_hbm.at[rows])
        return 0

    lax.fori_loop(0, NCHUNK, chunk_body, 0)


def kernel(input_ids, attention_mask, token_type_ids, word_emb, pos_emb,
           type_emb, ln_gamma, ln_beta):
    del token_type_ids
    ids = input_ids.reshape(-1).astype(jnp.int32)
    msk = attention_mask.reshape(-1).astype(jnp.int32)
    out = _emb_ln_kernel(ids, msk, word_emb, pos_emb, type_emb,
                         ln_gamma, ln_beta)
    return out.reshape(B, S, DIM)

# --- scband reference (transcript-rebuilt; emitter-appended) ---
"""Pipeline reference for scband-embedding-1803886265517 (READ-ONLY COPY).

The authoritative reference and input builder live on the scoring server;
editing this copy changes nothing except your own understanding.
"""

import jax, jax.numpy as jnp
import numpy as np

VOCAB = 100000
MAX_POS = 4096
TYPE_SIZE = 2
DIM = 1024
B, S = 4, 4096
EPS = 1e-12

def setup_inputs(seed: int = 0) -> dict:
    key = jax.random.key(seed)
    k1, k2, k3, k4, k5, k6 = jax.random.split(key, 6)
    input_ids = jax.random.randint(k1, (B, S), 0, VOCAB, dtype=jnp.int64) if jax.config.jax_enable_x64 else jax.random.randint(k1, (B, S), 0, VOCAB, dtype=jnp.int32)
    attention_mask = jax.random.randint(k2, (B, S), 0, TYPE_SIZE, dtype=input_ids.dtype)
    token_type_ids = jax.random.randint(k3, (B, S), 0, TYPE_SIZE, dtype=input_ids.dtype)
    word_emb = jax.random.normal(k4, (VOCAB, DIM), dtype=jnp.float32) * 0.02
    pos_emb = jax.random.normal(k5, (MAX_POS, DIM), dtype=jnp.float32) * 0.02
    type_emb = jax.random.normal(k6, (TYPE_SIZE, DIM), dtype=jnp.float32) * 0.02
    ln_gamma = jnp.ones((DIM,), dtype=jnp.float32)
    ln_beta = jnp.zeros((DIM,), dtype=jnp.float32)
    return {"input_ids": input_ids, "attention_mask": attention_mask, "token_type_ids": token_type_ids,
            "word_emb": word_emb, "pos_emb": pos_emb, "type_emb": type_emb,
            "ln_gamma": ln_gamma, "ln_beta": ln_beta}

def reference(input_ids, attention_mask, token_type_ids, word_emb, pos_emb, type_emb, ln_gamma, ln_beta):
    # Faithful to the torch module: token_type AND positional embeddings are both
    # indexed with attention_mask (as written in the original forward).
    input_embedding = jnp.take(word_emb, input_ids, axis=0)
    token_type_embedding = jnp.take(type_emb, attention_mask, axis=0)
    embedding = input_embedding + token_type_embedding
    # positional_embedding_type == 'absolute'
    pos_embedding = jnp.take(pos_emb, attention_mask, axis=0)
    embedding = embedding + pos_embedding
    # LayerNorm (biased variance, eps=1e-12)
    mean = jnp.mean(embedding, axis=-1, keepdims=True)
    var = jnp.var(embedding, axis=-1, keepdims=True)
    normed = (embedding - mean) / jnp.sqrt(var + EPS)
    out = normed * ln_gamma + ln_beta
    # dropout treated as identity for deterministic reference (eval semantics)
    return out

if __name__ == "__main__":
    import jax
    _d = setup_inputs()
    print(jax.jit(kernel)(*tuple(_d.values())))

</pallas_src>

<mosaic_0001>
#map = affine_map<(d0, d1) -> (0)>
#map1 = affine_map<(d0, d1) -> (0, 0)>
module attributes {stable_mosaic.version = 14 : i64} {
  func.func @_emb_ln_kernel(%arg0: i32, %arg1: i32, %arg2: memref<16384xi32, #tpu.memory_space<hbm>>, %arg3: memref<16384xi32, #tpu.memory_space<hbm>>, %arg4: memref<100000x1024xf32, #tpu.memory_space<hbm>>, %arg5: memref<4096x1024xf32, #tpu.memory_space<hbm>>, %arg6: memref<2x1024xf32, #tpu.memory_space<hbm>>, %arg7: memref<1024xf32, #tpu.memory_space<hbm>>, %arg8: memref<1024xf32, #tpu.memory_space<hbm>>, %arg9: memref<16384x1024xf32, #tpu.memory_space<hbm>>, %arg10: memref<1024xf32, #tpu.memory_space<vmem>>, %arg11: memref<1024xf32, #tpu.memory_space<vmem>>, %arg12: memref<1024xf32, #tpu.memory_space<vmem>>, %arg13: memref<1024xf32, #tpu.memory_space<vmem>>, %arg14: memref<32xi32, #tpu.memory_space<vmem>>, %arg15: memref<32xi32, #tpu.memory_space<vmem>>, %arg16: memref<2x1024xf32, #tpu.memory_space<vmem>>, %arg17: memref<!tpu.dma_semaphore, #tpu.memory_space<semaphore_mem>>, %arg18: memref<2x1024xf32, #tpu.memory_space<vmem>>, %arg19: memref<32x1024xf32, #tpu.memory_space<vmem>>) attributes {dimension_semantics = [#tpu.dimension_semantics<core_parallel>, #tpu.dimension_semantics<subcore_parallel>], iteration_bounds = array<i64: 2, 16>, scalar_prefetch = 0 : i64, scratch_operands = 10 : i64, tpu.core_type = #tpu.core_type<sc_vector_subcore>, window_params = [{transform_indices = #map}, {transform_indices = #map}, {transform_indices = #map1}, {transform_indices = #map1}, {transform_indices = #map1}, {transform_indices = #map}, {transform_indices = #map}, {transform_indices = #map1}]} {
    %mul3A = arith.constant 2 : i32
    %mul3A_0 = arith.muli %arg1, %mul3A : i32
    %add3A = arith.addi %mul3A_0, %arg0 : i32
    "tpu.region"() ({
      %run_scoped3A = tpu.sem_alloc : memref<!tpu.dma_semaphore, #tpu.memory_space<semaphore_mem>>
      tpu.enqueue_dma source(%arg6 : memref<2x1024xf32, #tpu.memory_space<hbm>>) target(%arg18 : memref<2x1024xf32, #tpu.memory_space<vmem>>) target_semaphore(%run_scoped3A : memref<!tpu.dma_semaphore, #tpu.memory_space<semaphore_mem>>)
      tpu.wait_dma2 semaphore(%run_scoped3A : memref<!tpu.dma_semaphore, #tpu.memory_space<semaphore_mem>>) src(%arg6 : memref<2x1024xf32, #tpu.memory_space<hbm>>) dst(%arg18 : memref<2x1024xf32, #tpu.memory_space<vmem>>)
      tpu.yield
    }) : () -> ()
    "tpu.region"() ({
      %run_scoped3A = tpu.sem_alloc : memref<!tpu.dma_semaphore, #tpu.memory_space<semaphore_mem>>
      %dma_start3A = arith.constant 0 : i32
      %dma_start3A_1476 = arith.constant 0 : i32
      %dma_start3A_1477 = tpu.memref_slice %arg5[%dma_start3A, %dma_start3A_1476] : memref<4096x1024xf32, #tpu.memory_space<hbm>> -> memref<2x1024xf32, #tpu.memory_space<hbm>>
      %dma_start3A_1478 = arith.constant 0 : i32
      %dma_start3A_1479 = arith.constant 0 : i32
      %dma_start3A_1480 = tpu.memref_slice %arg5[%dma_start3A_1478, %dma_start3A_1479] : memref<4096x1024xf32, #tpu.memory_space<hbm>> -> memref<2x1024xf32, #tpu.memory_space<hbm>>
      tpu.enqueue_dma source(%dma_start3A_1480 : memref<2x1024xf32, #tpu.memory_space<hbm>>) target(%arg16 : memref<2x1024xf32, #tpu.memory_space<vmem>>) target_semaphore(%run_scoped3A : memref<!tpu.dma_semaphore, #tpu.memory_space<semaphore_mem>>)
      %dma_wait3A = arith.constant 0 : i32
      %dma_wait3A_1481 = arith.constant 0 : i32
      %dma_wait3A_1482 = tpu.memref_slice %arg5[%dma_wait3A, %dma_wait3A_1481] : memref<4096x1024xf32, #tpu.memory_space<hbm>> -> memref<2x1024xf32, #tpu.memory_space<hbm>>
      %dma_wait3A_1483 = arith.constant 0 : i32
      %dma_wait3A_1484 = arith.constant 0 : i32
      %dma_wait3A_1485 = tpu.memref_slice %arg5[%dma_wait3A_1483, %dma_wait3A_1484] : memref<4096x1024xf32, #tpu.memory_space<hbm>> -> memref<2x1024xf32, #tpu.memory_space<hbm>>
      tpu.wait_dma2 semaphore(%run_scoped3A : memref<!tpu.dma_semaphore, #tpu.memory_space<semaphore_mem>>) src(%dma_wait3A_1485 : memref<2x1024xf32, #tpu.memory_space<hbm>>) dst(%arg16 : memref<2x1024xf32, #tpu.memory_space<vmem>>)
      tpu.yield
    }) : () -> ()
    "tpu.region"() ({
      %run_scoped3A = tpu.sem_alloc : memref<!tpu.dma_semaphore, #tpu.memory_space<semaphore_mem>>
      tpu.enqueue_dma source(%arg7 : memref<1024xf32, #tpu.memory_space<hbm>>) target(%arg13 : memref<1024xf32, #tpu.memory_space<vmem>>) target_semaphore(%run_scoped3A : memref<!tpu.dma_semaphore, #tpu.memory_space<semaphore_mem>>)
      tpu.wait_dma2 semaphore(%run_scoped3A : memref<!tpu.dma_semaphore, #tpu.memory_space<semaphore_mem>>) src(%arg7 : memref<1024xf32, #tpu.memory_space<hbm>>) dst(%arg13 : memref<1024xf32, #tpu.memory_space<vmem>>)
      tpu.yield
    }) : () -> ()
    "tpu.region"() ({
      %run_scoped3A = tpu.sem_alloc : memref<!tpu.dma_semaphore, #tpu.memory_space<semaphore_mem>>
      tpu.enqueue_dma source(%arg8 : memref<1024xf32, #tpu.memory_space<hbm>>) target(%arg10 : memref<1024xf32, #tpu.memory_space<vmem>>) target_semaphore(%run_scoped3A : memref<!tpu.dma_semaphore, #tpu.memory_space<semaphore_mem>>)
      tpu.wait_dma2 semaphore(%run_scoped3A : memref<!tpu.dma_semaphore, #tpu.memory_space<semaphore_mem>>) src(%arg8 : memref<1024xf32, #tpu.memory_space<hbm>>) dst(%arg10 : memref<1024xf32, #tpu.memory_space<vmem>>)
      tpu.yield
    }) : () -> ()
    %get3A = arith.constant 0 : i32
    %get3A_1 = arith.index_cast %get3A : i32 to index
    %get3A_2 = arith.constant 0 : index
    %get3A_3 = tpu.vector_load %arg18[%get3A_1, %get3A_2] {strides = array<i32>} : memref<2x1024xf32, #tpu.memory_space<vmem>>, vector<16xf32>,
    %get3A_4 = arith.constant 0 : i32
    %get3A_5 = arith.index_cast %get3A_4 : i32 to index
    %get3A_6 = arith.constant 0 : index
    %get3A_7 = tpu.vector_load %arg16[%get3A_5, %get3A_6] {strides = array<i32>} : memref<2x1024xf32, #tpu.memory_space<vmem>>, vector<16xf32>,
    %add3A_8 = arith.addf %get3A_3, %get3A_7 : vector<16xf32>
    %get3A_9 = arith.constant 1 : i32
    %get3A_10 = arith.index_cast %get3A_9 : i32 to index
    %get3A_11 = arith.constant 0 : index
    %get3A_12 = tpu.vector_load %arg18[%get3A_10, %get3A_11] {strides = array<i32>} : memref<2x1024xf32, #tpu.memory_space<vmem>>, vector<16xf32>,
    %get3A_13 = arith.constant 1 : i32
    %get3A_14 = arith.index_cast %get3A_13 : i32 to index
    %get3A_15 = arith.constant 0 : index
    %get3A_16 = tpu.vector_load %arg16[%get3A_14, %get3A_15] {strides = array<i32>} : memref<2x1024xf32, #tpu.memory_space<vmem>>, vector<16xf32>,
    %add3A_17 = arith.addf %get3A_12, %get3A_16 : vector<16xf32>
    %swap3A = arith.constant 0 : index
    %swap3A_18 = tpu.vector_load %arg11[%swap3A] {strides = array<i32>} : memref<1024xf32, #tpu.memory_space<vmem>>, vector<16xf32>,
    tpu.vector_store %arg11[%swap3A], %add3A_8 {strides = array<i32>} : memref<1024xf32, #tpu.memory_space<vmem>>, vector<16xf32>,
    %sub3A = arith.subf %add3A_17, %add3A_8 : vector<16xf32>
    %swap3A_19 = arith.constant 0 : index
    %swap3A_20 = tpu.vector_load %arg12[%swap3A_19] {strides = array<i32>} : memref<1024xf32, #tpu.memory_space<vmem>>, vector<16xf32>,
    tpu.vector_store %arg12[%swap3A_19], %sub3A {strides = array<i32>} : memref<1024xf32, #tpu.memory_space<vmem>>, vector<16xf32>,
    %get3A_21 = arith.constant 0 : i32
    %get3A_22 = arith.index_cast %get3A_21 : i32 to index
    %get3A_23 = arith.constant 16 : index
    %get3A_24 = tpu.vector_load %arg18[%get3A_22, %get3A_23] {strides = array<i32>} : memref<2x1024xf32, #tpu.memory_space<vmem>>, vector<16xf32>,
    %get3A_25 = arith.constant 0 : i32
    %get3A_26 = arith.index_cast %get3A_25 : i32 to index
    %get3A_27 = arith.constant 16 : index
    %get3A_28 = tpu.vector_load %arg16[%get3A_26, %get3A_27] {strides = array<i32>} : memref<2x1024xf32, #tpu.memory_space<vmem>>, vector<16xf32>,
    %add3A_29 = arith.addf %get3A_24, %get3A_28 : vector<16xf32>
    %get3A_30 = arith.constant 1 : i32
    %get3A_31 = arith.index_cast %get3A_30 : i32 to index
    %get3A_32 = arith.constant 16 : index
    %get3A_33 = tpu.vector_load %arg18[%get3A_31, %get3A_32] {strides = array<i32>} : memref<2x1024xf32, #tpu.memory_space<vmem>>, vector<16xf32>,
    %get3A_34 = arith.constant 1 : i32
    %get3A_35 = arith.index_cast %get3A_34 : i32 to index
    %get3A_36 = arith.constant 16 : index
    %get3A_37 = tpu.vector_load %arg16[%get3A_35, %get3A_36] {strides = array<i32>} : memref<2x1024xf32, #tpu.memory_space<vmem>>, vector<16xf32>,
    %add3A_38 = arith.addf %get3A_33, %get3A_37 : vector<16xf32>
    %swap3A_39 = arith.constant 16 : index
    %swap3A_40 = tpu.vector_load %arg11[%swap3A_39] {strides = array<i32>} : memref<1024xf32, #tpu.memory_space<vmem>>, vector<16xf32>,
    tpu.vector_store %arg11[%swap3A_39], %add3A_29 {strides = array<i32>} : memref<1024xf32, #tpu.memory_space<vmem>>, vector<16xf32>,
    %sub3A_41 = arith.subf %add3A_38, %add3A_29 : vector<16xf32>
    %swap3A_42 = arith.constant 16 : index
    %swap3A_43 = tpu.vector_load %arg12[%swap3A_42] {strides = array<i32>} : memref<1024xf32, #tpu.memory_space<vmem>>, vector<16xf32>,
    tpu.vector_store %arg12[%swap3A_42], %sub3A_41 {strides = array<i32>} : memref<1024xf32, #tpu.memory_space<vmem>>, vector<16xf32>,
    %get3A_44 = arith.constant 0 : i32
    %get3A_45 = arith.index_cast %get3A_44 : i32 to index
    %get3A_46 = arith.constant 32 : index
    %get3A_47 = tpu.vector_load %arg18[%get3A_45, %get3A_46] {strides = array<i32>} : memref<2x1024xf32, #tpu.memory_space<vmem>>, vector<16xf32>,
    %get3A_48 = arith.constant 0 : i32
    %get3A_49 = arith.index_cast %get3A_48 : i32 to index
    %get3A_50 = arith.constant 32 : index
    %get3A_51 = tpu.vector_load %arg16[%get3A_49, %get3A_50] {strides = array<i32>} : memref<2x1024xf32, #tpu.memory_space<vmem>>, vector<16xf32>,
    %add3A_52 = arith.addf %get3A_47, %get3A_51 : vector<16xf32>
    %get3A_53 = arith.constant 1 : i32
    %get3A_54 = arith.index_cast %get3A_53 : i32 to index
    %get3A_55 = arith.constant 32 : index
    %get3A_56 = tpu.vector_load %arg18[%get3A_54, %get3A_55] {strides = array<i32>} : memref<2x1024xf32, #tpu.memory_space<vmem>>, vector<16xf32>,
    %get3A_57 = arith.constant 1 : i32
    %get3A_58 = arith.index_cast %get3A_57 : i32 to index
    %get3A_59 = arith.constant 32 : index
    %get3A_60 = tpu.vector_load %arg16[%get3A_58, %get3A_59] {strides = array<i32>} : memref<2x1024xf32, #tpu.memory_space<vmem>>, vector<16xf32>,
    %add3A_61 = arith.addf %get3A_56, %get3A_60 : vector<16xf32>
    %swap3A_62 = arith.constant 32 : index
    %swap3A_63 = tpu.vector_load %arg11[%swap3A_62] {strides = array<i32>} : memref<1024xf32, #tpu.memory_space<vmem>>, vector<16xf32>,
    tpu.vector_store %arg11[%swap3A_62], %add3A_52 {strides = array<i32>} : memref<1024xf32, #tpu.memory_space<vmem>>, vector<16xf32>,
    %sub3A_64 = arith.subf %add3A_61, %add3A_52 : vector<16xf32>
    %swap3A_65 = arith.constant 32 : index
    %swap3A_66 = tpu.vector_load %arg12[%swap3A_65] {strides = array<i32>} : memref<1024xf32, #tpu.memory_space<vmem>>, vector<16xf32>,
    tpu.vector_store %arg12[%swap3A_65], %sub3A_64 {strides = array<i32>} : memref<1024xf32, #tpu.memory_space<vmem>>, vector<16xf32>,
    %get3A_67 = arith.constant 0 : i32
    %get3A_68 = arith.index_cast %get3A_67 : i32 to index
    %get3A_69 = arith.constant 48 : index
    %get3A_70 = tpu.vector_load %arg18[%get3A_68, %get3A_69] {strides = array<i32>} : memref<2x1024xf32, #tpu.memory_space<vmem>>, vector<16xf32>,
    %get3A_71 = arith.constant 0 : i32
    %get3A_72 = arith.index_cast %get3A_71 : i32 to index
    %get3A_73 = arith.constant 48 : index
    %get3A_74 = tpu.vector_load %arg16[%get3A_72, %get3A_73] {strides = array<i32>} : memref<2x1024xf32, #tpu.memory_space<vmem>>, vector<16xf32>,
    %add3A_75 = arith.addf %get3A_70, %get3A_74 : vector<16xf32>
    %get3A_76 = arith.constant 1 : i32
    %get3A_77 = arith.index_cast %get3A_76 : i32 to index
    %get3A_78 = arith.constant 48 : index
    %get3A_79 = tpu.vector_load %arg18[%get3A_77, %get3A_78] {strides = array<i32>} : memref<2x1024xf32, #tpu.memory_space<vmem>>, vector<16xf32>,
    %get3A_80 = arith.constant 1 : i32
    %get3A_81 = arith.index_cast %get3A_80 : i32 to index
    %get3A_82 = arith.constant 48 : index
    %get3A_83 = tpu.vector_load %arg16[%get3A_81, %get3A_82] {strides = array<i32>} : memref<2x1024xf32, #tpu.memory_space<vmem>>, vector<16xf32>,
    %add3A_84 = arith.addf %get3A_79, %get3A_83 : vector<16xf32>
    %swap3A_85 = arith.constant 48 : index
    %swap3A_86 = tpu.vector_load %arg11[%swap3A_85] {strides = array<i32>} : memref<1024xf32, #tpu.memory_space<vmem>>, vector<16xf32>,
    tpu.vector_store %arg11[%swap3A_85], %add3A_75 {strides = array<i32>} : memref<1024xf32, #tpu.memory_space<vmem>>, vector<16xf32>,
    %sub3A_87 = arith.subf %add3A_84, %add3A_75 : vector<16xf32>
    %swap3A_88 = arith.constant 48 : index
    %swap3A_89 = tpu.vector_load %arg12[%swap3A_88] {strides = array<i32>} : memref<1024xf32, #tpu.memory_space<vmem>>, vector<16xf32>,
    tpu.vector_store %arg12[%swap3A_88], %sub3A_87 {strides = array<i32>} : memref<1024xf32, #tpu.memory_space<vmem>>, vector<16xf32>,
    %get3A_90 = arith.constant 0 : i32
    %get3A_91 = arith.index_cast %get3A_90 : i32 to index
    %get3A_92 = arith.constant 64 : index
    %get3A_93 = tpu.vector_load %arg18[%get3A_91, %get3A_92] {strides = array<i32>} : memref<2x1024xf32, #tpu.memory_space<vmem>>, vector<16xf32>,
    %get3A_94 = arith.constant 0 : i32
    %get3A_95 = arith.index_cast %get3A_94 : i32 to index
    %get3A_96 = arith.constant 64 : index
    %get3A_97 = tpu.vector_load %arg16[%get3A_95, %get3A_96] {strides = array<i32>} : memref<2x1024xf32, #tpu.memory_space<vmem>>, vector<16xf32>,
    %add3A_98 = arith.addf %get3A_93, %get3A_97 : vector<16xf32>
    %get3A_99 = arith.constant 1 : i32
    %get3A_100 = arith.index_cast %get3A_99 : i32 to index
    %get3A_101 = arith.constant 64 : index
    %get3A_102 = tpu.vector_load %arg18[%get3A_100, %get3A_101] {strides = array<i32>} : memref<2x1024xf32, #tpu.memory_space<vmem>>, vector<16xf32>,
    %get3A_103 = arith.constant 1 : i32
    %get3A_104 = arith.index_cast %get3A_103 : i32 to index
    %get3A_105 = arith.constant 64 : index
    %get3A_106 = tpu.vector_load %arg16[%get3A_104, %get3A_105] {strides = array<i32>} : memref<2x1024xf32, #tpu.memory_space<vmem>>, vector<16xf32>,
    %add3A_107 = arith.addf %get3A_102, %get3A_106 : vector<16xf32>
    %swap3A_108 = arith.constant 64 : index
    %swap3A_109 = tpu.vector_load %arg11[%swap3A_108] {strides = array<i32>} : memref<1024xf32, #tpu.memory_space<vmem>>, vector<16xf32>,
    tpu.vector_store %arg11[%swap3A_108], %add3A_98 {strides = array<i32>} : memref<1024xf32, #tpu.memory_space<vmem>>, vector<16xf32>,
    %sub3A_110 = arith.subf %add3A_107, %add3A_98 : vector<16xf32>
    %swap3A_111 = arith.constant 64 : index
    %swap3A_112 = tpu.vector_load %arg12[%swap3A_111] {strides = array<i32>} : memref<1024xf32, #tpu.memory_space<vmem>>, vector<16xf32>,
    tpu.vector_store %arg12[%swap3A_111], %sub3A_110 {strides = array<i32>} : memref<1024xf32, #tpu.memory_space<vmem>>, vector<16xf32>,
    %get3A_113 = arith.constant 0 : i32
    %get3A_114 = arith.index_cast %get3A_113 : i32 to index
    %get3A_115 = arith.constant 80 : index
    %get3A_116 = tpu.vector_load %arg18[%get3A_114, %get3A_115] {strides = array<i32>} : memref<2x1024xf32, #tpu.memory_space<vmem>>, vector<16xf32>,
    %get3A_117 = arith.constant 0 : i32
    %get3A_118 = arith.index_cast %get3A_117 : i32 to index
    %get3A_119 = arith.constant 80 : index
    %get3A_120 = tpu.vector_load %arg16[%get3A_118, %get3A_119] {strides = array<i32>} : memref<2x1024xf32, #tpu.memory_space<vmem>>, vector<16xf32>,
    %add3A_121 = arith.addf %get3A_116, %get3A_120 : vector<16xf32>
    %get3A_122 = arith.constant 1 : i32
    %get3A_123 = arith.index_cast %get3A_122 : i32 to index
    %get3A_124 = arith.constant 80 : index
    %get3A_125 = tpu.vector_load %arg18[%get3A_123, %get3A_124] {strides = array<i32>} : memref<2x1024xf32, #tpu.memory_space<vmem>>, vector<16xf32>,
    %get3A_126 = arith.constant 1 : i32
    %get3A_127 = arith.index_cast %get3A_126 : i32 to index
    %get3A_128 = arith.constant 80 : index
    %get3A_129 = tpu.vector_load %arg16[%get3A_127, %get3A_128] {strides = array<i32>} : memref<2x1024xf32, #tpu.memory_space<vmem>>, vector<16xf32>,
    %add3A_130 = arith.addf %get3A_125, %get3A_129 : vector<16xf32>
    %swap3A_131 = arith.constant 80 : index
    %swap3A_132 = tpu.vector_load %arg11[%swap3A_131] {strides = array<i32>} : memref<1024xf32, #tpu.memory_space<vmem>>, vector<16xf32>,
    tpu.vector_store %arg11[%swap3A_131], %add3A_121 {strides = array<i32>} : memref<1024xf32, #tpu.memory_space<vmem>>, vector<16xf32>,
    %sub3A_133 = arith.subf %add3A_130, %add3A_121 : vector<16xf32>
    %swap3A_134 = arith.constant 80 : index
    %swap3A_135 = tpu.vector_load %arg12[%swap3A_134] {strides = array<i32>} : memref<1024xf32, #tpu.memory_space<vmem>>, vector<16xf32>,
    tpu.vector_store %arg12[%swap3A_134], %sub3A_133 {strides = array<i32>} : memref<1024xf32, #tpu.memory_space<vmem>>, vector<16xf32>,
    %get3A_136 = arith.constant 0 : i32
    %get3A_137 = arith.index_cast %get3A_136 : i32 to index
    %get3A_138 = arith.constant 96 : index
    %get3A_139 = tpu.vector_load %arg18[%get3A_137, %get3A_138] {strides = array<i32>} : memref<2x1024xf32, #tpu.memory_space<vmem>>, vector<16xf32>,
    %get3A_140 = arith.constant 0 : i32
    %get3A_141 = arith.index_cast %get3A_140 : i32 to index
    %get3A_142 = arith.constant 96 : index
    %get3A_143 = tpu.vector_load %arg16[%get3A_141, %get3A_142] {strides = array<i32>} : memref<2x1024xf32, #tpu.memory_space<vmem>>, vector<16xf32>,
    %add3A_144 = arith.addf %get3A_139, %get3A_143 : vector<16xf32>
    %get3A_145 = arith.constant 1 : i32
    %get3A_146 = arith.index_cast %get3A_145 : i32 to index
    %get3A_147 = arith.constant 96 : index
    %get3A_148 = tpu.vector_load %arg18[%get3A_146, %get3A_147] {strides = array<i32>} : memref<2x1024xf32, #tpu.memory_space<vmem>>, vector<16xf32>,
    %get3A_149 = arith.constant 1 : i32
    %get3A_150 = arith.index_cast %get3A_149 : i32 to index
    %get3A_151 = arith.constant 96 : index
    %get3A_152 = tpu.vector_load %arg16[%get3A_150, %get3A_151] {strides = array<i32>} : memref<2x1024xf32, #tpu.memory_space<vmem>>, vector<16xf32>,
    %add3A_153 = arith.addf %get3A_148, %get3A_152 : vector<16xf32>
    %swap3A_154 = arith.constant 96 : index
    %swap3A_155 = tpu.vector_load %arg11[%swap3A_154] {strides = array<i32>} : memref<1024xf32, #tpu.memory_space<vmem>>, vector<16xf32>,
    tpu.vector_store %arg11[%swap3A_154], %add3A_144 {strides = array<i32>} : memref<1024xf32, #tpu.memory_space<vmem>>, vector<16xf32>,
    %sub3A_156 = arith.subf %add3A_153, %add3A_144 : vector<16xf32>
    %swap3A_157 = arith.constant 96 : index
    %swap3A_158 = tpu.vector_load %arg12[%swap3A_157] {strides = array<i32>} : memref<1024xf32, #tpu.memory_space<vmem>>, vector<16xf32>,
    tpu.vector_store %arg12[%swap3A_157], %sub3A_156 {strides = array<i32>} : memref<1024xf32, #tpu.memory_space<vmem>>, vector<16xf32>,
    %get3A_159 = arith.constant 0 : i32
    %get3A_160 = arith.index_cast %get3A_159 : i32 to index
    %get3A_161 = arith.constant 112 : index
    %get3A_162 = tpu.vector_load %arg18[%get3A_160, %get3A_161] {strides = array<i32>} : memref<2x1024xf32, #tpu.memory_space<vmem>>, vector<16xf32>,
    %get3A_163 = arith.constant 0 : i32
    %get3A_164 = arith.index_cast %get3A_163 : i32 to index
    %get3A_165 = arith.constant 112 : index
    %get3A_166 = tpu.vector_load %arg16[%get3A_164, %get3A_165] {strides = array<i32>} : memref<2x1024xf32, #tpu.memory_space<vmem>>, vector<16xf32>,
    %add3A_167 = arith.addf %get3A_162, %get3A_166 : vector<16xf32>
    %get3A_168 = arith.constant 1 : i32
    %get3A_169 = arith.index_cast %get3A_168 : i32 to index
    %get3A_170 = arith.constant 112 : index
    %get3A_171 = tpu.vector_load %arg18[%get3A_169, %get3A_170] {strides = array<i32>} : memref<2x1024xf32, #tpu.memory_space<vmem>>, vector<16xf32>,
    %get3A_172 = arith.constant 1 : i32
    %get3A_173 = arith.index_cast %get3A_172 : i32 to index
    %get3A_174 = arith.constant 112 : index
    %get3A_175 = tpu.vector_load %arg16[%get3A_173, %get3A_174] {strides = array<i32>} : memref<2x1024xf32, #tpu.memory_space<vmem>>, vector<16xf32>,
    %add3A_176 = arith.addf %get3A_171, %get3A_175 : vector<16xf32>
    %swap3A_177 = arith.constant 112 : index
    %swap3A_178 = tpu.vector_load %arg11[%swap3A_177] {strides = array<i32>} : memref<1024xf32, #tpu.memory_space<vmem>>, vector<16xf32>,
    tpu.vector_store %arg11[%swap3A_177], %add3A_167 {strides = array<i32>} : memref<1024xf32, #tpu.memory_space<vmem>>, vector<16xf32>,
    %sub3A_179 = arith.subf %add3A_176, %add3A_167 : vector<16xf32>
    %swap3A_180 = arith.constant 112 : index
    %swap3A_181 = tpu.vector_load %arg12[%swap3A_180] {strides = array<i32>} : memref<1024xf32, #tpu.memory_space<vmem>>, vector<16xf32>,
    tpu.vector_store %arg12[%swap3A_180], %sub3A_179 {strides = array<i32>} : memref<1024xf32, #tpu.memory_space<vmem>>, vector<16xf32>,
    %get3A_182 = arith.constant 0 : i32
    %get3A_183 = arith.index_cast %get3A_182 : i32 to index
    %get3A_184 = arith.constant 128 : index
    %get3A_185 = tpu.vector_load %arg18[%get3A_183, %get3A_184] {strides = array<i32>} : memref<2x1024xf32, #tpu.memory_space<vmem>>, vector<16xf32>,
    %get3A_186 = arith.constant 0 : i32
    %get3A_187 = arith.index_cast %get3A_186 : i32 to index
    %get3A_188 = arith.constant 128 : index
    %get3A_189 = tpu.vector_load %arg16[%get3A_187, %get3A_188] {strides = array<i32>} : memref<2x1024xf32, #tpu.memory_space<vmem>>, vector<16xf32>,
    %add3A_190 = arith.addf %get3A_185, %get3A_189 : vector<16xf32>
    %get3A_191 = arith.constant 1 : i32
    %get3A_192 = arith.index_cast %get3A_191 : i32 to index
    %get3A_193 = arith.constant 128 : index
    %get3A_194 = tpu.vector_load %arg18[%get3A_192, %get3A_193] {strides = array<i32>} : memref<2x1024xf32, #tpu.memory_space<vmem>>, vector<16xf32>,
    %get3A_195 = arith.constant 1 : i32
    %get3A_196 = arith.index_cast %get3A_195 : i32 to index
    %get3A_197 = arith.constant 128 : index
    %get3A_198 = tpu.vector_load %arg16[%get3A_196, %get3A_197] {strides = array<i32>} : memref<2x1024xf32, #tpu.memory_space<vmem>>, vector<16xf32>,
    %add3A_199 = arith.addf %get3A_194, %get3A_198 : vector<16xf32>
    %swap3A_200 = arith.constant 128 : index
    %swap3A_201 = tpu.vector_load %arg11[%swap3A_200] {strides = array<i32>} : memref<1024xf32, #tpu.memory_space<vmem>>, vector<16xf32>,
    tpu.vector_store %arg11[%swap3A_200], %add3A_190 {strides = array<i32>} : memref<1024xf32, #tpu.memory_space<vmem>>, vector<16xf32>,
    %sub3A_202 = arith.subf %add3A_199, %add3A_190 : vector<16xf32>
    %swap3A_203 = arith.constant 128 : index
    %swap3A_204 = tpu.vector_load %arg12[%swap3A_203] {strides = array<i32>} : memref<1024xf32, #tpu.memory_space<vmem>>, vector<16xf32>,
    tpu.vector_store %arg12[%swap3A_203], %sub3A_202 {strides = array<i32>} : memref<1024xf32, #tpu.memory_space<vmem>>, vector<16xf32>,
    %get3A_205 = arith.constant 0 : i32
    %get3A_206 = arith.index_cast %get3A_205 : i32 to index
    %get3A_207 = arith.constant 144 : index
    %get3A_208 = tpu.vector_load %arg18[%get3A_206, %get3A_207] {strides = array<i32>} : memref<2x1024xf32, #tpu.memory_space<vmem>>, vector<16xf32>,
    %get3A_209 = arith.constant 0 : i32
    %get3A_210 = arith.index_cast %get3A_209 : i32 to index
    %get3A_211 = arith.constant 144 : index
    %get3A_212 = tpu.vector_load %arg16[%get3A_210, %get3A_211] {strides = array<i32>} : memref<2x1024xf32, #tpu.memory_space<vmem>>, vector<16xf32>,
    %add3A_213 = arith.addf %get3A_208, %get3A_212 : vector<16xf32>
    %get3A_214 = arith.constant 1 : i32
    %get3A_215 = arith.index_cast %get3A_214 : i32 to index
    %get3A_216 = arith.constant 144 : index
    %get3A_217 = tpu.vector_load %arg18[%get3A_215, %get3A_216] {strides = array<i32>} : memref<2x1024xf32, #tpu.memory_space<vmem>>, vector<16xf32>,
    %get3A_218 = arith.constant 1 : i32
    %get3A_219 = arith.index_cast %get3A_218 : i32 to index
    %get3A_220 = arith.constant 144 : index
    %get3A_221 = tpu.vector_load %arg16[%get3A_219, %get3A_220] {strides = array<i32>} : memref<2x1024xf32, #tpu.memory_space<vmem>>, vector<16xf32>,
    %add3A_222 = arith.addf %get3A_217, %get3A_221 : vector<16xf32>
    %swap3A_223 = arith.constant 144 : index
    %swap3A_224 = tpu.vector_load %arg11[%swap3A_223] {strides = array<i32>} : memref<1024xf32, #tpu.memory_space<vmem>>, vector<16xf32>,
    tpu.vector_store %arg11[%swap3A_223], %add3A_213 {strides = array<i32>} : memref<1024xf32, #tpu.memory_space<vmem>>, vector<16xf32>,
    %sub3A_225 = arith.subf %add3A_222, %add3A_213 : vector<16xf32>
    %swap3A_226 = arith.constant 144 : index
    %swap3A_227 = tpu.vector_load %arg12[%swap3A_226] {strides = array<i32>} : memref<1024xf32, #tpu.memory_space<vmem>>, vector<16xf32>,
    tpu.vector_store %arg12[%swap3A_226], %sub3A_225 {strides = array<i32>} : memref<1024xf32, #tpu.memory_space<vmem>>, vector<16xf32>,
    %get3A_228 = arith.constant 0 : i32
    %get3A_229 = arith.index_cast %get3A_228 : i32 to index
    %get3A_230 = arith.constant 160 : index
    %get3A_231 = tpu.vector_load %arg18[%get3A_229, %get3A_230] {strides = array<i32>} : memref<2x1024xf32, #tpu.memory_space<vmem>>, vector<16xf32>,
    %get3A_232 = arith.constant 0 : i32
    %get3A_233 = arith.index_cast %get3A_232 : i32 to index
    %get3A_234 = arith.constant 160 : index
    %get3A_235 = tpu.vector_load %arg16[%get3A_233, %get3A_234] {strides = array<i32>} : memref<2x1024xf32, #tpu.memory_space<vmem>>, vector<16xf32>,
    %add3A_236 = arith.addf %get3A_231, %get3A_235 : vector<16xf32>
    %get3A_237 = arith.constant 1 : i32
    %get3A_238 = arith.index_cast %get3A_237 : i32 to index
    %get3A_239 = arith.constant 160 : index
    %get3A_240 = tpu.vector_load %arg18[%get3A_238, %get3A_239] {strides = array<i32>} : memref<2x1024xf32, #tpu.memory_space<vmem>>, vector<16xf32>,
    %get3A_241 = arith.constant 1 : i32
    %get3A_242 = arith.index_cast %get3A_241 : i32 to index
    %get3A_243 = arith.constant 160 : index
    %get3A_244 = tpu.vector_load %arg16[%get3A_242, %get3A_243] {strides = array<i32>} : memref<2x1024xf32, #tpu.memory_space<vmem>>, vector<16xf32>,
    %add3A_245 = arith.addf %get3A_240, %get3A_244 : vector<16xf32>
    %swap3A_246 = arith.constant 160 : index
    %swap3A_247 = tpu.vector_load %arg11[%swap3A_246] {strides = array<i32>} : memref<1024xf32, #tpu.memory_space<vmem>>, vector<16xf32>,
    tpu.vector_store %arg11[%swap3A_246], %add3A_236 {strides = array<i32>} : memref<1024xf32, #tpu.memory_space<vmem>>, vector<16xf32>,
    %sub3A_248 = arith.subf %add3A_245, %add3A_236 : vector<16xf32>
    %swap3A_249 = arith.constant 160 : index
    %swap3A_250 = tpu.vector_load %arg12[%swap3A_249] {strides = array<i32>} : memref<1024xf32, #tpu.memory_space<vmem>>, vector<16xf32>,
    tpu.vector_store %arg12[%swap3A_249], %sub3A_248 {strides = array<i32>} : memref<1024xf32, #tpu.memory_space<vmem>>, vector<16xf32>,
    %get3A_251 = arith.constant 0 : i32
    %get3A_252 = arith.index_cast %get3A_251 : i32 to index
    %get3A_253 = arith.constant 176 : index
    %get3A_254 = tpu.vector_load %arg18[%get3A_252, %get3A_253] {strides = array<i32>} : memref<2x1024xf32, #tpu.memory_space<vmem>>, vector<16xf32>,
    %get3A_255 = arith.constant 0 : i32
    %get3A_256 = arith.index_cast %get3A_255 : i32 to index
    %get3A_257 = arith.constant 176 : index
    %get3A_258 = tpu.vector_load %arg16[%get3A_256, %get3A_257] {strides = array<i32>} : memref<2x1024xf32, #tpu.memory_space<vmem>>, vector<16xf32>,
    %add3A_259 = arith.addf %get3A_254, %get3A_258 : vector<16xf32>
    %get3A_260 = arith.constant 1 : i32
    %get3A_261 = arith.index_cast %get3A_260 : i32 to index
    %get3A_262 = arith.constant 176 : index
    %get3A_263 = tpu.vector_load %arg18[%get3A_261, %get3A_262] {strides = array<i32>} : memref<2x1024xf32, #tpu.memory_space<vmem>>, vector<16xf32>,
    %get3A_264 = arith.constant 1 : i32
    %get3A_265 = arith.index_cast %get3A_264 : i32 to index
    %get3A_266 = arith.constant 176 : index
    %get3A_267 = tpu.vector_load %arg16[%get3A_265, %get3A_266] {strides = array<i32>} : memref<2x1024xf32, #tpu.memory_space<vmem>>, vector<16xf32>,
    %add3A_268 = arith.addf %get3A_263, %get3A_267 : vector<16xf32>
    %swap3A_269 = arith.constant 176 : index
    %swap3A_270 = tpu.vector_load %arg11[%swap3A_269] {strides = array<i32>} : memref<1024xf32, #tpu.memory_space<vmem>>, vector<16xf32>,
    tpu.vector_store %arg11[%swap3A_269], %add3A_259 {strides = array<i32>} : memref<1024xf32, #tpu.memory_space<vmem>>, vector<16xf32>,
    %sub3A_271 = arith.subf %add3A_268, %add3A_259 : vector<16xf32>
    %swap3A_272 = arith.constant 176 : index
    %swap3A_273 = tpu.vector_load %arg12[%swap3A_272] {strides = array<i32>} : memref<1024xf32, #tpu.memory_space<vmem>>, vector<16xf32>,
    tpu.vector_store %arg12[%swap3A_272], %sub3A_271 {strides = array<i32>} : memref<1024xf32, #tpu.memory_space<vmem>>, vector<16xf32>,
    %get3A_274 = arith.constant 0 : i32
    %get3A_275 = arith.index_cast %get3A_274 : i32 to index
    %get3A_276 = arith.constant 192 : index
    %get3A_277 = tpu.vector_load %arg18[%get3A_275, %get3A_276] {strides = array<i32>} : memref<2x1024xf32, #tpu.memory_space<vmem>>, vector<16xf32>,
    %get3A_278 = arith.constant 0 : i32
    %get3A_279 = arith.index_cast %get3A_278 : i32 to index
    %get3A_280 = arith.constant 192 : index
    %get3A_281 = tpu.vector_load %arg16[%get3A_279, %get3A_280] {strides = array<i32>} : memref<2x1024xf32, #tpu.memory_space<vmem>>, vector<16xf32>,
    %add3A_282 = arith.addf %get3A_277, %get3A_281 : vector<16xf32>
    %get3A_283 = arith.constant 1 : i32
    %get3A_284 = arith.index_cast %get3A_283 : i32 to index
    %get3A_285 = arith.constant 192 : index
    %get3A_286 = tpu.vector_load %arg18[%get3A_284, %get3A_285] {strides = array<i32>} : memref<2x1024xf32, #tpu.memory_space<vmem>>, vector<16xf32>,
    %get3A_287 = arith.constant 1 : i32
    %get3A_288 = arith.index_cast %get3A_287 : i32 to index
    %get3A_289 = arith.constant 192 : index
    %get3A_290 = tpu.vector_load %arg16[%get3A_288, %get3A_289] {strides = array<i32>} : memref<2x1024xf32, #tpu.memory_space<vmem>>, vector<16xf32>,
    %add3A_291 = arith.addf %get3A_286, %get3A_290 : vector<16xf32>
    %swap3A_292 = arith.constant 192 : index
    %swap3A_293 = tpu.vector_load %arg11[%swap3A_292] {strides = array<i32>} : memref<1024xf32, #tpu.memory_space<vmem>>, vector<16xf32>,
    tpu.vector_store %arg11[%swap3A_292], %add3A_282 {strides = array<i32>} : memref<1024xf32, #tpu.memory_space<vmem>>, vector<16xf32>,
    %sub3A_294 = arith.subf %add3A_291, %add3A_282 : vector<16xf32>
    %swap3A_295 = arith.constant 192 : index
    %swap3A_296 = tpu.vector_load %arg12[%swap3A_295] {strides = array<i32>} : memref<1024xf32, #tpu.memory_space<vmem>>, vector<16xf32>,
    tpu.vector_store %arg12[%swap3A_295], %sub3A_294 {strides = array<i32>} : memref<1024xf32, #tpu.memory_space<vmem>>, vector<16xf32>,
    %get3A_297 = arith.constant 0 : i32
    %get3A_298 = arith.index_cast %get3A_297 : i32 to index
    %get3A_299 = arith.constant 208 : index
    %get3A_300 = tpu.vector_load %arg18[%get3A_298, %get3A_299] {strides = array<i32>} : memref<2x1024xf32, #tpu.memory_space<vmem>>, vector<16xf32>,
    %get3A_301 = arith.constant 0 : i32
    %get3A_302 = arith.index_cast %get3A_301 : i32 to index
    %get3A_303 = arith.constant 208 : index
    %get3A_304 = tpu.vector_load %arg16[%get3A_302, %get3A_303] {strides = array<i32>} : memref<2x1024xf32, #tpu.memory_space<vmem>>, vector<16xf32>,
    %add3A_305 = arith.addf %get3A_300, %get3A_304 : vector<16xf32>
    %get3A_306 = arith.constant 1 : i32
    %get3A_307 = arith.index_cast %get3A_306 : i32 to index
    %get3A_308 = arith.constant 208 : index
    %get3A_309 = tpu.vector_load %arg18[%get3A_307, %get3A_308] {strides = array<i32>} : memref<2x1024xf32, #tpu.memory_space<vmem>>, vector<16xf32>,
    %get3A_310 = arith.constant 1 : i32
    %get3A_311 = arith.index_cast %get3A_310 : i32 to index
    %get3A_312 = arith.constant 208 : index
    %get3A_313 = tpu.vector_load %arg16[%get3A_311, %get3A_312] {strides = array<i32>} : memref<2x1024xf32, #tpu.memory_space<vmem>>, vector<16xf32>,
    %add3A_314 = arith.addf %get3A_309, %get3A_313 : vector<16xf32>
    %swap3A_315 = arith.constant 208 : index
    %swap3A_316 = tpu.vector_load %arg11[%swap3A_315] {strides = array<i32>} : memref<1024xf32, #tpu.memory_space<vmem>>, vector<16xf32>,
    tpu.vector_store %arg11[%swap3A_315], %add3A_305 {strides = array<i32>} : memref<1024xf32, #tpu.memory_space<vmem>>, vector<16xf32>,
    %sub3A_317 = arith.subf %add3A_314, %add3A_305 : vector<16xf32>
    %swap3A_318 = arith.constant 208 : index
    %swap3A_319 = tpu.vector_load %arg12[%swap3A_318] {strides = array<i32>} : memref<1024xf32, #tpu.memory_space<vmem>>, vector<16xf32>,
    tpu.vector_store %arg12[%swap3A_318], %sub3A_317 {strides = array<i32>} : memref<1024xf32, #tpu.memory_space<vmem>>, vector<16xf32>,
    %get3A_320 = arith.constant 0 : i32
    %get3A_321 = arith.index_cast %get3A_320 : i32 to index
    %get3A_322 = arith.constant 224 : index
    %get3A_323 = tpu.vector_load %arg18[%get3A_321, %get3A_322] {strides = array<i32>} : memref<2x1024xf32, #tpu.memory_space<vmem>>, vector<16xf32>,
    %get3A_324 = arith.constant 0 : i32
    %get3A_325 = arith.index_cast %get3A_324 : i32 to index
    %get3A_326 = arith.constant 224 : index
    %get3A_327 = tpu.vector_load %arg16[%get3A_325, %get3A_326] {strides = array<i32>} : memref<2x1024xf32, #tpu.memory_space<vmem>>, vector<16xf32>,
    %add3A_328 = arith.addf %get3A_323, %get3A_327 : vector<16xf32>
    %get3A_329 = arith.constant 1 : i32
    %get3A_330 = arith.index_cast %get3A_329 : i32 to index
    %get3A_331 = arith.constant 224 : index
    %get3A_332 = tpu.vector_load %arg18[%get3A_330, %get3A_331] {strides = array<i32>} : memref<2x1024xf32, #tpu.memory_space<vmem>>, vector<16xf32>,
    %get3A_333 = arith.constant 1 : i32
    %get3A_334 = arith.index_cast %get3A_333 : i32 to index
    %get3A_335 = arith.constant 224 : index
    %get3A_336 = tpu.vector_load %arg16[%get3A_334, %get3A_335] {strides = array<i32>} : memref<2x1024xf32, #tpu.memory_space<vmem>>, vector<16xf32>,
    %add3A_337 = arith.addf %get3A_332, %get3A_336 : vector<16xf32>
    %swap3A_338 = arith.constant 224 : index
    %swap3A_339 = tpu.vector_load %arg11[%swap3A_338] {strides = array<i32>} : memref<1024xf32, #tpu.memory_space<vmem>>, vector<16xf32>,
    tpu.vector_store %arg11[%swap3A_338], %add3A_328 {strides = array<i32>} : memref<1024xf32, #tpu.memory_space<vmem>>, vector<16xf32>,
    %sub3A_340 = arith.subf %add3A_337, %add3A_328 : vector<16xf32>
    %swap3A_341 = arith.constant 224 : index
    %swap3A_342 = tpu.vector_load %arg12[%swap3A_341] {strides = array<i32>} : memref<1024xf32, #tpu.memory_space<vmem>>, vector<16xf32>,
    tpu.vector_store %arg12[%swap3A_341], %sub3A_340 {strides = array<i32>} : memref<1024xf32, #tpu.memory_space<vmem>>, vector<16xf32>,
    %get3A_343 = arith.constant 0 : i32
    %get3A_344 = arith.index_cast %get3A_343 : i32 to index
    %get3A_345 = arith.constant 240 : index
    %get3A_346 = tpu.vector_load %arg18[%get3A_344, %get3A_345] {strides = array<i32>} : memref<2x1024xf32, #tpu.memory_space<vmem>>, vector<16xf32>,
    %get3A_347 = arith.constant 0 : i32
    %get3A_348 = arith.index_cast %get3A_347 : i32 to index
    %get3A_349 = arith.constant 240 : index
    %get3A_350 = tpu.vector_load %arg16[%get3A_348, %get3A_349] {strides = array<i32>} : memref<2x1024xf32, #tpu.memory_space<vmem>>, vector<16xf32>,
    %add3A_351 = arith.addf %get3A_346, %get3A_350 : vector<16xf32>
    %get3A_352 = arith.constant 1 : i32
    %get3A_353 = arith.index_cast %get3A_352 : i32 to index
    %get3A_354 = arith.constant 240 : index
    %get3A_355 = tpu.vector_load %arg18[%get3A_353, %get3A_354] {strides = array<i32>} : memref<2x1024xf32, #tpu.memory_space<vmem>>, vector<16xf32>,
    %get3A_356 = arith.constant 1 : i32
    %get3A_357 = arith.index_cast %get3A_356 : i32 to index
    %get3A_358 = arith.constant 240 : index
    %get3A_359 = tpu.vector_load %arg16[%get3A_357, %get3A_358] {strides = array<i32>} : memref<2x1024xf32, #tpu.memory_space<vmem>>, vector<16xf32>,
    %add3A_360 = arith.addf %get3A_355, %get3A_359 : vector<16xf32>
    %swap3A_361 = arith.constant 240 : index
    %swap3A_362 = tpu.vector_load %arg11[%swap3A_361] {strides = array<i32>} : memref<1024xf32, #tpu.memory_space<vmem>>, vector<16xf32>,
    tpu.vector_store %arg11[%swap3A_361], %add3A_351 {strides = array<i32>} : memref<1024xf32, #tpu.memory_space<vmem>>, vector<16xf32>,
    %sub3A_363 = arith.subf %add3A_360, %add3A_351 : vector<16xf32>
    %swap3A_364 = arith.constant 240 : index
    %swap3A_365 = tpu.vector_load %arg12[%swap3A_364] {strides = array<i32>} : memref<1024xf32, #tpu.memory_space<vmem>>, vector<16xf32>,
    tpu.vector_store %arg12[%swap3A_364], %sub3A_363 {strides = array<i32>} : memref<1024xf32, #tpu.memory_space<vmem>>, vector<16xf32>,
    %get3A_366 = arith.constant 0 : i32
    %get3A_367 = arith.index_cast %get3A_366 : i32 to index
    %get3A_368 = arith.constant 256 : index
    %get3A_369 = tpu.vector_load %arg18[%get3A_367, %get3A_368] {strides = array<i32>} : memref<2x1024xf32, #tpu.memory_space<vmem>>, vector<16xf32>,
    %get3A_370 = arith.constant 0 : i32
    %get3A_371 = arith.index_cast %get3A_370 : i32 to index
    %get3A_372 = arith.constant 256 : index
    %get3A_373 = tpu.vector_load %arg16[%get3A_371, %get3A_372] {strides = array<i32>} : memref<2x1024xf32, #tpu.memory_space<vmem>>, vector<16xf32>,
    %add3A_374 = arith.addf %get3A_369, %get3A_373 : vector<16xf32>
    %get3A_375 = arith.constant 1 : i32
    %get3A_376 = arith.index_cast %get3A_375 : i32 to index
    %get3A_377 = arith.constant 256 : index
    %get3A_378 = tpu.vector_load %arg18[%get3A_376, %get3A_377] {strides = array<i32>} : memref<2x1024xf32, #tpu.memory_space<vmem>>, vector<16xf32>,
    %get3A_379 = arith.constant 1 : i32
    %get3A_380 = arith.index_cast %get3A_379 : i32 to index
    %get3A_381 = arith.constant 256 : index
    %get3A_382 = tpu.vector_load %arg16[%get3A_380, %get3A_381] {strides = array<i32>} : memref<2x1024xf32, #tpu.memory_space<vmem>>, vector<16xf32>,
    %add3A_383 = arith.addf %get3A_378, %get3A_382 : vector<16xf32>
    %swap3A_384 = arith.constant 256 : index
    %swap3A_385 = tpu.vector_load %arg11[%swap3A_384] {strides = array<i32>} : memref<1024xf32, #tpu.memory_space<vmem>>, vector<16xf32>,
    tpu.vector_store %arg11[%swap3A_384], %add3A_374 {strides = array<i32>} : memref<1024xf32, #tpu.memory_space<vmem>>, vector<16xf32>,
    %sub3A_386 = arith.subf %add3A_383, %add3A_374 : vector<16xf32>
    %swap3A_387 = arith.constant 256 : index
    %swap3A_388 = tpu.vector_load %arg12[%swap3A_387] {strides = array<i32>} : memref<1024xf32, #tpu.memory_space<vmem>>, vector<16xf32>,
    tpu.vector_store %arg12[%swap3A_387], %sub3A_386 {strides = array<i32>} : memref<1024xf32, #tpu.memory_space<vmem>>, vector<16xf32>,
    %get3A_389 = arith.constant 0 : i32
    %get3A_390 = arith.index_cast %get3A_389 : i32 to index
    %get3A_391 = arith.constant 272 : index
    %get3A_392 = tpu.vector_load %arg18[%get3A_390, %get3A_391] {strides = array<i32>} : memref<2x1024xf32, #tpu.memory_space<vmem>>, vector<16xf32>,
    %get3A_393 = arith.constant 0 : i32
    %get3A_394 = arith.index_cast %get3A_393 : i32 to index
    %get3A_395 = arith.constant 272 : index
    %get3A_396 = tpu.vector_load %arg16[%get3A_394, %get3A_395] {strides = array<i32>} : memref<2x1024xf32, #tpu.memory_space<vmem>>, vector<16xf32>,
    %add3A_397 = arith.addf %get3A_392, %get3A_396 : vector<16xf32>
    %get3A_398 = arith.constant 1 : i32
    %get3A_399 = arith.index_cast %get3A_398 : i32 to index
    %get3A_400 = arith.constant 272 : index
    %get3A_401 = tpu.vector_load %arg18[%get3A_399, %get3A_400] {strides = array<i32>} : memref<2x1024xf32, #tpu.memory_space<vmem>>, vector<16xf32>,
    %get3A_402 = arith.constant 1 : i32
    %get3A_403 = arith.index_cast %get3A_402 : i32 to index
    %get3A_404 = arith.constant 272 : index
    %get3A_405 = tpu.vector_load %arg16[%get3A_403, %get3A_404] {strides = array<i32>} : memref<2x1024xf32, #tpu.memory_space<vmem>>, vector<16xf32>,
    %add3A_406 = arith.addf %get3A_401, %get3A_405 : vector<16xf32>
    %swap3A_407 = arith.constant 272 : index
    %swap3A_408 = tpu.vector_load %arg11[%swap3A_407] {strides = array<i32>} : memref<1024xf32, #tpu.memory_space<vmem>>, vector<16xf32>,
    tpu.vector_store %arg11[%swap3A_407], %add3A_397 {strides = array<i32>} : memref<1024xf32, #tpu.memory_space<vmem>>, vector<16xf32>,
    %sub3A_409 = arith.subf %add3A_406, %add3A_397 : vector<16xf32>
    %swap3A_410 = arith.constant 272 : index
    %swap3A_411 = tpu.vector_load %arg12[%swap3A_410] {strides = array<i32>} : memref<1024xf32, #tpu.memory_space<vmem>>, vector<16xf32>,
    tpu.vector_store %arg12[%swap3A_410], %sub3A_409 {strides = array<i32>} : memref<1024xf32, #tpu.memory_space<vmem>>, vector<16xf32>,
    %get3A_412 = arith.constant 0 : i32
    %get3A_413 = arith.index_cast %get3A_412 : i32 to index
    %get3A_414 = arith.constant 288 : index
    %get3A_415 = tpu.vector_load %arg18[%get3A_413, %get3A_414] {strides = array<i32>} : memref<2x1024xf32, #tpu.memory_space<vmem>>, vector<16xf32>,
    %get3A_416 = arith.constant 0 : i32
    %get3A_417 = arith.index_cast %get3A_416 : i32 to index
    %get3A_418 = arith.constant 288 : index
    %get3A_419 = tpu.vector_load %arg16[%get3A_417, %get3A_418] {strides = array<i32>} : memref<2x1024xf32, #tpu.memory_space<vmem>>, vector<16xf32>,
    %add3A_420 = arith.addf %get3A_415, %get3A_419 : vector<16xf32>
    %get3A_421 = arith.constant 1 : i32
    %get3A_422 = arith.index_cast %get3A_421 : i32 to index
    %get3A_423 = arith.constant 288 : index
    %get3A_424 = tpu.vector_load %arg18[%get3A_422, %get3A_423] {strides = array<i32>} : memref<2x1024xf32, #tpu.memory_space<vmem>>, vector<16xf32>,
    %get3A_425 = arith.constant 1 : i32
    %get3A_426 = arith.index_cast %get3A_425 : i32 to index
    %get3A_427 = arith.constant 288 : index
    %get3A_428 = tpu.vector_load %arg16[%get3A_426, %get3A_427] {strides = array<i32>} : memref<2x1024xf32, #tpu.memory_space<vmem>>, vector<16xf32>,
    %add3A_429 = arith.addf %get3A_424, %get3A_428 : vector<16xf32>
    %swap3A_430 = arith.constant 288 : index
    %swap3A_431 = tpu.vector_load %arg11[%swap3A_430] {strides = array<i32>} : memref<1024xf32, #tpu.memory_space<vmem>>, vector<16xf32>,
    tpu.vector_store %arg11[%swap3A_430], %add3A_420 {strides = array<i32>} : memref<1024xf32, #tpu.memory_space<vmem>>, vector<16xf32>,
    %sub3A_432 = arith.subf %add3A_429, %add3A_420 : vector<16xf32>
    %swap3A_433 = arith.constant 288 : index
    %swap3A_434 = tpu.vector_load %arg12[%swap3A_433] {strides = array<i32>} : memref<1024xf32, #tpu.memory_space<vmem>>, vector<16xf32>,
    tpu.vector_store %arg12[%swap3A_433], %sub3A_432 {strides = array<i32>} : memref<1024xf32, #tpu.memory_space<vmem>>, vector<16xf32>,
    %get3A_435 = arith.constant 0 : i32
    %get3A_436 = arith.index_cast %get3A_435 : i32 to index
    %get3A_437 = arith.constant 304 : index
    %get3A_438 = tpu.vector_load %arg18[%get3A_436, %get3A_437] {strides = array<i32>} : memref<2x1024xf32, #tpu.memory_space<vmem>>, vector<16xf32>,
    %get3A_439 = arith.constant 0 : i32
    %get3A_440 = arith.index_cast %get3A_439 : i32 to index
    %get3A_441 = arith.constant 304 : index
    %get3A_442 = tpu.vector_load %arg16[%get3A_440, %get3A_441] {strides = array<i32>} : memref<2x1024xf32, #tpu.memory_space<vmem>>, vector<16xf32>,
    %add3A_443 = arith.addf %get3A_438, %get3A_442 : vector<16xf32>
    %get3A_444 = arith.constant 1 : i32
    %get3A_445 = arith.index_cast %get3A_444 : i32 to index
    %get3A_446 = arith.constant 304 : index
    %get3A_447 = tpu.vector_load %arg18[%get3A_445, %get3A_446] {strides = array<i32>} : memref<2x1024xf32, #tpu.memory_space<vmem>>, vector<16xf32>,
    %get3A_448 = arith.constant 1 : i32
    %get3A_449 = arith.index_cast %get3A_448 : i32 to index
    %get3A_450 = arith.constant 304 : index
    %get3A_451 = tpu.vector_load %arg16[%get3A_449, %get3A_450] {strides = array<i32>} : memref<2x1024xf32, #tpu.memory_space<vmem>>, vector<16xf32>,
    %add3A_452 = arith.addf %get3A_447, %get3A_451 : vector<16xf32>
    %swap3A_453 = arith.constant 304 : index
    %swap3A_454 = tpu.vector_load %arg11[%swap3A_453] {strides = array<i32>} : memref<1024xf32, #tpu.memory_space<vmem>>, vector<16xf32>,
    tpu.vector_store %arg11[%swap3A_453], %add3A_443 {strides = array<i32>} : memref<1024xf32, #tpu.memory_space<vmem>>, vector<16xf32>,
    %sub3A_455 = arith.subf %add3A_452, %add3A_443 : vector<16xf32>
    %swap3A_456 = arith.constant 304 : index
    %swap3A_457 = tpu.vector_load %arg12[%swap3A_456] {strides = array<i32>} : memref<1024xf32, #tpu.memory_space<vmem>>, vector<16xf32>,
    tpu.vector_store %arg12[%swap3A_456], %sub3A_455 {strides = array<i32>} : memref<1024xf32, #tpu.memory_space<vmem>>, vector<16xf32>,
    %get3A_458 = arith.constant 0 : i32
    %get3A_459 = arith.index_cast %get3A_458 : i32 to index
    %get3A_460 = arith.constant 320 : index
    %get3A_461 = tpu.vector_load %arg18[%get3A_459, %get3A_460] {strides = array<i32>} : memref<2x1024xf32, #tpu.memory_space<vmem>>, vector<16xf32>,
    %get3A_462 = arith.constant 0 : i32
    %get3A_463 = arith.index_cast %get3A_462 : i32 to index
    %get3A_464 = arith.constant 320 : index
    %get3A_465 = tpu.vector_load %arg16[%get3A_463, %get3A_464] {strides = array<i32>} : memref<2x1024xf32, #tpu.memory_space<vmem>>, vector<16xf32>,
    %add3A_466 = arith.addf %get3A_461, %get3A_465 : vector<16xf32>
    %get3A_467 = arith.constant 1 : i32
    %get3A_468 = arith.index_cast %get3A_467 : i32 to index
    %get3A_469 = arith.constant 320 : index
    %get3A_470 = tpu.vector_load %arg18[%get3A_468, %get3A_469] {strides = array<i32>} : memref<2x1024xf32, #tpu.memory_space<vmem>>, vector<16xf32>,
    %get3A_471 = arith.constant 1 : i32
    %get3A_472 = arith.index_cast %get3A_471 : i32 to index
    %get3A_473 = arith.constant 320 : index
    %get3A_474 = tpu.vector_load %arg16[%get3A_472, %get3A_473] {strides = array<i32>} : memref<2x1024xf32, #tpu.memory_space<vmem>>, vector<16xf32>,
    %add3A_475 = arith.addf %get3A_470, %get3A_474 : vector<16xf32>
    %swap3A_476 = arith.constant 320 : index
    %swap3A_477 = tpu.vector_load %arg11[%swap3A_476] {strides = array<i32>} : memref<1024xf32, #tpu.memory_space<vmem>>, vector<16xf32>,
    tpu.vector_store %arg11[%swap3A_476], %add3A_466 {strides = array<i32>} : memref<1024xf32, #tpu.memory_space<vmem>>, vector<16xf32>,
    %sub3A_478 = arith.subf %add3A_475, %add3A_466 : vector<16xf32>
    %swap3A_479 = arith.constant 320 : index
    %swap3A_480 = tpu.vector_load %arg12[%swap3A_479] {strides = array<i32>} : memref<1024xf32, #tpu.memory_space<vmem>>, vector<16xf32>,
    tpu.vector_store %arg12[%swap3A_479], %sub3A_478 {strides = array<i32>} : memref<1024xf32, #tpu.memory_space<vmem>>, vector<16xf32>,
    %get3A_481 = arith.constant 0 : i32
    %get3A_482 = arith.index_cast %get3A_481 : i32 to index
    %get3A_483 = arith.constant 336 : index
    %get3A_484 = tpu.vector_load %arg18[%get3A_482, %get3A_483] {strides = array<i32>} : memref<2x1024xf32, #tpu.memory_space<vmem>>, vector<16xf32>,
    %get3A_485 = arith.constant 0 : i32
    %get3A_486 = arith.index_cast %get3A_485 : i32 to index
    %get3A_487 = arith.constant 336 : index
    %get3A_488 = tpu.vector_load %arg16[%get3A_486, %get3A_487] {strides = array<i32>} : memref<2x1024xf32, #tpu.memory_space<vmem>>, vector<16xf32>,
    %add3A_489 = arith.addf %get3A_484, %get3A_488 : vector<16xf32>
    %get3A_490 = arith.constant 1 : i32
    %get3A_491 = arith.index_cast %get3A_490 : i32 to index
    %get3A_492 = arith.constant 336 : index
    %get3A_493 = tpu.vector_load %arg18[%get3A_491, %get3A_492] {strides = array<i32>} : memref<2x1024xf32, #tpu.memory_space<vmem>>, vector<16xf32>,
    %get3A_494 = arith.constant 1 : i32
    %get3A_495 = arith.index_cast %get3A_494 : i32 to index
    %get3A_496 = arith.constant 336 : index
    %get3A_497 = tpu.vector_load %arg16[%get3A_495, %get3A_496] {strides = array<i32>} : memref<2x1024xf32, #tpu.memory_space<vmem>>, vector<16xf32>,
    %add3A_498 = arith.addf %get3A_493, %get3A_497 : vector<16xf32>
    %swap3A_499 = arith.constant 336 : index
    %swap3A_500 = tpu.vector_load %arg11[%swap3A_499] {strides = array<i32>} : memref<1024xf32, #tpu.memory_space<vmem>>, vector<16xf32>,
    tpu.vector_store %arg11[%swap3A_499], %add3A_489 {strides = array<i32>} : memref<1024xf32, #tpu.memory_space<vmem>>, vector<16xf32>,
    %sub3A_501 = arith.subf %add3A_498, %add3A_489 : vector<16xf32>
    %swap3A_502 = arith.constant 336 : index
    %swap3A_503 = tpu.vector_load %arg12[%swap3A_502] {strides = array<i32>} : memref<1024xf32, #tpu.memory_space<vmem>>, vector<16xf32>,
    tpu.vector_store %arg12[%swap3A_502], %sub3A_501 {strides = array<i32>} : memref<1024xf32, #tpu.memory_space<vmem>>, vector<16xf32>,
    %get3A_504 = arith.constant 0 : i32
    %get3A_505 = arith.index_cast %get3A_504 : i32 to index
    %get3A_506 = arith.constant 352 : index
    %get3A_507 = tpu.vector_load %arg18[%get3A_505, %get3A_506] {strides = array<i32>} : memref<2x1024xf32, #tpu.memory_space<vmem>>, vector<16xf32>,
    %get3A_508 = arith.constant 0 : i32
    %get3A_509 = arith.index_cast %get3A_508 : i32 to index
    %get3A_510 = arith.constant 352 : index
    %get3A_511 = tpu.vector_load %arg16[%get3A_509, %get3A_510] {strides = array<i32>} : memref<2x1024xf32, #tpu.memory_space<vmem>>, vector<16xf32>,
    %add3A_512 = arith.addf %get3A_507, %get3A_511 : vector<16xf32>
    %get3A_513 = arith.constant 1 : i32
    %get3A_514 = arith.index_cast %get3A_513 : i32 to index
    %get3A_515 = arith.constant 352 : index
    %get3A_516 = tpu.vector_load %arg18[%get3A_514, %get3A_515] {strides = array<i32>} : memref<2x1024xf32, #tpu.memory_space<vmem>>, vector<16xf32>,
    %get3A_517 = arith.constant 1 : i32
    %get3A_518 = arith.index_cast %get3A_517 : i32 to index
    %get3A_519 = arith.constant 352 : index
    %get3A_520 = tpu.vector_load %arg16[%get3A_518, %get3A_519] {strides = array<i32>} : memref<2x1024xf32, #tpu.memory_space<vmem>>, vector<16xf32>,
    %add3A_521 = arith.addf %get3A_516, %get3A_520 : vector<16xf32>
    %swap3A_522 = arith.constant 352 : index
    %swap3A_523 = tpu.vector_load %arg11[%swap3A_522] {strides = array<i32>} : memref<1024xf32, #tpu.memory_space<vmem>>, vector<16xf32>,
    tpu.vector_store %arg11[%swap3A_522], %add3A_512 {strides = array<i32>} : memref<1024xf32, #tpu.memory_space<vmem>>, vector<16xf32>,
    %sub3A_524 = arith.subf %add3A_521, %add3A_512 : vector<16xf32>
    %swap3A_525 = arith.constant 352 : index
    %swap3A_526 = tpu.vector_load %arg12[%swap3A_525] {strides = array<i32>} : memref<1024xf32, #tpu.memory_space<vmem>>, vector<16xf32>,
    tpu.vector_store %arg12[%swap3A_525], %sub3A_524 {strides = array<i32>} : memref<1024xf32, #tpu.memory_space<vmem>>, vector<16xf32>,
    %get3A_527 = arith.constant 0 : i32
    %get3A_528 = arith.index_cast %get3A_527 : i32 to index
    %get3A_529 = arith.constant 368 : index
    %get3A_530 = tpu.vector_load %arg18[%get3A_528, %get3A_529] {strides = array<i32>} : memref<2x1024xf32, #tpu.memory_space<vmem>>, vector<16xf32>,
    %get3A_531 = arith.constant 0 : i32
    %get3A_532 = arith.index_cast %get3A_531 : i32 to index
    %get3A_533 = arith.constant 368 : index
    %get3A_534 = tpu.vector_load %arg16[%get3A_532, %get3A_533] {strides = array<i32>} : memref<2x1024xf32, #tpu.memory_space<vmem>>, vector<16xf32>,
    %add3A_535 = arith.addf %get3A_530, %get3A_534 : vector<16xf32>
    %get3A_536 = arith.constant 1 : i32
    %get3A_537 = arith.index_cast %get3A_536 : i32 to index
    %get3A_538 = arith.constant 368 : index
    %get3A_539 = tpu.vector_load %arg18[%get3A_537, %get3A_538] {strides = array<i32>} : memref<2x1024xf32, #tpu.memory_space<vmem>>, vector<16xf32>,
    %get3A_540 = arith.constant 1 : i32
    %get3A_541 = arith.index_cast %get3A_540 : i32 to index
    %get3A_542 = arith.constant 368 : index
    %get3A_543 = tpu.vector_load %arg16[%get3A_541, %get3A_542] {strides = array<i32>} : memref<2x1024xf32, #tpu.memory_space<vmem>>, vector<16xf32>,
    %add3A_544 = arith.addf %get3A_539, %get3A_543 : vector<16xf32>
    %swap3A_545 = arith.constant 368 : index
    %swap3A_546 = tpu.vector_load %arg11[%swap3A_545] {strides = array<i32>} : memref<1024xf32, #tpu.memory_space<vmem>>, vector<16xf32>,
    tpu.vector_store %arg11[%swap3A_545], %add3A_535 {strides = array<i32>} : memref<1024xf32, #tpu.memory_space<vmem>>, vector<16xf32>,
    %sub3A_547 = arith.subf %add3A_544, %add3A_535 : vector<16xf32>
    %swap3A_548 = arith.constant 368 : index
    %swap3A_549 = tpu.vector_load %arg12[%swap3A_548] {strides = array<i32>} : memref<1024xf32, #tpu.memory_space<vmem>>, vector<16xf32>,
    tpu.vector_store %arg12[%swap3A_548], %sub3A_547 {strides = array<i32>} : memref<1024xf32, #tpu.memory_space<vmem>>, vector<16xf32>,
    %get3A_550 = arith.constant 0 : i32
    %get3A_551 = arith.index_cast %get3A_550 : i32 to index
    %get3A_552 = arith.constant 384 : index
    %get3A_553 = tpu.vector_load %arg18[%get3A_551, %get3A_552] {strides = array<i32>} : memref<2x1024xf32, #tpu.memory_space<vmem>>, vector<16xf32>,
    %get3A_554 = arith.constant 0 : i32
    %get3A_555 = arith.index_cast %get3A_554 : i32 to index
    %get3A_556 = arith.constant 384 : index
    %get3A_557 = tpu.vector_load %arg16[%get3A_555, %get3A_556] {strides = array<i32>} : memref<2x1024xf32, #tpu.memory_space<vmem>>, vector<16xf32>,
    %add3A_558 = arith.addf %get3A_553, %get3A_557 : vector<16xf32>
    %get3A_559 = arith.constant 1 : i32
    %get3A_560 = arith.index_cast %get3A_559 : i32 to index
    %get3A_561 = arith.constant 384 : index
    %get3A_562 = tpu.vector_load %arg18[%get3A_560, %get3A_561] {strides = array<i32>} : memref<2x1024xf32, #tpu.memory_space<vmem>>, vector<16xf32>,
    %get3A_563 = arith.constant 1 : i32
    %get3A_564 = arith.index_cast %get3A_563 : i32 to index
    %get3A_565 = arith.constant 384 : index
    %get3A_566 = tpu.vector_load %arg16[%get3A_564, %get3A_565] {strides = array<i32>} : memref<2x1024xf32, #tpu.memory_space<vmem>>, vector<16xf32>,
    %add3A_567 = arith.addf %get3A_562, %get3A_566 : vector<16xf32>
    %swap3A_568 = arith.constant 384 : index
    %swap3A_569 = tpu.vector_load %arg11[%swap3A_568] {strides = array<i32>} : memref<1024xf32, #tpu.memory_space<vmem>>, vector<16xf32>,
    tpu.vector_store %arg11[%swap3A_568], %add3A_558 {strides = array<i32>} : memref<1024xf32, #tpu.memory_space<vmem>>, vector<16xf32>,
    %sub3A_570 = arith.subf %add3A_567, %add3A_558 : vector<16xf32>
    %swap3A_571 = arith.constant 384 : index
    %swap3A_572 = tpu.vector_load %arg12[%swap3A_571] {strides = array<i32>} : memref<1024xf32, #tpu.memory_space<vmem>>, vector<16xf32>,
    tpu.vector_store %arg12[%swap3A_571], %sub3A_570 {strides = array<i32>} : memref<1024xf32, #tpu.memory_space<vmem>>, vector<16xf32>,
    %get3A_573 = arith.constant 0 : i32
    %get3A_574 = arith.index_cast %get3A_573 : i32 to index
    %get3A_575 = arith.constant 400 : index
    %get3A_576 = tpu.vector_load %arg18[%get3A_574, %get3A_575] {strides = array<i32>} : memref<2x1024xf32, #tpu.memory_space<vmem>>, vector<16xf32>,
    %get3A_577 = arith.constant 0 : i32
    %get3A_578 = arith.index_cast %get3A_577 : i32 to index
    %get3A_579 = arith.constant 400 : index
    %get3A_580 = tpu.vector_load %arg16[%get3A_578, %get3A_579] {strides = array<i32>} : memref<2x1024xf32, #tpu.memory_space<vmem>>, vector<16xf32>,
    %add3A_581 = arith.addf %get3A_576, %get3A_580 : vector<16xf32>
    %get3A_582 = arith.constant 1 : i32
    %get3A_583 = arith.index_cast %get3A_582 : i32 to index
    %get3A_584 = arith.constant 400 : index
    %get3A_585 = tpu.vector_load %arg18[%get3A_583, %get3A_584] {strides = array<i32>} : memref<2x1024xf32, #tpu.memory_space<vmem>>, vector<16xf32>,
    %get3A_586 = arith.constant 1 : i32
    %get3A_587 = arith.index_cast %get3A_586 : i32 to index
    %get3A_588 = arith.constant 400 : index
    %get3A_589 = tpu.vector_load %arg16[%get3A_587, %get3A_588] {strides = array<i32>} : memref<2x1024xf32, #tpu.memory_space<vmem>>, vector<16xf32>,
    %add3A_590 = arith.addf %get3A_585, %get3A_589 : vector<16xf32>
    %swap3A_591 = arith.constant 400 : index
    %swap3A_592 = tpu.vector_load %arg11[%swap3A_591] {strides = array<i32>} : memref<1024xf32, #tpu.memory_space<vmem>>, vector<16xf32>,
    tpu.vector_store %arg11[%swap3A_591], %add3A_581 {strides = array<i32>} : memref<1024xf32, #tpu.memory_space<vmem>>, vector<16xf32>,
    %sub3A_593 = arith.subf %add3A_590, %add3A_581 : vector<16xf32>
    %swap3A_594 = arith.constant 400 : index
    %swap3A_595 = tpu.vector_load %arg12[%swap3A_594] {strides = array<i32>} : memref<1024xf32, #tpu.memory_space<vmem>>, vector<16xf32>,
    tpu.vector_store %arg12[%swap3A_594], %sub3A_593 {strides = array<i32>} : memref<1024xf32, #tpu.memory_space<vmem>>, vector<16xf32>,
    %get3A_596 = arith.constant 0 : i32
    %get3A_597 = arith.index_cast %get3A_596 : i32 to index
    %get3A_598 = arith.constant 416 : index
    %get3A_599 = tpu.vector_load %arg18[%get3A_597, %get3A_598] {strides = array<i32>} : memref<2x1024xf32, #tpu.memory_space<vmem>>, vector<16xf32>,
    %get3A_600 = arith.constant 0 : i32
    %get3A_601 = arith.index_cast %get3A_600 : i32 to index
    %get3A_602 = arith.constant 416 : index
    %get3A_603 = tpu.vector_load %arg16[%get3A_601, %get3A_602] {strides = array<i32>} : memref<2x1024xf32, #tpu.memory_space<vmem>>, vector<16xf32>,
    %add3A_604 = arith.addf %get3A_599, %get3A_603 : vector<16xf32>
    %get3A_605 = arith.constant 1 : i32
    %get3A_606 = arith.index_cast %get3A_605 : i32 to index
    %get3A_607 = arith.constant 416 : index
    %get3A_608 = tpu.vector_load %arg18[%get3A_606, %get3A_607] {strides = array<i32>} : memref<2x1024xf32, #tpu.memory_space<vmem>>, vector<16xf32>,
    %get3A_609 = arith.constant 1 : i32
    %get3A_610 = arith.index_cast %get3A_609 : i32 to index
    %get3A_611 = arith.constant 416 : index
    %get3A_612 = tpu.vector_load %arg16[%get3A_610, %get3A_611] {strides = array<i32>} : memref<2x1024xf32, #tpu.memory_space<vmem>>, vector<16xf32>,
    %add3A_613 = arith.addf %get3A_608, %get3A_612 : vector<16xf32>
    %swap3A_614 = arith.constant 416 : index
    %swap3A_615 = tpu.vector_load %arg11[%swap3A_614] {strides = array<i32>} : memref<1024xf32, #tpu.memory_space<vmem>>, vector<16xf32>,
    tpu.vector_store %arg11[%swap3A_614], %add3A_604 {strides = array<i32>} : memref<1024xf32, #tpu.memory_space<vmem>>, vector<16xf32>,
    %sub3A_616 = arith.subf %add3A_613, %add3A_604 : vector<16xf32>
    %swap3A_617 = arith.constant 416 : index
    %swap3A_618 = tpu.vector_load %arg12[%swap3A_617] {strides = array<i32>} : memref<1024xf32, #tpu.memory_space<vmem>>, vector<16xf32>,
    tpu.vector_store %arg12[%swap3A_617], %sub3A_616 {strides = array<i32>} : memref<1024xf32, #tpu.memory_space<vmem>>, vector<16xf32>,
    %get3A_619 = arith.constant 0 : i32
    %get3A_620 = arith.index_cast %get3A_619 : i32 to index
    %get3A_621 = arith.constant 432 : index
    %get3A_622 = tpu.vector_load %arg18[%get3A_620, %get3A_621] {strides = array<i32>} : memref<2x1024xf32, #tpu.memory_space<vmem>>, vector<16xf32>,
    %get3A_623 = arith.constant 0 : i32
    %get3A_624 = arith.index_cast %get3A_623 : i32 to index
    %get3A_625 = arith.constant 432 : index
    %get3A_626 = tpu.vector_load %arg16[%get3A_624, %get3A_625] {strides = array<i32>} : memref<2x1024xf32, #tpu.memory_space<vmem>>, vector<16xf32>,
    %add3A_627 = arith.addf %get3A_622, %get3A_626 : vector<16xf32>
    %get3A_628 = arith.constant 1 : i32
    %get3A_629 = arith.index_cast %get3A_628 : i32 to index
    %get3A_630 = arith.constant 432 : index
    %get3A_631 = tpu.vector_load %arg18[%get3A_629, %get3A_630] {strides = array<i32>} : memref<2x1024xf32, #tpu.memory_space<vmem>>, vector<16xf32>,
    %get3A_632 = arith.constant 1 : i32
    %get3A_633 = arith.index_cast %get3A_632 : i32 to index
    %get3A_634 = arith.constant 432 : index
    %get3A_635 = tpu.vector_load %arg16[%get3A_633, %get3A_634] {strides = array<i32>} : memref<2x1024xf32, #tpu.memory_space<vmem>>, vector<16xf32>,
    %add3A_636 = arith.addf %get3A_631, %get3A_635 : vector<16xf32>
    %swap3A_637 = arith.constant 432 : index
    %swap3A_638 = tpu.vector_load %arg11[%swap3A_637] {strides = array<i32>} : memref<1024xf32, #tpu.memory_space<vmem>>, vector<16xf32>,
    tpu.vector_store %arg11[%swap3A_637], %add3A_627 {strides = array<i32>} : memref<1024xf32, #tpu.memory_space<vmem>>, vector<16xf32>,
    %sub3A_639 = arith.subf %add3A_636, %add3A_627 : vector<16xf32>
    %swap3A_640 = arith.constant 432 : index
    %swap3A_641 = tpu.vector_load %arg12[%swap3A_640] {strides = array<i32>} : memref<1024xf32, #tpu.memory_space<vmem>>, vector<16xf32>,
    tpu.vector_store %arg12[%swap3A_640], %sub3A_639 {strides = array<i32>} : memref<1024xf32, #tpu.memory_space<vmem>>, vector<16xf32>,
    %get3A_642 = arith.constant 0 : i32
    %get3A_643 = arith.index_cast %get3A_642 : i32 to index
    %get3A_644 = arith.constant 448 : index
    %get3A_645 = tpu.vector_load %arg18[%get3A_643, %get3A_644] {strides = array<i32>} : memref<2x1024xf32, #tpu.memory_space<vmem>>, vector<16xf32>,
    %get3A_646 = arith.constant 0 : i32
    %get3A_647 = arith.index_cast %get3A_646 : i32 to index
    %get3A_648 = arith.constant 448 : index
    %get3A_649 = tpu.vector_load %arg16[%get3A_647, %get3A_648] {strides = array<i32>} : memref<2x1024xf32, #tpu.memory_space<vmem>>, vector<16xf32>,
    %add3A_650 = arith.addf %get3A_645, %get3A_649 : vector<16xf32>
    %get3A_651 = arith.constant 1 : i32
    %get3A_652 = arith.index_cast %get3A_651 : i32 to index
    %get3A_653 = arith.constant 448 : index
    %get3A_654 = tpu.vector_load %arg18[%get3A_652, %get3A_653] {strides = array<i32>} : memref<2x1024xf32, #tpu.memory_space<vmem>>, vector<16xf32>,
    %get3A_655 = arith.constant 1 : i32
    %get3A_656 = arith.index_cast %get3A_655 : i32 to index
    %get3A_657 = arith.constant 448 : index
    %get3A_658 = tpu.vector_load %arg16[%get3A_656, %get3A_657] {strides = array<i32>} : memref<2x1024xf32, #tpu.memory_space<vmem>>, vector<16xf32>,
    %add3A_659 = arith.addf %get3A_654, %get3A_658 : vector<16xf32>
    %swap3A_660 = arith.constant 448 : index
    %swap3A_661 = tpu.vector_load %arg11[%swap3A_660] {strides = array<i32>} : memref<1024xf32, #tpu.memory_space<vmem>>, vector<16xf32>,
    tpu.vector_store %arg11[%swap3A_660], %add3A_650 {strides = array<i32>} : memref<1024xf32, #tpu.memory_space<vmem>>, vector<16xf32>,
    %sub3A_662 = arith.subf %add3A_659, %add3A_650 : vector<16xf32>
    %swap3A_663 = arith.constant 448 : index
    %swap3A_664 = tpu.vector_load %arg12[%swap3A_663] {strides = array<i32>} : memref<1024xf32, #tpu.memory_space<vmem>>, vector<16xf32>,
    tpu.vector_store %arg12[%swap3A_663], %sub3A_662 {strides = array<i32>} : memref<1024xf32, #tpu.memory_space<vmem>>, vector<16xf32>,
    %get3A_665 = arith.constant 0 : i32
    %get3A_666 = arith.index_cast %get3A_665 : i32 to index
    %get3A_667 = arith.constant 464 : index
    %get3A_668 = tpu.vector_load %arg18[%get3A_666, %get3A_667] {strides = array<i32>} : memref<2x1024xf32, #tpu.memory_space<vmem>>, vector<16xf32>,
    %get3A_669 = arith.constant 0 : i32
    %get3A_670 = arith.index_cast %get3A_669 : i32 to index
    %get3A_671 = arith.constant 464 : index
    %get3A_672 = tpu.vector_load %arg16[%get3A_670, %get3A_671] {strides = array<i32>} : memref<2x1024xf32, #tpu.memory_space<vmem>>, vector<16xf32>,
    %add3A_673 = arith.addf %get3A_668, %get3A_672 : vector<16xf32>
    %get3A_674 = arith.constant 1 : i32
    %get3A_675 = arith.index_cast %get3A_674 : i32 to index
    %get3A_676 = arith.constant 464 : index
    %get3A_677 = tpu.vector_load %arg18[%get3A_675, %get3A_676] {strides = array<i32>} : memref<2x1024xf32, #tpu.memory_space<vmem>>, vector<16xf32>,
    %get3A_678 = arith.constant 1 : i32
    %get3A_679 = arith.index_cast %get3A_678 : i32 to index
    %get3A_680 = arith.constant 464 : index
    %get3A_681 = tpu.vector_load %arg16[%get3A_679, %get3A_680] {strides = array<i32>} : memref<2x1024xf32, #tpu.memory_space<vmem>>, vector<16xf32>,
    %add3A_682 = arith.addf %get3A_677, %get3A_681 : vector<16xf32>
    %swap3A_683 = arith.constant 464 : index
    %swap3A_684 = tpu.vector_load %arg11[%swap3A_683] {strides = array<i32>} : memref<1024xf32, #tpu.memory_space<vmem>>, vector<16xf32>,
    tpu.vector_store %arg11[%swap3A_683], %add3A_673 {strides = array<i32>} : memref<1024xf32, #tpu.memory_space<vmem>>, vector<16xf32>,
    %sub3A_685 = arith.subf %add3A_682, %add3A_673 : vector<16xf32>
    %swap3A_686 = arith.constant 464 : index
    %swap3A_687 = tpu.vector_load %arg12[%swap3A_686] {strides = array<i32>} : memref<1024xf32, #tpu.memory_space<vmem>>, vector<16xf32>,
    tpu.vector_store %arg12[%swap3A_686], %sub3A_685 {strides = array<i32>} : memref<1024xf32, #tpu.memory_space<vmem>>, vector<16xf32>,
    %get3A_688 = arith.constant 0 : i32
    %get3A_689 = arith.index_cast %get3A_688 : i32 to index
    %get3A_690 = arith.constant 480 : index
    %get3A_691 = tpu.vector_load %arg18[%get3A_689, %get3A_690] {strides = array<i32>} : memref<2x1024xf32, #tpu.memory_space<vmem>>, vector<16xf32>,
    %get3A_692 = arith.constant 0 : i32
    %get3A_693 = arith.index_cast %get3A_692 : i32 to index
    %get3A_694 = arith.constant 480 : index
    %get3A_695 = tpu.vector_load %arg16[%get3A_693, %get3A_694] {strides = array<i32>} : memref<2x1024xf32, #tpu.memory_space<vmem>>, vector<16xf32>,
    %add3A_696 = arith.addf %get3A_691, %get3A_695 : vector<16xf32>
    %get3A_697 = arith.constant 1 : i32
    %get3A_698 = arith.index_cast %get3A_697 : i32 to index
    %get3A_699 = arith.constant 480 : index
    %get3A_700 = tpu.vector_load %arg18[%get3A_698, %get3A_699] {strides = array<i32>} : memref<2x1024xf32, #tpu.memory_space<vmem>>, vector<16xf32>,
    %get3A_701 = arith.constant 1 : i32
    %get3A_702 = arith.index_cast %get3A_701 : i32 to index
    %get3A_703 = arith.constant 480 : index
    %get3A_704 = tpu.vector_load %arg16[%get3A_702, %get3A_703] {strides = array<i32>} : memref<2x1024xf32, #tpu.memory_space<vmem>>, vector<16xf32>,
    %add3A_705 = arith.addf %get3A_700, %get3A_704 : vector<16xf32>
    %swap3A_706 = arith.constant 480 : index
    %swap3A_707 = tpu.vector_load %arg11[%swap3A_706] {strides = array<i32>} : memref<1024xf32, #tpu.memory_space<vmem>>, vector<16xf32>,
    tpu.vector_store %arg11[%swap3A_706], %add3A_696 {strides = array<i32>} : memref<1024xf32, #tpu.memory_space<vmem>>, vector<16xf32>,
    %sub3A_708 = arith.subf %add3A_705, %add3A_696 : vector<16xf32>
    %swap3A_709 = arith.constant 480 : index
    %swap3A_710 = tpu.vector_load %arg12[%swap3A_709] {strides = array<i32>} : memref<1024xf32, #tpu.memory_space<vmem>>, vector<16xf32>,
    tpu.vector_store %arg12[%swap3A_709], %sub3A_708 {strides = array<i32>} : memref<1024xf32, #tpu.memory_space<vmem>>, vector<16xf32>,
    %get3A_711 = arith.constant 0 : i32
    %get3A_712 = arith.index_cast %get3A_711 : i32 to index
    %get3A_713 = arith.constant 496 : index
    %get3A_714 = tpu.vector_load %arg18[%get3A_712, %get3A_713] {strides = array<i32>} : memref<2x1024xf32, #tpu.memory_space<vmem>>, vector<16xf32>,
    %get3A_715 = arith.constant 0 : i32
    %get3A_716 = arith.index_cast %get3A_715 : i32 to index
    %get3A_717 = arith.constant 496 : index
    %get3A_718 = tpu.vector_load %arg16[%get3A_716, %get3A_717] {strides = array<i32>} : memref<2x1024xf32, #tpu.memory_space<vmem>>, vector<16xf32>,
    %add3A_719 = arith.addf %get3A_714, %get3A_718 : vector<16xf32>
    %get3A_720 = arith.constant 1 : i32
    %get3A_721 = arith.index_cast %get3A_720 : i32 to index
    %get3A_722 = arith.constant 496 : index
    %get3A_723 = tpu.vector_load %arg18[%get3A_721, %get3A_722] {strides = array<i32>} : memref<2x1024xf32, #tpu.memory_space<vmem>>, vector<16xf32>,
    %get3A_724 = arith.constant 1 : i32
    %get3A_725 = arith.index_cast %get3A_724 : i32 to index
    %get3A_726 = arith.constant 496 : index
    %get3A_727 = tpu.vector_load %arg16[%get3A_725, %get3A_726] {strides = array<i32>} : memref<2x1024xf32, #tpu.memory_space<vmem>>, vector<16xf32>,
    %add3A_728 = arith.addf %get3A_723, %get3A_727 : vector<16xf32>
    %swap3A_729 = arith.constant 496 : index
    %swap3A_730 = tpu.vector_load %arg11[%swap3A_729] {strides = array<i32>} : memref<1024xf32, #tpu.memory_space<vmem>>, vector<16xf32>,
    tpu.vector_store %arg11[%swap3A_729], %add3A_719 {strides = array<i32>} : memref<1024xf32, #tpu.memory_space<vmem>>, vector<16xf32>,
    %sub3A_731 = arith.subf %add3A_728, %add3A_719 : vector<16xf32>
    %swap3A_732 = arith.constant 496 : index
    %swap3A_733 = tpu.vector_load %arg12[%swap3A_732] {strides = array<i32>} : memref<1024xf32, #tpu.memory_space<vmem>>, vector<16xf32>,
    tpu.vector_store %arg12[%swap3A_732], %sub3A_731 {strides = array<i32>} : memref<1024xf32, #tpu.memory_space<vmem>>, vector<16xf32>,
    %get3A_734 = arith.constant 0 : i32
    %get3A_735 = arith.index_cast %get3A_734 : i32 to index
    %get3A_736 = arith.constant 512 : index
    %get3A_737 = tpu.vector_load %arg18[%get3A_735, %get3A_736] {strides = array<i32>} : memref<2x1024xf32, #tpu.memory_space<vmem>>, vector<16xf32>,
    %get3A_738 = arith.constant 0 : i32
    %get3A_739 = arith.index_cast %get3A_738 : i32 to index
    %get3A_740 = arith.constant 512 : index
    %get3A_741 = tpu.vector_load %arg16[%get3A_739, %get3A_740] {strides = array<i32>} : memref<2x1024xf32, #tpu.memory_space<vmem>>, vector<16xf32>,
    %add3A_742 = arith.addf %get3A_737, %get3A_741 : vector<16xf32>
    %get3A_743 = arith.constant 1 : i32
    %get3A_744 = arith.index_cast %get3A_743 : i32 to index
    %get3A_745 = arith.constant 512 : index
    %get3A_746 = tpu.vector_load %arg18[%get3A_744, %get3A_745] {strides = array<i32>} : memref<2x1024xf32, #tpu.memory_space<vmem>>, vector<16xf32>,
    %get3A_747 = arith.constant 1 : i32
    %get3A_748 = arith.index_cast %get3A_747 : i32 to index
    %get3A_749 = arith.constant 512 : index
    %get3A_750 = tpu.vector_load %arg16[%get3A_748, %get3A_749] {strides = array<i32>} : memref<2x1024xf32, #tpu.memory_space<vmem>>, vector<16xf32>,
    %add3A_751 = arith.addf %get3A_746, %get3A_750 : vector<16xf32>
    %swap3A_752 = arith.constant 512 : index
    %swap3A_753 = tpu.vector_load %arg11[%swap3A_752] {strides = array<i32>} : memref<1024xf32, #tpu.memory_space<vmem>>, vector<16xf32>,
    tpu.vector_store %arg11[%swap3A_752], %add3A_742 {strides = array<i32>} : memref<1024xf32, #tpu.memory_space<vmem>>, vector<16xf32>,
    %sub3A_754 = arith.subf %add3A_751, %add3A_742 : vector<16xf32>
    %swap3A_755 = arith.constant 512 : index
    %swap3A_756 = tpu.vector_load %arg12[%swap3A_755] {strides = array<i32>} : memref<1024xf32, #tpu.memory_space<vmem>>, vector<16xf32>,
    tpu.vector_store %arg12[%swap3A_755], %sub3A_754 {strides = array<i32>} : memref<1024xf32, #tpu.memory_space<vmem>>, vector<16xf32>,
    %get3A_757 = arith.constant 0 : i32
    %get3A_758 = arith.index_cast %get3A_757 : i32 to index
    %get3A_759 = arith.constant 528 : index
    %get3A_760 = tpu.vector_load %arg18[%get3A_758, %get3A_759] {strides = array<i32>} : memref<2x1024xf32, #tpu.memory_space<vmem>>, vector<16xf32>,
    %get3A_761 = arith.constant 0 : i32
    %get3A_762 = arith.index_cast %get3A_761 : i32 to index
    %get3A_763 = arith.constant 528 : index
    %get3A_764 = tpu.vector_load %arg16[%get3A_762, %get3A_763] {strides = array<i32>} : memref<2x1024xf32, #tpu.memory_space<vmem>>, vector<16xf32>,
    %add3A_765 = arith.addf %get3A_760, %get3A_764 : vector<16xf32>
    %get3A_766 = arith.constant 1 : i32
    %get3A_767 = arith.index_cast %get3A_766 : i32 to index
    %get3A_768 = arith.constant 528 : index
    %get3A_769 = tpu.vector_load %arg18[%get3A_767, %get3A_768] {strides = array<i32>} : memref<2x1024xf32, #tpu.memory_space<vmem>>, vector<16xf32>,
    %get3A_770 = arith.constant 1 : i32
    %get3A_771 = arith.index_cast %get3A_770 : i32 to index
    %get3A_772 = arith.constant 528 : index
    %get3A_773 = tpu.vector_load %arg16[%get3A_771, %get3A_772] {strides = array<i32>} : memref<2x1024xf32, #tpu.memory_space<vmem>>, vector<16xf32>,
    %add3A_774 = arith.addf %get3A_769, %get3A_773 : vector<16xf32>
    %swap3A_775 = arith.constant 528 : index
    %swap3A_776 = tpu.vector_load %arg11[%swap3A_775] {strides = array<i32>} : memref<1024xf32, #tpu.memory_space<vmem>>, vector<16xf32>,
    tpu.vector_store %arg11[%swap3A_775], %add3A_765 {strides = array<i32>} : memref<1024xf32, #tpu.memory_space<vmem>>, vector<16xf32>,
    %sub3A_777 = arith.subf %add3A_774, %add3A_765 : vector<16xf32>
    %swap3A_778 = arith.constant 528 : index
    %swap3A_779 = tpu.vector_load %arg12[%swap3A_778] {strides = array<i32>} : memref<1024xf32, #tpu.memory_space<vmem>>, vector<16xf32>,
    tpu.vector_store %arg12[%swap3A_778], %sub3A_777 {strides = array<i32>} : memref<1024xf32, #tpu.memory_space<vmem>>, vector<16xf32>,
    %get3A_780 = arith.constant 0 : i32
    %get3A_781 = arith.index_cast %get3A_780 : i32 to index
    %get3A_782 = arith.constant 544 : index
    %get3A_783 = tpu.vector_load %arg18[%get3A_781, %get3A_782] {strides = array<i32>} : memref<2x1024xf32, #tpu.memory_space<vmem>>, vector<16xf32>,
    %get3A_784 = arith.constant 0 : i32
    %get3A_785 = arith.index_cast %get3A_784 : i32 to index
    %get3A_786 = arith.constant 544 : index
    %get3A_787 = tpu.vector_load %arg16[%get3A_785, %get3A_786] {strides = array<i32>} : memref<2x1024xf32, #tpu.memory_space<vmem>>, vector<16xf32>,
    %add3A_788 = arith.addf %get3A_783, %get3A_787 : vector<16xf32>
    %get3A_789 = arith.constant 1 : i32
    %get3A_790 = arith.index_cast %get3A_789 : i32 to index
    %get3A_791 = arith.constant 544 : index
    %get3A_792 = tpu.vector_load %arg18[%get3A_790, %get3A_791] {strides = array<i32>} : memref<2x1024xf32, #tpu.memory_space<vmem>>, vector<16xf32>,
    %get3A_793 = arith.constant 1 : i32
    %get3A_794 = arith.index_cast %get3A_793 : i32 to index
    %get3A_795 = arith.constant 544 : index
    %get3A_796 = tpu.vector_load %arg16[%get3A_794, %get3A_795] {strides = array<i32>} : memref<2x1024xf32, #tpu.memory_space<vmem>>, vector<16xf32>,
    %add3A_797 = arith.addf %get3A_792, %get3A_796 : vector<16xf32>
    %swap3A_798 = arith.constant 544 : index
    %swap3A_799 = tpu.vector_load %arg11[%swap3A_798] {strides = array<i32>} : memref<1024xf32, #tpu.memory_space<vmem>>, vector<16xf32>,
    tpu.vector_store %arg11[%swap3A_798], %add3A_788 {strides = array<i32>} : memref<1024xf32, #tpu.memory_space<vmem>>, vector<16xf32>,
    %sub3A_800 = arith.subf %add3A_797, %add3A_788 : vector<16xf32>
    %swap3A_801 = arith.constant 544 : index
    %swap3A_802 = tpu.vector_load %arg12[%swap3A_801] {strides = array<i32>} : memref<1024xf32, #tpu.memory_space<vmem>>, vector<16xf32>,
    tpu.vector_store %arg12[%swap3A_801], %sub3A_800 {strides = array<i32>} : memref<1024xf32, #tpu.memory_space<vmem>>, vector<16xf32>,
    %get3A_803 = arith.constant 0 : i32
    %get3A_804 = arith.index_cast %get3A_803 : i32 to index
    %get3A_805 = arith.constant 560 : index
    %get3A_806 = tpu.vector_load %arg18[%get3A_804, %get3A_805] {strides = array<i32>} : memref<2x1024xf32, #tpu.memory_space<vmem>>, vector<16xf32>,
    %get3A_807 = arith.constant 0 : i32
    %get3A_808 = arith.index_cast %get3A_807 : i32 to index
    %get3A_809 = arith.constant 560 : index
    %get3A_810 = tpu.vector_load %arg16[%get3A_808, %get3A_809] {strides = array<i32>} : memref<2x1024xf32, #tpu.memory_space<vmem>>, vector<16xf32>,
    %add3A_811 = arith.addf %get3A_806, %get3A_810 : vector<16xf32>
    %get3A_812 = arith.constant 1 : i32
    %get3A_813 = arith.index_cast %get3A_812 : i32 to index
    %get3A_814 = arith.constant 560 : index
    %get3A_815 = tpu.vector_load %arg18[%get3A_813, %get3A_814] {strides = array<i32>} : memref<2x1024xf32, #tpu.memory_space<vmem>>, vector<16xf32>,
    %get3A_816 = arith.constant 1 : i32
    %get3A_817 = arith.index_cast %get3A_816 : i32 to index
    %get3A_818 = arith.constant 560 : index
    %get3A_819 = tpu.vector_load %arg16[%get3A_817, %get3A_818] {strides = array<i32>} : memref<2x1024xf32, #tpu.memory_space<vmem>>, vector<16xf32>,
    %add3A_820 = arith.addf %get3A_815, %get3A_819 : vector<16xf32>
    %swap3A_821 = arith.constant 560 : index
    %swap3A_822 = tpu.vector_load %arg11[%swap3A_821] {strides = array<i32>} : memref<1024xf32, #tpu.memory_space<vmem>>, vector<16xf32>,
    tpu.vector_store %arg11[%swap3A_821], %add3A_811 {strides = array<i32>} : memref<1024xf32, #tpu.memory_space<vmem>>, vector<16xf32>,
    %sub3A_823 = arith.subf %add3A_820, %add3A_811 : vector<16xf32>
    %swap3A_824 = arith.constant 560 : index
    %swap3A_825 = tpu.vector_load %arg12[%swap3A_824] {strides = array<i32>} : memref<1024xf32, #tpu.memory_space<vmem>>, vector<16xf32>,
    tpu.vector_store %arg12[%swap3A_824], %sub3A_823 {strides = array<i32>} : memref<1024xf32, #tpu.memory_space<vmem>>, vector<16xf32>,
    %get3A_826 = arith.constant 0 : i32
    %get3A_827 = arith.index_cast %get3A_826 : i32 to index
    %get3A_828 = arith.constant 576 : index
    %get3A_829 = tpu.vector_load %arg18[%get3A_827, %get3A_828] {strides = array<i32>} : memref<2x1024xf32, #tpu.memory_space<vmem>>, vector<16xf32>,
    %get3A_830 = arith.constant 0 : i32
    %get3A_831 = arith.index_cast %get3A_830 : i32 to index
    %get3A_832 = arith.constant 576 : index
    %get3A_833 = tpu.vector_load %arg16[%get3A_831, %get3A_832] {strides = array<i32>} : memref<2x1024xf32, #tpu.memory_space<vmem>>, vector<16xf32>,
    %add3A_834 = arith.addf %get3A_829, %get3A_833 : vector<16xf32>
    %get3A_835 = arith.constant 1 : i32
    %get3A_836 = arith.index_cast %get3A_835 : i32 to index
    %get3A_837 = arith.constant 576 : index
    %get3A_838 = tpu.vector_load %arg18[%get3A_836, %get3A_837] {strides = array<i32>} : memref<2x1024xf32, #tpu.memory_space<vmem>>, vector<16xf32>,
    %get3A_839 = arith.constant 1 : i32
    %get3A_840 = arith.index_cast %get3A_839 : i32 to index
    %get3A_841 = arith.constant 576 : index
    %get3A_842 = tpu.vector_load %arg16[%get3A_840, %get3A_841] {strides = array<i32>} : memref<2x1024xf32, #tpu.memory_space<vmem>>, vector<16xf32>,
    %add3A_843 = arith.addf %get3A_838, %get3A_842 : vector<16xf32>
    %swap3A_844 = arith.constant 576 : index
    %swap3A_845 = tpu.vector_load %arg11[%swap3A_844] {strides = array<i32>} : memref<1024xf32, #tpu.memory_space<vmem>>, vector<16xf32>,
    tpu.vector_store %arg11[%swap3A_844], %add3A_834 {strides = array<i32>} : memref<1024xf32, #tpu.memory_space<vmem>>, vector<16xf32>,
    %sub3A_846 = arith.subf %add3A_843, %add3A_834 : vector<16xf32>
    %swap3A_847 = arith.constant 576 : index
    %swap3A_848 = tpu.vector_load %arg12[%swap3A_847] {strides = array<i32>} : memref<1024xf32, #tpu.memory_space<vmem>>, vector<16xf32>,
    tpu.vector_store %arg12[%swap3A_847], %sub3A_846 {strides = array<i32>} : memref<1024xf32, #tpu.memory_space<vmem>>, vector<16xf32>,
    %get3A_849 = arith.constant 0 : i32
    %get3A_850 = arith.index_cast %get3A_849 : i32 to index
    %get3A_851 = arith.constant 592 : index
    %get3A_852 = tpu.vector_load %arg18[%get3A_850, %get3A_851] {strides = array<i32>} : memref<2x1024xf32, #tpu.memory_space<vmem>>, vector<16xf32>,
    %get3A_853 = arith.constant 0 : i32
    %get3A_854 = arith.index_cast %get3A_853 : i32 to index
    %get3A_855 = arith.constant 592 : index
    %get3A_856 = tpu.vector_load %arg16[%get3A_854, %get3A_855] {strides = array<i32>} : memref<2x1024xf32, #tpu.memory_space<vmem>>, vector<16xf32>,
    %add3A_857 = arith.addf %get3A_852, %get3A_856 : vector<16xf32>
    %get3A_858 = arith.constant 1 : i32
    %get3A_859 = arith.index_cast %get3A_858 : i32 to index
    %get3A_860 = arith.constant 592 : index
    %get3A_861 = tpu.vector_load %arg18[%get3A_859, %get3A_860] {strides = array<i32>} : memref<2x1024xf32, #tpu.memory_space<vmem>>, vector<16xf32>,
    %get3A_862 = arith.constant 1 : i32
    %get3A_863 = arith.index_cast %get3A_862 : i32 to index
    %get3A_864 = arith.constant 592 : index
    %get3A_865 = tpu.vector_load %arg16[%get3A_863, %get3A_864] {strides = array<i32>} : memref<2x1024xf32, #tpu.memory_space<vmem>>, vector<16xf32>,
    %add3A_866 = arith.addf %get3A_861, %get3A_865 : vector<16xf32>
    %swap3A_867 = arith.constant 592 : index
    %swap3A_868 = tpu.vector_load %arg11[%swap3A_867] {strides = array<i32>} : memref<1024xf32, #tpu.memory_space<vmem>>, vector<16xf32>,
    tpu.vector_store %arg11[%swap3A_867], %add3A_857 {strides = array<i32>} : memref<1024xf32, #tpu.memory_space<vmem>>, vector<16xf32>,
    %sub3A_869 = arith.subf %add3A_866, %add3A_857 : vector<16xf32>
    %swap3A_870 = arith.constant 592 : index
    %swap3A_871 = tpu.vector_load %arg12[%swap3A_870] {strides = array<i32>} : memref<1024xf32, #tpu.memory_space<vmem>>, vector<16xf32>,
    tpu.vector_store %arg12[%swap3A_870], %sub3A_869 {strides = array<i32>} : memref<1024xf32, #tpu.memory_space<vmem>>, vector<16xf32>,
    %get3A_872 = arith.constant 0 : i32
    %get3A_873 = arith.index_cast %get3A_872 : i32 to index
    %get3A_874 = arith.constant 608 : index
    %get3A_875 = tpu.vector_load %arg18[%get3A_873, %get3A_874] {strides = array<i32>} : memref<2x1024xf32, #tpu.memory_space<vmem>>, vector<16xf32>,
    %get3A_876 = arith.constant 0 : i32
    %get3A_877 = arith.index_cast %get3A_876 : i32 to index
    %get3A_878 = arith.constant 608 : index
    %get3A_879 = tpu.vector_load %arg16[%get3A_877, %get3A_878] {strides = array<i32>} : memref<2x1024xf32, #tpu.memory_space<vmem>>, vector<16xf32>,
    %add3A_880 = arith.addf %get3A_875, %get3A_879 : vector<16xf32>
    %get3A_881 = arith.constant 1 : i32
    %get3A_882 = arith.index_cast %get3A_881 : i32 to index
    %get3A_883 = arith.constant 608 : index
    %get3A_884 = tpu.vector_load %arg18[%get3A_882, %get3A_883] {strides = array<i32>} : memref<2x1024xf32, #tpu.memory_space<vmem>>, vector<16xf32>,
    %get3A_885 = arith.constant 1 : i32
    %get3A_886 = arith.index_cast %get3A_885 : i32 to index
    %get3A_887 = arith.constant 608 : index
    %get3A_888 = tpu.vector_load %arg16[%get3A_886, %get3A_887] {strides = array<i32>} : memref<2x1024xf32, #tpu.memory_space<vmem>>, vector<16xf32>,
    %add3A_889 = arith.addf %get3A_884, %get3A_888 : vector<16xf32>
    %swap3A_890 = arith.constant 608 : index
    %swap3A_891 = tpu.vector_load %arg11[%swap3A_890] {strides = array<i32>} : memref<1024xf32, #tpu.memory_space<vmem>>, vector<16xf32>,
    tpu.vector_store %arg11[%swap3A_890], %add3A_880 {strides = array<i32>} : memref<1024xf32, #tpu.memory_space<vmem>>, vector<16xf32>,
    %sub3A_892 = arith.subf %add3A_889, %add3A_880 : vector<16xf32>
    %swap3A_893 = arith.constant 608 : index
    %swap3A_894 = tpu.vector_load %arg12[%swap3A_893] {strides = array<i32>} : memref<1024xf32, #tpu.memory_space<vmem>>, vector<16xf32>,
    tpu.vector_store %arg12[%swap3A_893], %sub3A_892 {strides = array<i32>} : memref<1024xf32, #tpu.memory_space<vmem>>, vector<16xf32>,
    %get3A_895 = arith.constant 0 : i32
    %get3A_896 = arith.index_cast %get3A_895 : i32 to index
    %get3A_897 = arith.constant 624 : index
    %get3A_898 = tpu.vector_load %arg18[%get3A_896, %get3A_897] {strides = array<i32>} : memref<2x1024xf32, #tpu.memory_space<vmem>>, vector<16xf32>,
    %get3A_899 = arith.constant 0 : i32
    %get3A_900 = arith.index_cast %get3A_899 : i32 to index
    %get3A_901 = arith.constant 624 : index
    %get3A_902 = tpu.vector_load %arg16[%get3A_900, %get3A_901] {strides = array<i32>} : memref<2x1024xf32, #tpu.memory_space<vmem>>, vector<16xf32>,
    %add3A_903 = arith.addf %get3A_898, %get3A_902 : vector<16xf32>
    %get3A_904 = arith.constant 1 : i32
    %get3A_905 = arith.index_cast %get3A_904 : i32 to index
    %get3A_906 = arith.constant 624 : index
    %get3A_907 = tpu.vector_load %arg18[%get3A_905, %get3A_906] {strides = array<i32>} : memref<2x1024xf32, #tpu.memory_space<vmem>>, vector<16xf32>,
    %get3A_908 = arith.constant 1 : i32
    %get3A_909 = arith.index_cast %get3A_908 : i32 to index
    %get3A_910 = arith.constant 624 : index
    %get3A_911 = tpu.vector_load %arg16[%get3A_909, %get3A_910] {strides = array<i32>} : memref<2x1024xf32, #tpu.memory_space<vmem>>, vector<16xf32>,
    %add3A_912 = arith.addf %get3A_907, %get3A_911 : vector<16xf32>
    %swap3A_913 = arith.constant 624 : index
    %swap3A_914 = tpu.vector_load %arg11[%swap3A_913] {strides = array<i32>} : memref<1024xf32, #tpu.memory_space<vmem>>, vector<16xf32>,
    tpu.vector_store %arg11[%swap3A_913], %add3A_903 {strides = array<i32>} : memref<1024xf32, #tpu.memory_space<vmem>>, vector<16xf32>,
    %sub3A_915 = arith.subf %add3A_912, %add3A_903 : vector<16xf32>
    %swap3A_916 = arith.constant 624 : index
    %swap3A_917 = tpu.vector_load %arg12[%swap3A_916] {strides = array<i32>} : memref<1024xf32, #tpu.memory_space<vmem>>, vector<16xf32>,
    tpu.vector_store %arg12[%swap3A_916], %sub3A_915 {strides = array<i32>} : memref<1024xf32, #tpu.memory_space<vmem>>, vector<16xf32>,
    %get3A_918 = arith.constant 0 : i32
    %get3A_919 = arith.index_cast %get3A_918 : i32 to index
    %get3A_920 = arith.constant 640 : index
    %get3A_921 = tpu.vector_load %arg18[%get3A_919, %get3A_920] {strides = array<i32>} : memref<2x1024xf32, #tpu.memory_space<vmem>>, vector<16xf32>,
    %get3A_922 = arith.constant 0 : i32
    %get3A_923 = arith.index_cast %get3A_922 : i32 to index
    %get3A_924 = arith.constant 640 : index
    %get3A_925 = tpu.vector_load %arg16[%get3A_923, %get3A_924] {strides = array<i32>} : memref<2x1024xf32, #tpu.memory_space<vmem>>, vector<16xf32>,
    %add3A_926 = arith.addf %get3A_921, %get3A_925 : vector<16xf32>
    %get3A_927 = arith.constant 1 : i32
    %get3A_928 = arith.index_cast %get3A_927 : i32 to index
    %get3A_929 = arith.constant 640 : index
    %get3A_930 = tpu.vector_load %arg18[%get3A_928, %get3A_929] {strides = array<i32>} : memref<2x1024xf32, #tpu.memory_space<vmem>>, vector<16xf32>,
    %get3A_931 = arith.constant 1 : i32
    %get3A_932 = arith.index_cast %get3A_931 : i32 to index
    %get3A_933 = arith.constant 640 : index
    %get3A_934 = tpu.vector_load %arg16[%get3A_932, %get3A_933] {strides = array<i32>} : memref<2x1024xf32, #tpu.memory_space<vmem>>, vector<16xf32>,
    %add3A_935 = arith.addf %get3A_930, %get3A_934 : vector<16xf32>
    %swap3A_936 = arith.constant 640 : index
    %swap3A_937 = tpu.vector_load %arg11[%swap3A_936] {strides = array<i32>} : memref<1024xf32, #tpu.memory_space<vmem>>, vector<16xf32>,
    tpu.vector_store %arg11[%swap3A_936], %add3A_926 {strides = array<i32>} : memref<1024xf32, #tpu.memory_space<vmem>>, vector<16xf32>,
    %sub3A_938 = arith.subf %add3A_935, %add3A_926 : vector<16xf32>
    %swap3A_939 = arith.constant 640 : index
    %swap3A_940 = tpu.vector_load %arg12[%swap3A_939] {strides = array<i32>} : memref<1024xf32, #tpu.memory_space<vmem>>, vector<16xf32>,
    tpu.vector_store %arg12[%swap3A_939], %sub3A_938 {strides = array<i32>} : memref<1024xf32, #tpu.memory_space<vmem>>, vector<16xf32>,
    %get3A_941 = arith.constant 0 : i32
    %get3A_942 = arith.index_cast %get3A_941 : i32 to index
    %get3A_943 = arith.constant 656 : index
    %get3A_944 = tpu.vector_load %arg18[%get3A_942, %get3A_943] {strides = array<i32>} : memref<2x1024xf32, #tpu.memory_space<vmem>>, vector<16xf32>,
    %get3A_945 = arith.constant 0 : i32
    %get3A_946 = arith.index_cast %get3A_945 : i32 to index
    %get3A_947 = arith.constant 656 : index
    %get3A_948 = tpu.vector_load %arg16[%get3A_946, %get3A_947] {strides = array<i32>} : memref<2x1024xf32, #tpu.memory_space<vmem>>, vector<16xf32>,
    %add3A_949 = arith.addf %get3A_944, %get3A_948 : vector<16xf32>
    %get3A_950 = arith.constant 1 : i32
    %get3A_951 = arith.index_cast %get3A_950 : i32 to index
    %get3A_952 = arith.constant 656 : index
    %get3A_953 = tpu.vector_load %arg18[%get3A_951, %get3A_952] {strides = array<i32>} : memref<2x1024xf32, #tpu.memory_space<vmem>>, vector<16xf32>,
    %get3A_954 = arith.constant 1 : i32
    %get3A_955 = arith.index_cast %get3A_954 : i32 to index
    %get3A_956 = arith.constant 656 : index
    %get3A_957 = tpu.vector_load %arg16[%get3A_955, %get3A_956] {strides = array<i32>} : memref<2x1024xf32, #tpu.memory_space<vmem>>, vector<16xf32>,
    %add3A_958 = arith.addf %get3A_953, %get3A_957 : vector<16xf32>
    %swap3A_959 = arith.constant 656 : index
    %swap3A_960 = tpu.vector_load %arg11[%swap3A_959] {strides = array<i32>} : memref<1024xf32, #tpu.memory_space<vmem>>, vector<16xf32>,
    tpu.vector_store %arg11[%swap3A_959], %add3A_949 {strides = array<i32>} : memref<1024xf32, #tpu.memory_space<vmem>>, vector<16xf32>,
    %sub3A_961 = arith.subf %add3A_958, %add3A_949 : vector<16xf32>
    %swap3A_962 = arith.constant 656 : index
    %swap3A_963 = tpu.vector_load %arg12[%swap3A_962] {strides = array<i32>} : memref<1024xf32, #tpu.memory_space<vmem>>, vector<16xf32>,
    tpu.vector_store %arg12[%swap3A_962], %sub3A_961 {strides = array<i32>} : memref<1024xf32, #tpu.memory_space<vmem>>, vector<16xf32>,
    %get3A_964 = arith.constant 0 : i32
    %get3A_965 = arith.index_cast %get3A_964 : i32 to index
    %get3A_966 = arith.constant 672 : index
    %get3A_967 = tpu.vector_load %arg18[%get3A_965, %get3A_966] {strides = array<i32>} : memref<2x1024xf32, #tpu.memory_space<vmem>>, vector<16xf32>,
    %get3A_968 = arith.constant 0 : i32
    %get3A_969 = arith.index_cast %get3A_968 : i32 to index
    %get3A_970 = arith.constant 672 : index
    %get3A_971 = tpu.vector_load %arg16[%get3A_969, %get3A_970] {strides = array<i32>} : memref<2x1024xf32, #tpu.memory_space<vmem>>, vector<16xf32>,
    %add3A_972 = arith.addf %get3A_967, %get3A_971 : vector<16xf32>
    %get3A_973 = arith.constant 1 : i32
    %get3A_974 = arith.index_cast %get3A_973 : i32 to index
    %get3A_975 = arith.constant 672 : index
    %get3A_976 = tpu.vector_load %arg18[%get3A_974, %get3A_975] {strides = array<i32>} : memref<2x1024xf32, #tpu.memory_space<vmem>>, vector<16xf32>,
    %get3A_977 = arith.constant 1 : i32
    %get3A_978 = arith.index_cast %get3A_977 : i32 to index
    %get3A_979 = arith.constant 672 : index
    %get3A_980 = tpu.vector_load %arg16[%get3A_978, %get3A_979] {strides = array<i32>} : memref<2x1024xf32, #tpu.memory_space<vmem>>, vector<16xf32>,
    %add3A_981 = arith.addf %get3A_976, %get3A_980 : vector<16xf32>
    %swap3A_982 = arith.constant 672 : index
    %swap3A_983 = tpu.vector_load %arg11[%swap3A_982] {strides = array<i32>} : memref<1024xf32, #tpu.memory_space<vmem>>, vector<16xf32>,
    tpu.vector_store %arg11[%swap3A_982], %add3A_972 {strides = array<i32>} : memref<1024xf32, #tpu.memory_space<vmem>>, vector<16xf32>,
    %sub3A_984 = arith.subf %add3A_981, %add3A_972 : vector<16xf32>
    %swap3A_985 = arith.constant 672 : index
    %swap3A_986 = tpu.vector_load %arg12[%swap3A_985] {strides = array<i32>} : memref<1024xf32, #tpu.memory_space<vmem>>, vector<16xf32>,
    tpu.vector_store %arg12[%swap3A_985], %sub3A_984 {strides = array<i32>} : memref<1024xf32, #tpu.memory_space<vmem>>, vector<16xf32>,
    %get3A_987 = arith.constant 0 : i32
    %get3A_988 = arith.index_cast %get3A_987 : i32 to index
    %get3A_989 = arith.constant 688 : index
    %get3A_990 = tpu.vector_load %arg18[%get3A_988, %get3A_989] {strides = array<i32>} : memref<2x1024xf32, #tpu.memory_space<vmem>>, vector<16xf32>,
    %get3A_991 = arith.constant 0 : i32
    %get3A_992 = arith.index_cast %get3A_991 : i32 to index
    %get3A_993 = arith.constant 688 : index
    %get3A_994 = tpu.vector_load %arg16[%get3A_992, %get3A_993] {strides = array<i32>} : memref<2x1024xf32, #tpu.memory_space<vmem>>, vector<16xf32>,
    %add3A_995 = arith.addf %get3A_990, %get3A_994 : vector<16xf32>
    %get3A_996 = arith.constant 1 : i32
    %get3A_997 = arith.index_cast %get3A_996 : i32 to index
    %get3A_998 = arith.constant 688 : index
    %get3A_999 = tpu.vector_load %arg18[%get3A_997, %get3A_998] {strides = array<i32>} : memref<2x1024xf32, #tpu.memory_space<vmem>>, vector<16xf32>,
    %get3A_1000 = arith.constant 1 : i32
    %get3A_1001 = arith.index_cast %get3A_1000 : i32 to index
    %get3A_1002 = arith.constant 688 : index
    %get3A_1003 = tpu.vector_load %arg16[%get3A_1001, %get3A_1002] {strides = array<i32>} : memref<2x1024xf32, #tpu.memory_space<vmem>>, vector<16xf32>,
    %add3A_1004 = arith.addf %get3A_999, %get3A_1003 : vector<16xf32>
    %swap3A_1005 = arith.constant 688 : index
    %swap3A_1006 = tpu.vector_load %arg11[%swap3A_1005] {strides = array<i32>} : memref<1024xf32, #tpu.memory_space<vmem>>, vector<16xf32>,
    tpu.vector_store %arg11[%swap3A_1005], %add3A_995 {strides = array<i32>} : memref<1024xf32, #tpu.memory_space<vmem>>, vector<16xf32>,
    %sub3A_1007 = arith.subf %add3A_1004, %add3A_995 : vector<16xf32>
    %swap3A_1008 = arith.constant 688 : index
    %swap3A_1009 = tpu.vector_load %arg12[%swap3A_1008] {strides = array<i32>} : memref<1024xf32, #tpu.memory_space<vmem>>, vector<16xf32>,
    tpu.vector_store %arg12[%swap3A_1008], %sub3A_1007 {strides = array<i32>} : memref<1024xf32, #tpu.memory_space<vmem>>, vector<16xf32>,
    %get3A_1010 = arith.constant 0 : i32
    %get3A_1011 = arith.index_cast %get3A_1010 : i32 to index
    %get3A_1012 = arith.constant 704 : index
    %get3A_1013 = tpu.vector_load %arg18[%get3A_1011, %get3A_1012] {strides = array<i32>} : memref<2x1024xf32, #tpu.memory_space<vmem>>, vector<16xf32>,
    %get3A_1014 = arith.constant 0 : i32
    %get3A_1015 = arith.index_cast %get3A_1014 : i32 to index
    %get3A_1016 = arith.constant 704 : index
    %get3A_1017 = tpu.vector_load %arg16[%get3A_1015, %get3A_1016] {strides = array<i32>} : memref<2x1024xf32, #tpu.memory_space<vmem>>, vector<16xf32>,
    %add3A_1018 = arith.addf %get3A_1013, %get3A_1017 : vector<16xf32>
    %get3A_1019 = arith.constant 1 : i32
    %get3A_1020 = arith.index_cast %get3A_1019 : i32 to index
    %get3A_1021 = arith.constant 704 : index
    %get3A_1022 = tpu.vector_load %arg18[%get3A_1020, %get3A_1021] {strides = array<i32>} : memref<2x1024xf32, #tpu.memory_space<vmem>>, vector<16xf32>,
    %get3A_1023 = arith.constant 1 : i32
    %get3A_1024 = arith.index_cast %get3A_1023 : i32 to index
    %get3A_1025 = arith.constant 704 : index
    %get3A_1026 = tpu.vector_load %arg16[%get3A_1024, %get3A_1025] {strides = array<i32>} : memref<2x1024xf32, #tpu.memory_space<vmem>>, vector<16xf32>,
    %add3A_1027 = arith.addf %get3A_1022, %get3A_1026 : vector<16xf32>
    %swap3A_1028 = arith.constant 704 : index
    %swap3A_1029 = tpu.vector_load %arg11[%swap3A_1028] {strides = array<i32>} : memref<1024xf32, #tpu.memory_space<vmem>>, vector<16xf32>,
    tpu.vector_store %arg11[%swap3A_1028], %add3A_1018 {strides = array<i32>} : memref<1024xf32, #tpu.memory_space<vmem>>, vector<16xf32>,
    %sub3A_1030 = arith.subf %add3A_1027, %add3A_1018 : vector<16xf32>
    %swap3A_1031 = arith.constant 704 : index
    %swap3A_1032 = tpu.vector_load %arg12[%swap3A_1031] {strides = array<i32>} : memref<1024xf32, #tpu.memory_space<vmem>>, vector<16xf32>,
    tpu.vector_store %arg12[%swap3A_1031], %sub3A_1030 {strides = array<i32>} : memref<1024xf32, #tpu.memory_space<vmem>>, vector<16xf32>,
    %get3A_1033 = arith.constant 0 : i32
    %get3A_1034 = arith.index_cast %get3A_1033 : i32 to index
    %get3A_1035 = arith.constant 720 : index
    %get3A_1036 = tpu.vector_load %arg18[%get3A_1034, %get3A_1035] {strides = array<i32>} : memref<2x1024xf32, #tpu.memory_space<vmem>>, vector<16xf32>,
    %get3A_1037 = arith.constant 0 : i32
    %get3A_1038 = arith.index_cast %get3A_1037 : i32 to index
    %get3A_1039 = arith.constant 720 : index
    %get3A_1040 = tpu.vector_load %arg16[%get3A_1038, %get3A_1039] {strides = array<i32>} : memref<2x1024xf32, #tpu.memory_space<vmem>>, vector<16xf32>,
    %add3A_1041 = arith.addf %get3A_1036, %get3A_1040 : vector<16xf32>
    %get3A_1042 = arith.constant 1 : i32
    %get3A_1043 = arith.index_cast %get3A_1042 : i32 to index
    %get3A_1044 = arith.constant 720 : index
    %get3A_1045 = tpu.vector_load %arg18[%get3A_1043, %get3A_1044] {strides = array<i32>} : memref<2x1024xf32, #tpu.memory_space<vmem>>, vector<16xf32>,
    %get3A_1046 = arith.constant 1 : i32
    %get3A_1047 = arith.index_cast %get3A_1046 : i32 to index
    %get3A_1048 = arith.constant 720 : index
    %get3A_1049 = tpu.vector_load %arg16[%get3A_1047, %get3A_1048] {strides = array<i32>} : memref<2x1024xf32, #tpu.memory_space<vmem>>, vector<16xf32>,
    %add3A_1050 = arith.addf %get3A_1045, %get3A_1049 : vector<16xf32>
    %swap3A_1051 = arith.constant 720 : index
    %swap3A_1052 = tpu.vector_load %arg11[%swap3A_1051] {strides = array<i32>} : memref<1024xf32, #tpu.memory_space<vmem>>, vector<16xf32>,
    tpu.vector_store %arg11[%swap3A_1051], %add3A_1041 {strides = array<i32>} : memref<1024xf32, #tpu.memory_space<vmem>>, vector<16xf32>,
    %sub3A_1053 = arith.subf %add3A_1050, %add3A_1041 : vector<16xf32>
    %swap3A_1054 = arith.constant 720 : index
    %swap3A_1055 = tpu.vector_load %arg12[%swap3A_1054] {strides = array<i32>} : memref<1024xf32, #tpu.memory_space<vmem>>, vector<16xf32>,
    tpu.vector_store %arg12[%swap3A_1054], %sub3A_1053 {strides = array<i32>} : memref<1024xf32, #tpu.memory_space<vmem>>, vector<16xf32>,
    %get3A_1056 = arith.constant 0 : i32
    %get3A_1057 = arith.index_cast %get3A_1056 : i32 to index
    %get3A_1058 = arith.constant 736 : index
    %get3A_1059 = tpu.vector_load %arg18[%get3A_1057, %get3A_1058] {strides = array<i32>} : memref<2x1024xf32, #tpu.memory_space<vmem>>, vector<16xf32>,
    %get3A_1060 = arith.constant 0 : i32
    %get3A_1061 = arith.index_cast %get3A_1060 : i32 to index
    %get3A_1062 = arith.constant 736 : index
    %get3A_1063 = tpu.vector_load %arg16[%get3A_1061, %get3A_1062] {strides = array<i32>} : memref<2x1024xf32, #tpu.memory_space<vmem>>, vector<16xf32>,
    %add3A_1064 = arith.addf %get3A_1059, %get3A_1063 : vector<16xf32>
    %get3A_1065 = arith.constant 1 : i32
    %get3A_1066 = arith.index_cast %get3A_1065 : i32 to index
    %get3A_1067 = arith.constant 736 : index
    %get3A_1068 = tpu.vector_load %arg18[%get3A_1066, %get3A_1067] {strides = array<i32>} : memref<2x1024xf32, #tpu.memory_space<vmem>>, vector<16xf32>,
    %get3A_1069 = arith.constant 1 : i32
    %get3A_1070 = arith.index_cast %get3A_1069 : i32 to index
    %get3A_1071 = arith.constant 736 : index
    %get3A_1072 = tpu.vector_load %arg16[%get3A_1070, %get3A_1071] {strides = array<i32>} : memref<2x1024xf32, #tpu.memory_space<vmem>>, vector<16xf32>,
    %add3A_1073 = arith.addf %get3A_1068, %get3A_1072 : vector<16xf32>
    %swap3A_1074 = arith.constant 736 : index
    %swap3A_1075 = tpu.vector_load %arg11[%swap3A_1074] {strides = array<i32>} : memref<1024xf32, #tpu.memory_space<vmem>>, vector<16xf32>,
    tpu.vector_store %arg11[%swap3A_1074], %add3A_1064 {strides = array<i32>} : memref<1024xf32, #tpu.memory_space<vmem>>, vector<16xf32>,
    %sub3A_1076 = arith.subf %add3A_1073, %add3A_1064 : vector<16xf32>
    %swap3A_1077 = arith.constant 736 : index
    %swap3A_1078 = tpu.vector_load %arg12[%swap3A_1077] {strides = array<i32>} : memref<1024xf32, #tpu.memory_space<vmem>>, vector<16xf32>,
    tpu.vector_store %arg12[%swap3A_1077], %sub3A_1076 {strides = array<i32>} : memref<1024xf32, #tpu.memory_space<vmem>>, vector<16xf32>,
    %get3A_1079 = arith.constant 0 : i32
    %get3A_1080 = arith.index_cast %get3A_1079 : i32 to index
    %get3A_1081 = arith.constant 752 : index
    %get3A_1082 = tpu.vector_load %arg18[%get3A_1080, %get3A_1081] {strides = array<i32>} : memref<2x1024xf32, #tpu.memory_space<vmem>>, vector<16xf32>,
    %get3A_1083 = arith.constant 0 : i32
    %get3A_1084 = arith.index_cast %get3A_1083 : i32 to index
    %get3A_1085 = arith.constant 752 : index
    %get3A_1086 = tpu.vector_load %arg16[%get3A_1084, %get3A_1085] {strides = array<i32>} : memref<2x1024xf32, #tpu.memory_space<vmem>>, vector<16xf32>,
    %add3A_1087 = arith.addf %get3A_1082, %get3A_1086 : vector<16xf32>
    %get3A_1088 = arith.constant 1 : i32
    %get3A_1089 = arith.index_cast %get3A_1088 : i32 to index
    %get3A_1090 = arith.constant 752 : index
    %get3A_1091 = tpu.vector_load %arg18[%get3A_1089, %get3A_1090] {strides = array<i32>} : memref<2x1024xf32, #tpu.memory_space<vmem>>, vector<16xf32>,
    %get3A_1092 = arith.constant 1 : i32
    %get3A_1093 = arith.index_cast %get3A_1092 : i32 to index
    %get3A_1094 = arith.constant 752 : index
    %get3A_1095 = tpu.vector_load %arg16[%get3A_1093, %get3A_1094] {strides = array<i32>} : memref<2x1024xf32, #tpu.memory_space<vmem>>, vector<16xf32>,
    %add3A_1096 = arith.addf %get3A_1091, %get3A_1095 : vector<16xf32>
    %swap3A_1097 = arith.constant 752 : index
    %swap3A_1098 = tpu.vector_load %arg11[%swap3A_1097] {strides = array<i32>} : memref<1024xf32, #tpu.memory_space<vmem>>, vector<16xf32>,
    tpu.vector_store %arg11[%swap3A_1097], %add3A_1087 {strides = array<i32>} : memref<1024xf32, #tpu.memory_space<vmem>>, vector<16xf32>,
    %sub3A_1099 = arith.subf %add3A_1096, %add3A_1087 : vector<16xf32>
    %swap3A_1100 = arith.constant 752 : index
    %swap3A_1101 = tpu.vector_load %arg12[%swap3A_1100] {strides = array<i32>} : memref<1024xf32, #tpu.memory_space<vmem>>, vector<16xf32>,
    tpu.vector_store %arg12[%swap3A_1100], %sub3A_1099 {strides = array<i32>} : memref<1024xf32, #tpu.memory_space<vmem>>, vector<16xf32>,
    %get3A_1102 = arith.constant 0 : i32
    %get3A_1103 = arith.index_cast %get3A_1102 : i32 to index
    %get3A_1104 = arith.constant 768 : index
    %get3A_1105 = tpu.vector_load %arg18[%get3A_1103, %get3A_1104] {strides = array<i32>} : memref<2x1024xf32, #tpu.memory_space<vmem>>, vector<16xf32>,
    %get3A_1106 = arith.constant 0 : i32
    %get3A_1107 = arith.index_cast %get3A_1106 : i32 to index
    %get3A_1108 = arith.constant 768 : index
    %get3A_1109 = tpu.vector_load %arg16[%get3A_1107, %get3A_1108] {strides = array<i32>} : memref<2x1024xf32, #tpu.memory_space<vmem>>, vector<16xf32>,
    %add3A_1110 = arith.addf %get3A_1105, %get3A_1109 : vector<16xf32>
    %get3A_1111 = arith.constant 1 : i32
    %get3A_1112 = arith.index_cast %get3A_1111 : i32 to index
    %get3A_1113 = arith.constant 768 : index
    %get3A_1114 = tpu.vector_load %arg18[%get3A_1112, %get3A_1113] {strides = array<i32>} : memref<2x1024xf32, #tpu.memory_space<vmem>>, vector<16xf32>,
    %get3A_1115 = arith.constant 1 : i32
    %get3A_1116 = arith.index_cast %get3A_1115 : i32 to index
    %get3A_1117 = arith.constant 768 : index
    %get3A_1118 = tpu.vector_load %arg16[%get3A_1116, %get3A_1117] {strides = array<i32>} : memref<2x1024xf32, #tpu.memory_space<vmem>>, vector<16xf32>,
    %add3A_1119 = arith.addf %get3A_1114, %get3A_1118 : vector<16xf32>
    %swap3A_1120 = arith.constant 768 : index
    %swap3A_1121 = tpu.vector_load %arg11[%swap3A_1120] {strides = array<i32>} : memref<1024xf32, #tpu.memory_space<vmem>>, vector<16xf32>,
    tpu.vector_store %arg11[%swap3A_1120], %add3A_1110 {strides = array<i32>} : memref<1024xf32, #tpu.memory_space<vmem>>, vector<16xf32>,
    %sub3A_1122 = arith.subf %add3A_1119, %add3A_1110 : vector<16xf32>
    %swap3A_1123 = arith.constant 768 : index
    %swap3A_1124 = tpu.vector_load %arg12[%swap3A_1123] {strides = array<i32>} : memref<1024xf32, #tpu.memory_space<vmem>>, vector<16xf32>,
    tpu.vector_store %arg12[%swap3A_1123], %sub3A_1122 {strides = array<i32>} : memref<1024xf32, #tpu.memory_space<vmem>>, vector<16xf32>,
    %get3A_1125 = arith.constant 0 : i32
    %get3A_1126 = arith.index_cast %get3A_1125 : i32 to index
    %get3A_1127 = arith.constant 784 : index
    %get3A_1128 = tpu.vector_load %arg18[%get3A_1126, %get3A_1127] {strides = array<i32>} : memref<2x1024xf32, #tpu.memory_space<vmem>>, vector<16xf32>,
    %get3A_1129 = arith.constant 0 : i32
    %get3A_1130 = arith.index_cast %get3A_1129 : i32 to index
    %get3A_1131 = arith.constant 784 : index
    %get3A_1132 = tpu.vector_load %arg16[%get3A_1130, %get3A_1131] {strides = array<i32>} : memref<2x1024xf32, #tpu.memory_space<vmem>>, vector<16xf32>,
    %add3A_1133 = arith.addf %get3A_1128, %get3A_1132 : vector<16xf32>
    %get3A_1134 = arith.constant 1 : i32
    %get3A_1135 = arith.index_cast %get3A_1134 : i32 to index
    %get3A_1136 = arith.constant 784 : index
    %get3A_1137 = tpu.vector_load %arg18[%get3A_1135, %get3A_1136] {strides = array<i32>} : memref<2x1024xf32, #tpu.memory_space<vmem>>, vector<16xf32>,
    %get3A_1138 = arith.constant 1 : i32
    %get3A_1139 = arith.index_cast %get3A_1138 : i32 to index
    %get3A_1140 = arith.constant 784 : index
    %get3A_1141 = tpu.vector_load %arg16[%get3A_1139, %get3A_1140] {strides = array<i32>} : memref<2x1024xf32, #tpu.memory_space<vmem>>, vector<16xf32>,
    %add3A_1142 = arith.addf %get3A_1137, %get3A_1141 : vector<16xf32>
    %swap3A_1143 = arith.constant 784 : index
    %swap3A_1144 = tpu.vector_load %arg11[%swap3A_1143] {strides = array<i32>} : memref<1024xf32, #tpu.memory_space<vmem>>, vector<16xf32>,
    tpu.vector_store %arg11[%swap3A_1143], %add3A_1133 {strides = array<i32>} : memref<1024xf32, #tpu.memory_space<vmem>>, vector<16xf32>,
    %sub3A_1145 = arith.subf %add3A_1142, %add3A_1133 : vector<16xf32>
    %swap3A_1146 = arith.constant 784 : index
    %swap3A_1147 = tpu.vector_load %arg12[%swap3A_1146] {strides = array<i32>} : memref<1024xf32, #tpu.memory_space<vmem>>, vector<16xf32>,
    tpu.vector_store %arg12[%swap3A_1146], %sub3A_1145 {strides = array<i32>} : memref<1024xf32, #tpu.memory_space<vmem>>, vector<16xf32>,
    %get3A_1148 = arith.constant 0 : i32
    %get3A_1149 = arith.index_cast %get3A_1148 : i32 to index
    %get3A_1150 = arith.constant 800 : index
    %get3A_1151 = tpu.vector_load %arg18[%get3A_1149, %get3A_1150] {strides = array<i32>} : memref<2x1024xf32, #tpu.memory_space<vmem>>, vector<16xf32>,
    %get3A_1152 = arith.constant 0 : i32
    %get3A_1153 = arith.index_cast %get3A_1152 : i32 to index
    %get3A_1154 = arith.constant 800 : index
    %get3A_1155 = tpu.vector_load %arg16[%get3A_1153, %get3A_1154] {strides = array<i32>} : memref<2x1024xf32, #tpu.memory_space<vmem>>, vector<16xf32>,
    %add3A_1156 = arith.addf %get3A_1151, %get3A_1155 : vector<16xf32>
    %get3A_1157 = arith.constant 1 : i32
    %get3A_1158 = arith.index_cast %get3A_1157 : i32 to index
    %get3A_1159 = arith.constant 800 : index
    %get3A_1160 = tpu.vector_load %arg18[%get3A_1158, %get3A_1159] {strides = array<i32>} : memref<2x1024xf32, #tpu.memory_space<vmem>>, vector<16xf32>,
    %get3A_1161 = arith.constant 1 : i32
    %get3A_1162 = arith.index_cast %get3A_1161 : i32 to index
    %get3A_1163 = arith.constant 800 : index
    %get3A_1164 = tpu.vector_load %arg16[%get3A_1162, %get3A_1163] {strides = array<i32>} : memref<2x1024xf32, #tpu.memory_space<vmem>>, vector<16xf32>,
    %add3A_1165 = arith.addf %get3A_1160, %get3A_1164 : vector<16xf32>
    %swap3A_1166 = arith.constant 800 : index
    %swap3A_1167 = tpu.vector_load %arg11[%swap3A_1166] {strides = array<i32>} : memref<1024xf32, #tpu.memory_space<vmem>>, vector<16xf32>,
    tpu.vector_store %arg11[%swap3A_1166], %add3A_1156 {strides = array<i32>} : memref<1024xf32, #tpu.memory_space<vmem>>, vector<16xf32>,
    %sub3A_1168 = arith.subf %add3A_1165, %add3A_1156 : vector<16xf32>
    %swap3A_1169 = arith.constant 800 : index
    %swap3A_1170 = tpu.vector_load %arg12[%swap3A_1169] {strides = array<i32>} : memref<1024xf32, #tpu.memory_space<vmem>>, vector<16xf32>,
    tpu.vector_store %arg12[%swap3A_1169], %sub3A_1168 {strides = array<i32>} : memref<1024xf32, #tpu.memory_space<vmem>>, vector<16xf32>,
    %get3A_1171 = arith.constant 0 : i32
    %get3A_1172 = arith.index_cast %get3A_1171 : i32 to index
    %get3A_1173 = arith.constant 816 : index
    %get3A_1174 = tpu.vector_load %arg18[%get3A_1172, %get3A_1173] {strides = array<i32>} : memref<2x1024xf32, #tpu.memory_space<vmem>>, vector<16xf32>,
    %get3A_1175 = arith.constant 0 : i32
    %get3A_1176 = arith.index_cast %get3A_1175 : i32 to index
    %get3A_1177 = arith.constant 816 : index
    %get3A_1178 = tpu.vector_load %arg16[%get3A_1176, %get3A_1177] {strides = array<i32>} : memref<2x1024xf32, #tpu.memory_space<vmem>>, vector<16xf32>,
    %add3A_1179 = arith.addf %get3A_1174, %get3A_1178 : vector<16xf32>
    %get3A_1180 = arith.constant 1 : i32
    %get3A_1181 = arith.index_cast %get3A_1180 : i32 to index
    %get3A_1182 = arith.constant 816 : index
    %get3A_1183 = tpu.vector_load %arg18[%get3A_1181, %get3A_1182] {strides = array<i32>} : memref<2x1024xf32, #tpu.memory_space<vmem>>, vector<16xf32>,
    %get3A_1184 = arith.constant 1 : i32
    %get3A_1185 = arith.index_cast %get3A_1184 : i32 to index
    %get3A_1186 = arith.constant 816 : index
    %get3A_1187 = tpu.vector_load %arg16[%get3A_1185, %get3A_1186] {strides = array<i32>} : memref<2x1024xf32, #tpu.memory_space<vmem>>, vector<16xf32>,
    %add3A_1188 = arith.addf %get3A_1183, %get3A_1187 : vector<16xf32>
    %swap3A_1189 = arith.constant 816 : index
    %swap3A_1190 = tpu.vector_load %arg11[%swap3A_1189] {strides = array<i32>} : memref<1024xf32, #tpu.memory_space<vmem>>, vector<16xf32>,
    tpu.vector_store %arg11[%swap3A_1189], %add3A_1179 {strides = array<i32>} : memref<1024xf32, #tpu.memory_space<vmem>>, vector<16xf32>,
    %sub3A_1191 = arith.subf %add3A_1188, %add3A_1179 : vector<16xf32>
    %swap3A_1192 = arith.constant 816 : index
    %swap3A_1193 = tpu.vector_load %arg12[%swap3A_1192] {strides = array<i32>} : memref<1024xf32, #tpu.memory_space<vmem>>, vector<16xf32>,
    tpu.vector_store %arg12[%swap3A_1192], %sub3A_1191 {strides = array<i32>} : memref<1024xf32, #tpu.memory_space<vmem>>, vector<16xf32>,
    %get3A_1194 = arith.constant 0 : i32
    %get3A_1195 = arith.index_cast %get3A_1194 : i32 to index
    %get3A_1196 = arith.constant 832 : index
    %get3A_1197 = tpu.vector_load %arg18[%get3A_1195, %get3A_1196] {strides = array<i32>} : memref<2x1024xf32, #tpu.memory_space<vmem>>, vector<16xf32>,
    %get3A_1198 = arith.constant 0 : i32
    %get3A_1199 = arith.index_cast %get3A_1198 : i32 to index
    %get3A_1200 = arith.constant 832 : index
    %get3A_1201 = tpu.vector_load %arg16[%get3A_1199, %get3A_1200] {strides = array<i32>} : memref<2x1024xf32, #tpu.memory_space<vmem>>, vector<16xf32>,
    %add3A_1202 = arith.addf %get3A_1197, %get3A_1201 : vector<16xf32>
    %get3A_1203 = arith.constant 1 : i32
    %get3A_1204 = arith.index_cast %get3A_1203 : i32 to index
    %get3A_1205 = arith.constant 832 : index
    %get3A_1206 = tpu.vector_load %arg18[%get3A_1204, %get3A_1205] {strides = array<i32>} : memref<2x1024xf32, #tpu.memory_space<vmem>>, vector<16xf32>,
    %get3A_1207 = arith.constant 1 : i32
    %get3A_1208 = arith.index_cast %get3A_1207 : i32 to index
    %get3A_1209 = arith.constant 832 : index
    %get3A_1210 = tpu.vector_load %arg16[%get3A_1208, %get3A_1209] {strides = array<i32>} : memref<2x1024xf32, #tpu.memory_space<vmem>>, vector<16xf32>,
    %add3A_1211 = arith.addf %get3A_1206, %get3A_1210 : vector<16xf32>
    %swap3A_1212 = arith.constant 832 : index
    %swap3A_1213 = tpu.vector_load %arg11[%swap3A_1212] {strides = array<i32>} : memref<1024xf32, #tpu.memory_space<vmem>>, vector<16xf32>,
    tpu.vector_store %arg11[%swap3A_1212], %add3A_1202 {strides = array<i32>} : memref<1024xf32, #tpu.memory_space<vmem>>, vector<16xf32>,
    %sub3A_1214 = arith.subf %add3A_1211, %add3A_1202 : vector<16xf32>
    %swap3A_1215 = arith.constant 832 : index
    %swap3A_1216 = tpu.vector_load %arg12[%swap3A_1215] {strides = array<i32>} : memref<1024xf32, #tpu.memory_space<vmem>>, vector<16xf32>,
    tpu.vector_store %arg12[%swap3A_1215], %sub3A_1214 {strides = array<i32>} : memref<1024xf32, #tpu.memory_space<vmem>>, vector<16xf32>,
    %get3A_1217 = arith.constant 0 : i32
    %get3A_1218 = arith.index_cast %get3A_1217 : i32 to index
    %get3A_1219 = arith.constant 848 : index
    %get3A_1220 = tpu.vector_load %arg18[%get3A_1218, %get3A_1219] {strides = array<i32>} : memref<2x1024xf32, #tpu.memory_space<vmem>>, vector<16xf32>,
    %get3A_1221 = arith.constant 0 : i32
    %get3A_1222 = arith.index_cast %get3A_1221 : i32 to index
    %get3A_1223 = arith.constant 848 : index
    %get3A_1224 = tpu.vector_load %arg16[%get3A_1222, %get3A_1223] {strides = array<i32>} : memref<2x1024xf32, #tpu.memory_space<vmem>>, vector<16xf32>,
    %add3A_1225 = arith.addf %get3A_1220, %get3A_1224 : vector<16xf32>
    %get3A_1226 = arith.constant 1 : i32
    %get3A_1227 = arith.index_cast %get3A_1226 : i32 to index
    %get3A_1228 = arith.constant 848 : index
    %get3A_1229 = tpu.vector_load %arg18[%get3A_1227, %get3A_1228] {strides = array<i32>} : memref<2x1024xf32, #tpu.memory_space<vmem>>, vector<16xf32>,
    %get3A_1230 = arith.constant 1 : i32
    %get3A_1231 = arith.index_cast %get3A_1230 : i32 to index
    %get3A_1232 = arith.constant 848 : index
    %get3A_1233 = tpu.vector_load %arg16[%get3A_1231, %get3A_1232] {strides = array<i32>} : memref<2x1024xf32, #tpu.memory_space<vmem>>, vector<16xf32>,
    %add3A_1234 = arith.addf %get3A_1229, %get3A_1233 : vector<16xf32>
    %swap3A_1235 = arith.constant 848 : index
    %swap3A_1236 = tpu.vector_load %arg11[%swap3A_1235] {strides = array<i32>} : memref<1024xf32, #tpu.memory_space<vmem>>, vector<16xf32>,
    tpu.vector_store %arg11[%swap3A_1235], %add3A_1225 {strides = array<i32>} : memref<1024xf32, #tpu.memory_space<vmem>>, vector<16xf32>,
    %sub3A_1237 = arith.subf %add3A_1234, %add3A_1225 : vector<16xf32>
    %swap3A_1238 = arith.constant 848 : index
    %swap3A_1239 = tpu.vector_load %arg12[%swap3A_1238] {strides = array<i32>} : memref<1024xf32, #tpu.memory_space<vmem>>, vector<16xf32>,
    tpu.vector_store %arg12[%swap3A_1238], %sub3A_1237 {strides = array<i32>} : memref<1024xf32, #tpu.memory_space<vmem>>, vector<16xf32>,
    %get3A_1240 = arith.constant 0 : i32
    %get3A_1241 = arith.index_cast %get3A_1240 : i32 to index
    %get3A_1242 = arith.constant 864 : index
    %get3A_1243 = tpu.vector_load %arg18[%get3A_1241, %get3A_1242] {strides = array<i32>} : memref<2x1024xf32, #tpu.memory_space<vmem>>, vector<16xf32>,
    %get3A_1244 = arith.constant 0 : i32
    %get3A_1245 = arith.index_cast %get3A_1244 : i32 to index
    %get3A_1246 = arith.constant 864 : index
    %get3A_1247 = tpu.vector_load %arg16[%get3A_1245, %get3A_1246] {strides = array<i32>} : memref<2x1024xf32, #tpu.memory_space<vmem>>, vector<16xf32>,
    %add3A_1248 = arith.addf %get3A_1243, %get3A_1247 : vector<16xf32>
    %get3A_1249 = arith.constant 1 : i32
    %get3A_1250 = arith.index_cast %get3A_1249 : i32 to index
    %get3A_1251 = arith.constant 864 : index
    %get3A_1252 = tpu.vector_load %arg18[%get3A_1250, %get3A_1251] {strides = array<i32>} : memref<2x1024xf32, #tpu.memory_space<vmem>>, vector<16xf32>,
    %get3A_1253 = arith.constant 1 : i32
    %get3A_1254 = arith.index_cast %get3A_1253 : i32 to index
    %get3A_1255 = arith.constant 864 : index
    %get3A_1256 = tpu.vector_load %arg16[%get3A_1254, %get3A_1255] {strides = array<i32>} : memref<2x1024xf32, #tpu.memory_space<vmem>>, vector<16xf32>,
    %add3A_1257 = arith.addf %get3A_1252, %get3A_1256 : vector<16xf32>
    %swap3A_1258 = arith.constant 864 : index
    %swap3A_1259 = tpu.vector_load %arg11[%swap3A_1258] {strides = array<i32>} : memref<1024xf32, #tpu.memory_space<vmem>>, vector<16xf32>,
    tpu.vector_store %arg11[%swap3A_1258], %add3A_1248 {strides = array<i32>} : memref<1024xf32, #tpu.memory_space<vmem>>, vector<16xf32>,
    %sub3A_1260 = arith.subf %add3A_1257, %add3A_1248 : vector<16xf32>
    %swap3A_1261 = arith.constant 864 : index
    %swap3A_1262 = tpu.vector_load %arg12[%swap3A_1261] {strides = array<i32>} : memref<1024xf32, #tpu.memory_space<vmem>>, vector<16xf32>,
    tpu.vector_store %arg12[%swap3A_1261], %sub3A_1260 {strides = array<i32>} : memref<1024xf32, #tpu.memory_space<vmem>>, vector<16xf32>,
    %get3A_1263 = arith.constant 0 : i32
    %get3A_1264 = arith.index_cast %get3A_1263 : i32 to index
    %get3A_1265 = arith.constant 880 : index
    %get3A_1266 = tpu.vector_load %arg18[%get3A_1264, %get3A_1265] {strides = array<i32>} : memref<2x1024xf32, #tpu.memory_space<vmem>>, vector<16xf32>,
    %get3A_1267 = arith.constant 0 : i32
    %get3A_1268 = arith.index_cast %get3A_1267 : i32 to index
    %get3A_1269 = arith.constant 880 : index
    %get3A_1270 = tpu.vector_load %arg16[%get3A_1268, %get3A_1269] {strides = array<i32>} : memref<2x1024xf32, #tpu.memory_space<vmem>>, vector<16xf32>,
    %add3A_1271 = arith.addf %get3A_1266, %get3A_1270 : vector<16xf32>
    %get3A_1272 = arith.constant 1 : i32
    %get3A_1273 = arith.index_cast %get3A_1272 : i32 to index
    %get3A_1274 = arith.constant 880 : index
    %get3A_1275 = tpu.vector_load %arg18[%get3A_1273, %get3A_1274] {strides = array<i32>} : memref<2x1024xf32, #tpu.memory_space<vmem>>, vector<16xf32>,
    %get3A_1276 = arith.constant 1 : i32
    %get3A_1277 = arith.index_cast %get3A_1276 : i32 to index
    %get3A_1278 = arith.constant 880 : index
    %get3A_1279 = tpu.vector_load %arg16[%get3A_1277, %get3A_1278] {strides = array<i32>} : memref<2x1024xf32, #tpu.memory_space<vmem>>, vector<16xf32>,
    %add3A_1280 = arith.addf %get3A_1275, %get3A_1279 : vector<16xf32>
    %swap3A_1281 = arith.constant 880 : index
    %swap3A_1282 = tpu.vector_load %arg11[%swap3A_1281] {strides = array<i32>} : memref<1024xf32, #tpu.memory_space<vmem>>, vector<16xf32>,
    tpu.vector_store %arg11[%swap3A_1281], %add3A_1271 {strides = array<i32>} : memref<1024xf32, #tpu.memory_space<vmem>>, vector<16xf32>,
    %sub3A_1283 = arith.subf %add3A_1280, %add3A_1271 : vector<16xf32>
    %swap3A_1284 = arith.constant 880 : index
    %swap3A_1285 = tpu.vector_load %arg12[%swap3A_1284] {strides = array<i32>} : memref<1024xf32, #tpu.memory_space<vmem>>, vector<16xf32>,
    tpu.vector_store %arg12[%swap3A_1284], %sub3A_1283 {strides = array<i32>} : memref<1024xf32, #tpu.memory_space<vmem>>, vector<16xf32>,
    %get3A_1286 = arith.constant 0 : i32
    %get3A_1287 = arith.index_cast %get3A_1286 : i32 to index
    %get3A_1288 = arith.constant 896 : index
    %get3A_1289 = tpu.vector_load %arg18[%get3A_1287, %get3A_1288] {strides = array<i32>} : memref<2x1024xf32, #tpu.memory_space<vmem>>, vector<16xf32>,
    %get3A_1290 = arith.constant 0 : i32
    %get3A_1291 = arith.index_cast %get3A_1290 : i32 to index
    %get3A_1292 = arith.constant 896 : index
    %get3A_1293 = tpu.vector_load %arg16[%get3A_1291, %get3A_1292] {strides = array<i32>} : memref<2x1024xf32, #tpu.memory_space<vmem>>, vector<16xf32>,
    %add3A_1294 = arith.addf %get3A_1289, %get3A_1293 : vector<16xf32>
    %get3A_1295 = arith.constant 1 : i32
    %get3A_1296 = arith.index_cast %get3A_1295 : i32 to index
    %get3A_1297 = arith.constant 896 : index
    %get3A_1298 = tpu.vector_load %arg18[%get3A_1296, %get3A_1297] {strides = array<i32>} : memref<2x1024xf32, #tpu.memory_space<vmem>>, vector<16xf32>,
    %get3A_1299 = arith.constant 1 : i32
    %get3A_1300 = arith.index_cast %get3A_1299 : i32 to index
    %get3A_1301 = arith.constant 896 : index
    %get3A_1302 = tpu.vector_load %arg16[%get3A_1300, %get3A_1301] {strides = array<i32>} : memref<2x1024xf32, #tpu.memory_space<vmem>>, vector<16xf32>,
    %add3A_1303 = arith.addf %get3A_1298, %get3A_1302 : vector<16xf32>
    %swap3A_1304 = arith.constant 896 : index
    %swap3A_1305 = tpu.vector_load %arg11[%swap3A_1304] {strides = array<i32>} : memref<1024xf32, #tpu.memory_space<vmem>>, vector<16xf32>,
    tpu.vector_store %arg11[%swap3A_1304], %add3A_1294 {strides = array<i32>} : memref<1024xf32, #tpu.memory_space<vmem>>, vector<16xf32>,
    %sub3A_1306 = arith.subf %add3A_1303, %add3A_1294 : vector<16xf32>
    %swap3A_1307 = arith.constant 896 : index
    %swap3A_1308 = tpu.vector_load %arg12[%swap3A_1307] {strides = array<i32>} : memref<1024xf32, #tpu.memory_space<vmem>>, vector<16xf32>,
    tpu.vector_store %arg12[%swap3A_1307], %sub3A_1306 {strides = array<i32>} : memref<1024xf32, #tpu.memory_space<vmem>>, vector<16xf32>,
    %get3A_1309 = arith.constant 0 : i32
    %get3A_1310 = arith.index_cast %get3A_1309 : i32 to index
    %get3A_1311 = arith.constant 912 : index
    %get3A_1312 = tpu.vector_load %arg18[%get3A_1310, %get3A_1311] {strides = array<i32>} : memref<2x1024xf32, #tpu.memory_space<vmem>>, vector<16xf32>,
    %get3A_1313 = arith.constant 0 : i32
    %get3A_1314 = arith.index_cast %get3A_1313 : i32 to index
    %get3A_1315 = arith.constant 912 : index
    %get3A_1316 = tpu.vector_load %arg16[%get3A_1314, %get3A_1315] {strides = array<i32>} : memref<2x1024xf32, #tpu.memory_space<vmem>>, vector<16xf32>,
    %add3A_1317 = arith.addf %get3A_1312, %get3A_1316 : vector<16xf32>
    %get3A_1318 = arith.constant 1 : i32
    %get3A_1319 = arith.index_cast %get3A_1318 : i32 to index
    %get3A_1320 = arith.constant 912 : index
    %get3A_1321 = tpu.vector_load %arg18[%get3A_1319, %get3A_1320] {strides = array<i32>} : memref<2x1024xf32, #tpu.memory_space<vmem>>, vector<16xf32>,
    %get3A_1322 = arith.constant 1 : i32
    %get3A_1323 = arith.index_cast %get3A_1322 : i32 to index
    %get3A_1324 = arith.constant 912 : index
    %get3A_1325 = tpu.vector_load %arg16[%get3A_1323, %get3A_1324] {strides = array<i32>} : memref<2x1024xf32, #tpu.memory_space<vmem>>, vector<16xf32>,
    %add3A_1326 = arith.addf %get3A_1321, %get3A_1325 : vector<16xf32>
    %swap3A_1327 = arith.constant 912 : index
    %swap3A_1328 = tpu.vector_load %arg11[%swap3A_1327] {strides = array<i32>} : memref<1024xf32, #tpu.memory_space<vmem>>, vector<16xf32>,
    tpu.vector_store %arg11[%swap3A_1327], %add3A_1317 {strides = array<i32>} : memref<1024xf32, #tpu.memory_space<vmem>>, vector<16xf32>,
    %sub3A_1329 = arith.subf %add3A_1326, %add3A_1317 : vector<16xf32>
    %swap3A_1330 = arith.constant 912 : index
    %swap3A_1331 = tpu.vector_load %arg12[%swap3A_1330] {strides = array<i32>} : memref<1024xf32, #tpu.memory_space<vmem>>, vector<16xf32>,
    tpu.vector_store %arg12[%swap3A_1330], %sub3A_1329 {strides = array<i32>} : memref<1024xf32, #tpu.memory_space<vmem>>, vector<16xf32>,
    %get3A_1332 = arith.constant 0 : i32
    %get3A_1333 = arith.index_cast %get3A_1332 : i32 to index
    %get3A_1334 = arith.constant 928 : index
    %get3A_1335 = tpu.vector_load %arg18[%get3A_1333, %get3A_1334] {strides = array<i32>} : memref<2x1024xf32, #tpu.memory_space<vmem>>, vector<16xf32>,
    %get3A_1336 = arith.constant 0 : i32
    %get3A_1337 = arith.index_cast %get3A_1336 : i32 to index
    %get3A_1338 = arith.constant 928 : index
    %get3A_1339 = tpu.vector_load %arg16[%get3A_1337, %get3A_1338] {strides = array<i32>} : memref<2x1024xf32, #tpu.memory_space<vmem>>, vector<16xf32>,
    %add3A_1340 = arith.addf %get3A_1335, %get3A_1339 : vector<16xf32>
    %get3A_1341 = arith.constant 1 : i32
    %get3A_1342 = arith.index_cast %get3A_1341 : i32 to index
    %get3A_1343 = arith.constant 928 : index
    %get3A_1344 = tpu.vector_load %arg18[%get3A_1342, %get3A_1343] {strides = array<i32>} : memref<2x1024xf32, #tpu.memory_space<vmem>>, vector<16xf32>,
    %get3A_1345 = arith.constant 1 : i32
    %get3A_1346 = arith.index_cast %get3A_1345 : i32 to index
    %get3A_1347 = arith.constant 928 : index
    %get3A_1348 = tpu.vector_load %arg16[%get3A_1346, %get3A_1347] {strides = array<i32>} : memref<2x1024xf32, #tpu.memory_space<vmem>>, vector<16xf32>,
    %add3A_1349 = arith.addf %get3A_1344, %get3A_1348 : vector<16xf32>
    %swap3A_1350 = arith.constant 928 : index
    %swap3A_1351 = tpu.vector_load %arg11[%swap3A_1350] {strides = array<i32>} : memref<1024xf32, #tpu.memory_space<vmem>>, vector<16xf32>,
    tpu.vector_store %arg11[%swap3A_1350], %add3A_1340 {strides = array<i32>} : memref<1024xf32, #tpu.memory_space<vmem>>, vector<16xf32>,
    %sub3A_1352 = arith.subf %add3A_1349, %add3A_1340 : vector<16xf32>
    %swap3A_1353 = arith.constant 928 : index
    %swap3A_1354 = tpu.vector_load %arg12[%swap3A_1353] {strides = array<i32>} : memref<1024xf32, #tpu.memory_space<vmem>>, vector<16xf32>,
    tpu.vector_store %arg12[%swap3A_1353], %sub3A_1352 {strides = array<i32>} : memref<1024xf32, #tpu.memory_space<vmem>>, vector<16xf32>,
    %get3A_1355 = arith.constant 0 : i32
    %get3A_1356 = arith.index_cast %get3A_1355 : i32 to index
    %get3A_1357 = arith.constant 944 : index
    %get3A_1358 = tpu.vector_load %arg18[%get3A_1356, %get3A_1357] {strides = array<i32>} : memref<2x1024xf32, #tpu.memory_space<vmem>>, vector<16xf32>,
    %get3A_1359 = arith.constant 0 : i32
    %get3A_1360 = arith.index_cast %get3A_1359 : i32 to index
    %get3A_1361 = arith.constant 944 : index
    %get3A_1362 = tpu.vector_load %arg16[%get3A_1360, %get3A_1361] {strides = array<i32>} : memref<2x1024xf32, #tpu.memory_space<vmem>>, vector<16xf32>,
    %add3A_1363 = arith.addf %get3A_1358, %get3A_1362 : vector<16xf32>
    %get3A_1364 = arith.constant 1 : i32
    %get3A_1365 = arith.index_cast %get3A_1364 : i32 to index
    %get3A_1366 = arith.constant 944 : index
    %get3A_1367 = tpu.vector_load %arg18[%get3A_1365, %get3A_1366] {strides = array<i32>} : memref<2x1024xf32, #tpu.memory_space<vmem>>, vector<16xf32>,
    %get3A_1368 = arith.constant 1 : i32
    %get3A_1369 = arith.index_cast %get3A_1368 : i32 to index
    %get3A_1370 = arith.constant 944 : index
    %get3A_1371 = tpu.vector_load %arg16[%get3A_1369, %get3A_1370] {strides = array<i32>} : memref<2x1024xf32, #tpu.memory_space<vmem>>, vector<16xf32>,
    %add3A_1372 = arith.addf %get3A_1367, %get3A_1371 : vector<16xf32>
    %swap3A_1373 = arith.constant 944 : index
    %swap3A_1374 = tpu.vector_load %arg11[%swap3A_1373] {strides = array<i32>} : memref<1024xf32, #tpu.memory_space<vmem>>, vector<16xf32>,
    tpu.vector_store %arg11[%swap3A_1373], %add3A_1363 {strides = array<i32>} : memref<1024xf32, #tpu.memory_space<vmem>>, vector<16xf32>,
    %sub3A_1375 = arith.subf %add3A_1372, %add3A_1363 : vector<16xf32>
    %swap3A_1376 = arith.constant 944 : index
    %swap3A_1377 = tpu.vector_load %arg12[%swap3A_1376] {strides = array<i32>} : memref<1024xf32, #tpu.memory_space<vmem>>, vector<16xf32>,
    tpu.vector_store %arg12[%swap3A_1376], %sub3A_1375 {strides = array<i32>} : memref<1024xf32, #tpu.memory_space<vmem>>, vector<16xf32>,
    %get3A_1378 = arith.constant 0 : i32
    %get3A_1379 = arith.index_cast %get3A_1378 : i32 to index
    %get3A_1380 = arith.constant 960 : index
    %get3A_1381 = tpu.vector_load %arg18[%get3A_1379, %get3A_1380] {strides = array<i32>} : memref<2x1024xf32, #tpu.memory_space<vmem>>, vector<16xf32>,
    %get3A_1382 = arith.constant 0 : i32
    %get3A_1383 = arith.index_cast %get3A_1382 : i32 to index
    %get3A_1384 = arith.constant 960 : index
    %get3A_1385 = tpu.vector_load %arg16[%get3A_1383, %get3A_1384] {strides = array<i32>} : memref<2x1024xf32, #tpu.memory_space<vmem>>, vector<16xf32>,
    %add3A_1386 = arith.addf %get3A_1381, %get3A_1385 : vector<16xf32>
    %get3A_1387 = arith.constant 1 : i32
    %get3A_1388 = arith.index_cast %get3A_1387 : i32 to index
    %get3A_1389 = arith.constant 960 : index
    %get3A_1390 = tpu.vector_load %arg18[%get3A_1388, %get3A_1389] {strides = array<i32>} : memref<2x1024xf32, #tpu.memory_space<vmem>>, vector<16xf32>,
    %get3A_1391 = arith.constant 1 : i32
    %get3A_1392 = arith.index_cast %get3A_1391 : i32 to index
    %get3A_1393 = arith.constant 960 : index
    %get3A_1394 = tpu.vector_load %arg16[%get3A_1392, %get3A_1393] {strides = array<i32>} : memref<2x1024xf32, #tpu.memory_space<vmem>>, vector<16xf32>,
    %add3A_1395 = arith.addf %get3A_1390, %get3A_1394 : vector<16xf32>
    %swap3A_1396 = arith.constant 960 : index
    %swap3A_1397 = tpu.vector_load %arg11[%swap3A_1396] {strides = array<i32>} : memref<1024xf32, #tpu.memory_space<vmem>>, vector<16xf32>,
    tpu.vector_store %arg11[%swap3A_1396], %add3A_1386 {strides = array<i32>} : memref<1024xf32, #tpu.memory_space<vmem>>, vector<16xf32>,
    %sub3A_1398 = arith.subf %add3A_1395, %add3A_1386 : vector<16xf32>
    %swap3A_1399 = arith.constant 960 : index
    %swap3A_1400 = tpu.vector_load %arg12[%swap3A_1399] {strides = array<i32>} : memref<1024xf32, #tpu.memory_space<vmem>>, vector<16xf32>,
    tpu.vector_store %arg12[%swap3A_1399], %sub3A_1398 {strides = array<i32>} : memref<1024xf32, #tpu.memory_space<vmem>>, vector<16xf32>,
    %get3A_1401 = arith.constant 0 : i32
    %get3A_1402 = arith.index_cast %get3A_1401 : i32 to index
    %get3A_1403 = arith.constant 976 : index
    %get3A_1404 = tpu.vector_load %arg18[%get3A_1402, %get3A_1403] {strides = array<i32>} : memref<2x1024xf32, #tpu.memory_space<vmem>>, vector<16xf32>,
    %get3A_1405 = arith.constant 0 : i32
    %get3A_1406 = arith.index_cast %get3A_1405 : i32 to index
    %get3A_1407 = arith.constant 976 : index
    %get3A_1408 = tpu.vector_load %arg16[%get3A_1406, %get3A_1407] {strides = array<i32>} : memref<2x1024xf32, #tpu.memory_space<vmem>>, vector<16xf32>,
    %add3A_1409 = arith.addf %get3A_1404, %get3A_1408 : vector<16xf32>
    %get3A_1410 = arith.constant 1 : i32
    %get3A_1411 = arith.index_cast %get3A_1410 : i32 to index
    %get3A_1412 = arith.constant 976 : index
    %get3A_1413 = tpu.vector_load %arg18[%get3A_1411, %get3A_1412] {strides = array<i32>} : memref<2x1024xf32, #tpu.memory_space<vmem>>, vector<16xf32>,
    %get3A_1414 = arith.constant 1 : i32
    %get3A_1415 = arith.index_cast %get3A_1414 : i32 to index
    %get3A_1416 = arith.constant 976 : index
    %get3A_1417 = tpu.vector_load %arg16[%get3A_1415, %get3A_1416] {strides = array<i32>} : memref<2x1024xf32, #tpu.memory_space<vmem>>, vector<16xf32>,
    %add3A_1418 = arith.addf %get3A_1413, %get3A_1417 : vector<16xf32>
    %swap3A_1419 = arith.constant 976 : index
    %swap3A_1420 = tpu.vector_load %arg11[%swap3A_1419] {strides = array<i32>} : memref<1024xf32, #tpu.memory_space<vmem>>, vector<16xf32>,
    tpu.vector_store %arg11[%swap3A_1419], %add3A_1409 {strides = array<i32>} : memref<1024xf32, #tpu.memory_space<vmem>>, vector<16xf32>,
    %sub3A_1421 = arith.subf %add3A_1418, %add3A_1409 : vector<16xf32>
    %swap3A_1422 = arith.constant 976 : index
    %swap3A_1423 = tpu.vector_load %arg12[%swap3A_1422] {strides = array<i32>} : memref<1024xf32, #tpu.memory_space<vmem>>, vector<16xf32>,
    tpu.vector_store %arg12[%swap3A_1422], %sub3A_1421 {strides = array<i32>} : memref<1024xf32, #tpu.memory_space<vmem>>, vector<16xf32>,
    %get3A_1424 = arith.constant 0 : i32
    %get3A_1425 = arith.index_cast %get3A_1424 : i32 to index
    %get3A_1426 = arith.constant 992 : index
    %get3A_1427 = tpu.vector_load %arg18[%get3A_1425, %get3A_1426] {strides = array<i32>} : memref<2x1024xf32, #tpu.memory_space<vmem>>, vector<16xf32>,
    %get3A_1428 = arith.constant 0 : i32
    %get3A_1429 = arith.index_cast %get3A_1428 : i32 to index
    %get3A_1430 = arith.constant 992 : index
    %get3A_1431 = tpu.vector_load %arg16[%get3A_1429, %get3A_1430] {strides = array<i32>} : memref<2x1024xf32, #tpu.memory_space<vmem>>, vector<16xf32>,
    %add3A_1432 = arith.addf %get3A_1427, %get3A_1431 : vector<16xf32>
    %get3A_1433 = arith.constant 1 : i32
    %get3A_1434 = arith.index_cast %get3A_1433 : i32 to index
    %get3A_1435 = arith.constant 992 : index
    %get3A_1436 = tpu.vector_load %arg18[%get3A_1434, %get3A_1435] {strides = array<i32>} : memref<2x1024xf32, #tpu.memory_space<vmem>>, vector<16xf32>,
    %get3A_1437 = arith.constant 1 : i32
    %get3A_1438 = arith.index_cast %get3A_1437 : i32 to index
    %get3A_1439 = arith.constant 992 : index
    %get3A_1440 = tpu.vector_load %arg16[%get3A_1438, %get3A_1439] {strides = array<i32>} : memref<2x1024xf32, #tpu.memory_space<vmem>>, vector<16xf32>,
    %add3A_1441 = arith.addf %get3A_1436, %get3A_1440 : vector<16xf32>
    %swap3A_1442 = arith.constant 992 : index
    %swap3A_1443 = tpu.vector_load %arg11[%swap3A_1442] {strides = array<i32>} : memref<1024xf32, #tpu.memory_space<vmem>>, vector<16xf32>,
    tpu.vector_store %arg11[%swap3A_1442], %add3A_1432 {strides = array<i32>} : memref<1024xf32, #tpu.memory_space<vmem>>, vector<16xf32>,
    %sub3A_1444 = arith.subf %add3A_1441, %add3A_1432 : vector<16xf32>
    %swap3A_1445 = arith.constant 992 : index
    %swap3A_1446 = tpu.vector_load %arg12[%swap3A_1445] {strides = array<i32>} : memref<1024xf32, #tpu.memory_space<vmem>>, vector<16xf32>,
    tpu.vector_store %arg12[%swap3A_1445], %sub3A_1444 {strides = array<i32>} : memref<1024xf32, #tpu.memory_space<vmem>>, vector<16xf32>,
    %get3A_1447 = arith.constant 0 : i32
    %get3A_1448 = arith.index_cast %get3A_1447 : i32 to index
    %get3A_1449 = arith.constant 1008 : index
    %get3A_1450 = tpu.vector_load %arg18[%get3A_1448, %get3A_1449] {strides = array<i32>} : memref<2x1024xf32, #tpu.memory_space<vmem>>, vector<16xf32>,
    %get3A_1451 = arith.constant 0 : i32
    %get3A_1452 = arith.index_cast %get3A_1451 : i32 to index
    %get3A_1453 = arith.constant 1008 : index
    %get3A_1454 = tpu.vector_load %arg16[%get3A_1452, %get3A_1453] {strides = array<i32>} : memref<2x1024xf32, #tpu.memory_space<vmem>>, vector<16xf32>,
    %add3A_1455 = arith.addf %get3A_1450, %get3A_1454 : vector<16xf32>
    %get3A_1456 = arith.constant 1 : i32
    %get3A_1457 = arith.index_cast %get3A_1456 : i32 to index
    %get3A_1458 = arith.constant 1008 : index
    %get3A_1459 = tpu.vector_load %arg18[%get3A_1457, %get3A_1458] {strides = array<i32>} : memref<2x1024xf32, #tpu.memory_space<vmem>>, vector<16xf32>,
    %get3A_1460 = arith.constant 1 : i32
    %get3A_1461 = arith.index_cast %get3A_1460 : i32 to index
    %get3A_1462 = arith.constant 1008 : index
    %get3A_1463 = tpu.vector_load %arg16[%get3A_1461, %get3A_1462] {strides = array<i32>} : memref<2x1024xf32, #tpu.memory_space<vmem>>, vector<16xf32>,
    %add3A_1464 = arith.addf %get3A_1459, %get3A_1463 : vector<16xf32>
    %swap3A_1465 = arith.constant 1008 : index
    %swap3A_1466 = tpu.vector_load %arg11[%swap3A_1465] {strides = array<i32>} : memref<1024xf32, #tpu.memory_space<vmem>>, vector<16xf32>,
    tpu.vector_store %arg11[%swap3A_1465], %add3A_1455 {strides = array<i32>} : memref<1024xf32, #tpu.memory_space<vmem>>, vector<16xf32>,
    %sub3A_1467 = arith.subf %add3A_1464, %add3A_1455 : vector<16xf32>
    %swap3A_1468 = arith.constant 1008 : index
    %swap3A_1469 = tpu.vector_load %arg12[%swap3A_1468] {strides = array<i32>} : memref<1024xf32, #tpu.memory_space<vmem>>, vector<16xf32>,
    tpu.vector_store %arg12[%swap3A_1468], %sub3A_1467 {strides = array<i32>} : memref<1024xf32, #tpu.memory_space<vmem>>, vector<16xf32>,
    %scan3A = arith.constant 0 : i32
    %scan3A_1470 = arith.constant 0 : i32
    %scan3A_1471 = arith.constant 16 : i32
    %scan3A_1472 = arith.addi %scan3A_1470, %scan3A_1471 : i32
    %scan3A_1473 = arith.constant 1 : i32
    %scan3A_1474 = scf.for %scan3A_1476 = %scan3A_1470 to %scan3A_1472 step %scan3A_1473 iter_args(%scan3A_1477 = %scan3A) -> (i32)  : i32 {
      %mul3A_1478 = arith.constant 512 : i32
      %mul3A_1479 = arith.muli %add3A, %mul3A_1478 : i32
      %mul3A_1480 = arith.constant 32 : i32
      %mul3A_1481 = arith.muli %scan3A_1476, %mul3A_1480 : i32
      %add3A_1482 = arith.addi %mul3A_1479, %mul3A_1481 : i32
      "tpu.region"() ({
        %run_scoped3A = tpu.sem_alloc : memref<!tpu.dma_semaphore, #tpu.memory_space<semaphore_mem>>
        %dma_start3A_1495 = tpu.memref_slice %arg2[%add3A_1482] : memref<16384xi32, #tpu.memory_space<hbm>> -> memref<32xi32, #tpu.memory_space<hbm>>
        %dma_start3A_1496 = tpu.memref_slice %arg2[%add3A_1482] : memref<16384xi32, #tpu.memory_space<hbm>> -> memref<32xi32, #tpu.memory_space<hbm>>
        tpu.enqueue_dma source(%dma_start3A_1496 : memref<32xi32, #tpu.memory_space<hbm>>) target(%arg14 : memref<32xi32, #tpu.memory_space<vmem>>) target_semaphore(%run_scoped3A : memref<!tpu.dma_semaphore, #tpu.memory_space<semaphore_mem>>)
        %dma_wait3A_1497 = tpu.memref_slice %arg2[%add3A_1482] : memref<16384xi32, #tpu.memory_space<hbm>> -> memref<32xi32, #tpu.memory_space<hbm>>
        %dma_wait3A_1498 = tpu.memref_slice %arg2[%add3A_1482] : memref<16384xi32, #tpu.memory_space<hbm>> -> memref<32xi32, #tpu.memory_space<hbm>>
        tpu.wait_dma2 semaphore(%run_scoped3A : memref<!tpu.dma_semaphore, #tpu.memory_space<semaphore_mem>>) src(%dma_wait3A_1498 : memref<32xi32, #tpu.memory_space<hbm>>) dst(%arg14 : memref<32xi32, #tpu.memory_space<vmem>>)
        tpu.yield
      }) : () -> ()
      "tpu.region"() ({
        %run_scoped3A = tpu.sem_alloc : memref<!tpu.dma_semaphore, #tpu.memory_space<semaphore_mem>>
        %dma_start3A_1495 = tpu.memref_slice %arg3[%add3A_1482] : memref<16384xi32, #tpu.memory_space<hbm>> -> memref<32xi32, #tpu.memory_space<hbm>>
        %dma_start3A_1496 = tpu.memref_slice %arg3[%add3A_1482] : memref<16384xi32, #tpu.memory_space<hbm>> -> memref<32xi32, #tpu.memory_space<hbm>>
        tpu.enqueue_dma source(%dma_start3A_1496 : memref<32xi32, #tpu.memory_space<hbm>>) target(%arg15 : memref<32xi32, #tpu.memory_space<vmem>>) target_semaphore(%run_scoped3A : memref<!tpu.dma_semaphore, #tpu.memory_space<semaphore_mem>>)
        %dma_wait3A_1497 = tpu.memref_slice %arg3[%add3A_1482] : memref<16384xi32, #tpu.memory_space<hbm>> -> memref<32xi32, #tpu.memory_space<hbm>>
        %dma_wait3A_1498 = tpu.memref_slice %arg3[%add3A_1482] : memref<16384xi32, #tpu.memory_space<hbm>> -> memref<32xi32, #tpu.memory_space<hbm>>
        tpu.wait_dma2 semaphore(%run_scoped3A : memref<!tpu.dma_semaphore, #tpu.memory_space<semaphore_mem>>) src(%dma_wait3A_1498 : memref<32xi32, #tpu.memory_space<hbm>>) dst(%arg15 : memref<32xi32, #tpu.memory_space<vmem>>)
        tpu.yield
      }) : () -> ()
      %dma_start3A = arith.constant 0 : i32
      %dma_start3A_1483 = arith.constant 0 : i32
      %dma_start3A_1484 = tpu.memref_slice %arg4[%dma_start3A, %dma_start3A_1483] : memref<100000x1024xf32, #tpu.memory_space<hbm>> -> memref<100000x1024xf32, #tpu.memory_space<hbm>>
      tpu.enqueue_indirect_dma source(%dma_start3A_1484 : memref<100000x1024xf32, #tpu.memory_space<hbm>>) target(%arg19 : memref<32x1024xf32, #tpu.memory_space<vmem>>) offsets(%arg14 : memref<32xi32, #tpu.memory_space<vmem>>) semaphore(%arg17 : memref<!tpu.dma_semaphore, #tpu.memory_space<semaphore_mem>>)
      %dma_wait3A = arith.constant 0 : i32
      %dma_wait3A_1485 = arith.constant 0 : i32
      %dma_wait3A_1486 = tpu.memref_slice %arg4[%dma_wait3A, %dma_wait3A_1485] : memref<100000x1024xf32, #tpu.memory_space<hbm>> -> memref<100000x1024xf32, #tpu.memory_space<hbm>>
      tpu.wait_indirect_dma semaphore(%arg17 : memref<!tpu.dma_semaphore, #tpu.memory_space<semaphore_mem>>) src(%dma_wait3A_1486 : memref<100000x1024xf32, #tpu.memory_space<hbm>>) dst(%arg19 : memref<32x1024xf32, #tpu.memory_space<vmem>>)
      %scan3A_1487 = arith.constant 0 : i32
      %scan3A_1488 = arith.constant 0 : i32
      %scan3A_1489 = arith.constant 32 : i32
      %scan3A_1490 = arith.addi %scan3A_1488, %scan3A_1489 : i32
      %scan3A_1491 = arith.constant 1 : i32
      %scan3A_1492 = scf.for %scan3A_1495 = %scan3A_1488 to %scan3A_1490 step %scan3A_1491 iter_args(%scan3A_1496 = %scan3A_1487) -> (i32)  : i32 {
        %broadcast_in_dim3A = vector.broadcast %scan3A_1495 : i32 to vector<16xi32>
        %gather3A = tpu.vector_load_idx %arg15[%broadcast_in_dim3A] : memref<32xi32, #tpu.memory_space<vmem>>[vector<16xi32>], vector<16xi32>,
        %convert_element_type3A = arith.sitofp %gather3A : vector<16xi32> to vector<16xf32>
        %broadcast_in_dim3A_1497 = arith.constant 0.000000e+00 : f32
        %broadcast_in_dim3A_1498 = vector.broadcast %broadcast_in_dim3A_1497 : f32 to vector<16xf32>
        %broadcast_in_dim3A_1499 = arith.constant 0.000000e+00 : f32
        %broadcast_in_dim3A_1500 = vector.broadcast %broadcast_in_dim3A_1499 : f32 to vector<16xf32>
        %get3A_1501 = arith.index_cast %scan3A_1495 : i32 to index
        %get3A_1502 = arith.constant 0 : index
        %get3A_1503 = tpu.vector_load %arg19[%get3A_1501, %get3A_1502] {strides = array<i32>} : memref<32x1024xf32, #tpu.memory_space<vmem>>, vector<16xf32>,
        %get3A_1504 = arith.constant 0 : index
        %get3A_1505 = tpu.vector_load %arg11[%get3A_1504] {strides = array<i32>} : memref<1024xf32, #tpu.memory_space<vmem>>, vector<16xf32>,
        %add3A_1506 = arith.addf %get3A_1503, %get3A_1505 : vector<16xf32>
        %get3A_1507 = arith.constant 0 : index
        %get3A_1508 = tpu.vector_load %arg12[%get3A_1507] {strides = array<i32>} : memref<1024xf32, #tpu.memory_space<vmem>>, vector<16xf32>,
        %mul3A_1509 = arith.mulf %convert_element_type3A, %get3A_1508 : vector<16xf32>
        %add3A_1510 = arith.addf %add3A_1506, %mul3A_1509 : vector<16xf32>
        %swap3A_1511 = arith.index_cast %scan3A_1495 : i32 to index
        %swap3A_1512 = arith.constant 0 : index
        %swap3A_1513 = tpu.vector_load %arg19[%swap3A_1511, %swap3A_1512] {strides = array<i32>} : memref<32x1024xf32, #tpu.memory_space<vmem>>, vector<16xf32>,
        tpu.vector_store %arg19[%swap3A_1511, %swap3A_1512], %add3A_1510 {strides = array<i32>} : memref<32x1024xf32, #tpu.memory_space<vmem>>, vector<16xf32>,
        %add3A_1514 = arith.addf %broadcast_in_dim3A_1498, %add3A_1510 : vector<16xf32>
        %mul3A_1515 = arith.mulf %add3A_1510, %add3A_1510 : vector<16xf32>
        %add3A_1516 = arith.addf %broadcast_in_dim3A_1500, %mul3A_1515 : vector<16xf32>
        %get3A_1517 = arith.index_cast %scan3A_1495 : i32 to index
        %get3A_1518 = arith.constant 16 : index
        %get3A_1519 = tpu.vector_load %arg19[%get3A_1517, %get3A_1518] {strides = array<i32>} : memref<32x1024xf32, #tpu.memory_space<vmem>>, vector<16xf32>,
        %get3A_1520 = arith.constant 16 : index
        %get3A_1521 = tpu.vector_load %arg11[%get3A_1520] {strides = array<i32>} : memref<1024xf32, #tpu.memory_space<vmem>>, vector<16xf32>,
        %add3A_1522 = arith.addf %get3A_1519, %get3A_1521 : vector<16xf32>
        %get3A_1523 = arith.constant 16 : index
        %get3A_1524 = tpu.vector_load %arg12[%get3A_1523] {strides = array<i32>} : memref<1024xf32, #tpu.memory_space<vmem>>, vector<16xf32>,
        %mul3A_1525 = arith.mulf %convert_element_type3A, %get3A_1524 : vector<16xf32>
        %add3A_1526 = arith.addf %add3A_1522, %mul3A_1525 : vector<16xf32>
        %swap3A_1527 = arith.index_cast %scan3A_1495 : i32 to index
        %swap3A_1528 = arith.constant 16 : index
        %swap3A_1529 = tpu.vector_load %arg19[%swap3A_1527, %swap3A_1528] {strides = array<i32>} : memref<32x1024xf32, #tpu.memory_space<vmem>>, vector<16xf32>,
        tpu.vector_store %arg19[%swap3A_1527, %swap3A_1528], %add3A_1526 {strides = array<i32>} : memref<32x1024xf32, #tpu.memory_space<vmem>>, vector<16xf32>,
        %add3A_1530 = arith.addf %add3A_1514, %add3A_1526 : vector<16xf32>
        %mul3A_1531 = arith.mulf %add3A_1526, %add3A_1526 : vector<16xf32>
        %add3A_1532 = arith.addf %add3A_1516, %mul3A_1531 : vector<16xf32>
        %get3A_1533 = arith.index_cast %scan3A_1495 : i32 to index
        %get3A_1534 = arith.constant 32 : index
        %get3A_1535 = tpu.vector_load %arg19[%get3A_1533, %get3A_1534] {strides = array<i32>} : memref<32x1024xf32, #tpu.memory_space<vmem>>, vector<16xf32>,
        %get3A_1536 = arith.constant 32 : index
        %get3A_1537 = tpu.vector_load %arg11[%get3A_1536] {strides = array<i32>} : memref<1024xf32, #tpu.memory_space<vmem>>, vector<16xf32>,
        %add3A_1538 = arith.addf %get3A_1535, %get3A_1537 : vector<16xf32>
        %get3A_1539 = arith.constant 32 : index
        %get3A_1540 = tpu.vector_load %arg12[%get3A_1539] {strides = array<i32>} : memref<1024xf32, #tpu.memory_space<vmem>>, vector<16xf32>,
        %mul3A_1541 = arith.mulf %convert_element_type3A, %get3A_1540 : vector<16xf32>
        %add3A_1542 = arith.addf %add3A_1538, %mul3A_1541 : vector<16xf32>
        %swap3A_1543 = arith.index_cast %scan3A_1495 : i32 to index
        %swap3A_1544 = arith.constant 32 : index
        %swap3A_1545 = tpu.vector_load %arg19[%swap3A_1543, %swap3A_1544] {strides = array<i32>} : memref<32x1024xf32, #tpu.memory_space<vmem>>, vector<16xf32>,
        tpu.vector_store %arg19[%swap3A_1543, %swap3A_1544], %add3A_1542 {strides = array<i32>} : memref<32x1024xf32, #tpu.memory_space<vmem>>, vector<16xf32>,
        %add3A_1546 = arith.addf %add3A_1530, %add3A_1542 : vector<16xf32>
        %mul3A_1547 = arith.mulf %add3A_1542, %add3A_1542 : vector<16xf32>
        %add3A_1548 = arith.addf %add3A_1532, %mul3A_1547 : vector<16xf32>
        %get3A_1549 = arith.index_cast %scan3A_1495 : i32 to index
        %get3A_1550 = arith.constant 48 : index
        %get3A_1551 = tpu.vector_load %arg19[%get3A_1549, %get3A_1550] {strides = array<i32>} : memref<32x1024xf32, #tpu.memory_space<vmem>>, vector<16xf32>,
        %get3A_1552 = arith.constant 48 : index
        %get3A_1553 = tpu.vector_load %arg11[%get3A_1552] {strides = array<i32>} : memref<1024xf32, #tpu.memory_space<vmem>>, vector<16xf32>,
        %add3A_1554 = arith.addf %get3A_1551, %get3A_1553 : vector<16xf32>
        %get3A_1555 = arith.constant 48 : index
        %get3A_1556 = tpu.vector_load %arg12[%get3A_1555] {strides = array<i32>} : memref<1024xf32, #tpu.memory_space<vmem>>, vector<16xf32>,
        %mul3A_1557 = arith.mulf %convert_element_type3A, %get3A_1556 : vector<16xf32>
        %add3A_1558 = arith.addf %add3A_1554, %mul3A_1557 : vector<16xf32>
        %swap3A_1559 = arith.index_cast %scan3A_1495 : i32 to index
        %swap3A_1560 = arith.constant 48 : index
        %swap3A_1561 = tpu.vector_load %arg19[%swap3A_1559, %swap3A_1560] {strides = array<i32>} : memref<32x1024xf32, #tpu.memory_space<vmem>>, vector<16xf32>,
        tpu.vector_store %arg19[%swap3A_1559, %swap3A_1560], %add3A_1558 {strides = array<i32>} : memref<32x1024xf32, #tpu.memory_space<vmem>>, vector<16xf32>,
        %add3A_1562 = arith.addf %add3A_1546, %add3A_1558 : vector<16xf32>
        %mul3A_1563 = arith.mulf %add3A_1558, %add3A_1558 : vector<16xf32>
        %add3A_1564 = arith.addf %add3A_1548, %mul3A_1563 : vector<16xf32>
        %get3A_1565 = arith.index_cast %scan3A_1495 : i32 to index
        %get3A_1566 = arith.constant 64 : index
        %get3A_1567 = tpu.vector_load %arg19[%get3A_1565, %get3A_1566] {strides = array<i32>} : memref<32x1024xf32, #tpu.memory_space<vmem>>, vector<16xf32>,
        %get3A_1568 = arith.constant 64 : index
        %get3A_1569 = tpu.vector_load %arg11[%get3A_1568] {strides = array<i32>} : memref<1024xf32, #tpu.memory_space<vmem>>, vector<16xf32>,
        %add3A_1570 = arith.addf %get3A_1567, %get3A_1569 : vector<16xf32>
        %get3A_1571 = arith.constant 64 : index
        %get3A_1572 = tpu.vector_load %arg12[%get3A_1571] {strides = array<i32>} : memref<1024xf32, #tpu.memory_space<vmem>>, vector<16xf32>,
        %mul3A_1573 = arith.mulf %convert_element_type3A, %get3A_1572 : vector<16xf32>
        %add3A_1574 = arith.addf %add3A_1570, %mul3A_1573 : vector<16xf32>
        %swap3A_1575 = arith.index_cast %scan3A_1495 : i32 to index
        %swap3A_1576 = arith.constant 64 : index
        %swap3A_1577 = tpu.vector_load %arg19[%swap3A_1575, %swap3A_1576] {strides = array<i32>} : memref<32x1024xf32, #tpu.memory_space<vmem>>, vector<16xf32>,
        tpu.vector_store %arg19[%swap3A_1575, %swap3A_1576], %add3A_1574 {strides = array<i32>} : memref<32x1024xf32, #tpu.memory_space<vmem>>, vector<16xf32>,
        %add3A_1578 = arith.addf %add3A_1562, %add3A_1574 : vector<16xf32>
        %mul3A_1579 = arith.mulf %add3A_1574, %add3A_1574 : vector<16xf32>
        %add3A_1580 = arith.addf %add3A_1564, %mul3A_1579 : vector<16xf32>
        %get3A_1581 = arith.index_cast %scan3A_1495 : i32 to index
        %get3A_1582 = arith.constant 80 : index
        %get3A_1583 = tpu.vector_load %arg19[%get3A_1581, %get3A_1582] {strides = array<i32>} : memref<32x1024xf32, #tpu.memory_space<vmem>>, vector<16xf32>,
        %get3A_1584 = arith.constant 80 : index
        %get3A_1585 = tpu.vector_load %arg11[%get3A_1584] {strides = array<i32>} : memref<1024xf32, #tpu.memory_space<vmem>>, vector<16xf32>,
        %add3A_1586 = arith.addf %get3A_1583, %get3A_1585 : vector<16xf32>
        %get3A_1587 = arith.constant 80 : index
        %get3A_1588 = tpu.vector_load %arg12[%get3A_1587] {strides = array<i32>} : memref<1024xf32, #tpu.memory_space<vmem>>, vector<16xf32>,
        %mul3A_1589 = arith.mulf %convert_element_type3A, %get3A_1588 : vector<16xf32>
        %add3A_1590 = arith.addf %add3A_1586, %mul3A_1589 : vector<16xf32>
        %swap3A_1591 = arith.index_cast %scan3A_1495 : i32 to index
        %swap3A_1592 = arith.constant 80 : index
        %swap3A_1593 = tpu.vector_load %arg19[%swap3A_1591, %swap3A_1592] {strides = array<i32>} : memref<32x1024xf32, #tpu.memory_space<vmem>>, vector<16xf32>,
        tpu.vector_store %arg19[%swap3A_1591, %swap3A_1592], %add3A_1590 {strides = array<i32>} : memref<32x1024xf32, #tpu.memory_space<vmem>>, vector<16xf32>,
        %add3A_1594 = arith.addf %add3A_1578, %add3A_1590 : vector<16xf32>
        %mul3A_1595 = arith.mulf %add3A_1590, %add3A_1590 : vector<16xf32>
        %add3A_1596 = arith.addf %add3A_1580, %mul3A_1595 : vector<16xf32>
        %get3A_1597 = arith.index_cast %scan3A_1495 : i32 to index
        %get3A_1598 = arith.constant 96 : index
        %get3A_1599 = tpu.vector_load %arg19[%get3A_1597, %get3A_1598] {strides = array<i32>} : memref<32x1024xf32, #tpu.memory_space<vmem>>, vector<16xf32>,
        %get3A_1600 = arith.constant 96 : index
        %get3A_1601 = tpu.vector_load %arg11[%get3A_1600] {strides = array<i32>} : memref<1024xf32, #tpu.memory_space<vmem>>, vector<16xf32>,
        %add3A_1602 = arith.addf %get3A_1599, %get3A_1601 : vector<16xf32>
        %get3A_1603 = arith.constant 96 : index
        %get3A_1604 = tpu.vector_load %arg12[%get3A_1603] {strides = array<i32>} : memref<1024xf32, #tpu.memory_space<vmem>>, vector<16xf32>,
        %mul3A_1605 = arith.mulf %convert_element_type3A, %get3A_1604 : vector<16xf32>
        %add3A_1606 = arith.addf %add3A_1602, %mul3A_1605 : vector<16xf32>
        %swap3A_1607 = arith.index_cast %scan3A_1495 : i32 to index
        %swap3A_1608 = arith.constant 96 : index
        %swap3A_1609 = tpu.vector_load %arg19[%swap3A_1607, %swap3A_1608] {strides = array<i32>} : memref<32x1024xf32, #tpu.memory_space<vmem>>, vector<16xf32>,
        tpu.vector_store %arg19[%swap3A_1607, %swap3A_1608], %add3A_1606 {strides = array<i32>} : memref<32x1024xf32, #tpu.memory_space<vmem>>, vector<16xf32>,
        %add3A_1610 = arith.addf %add3A_1594, %add3A_1606 : vector<16xf32>
        %mul3A_1611 = arith.mulf %add3A_1606, %add3A_1606 : vector<16xf32>
        %add3A_1612 = arith.addf %add3A_1596, %mul3A_1611 : vector<16xf32>
        %get3A_1613 = arith.index_cast %scan3A_1495 : i32 to index
        %get3A_1614 = arith.constant 112 : index
        %get3A_1615 = tpu.vector_load %arg19[%get3A_1613, %get3A_1614] {strides = array<i32>} : memref<32x1024xf32, #tpu.memory_space<vmem>>, vector<16xf32>,
        %get3A_1616 = arith.constant 112 : index
        %get3A_1617 = tpu.vector_load %arg11[%get3A_1616] {strides = array<i32>} : memref<1024xf32, #tpu.memory_space<vmem>>, vector<16xf32>,
        %add3A_1618 = arith.addf %get3A_1615, %get3A_1617 : vector<16xf32>
        %get3A_1619 = arith.constant 112 : index
        %get3A_1620 = tpu.vector_load %arg12[%get3A_1619] {strides = array<i32>} : memref<1024xf32, #tpu.memory_space<vmem>>, vector<16xf32>,
        %mul3A_1621 = arith.mulf %convert_element_type3A, %get3A_1620 : vector<16xf32>
        %add3A_1622 = arith.addf %add3A_1618, %mul3A_1621 : vector<16xf32>
        %swap3A_1623 = arith.index_cast %scan3A_1495 : i32 to index
        %swap3A_1624 = arith.constant 112 : index
        %swap3A_1625 = tpu.vector_load %arg19[%swap3A_1623, %swap3A_1624] {strides = array<i32>} : memref<32x1024xf32, #tpu.memory_space<vmem>>, vector<16xf32>,
        tpu.vector_store %arg19[%swap3A_1623, %swap3A_1624], %add3A_1622 {strides = array<i32>} : memref<32x1024xf32, #tpu.memory_space<vmem>>, vector<16xf32>,
        %add3A_1626 = arith.addf %add3A_1610, %add3A_1622 : vector<16xf32>
        %mul3A_1627 = arith.mulf %add3A_1622, %add3A_1622 : vector<16xf32>
        %add3A_1628 = arith.addf %add3A_1612, %mul3A_1627 : vector<16xf32>
        %get3A_1629 = arith.index_cast %scan3A_1495 : i32 to index
        %get3A_1630 = arith.constant 128 : index
        %get3A_1631 = tpu.vector_load %arg19[%get3A_1629, %get3A_1630] {strides = array<i32>} : memref<32x1024xf32, #tpu.memory_space<vmem>>, vector<16xf32>,
        %get3A_1632 = arith.constant 128 : index
        %get3A_1633 = tpu.vector_load %arg11[%get3A_1632] {strides = array<i32>} : memref<1024xf32, #tpu.memory_space<vmem>>, vector<16xf32>,
        %add3A_1634 = arith.addf %get3A_1631, %get3A_1633 : vector<16xf32>
        %get3A_1635 = arith.constant 128 : index
        %get3A_1636 = tpu.vector_load %arg12[%get3A_1635] {strides = array<i32>} : memref<1024xf32, #tpu.memory_space<vmem>>, vector<16xf32>,
        %mul3A_1637 = arith.mulf %convert_element_type3A, %get3A_1636 : vector<16xf32>
        %add3A_1638 = arith.addf %add3A_1634, %mul3A_1637 : vector<16xf32>
        %swap3A_1639 = arith.index_cast %scan3A_1495 : i32 to index
        %swap3A_1640 = arith.constant 128 : index
        %swap3A_1641 = tpu.vector_load %arg19[%swap3A_1639, %swap3A_1640] {strides = array<i32>} : memref<32x1024xf32, #tpu.memory_space<vmem>>, vector<16xf32>,
        tpu.vector_store %arg19[%swap3A_1639, %swap3A_1640], %add3A_1638 {strides = array<i32>} : memref<32x1024xf32, #tpu.memory_space<vmem>>, vector<16xf32>,
        %add3A_1642 = arith.addf %add3A_1626, %add3A_1638 : vector<16xf32>
        %mul3A_1643 = arith.mulf %add3A_1638, %add3A_1638 : vector<16xf32>
        %add3A_1644 = arith.addf %add3A_1628, %mul3A_1643 : vector<16xf32>
        %get3A_1645 = arith.index_cast %scan3A_1495 : i32 to index
        %get3A_1646 = arith.constant 144 : index
        %get3A_1647 = tpu.vector_load %arg19[%get3A_1645, %get3A_1646] {strides = array<i32>} : memref<32x1024xf32, #tpu.memory_space<vmem>>, vector<16xf32>,
        %get3A_1648 = arith.constant 144 : index
        %get3A_1649 = tpu.vector_load %arg11[%get3A_1648] {strides = array<i32>} : memref<1024xf32, #tpu.memory_space<vmem>>, vector<16xf32>,
        %add3A_1650 = arith.addf %get3A_1647, %get3A_1649 : vector<16xf32>
        %get3A_1651 = arith.constant 144 : index
        %get3A_1652 = tpu.vector_load %arg12[%get3A_1651] {strides = array<i32>} : memref<1024xf32, #tpu.memory_space<vmem>>, vector<16xf32>,
        %mul3A_1653 = arith.mulf %convert_element_type3A, %get3A_1652 : vector<16xf32>
        %add3A_1654 = arith.addf %add3A_1650, %mul3A_1653 : vector<16xf32>
        %swap3A_1655 = arith.index_cast %scan3A_1495 : i32 to index
        %swap3A_1656 = arith.constant 144 : index
        %swap3A_1657 = tpu.vector_load %arg19[%swap3A_1655, %swap3A_1656] {strides = array<i32>} : memref<32x1024xf32, #tpu.memory_space<vmem>>, vector<16xf32>,
        tpu.vector_store %arg19[%swap3A_1655, %swap3A_1656], %add3A_1654 {strides = array<i32>} : memref<32x1024xf32, #tpu.memory_space<vmem>>, vector<16xf32>,
        %add3A_1658 = arith.addf %add3A_1642, %add3A_1654 : vector<16xf32>
        %mul3A_1659 = arith.mulf %add3A_1654, %add3A_1654 : vector<16xf32>
        %add3A_1660 = arith.addf %add3A_1644, %mul3A_1659 : vector<16xf32>
        %get3A_1661 = arith.index_cast %scan3A_1495 : i32 to index
        %get3A_1662 = arith.constant 160 : index
        %get3A_1663 = tpu.vector_load %arg19[%get3A_1661, %get3A_1662] {strides = array<i32>} : memref<32x1024xf32, #tpu.memory_space<vmem>>, vector<16xf32>,
        %get3A_1664 = arith.constant 160 : index
        %get3A_1665 = tpu.vector_load %arg11[%get3A_1664] {strides = array<i32>} : memref<1024xf32, #tpu.memory_space<vmem>>, vector<16xf32>,
        %add3A_1666 = arith.addf %get3A_1663, %get3A_1665 : vector<16xf32>
        %get3A_1667 = arith.constant 160 : index
        %get3A_1668 = tpu.vector_load %arg12[%get3A_1667] {strides = array<i32>} : memref<1024xf32, #tpu.memory_space<vmem>>, vector<16xf32>,
        %mul3A_1669 = arith.mulf %convert_element_type3A, %get3A_1668 : vector<16xf32>
        %add3A_1670 = arith.addf %add3A_1666, %mul3A_1669 : vector<16xf32>
        %swap3A_1671 = arith.index_cast %scan3A_1495 : i32 to index
        %swap3A_1672 = arith.constant 160 : index
        %swap3A_1673 = tpu.vector_load %arg19[%swap3A_1671, %swap3A_1672] {strides = array<i32>} : memref<32x1024xf32, #tpu.memory_space<vmem>>, vector<16xf32>,
        tpu.vector_store %arg19[%swap3A_1671, %swap3A_1672], %add3A_1670 {strides = array<i32>} : memref<32x1024xf32, #tpu.memory_space<vmem>>, vector<16xf32>,
        %add3A_1674 = arith.addf %add3A_1658, %add3A_1670 : vector<16xf32>
        %mul3A_1675 = arith.mulf %add3A_1670, %add3A_1670 : vector<16xf32>
        %add3A_1676 = arith.addf %add3A_1660, %mul3A_1675 : vector<16xf32>
        %get3A_1677 = arith.index_cast %scan3A_1495 : i32 to index
        %get3A_1678 = arith.constant 176 : index
        %get3A_1679 = tpu.vector_load %arg19[%get3A_1677, %get3A_1678] {strides = array<i32>} : memref<32x1024xf32, #tpu.memory_space<vmem>>, vector<16xf32>,
        %get3A_1680 = arith.constant 176 : index
        %get3A_1681 = tpu.vector_load %arg11[%get3A_1680] {strides = array<i32>} : memref<1024xf32, #tpu.memory_space<vmem>>, vector<16xf32>,
        %add3A_1682 = arith.addf %get3A_1679, %get3A_1681 : vector<16xf32>
        %get3A_1683 = arith.constant 176 : index
        %get3A_1684 = tpu.vector_load %arg12[%get3A_1683] {strides = array<i32>} : memref<1024xf32, #tpu.memory_space<vmem>>, vector<16xf32>,
        %mul3A_1685 = arith.mulf %convert_element_type3A, %get3A_1684 : vector<16xf32>
        %add3A_1686 = arith.addf %add3A_1682, %mul3A_1685 : vector<16xf32>
        %swap3A_1687 = arith.index_cast %scan3A_1495 : i32 to index
        %swap3A_1688 = arith.constant 176 : index
        %swap3A_1689 = tpu.vector_load %arg19[%swap3A_1687, %swap3A_1688] {strides = array<i32>} : memref<32x1024xf32, #tpu.memory_space<vmem>>, vector<16xf32>,
        tpu.vector_store %arg19[%swap3A_1687, %swap3A_1688], %add3A_1686 {strides = array<i32>} : memref<32x1024xf32, #tpu.memory_space<vmem>>, vector<16xf32>,
        %add3A_1690 = arith.addf %add3A_1674, %add3A_1686 : vector<16xf32>
        %mul3A_1691 = arith.mulf %add3A_1686, %add3A_1686 : vector<16xf32>
        %add3A_1692 = arith.addf %add3A_1676, %mul3A_1691 : vector<16xf32>
        %get3A_1693 = arith.index_cast %scan3A_1495 : i32 to index
        %get3A_1694 = arith.constant 192 : index
        %get3A_1695 = tpu.vector_load %arg19[%get3A_1693, %get3A_1694] {strides = array<i32>} : memref<32x1024xf32, #tpu.memory_space<vmem>>, vector<16xf32>,
        %get3A_1696 = arith.constant 192 : index
        %get3A_1697 = tpu.vector_load %arg11[%get3A_1696] {strides = array<i32>} : memref<1024xf32, #tpu.memory_space<vmem>>, vector<16xf32>,
        %add3A_1698 = arith.addf %get3A_1695, %get3A_1697 : vector<16xf32>
        %get3A_1699 = arith.constant 192 : index
        %get3A_1700 = tpu.vector_load %arg12[%get3A_1699] {strides = array<i32>} : memref<1024xf32, #tpu.memory_space<vmem>>, vector<16xf32>,
        %mul3A_1701 = arith.mulf %convert_element_type3A, %get3A_1700 : vector<16xf32>
        %add3A_1702 = arith.addf %add3A_1698, %mul3A_1701 : vector<16xf32>
        %swap3A_1703 = arith.index_cast %scan3A_1495 : i32 to index
        %swap3A_1704 = arith.constant 192 : index
        %swap3A_1705 = tpu.vector_load %arg19[%swap3A_1703, %swap3A_1704] {strides = array<i32>} : memref<32x1024xf32, #tpu.memory_space<vmem>>, vector<16xf32>,
        tpu.vector_store %arg19[%swap3A_1703, %swap3A_1704], %add3A_1702 {strides = array<i32>} : memref<32x1024xf32, #tpu.memory_space<vmem>>, vector<16xf32>,
        %add3A_1706 = arith.addf %add3A_1690, %add3A_1702 : vector<16xf32>
        %mul3A_1707 = arith.mulf %add3A_1702, %add3A_1702 : vector<16xf32>
        %add3A_1708 = arith.addf %add3A_1692, %mul3A_1707 : vector<16xf32>
        %get3A_1709 = arith.index_cast %scan3A_1495 : i32 to index
        %get3A_1710 = arith.constant 208 : index
        %get3A_1711 = tpu.vector_load %arg19[%get3A_1709, %get3A_1710] {strides = array<i32>} : memref<32x1024xf32, #tpu.memory_space<vmem>>, vector<16xf32>,
        %get3A_1712 = arith.constant 208 : index
        %get3A_1713 = tpu.vector_load %arg11[%get3A_1712] {strides = array<i32>} : memref<1024xf32, #tpu.memory_space<vmem>>, vector<16xf32>,
        %add3A_1714 = arith.addf %get3A_1711, %get3A_1713 : vector<16xf32>
        %get3A_1715 = arith.constant 208 : index
        %get3A_1716 = tpu.vector_load %arg12[%get3A_1715] {strides = array<i32>} : memref<1024xf32, #tpu.memory_space<vmem>>, vector<16xf32>,
        %mul3A_1717 = arith.mulf %convert_element_type3A, %get3A_1716 : vector<16xf32>
        %add3A_1718 = arith.addf %add3A_1714, %mul3A_1717 : vector<16xf32>
        %swap3A_1719 = arith.index_cast %scan3A_1495 : i32 to index
        %swap3A_1720 = arith.constant 208 : index
        %swap3A_1721 = tpu.vector_load %arg19[%swap3A_1719, %swap3A_1720] {strides = array<i32>} : memref<32x1024xf32, #tpu.memory_space<vmem>>, vector<16xf32>,
        tpu.vector_store %arg19[%swap3A_1719, %swap3A_1720], %add3A_1718 {strides = array<i32>} : memref<32x1024xf32, #tpu.memory_space<vmem>>, vector<16xf32>,
        %add3A_1722 = arith.addf %add3A_1706, %add3A_1718 : vector<16xf32>
        %mul3A_1723 = arith.mulf %add3A_1718, %add3A_1718 : vector<16xf32>
        %add3A_1724 = arith.addf %add3A_1708, %mul3A_1723 : vector<16xf32>
        %get3A_1725 = arith.index_cast %scan3A_1495 : i32 to index
        %get3A_1726 = arith.constant 224 : index
        %get3A_1727 = tpu.vector_load %arg19[%get3A_1725, %get3A_1726] {strides = array<i32>} : memref<32x1024xf32, #tpu.memory_space<vmem>>, vector<16xf32>,
        %get3A_1728 = arith.constant 224 : index
        %get3A_1729 = tpu.vector_load %arg11[%get3A_1728] {strides = array<i32>} : memref<1024xf32, #tpu.memory_space<vmem>>, vector<16xf32>,
        %add3A_1730 = arith.addf %get3A_1727, %get3A_1729 : vector<16xf32>
        %get3A_1731 = arith.constant 224 : index
        %get3A_1732 = tpu.vector_load %arg12[%get3A_1731] {strides = array<i32>} : memref<1024xf32, #tpu.memory_space<vmem>>, vector<16xf32>,
        %mul3A_1733 = arith.mulf %convert_element_type3A, %get3A_1732 : vector<16xf32>
        %add3A_1734 = arith.addf %add3A_1730, %mul3A_1733 : vector<16xf32>
        %swap3A_1735 = arith.index_cast %scan3A_1495 : i32 to index
        %swap3A_1736 = arith.constant 224 : index
        %swap3A_1737 = tpu.vector_load %arg19[%swap3A_1735, %swap3A_1736] {strides = array<i32>} : memref<32x1024xf32, #tpu.memory_space<vmem>>, vector<16xf32>,
        tpu.vector_store %arg19[%swap3A_1735, %swap3A_1736], %add3A_1734 {strides = array<i32>} : memref<32x1024xf32, #tpu.memory_space<vmem>>, vector<16xf32>,
        %add3A_1738 = arith.addf %add3A_1722, %add3A_1734 : vector<16xf32>
        %mul3A_1739 = arith.mulf %add3A_1734, %add3A_1734 : vector<16xf32>
        %add3A_1740 = arith.addf %add3A_1724, %mul3A_1739 : vector<16xf32>
        %get3A_1741 = arith.index_cast %scan3A_1495 : i32 to index
        %get3A_1742 = arith.constant 240 : index
        %get3A_1743 = tpu.vector_load %arg19[%get3A_1741, %get3A_1742] {strides = array<i32>} : memref<32x1024xf32, #tpu.memory_space<vmem>>, vector<16xf32>,
        %get3A_1744 = arith.constant 240 : index
        %get3A_1745 = tpu.vector_load %arg11[%get3A_1744] {strides = array<i32>} : memref<1024xf32, #tpu.memory_space<vmem>>, vector<16xf32>,
        %add3A_1746 = arith.addf %get3A_1743, %get3A_1745 : vector<16xf32>
        %get3A_1747 = arith.constant 240 : index
        %get3A_1748 = tpu.vector_load %arg12[%get3A_1747] {strides = array<i32>} : memref<1024xf32, #tpu.memory_space<vmem>>, vector<16xf32>,
        %mul3A_1749 = arith.mulf %convert_element_type3A, %get3A_1748 : vector<16xf32>
        %add3A_1750 = arith.addf %add3A_1746, %mul3A_1749 : vector<16xf32>
        %swap3A_1751 = arith.index_cast %scan3A_1495 : i32 to index
        %swap3A_1752 = arith.constant 240 : index
        %swap3A_1753 = tpu.vector_load %arg19[%swap3A_1751, %swap3A_1752] {strides = array<i32>} : memref<32x1024xf32, #tpu.memory_space<vmem>>, vector<16xf32>,
        tpu.vector_store %arg19[%swap3A_1751, %swap3A_1752], %add3A_1750 {strides = array<i32>} : memref<32x1024xf32, #tpu.memory_space<vmem>>, vector<16xf32>,
        %add3A_1754 = arith.addf %add3A_1738, %add3A_1750 : vector<16xf32>
        %mul3A_1755 = arith.mulf %add3A_1750, %add3A_1750 : vector<16xf32>
        %add3A_1756 = arith.addf %add3A_1740, %mul3A_1755 : vector<16xf32>
        %get3A_1757 = arith.index_cast %scan3A_1495 : i32 to index
        %get3A_1758 = arith.constant 256 : index
        %get3A_1759 = tpu.vector_load %arg19[%get3A_1757, %get3A_1758] {strides = array<i32>} : memref<32x1024xf32, #tpu.memory_space<vmem>>, vector<16xf32>,
        %get3A_1760 = arith.constant 256 : index
        %get3A_1761 = tpu.vector_load %arg11[%get3A_1760] {strides = array<i32>} : memref<1024xf32, #tpu.memory_space<vmem>>, vector<16xf32>,
        %add3A_1762 = arith.addf %get3A_1759, %get3A_1761 : vector<16xf32>
        %get3A_1763 = arith.constant 256 : index
        %get3A_1764 = tpu.vector_load %arg12[%get3A_1763] {strides = array<i32>} : memref<1024xf32, #tpu.memory_space<vmem>>, vector<16xf32>,
        %mul3A_1765 = arith.mulf %convert_element_type3A, %get3A_1764 : vector<16xf32>
        %add3A_1766 = arith.addf %add3A_1762, %mul3A_1765 : vector<16xf32>
        %swap3A_1767 = arith.index_cast %scan3A_1495 : i32 to index
        %swap3A_1768 = arith.constant 256 : index
        %swap3A_1769 = tpu.vector_load %arg19[%swap3A_1767, %swap3A_1768] {strides = array<i32>} : memref<32x1024xf32, #tpu.memory_space<vmem>>, vector<16xf32>,
        tpu.vector_store %arg19[%swap3A_1767, %swap3A_1768], %add3A_1766 {strides = array<i32>} : memref<32x1024xf32, #tpu.memory_space<vmem>>, vector<16xf32>,
        %add3A_1770 = arith.addf %add3A_1754, %add3A_1766 : vector<16xf32>
        %mul3A_1771 = arith.mulf %add3A_1766, %add3A_1766 : vector<16xf32>
        %add3A_1772 = arith.addf %add3A_1756, %mul3A_1771 : vector<16xf32>
        %get3A_1773 = arith.index_cast %scan3A_1495 : i32 to index
        %get3A_1774 = arith.constant 272 : index
        %get3A_1775 = tpu.vector_load %arg19[%get3A_1773, %get3A_1774] {strides = array<i32>} : memref<32x1024xf32, #tpu.memory_space<vmem>>, vector<16xf32>,
        %get3A_1776 = arith.constant 272 : index
        %get3A_1777 = tpu.vector_load %arg11[%get3A_1776] {strides = array<i32>} : memref<1024xf32, #tpu.memory_space<vmem>>, vector<16xf32>,
        %add3A_1778 = arith.addf %get3A_1775, %get3A_1777 : vector<16xf32>
        %get3A_1779 = arith.constant 272 : index
        %get3A_1780 = tpu.vector_load %arg12[%get3A_1779] {strides = array<i32>} : memref<1024xf32, #tpu.memory_space<vmem>>, vector<16xf32>,
        %mul3A_1781 = arith.mulf %convert_element_type3A, %get3A_1780 : vector<16xf32>
        %add3A_1782 = arith.addf %add3A_1778, %mul3A_1781 : vector<16xf32>
        %swap3A_1783 = arith.index_cast %scan3A_1495 : i32 to index
        %swap3A_1784 = arith.constant 272 : index
        %swap3A_1785 = tpu.vector_load %arg19[%swap3A_1783, %swap3A_1784] {strides = array<i32>} : memref<32x1024xf32, #tpu.memory_space<vmem>>, vector<16xf32>,
        tpu.vector_store %arg19[%swap3A_1783, %swap3A_1784], %add3A_1782 {strides = array<i32>} : memref<32x1024xf32, #tpu.memory_space<vmem>>, vector<16xf32>,
        %add3A_1786 = arith.addf %add3A_1770, %add3A_1782 : vector<16xf32>
        %mul3A_1787 = arith.mulf %add3A_1782, %add3A_1782 : vector<16xf32>
        %add3A_1788 = arith.addf %add3A_1772, %mul3A_1787 : vector<16xf32>
        %get3A_1789 = arith.index_cast %scan3A_1495 : i32 to index
        %get3A_1790 = arith.constant 288 : index
        %get3A_1791 = tpu.vector_load %arg19[%get3A_1789, %get3A_1790] {strides = array<i32>} : memref<32x1024xf32, #tpu.memory_space<vmem>>, vector<16xf32>,
        %get3A_1792 = arith.constant 288 : index
        %get3A_1793 = tpu.vector_load %arg11[%get3A_1792] {strides = array<i32>} : memref<1024xf32, #tpu.memory_space<vmem>>, vector<16xf32>,
        %add3A_1794 = arith.addf %get3A_1791, %get3A_1793 : vector<16xf32>
        %get3A_1795 = arith.constant 288 : index
        %get3A_1796 = tpu.vector_load %arg12[%get3A_1795] {strides = array<i32>} : memref<1024xf32, #tpu.memory_space<vmem>>, vector<16xf32>,
        %mul3A_1797 = arith.mulf %convert_element_type3A, %get3A_1796 : vector<16xf32>
        %add3A_1798 = arith.addf %add3A_1794, %mul3A_1797 : vector<16xf32>
        %swap3A_1799 = arith.index_cast %scan3A_1495 : i32 to index
        %swap3A_1800 = arith.constant 288 : index
        %swap3A_1801 = tpu.vector_load %arg19[%swap3A_1799, %swap3A_1800] {strides = array<i32>} : memref<32x1024xf32, #tpu.memory_space<vmem>>, vector<16xf32>,
        tpu.vector_store %arg19[%swap3A_1799, %swap3A_1800], %add3A_1798 {strides = array<i32>} : memref<32x1024xf32, #tpu.memory_space<vmem>>, vector<16xf32>,
        %add3A_1802 = arith.addf %add3A_1786, %add3A_1798 : vector<16xf32>
        %mul3A_1803 = arith.mulf %add3A_1798, %add3A_1798 : vector<16xf32>
        %add3A_1804 = arith.addf %add3A_1788, %mul3A_1803 : vector<16xf32>
        %get3A_1805 = arith.index_cast %scan3A_1495 : i32 to index
        %get3A_1806 = arith.constant 304 : index
        %get3A_1807 = tpu.vector_load %arg19[%get3A_1805, %get3A_1806] {strides = array<i32>} : memref<32x1024xf32, #tpu.memory_space<vmem>>, vector<16xf32>,
        %get3A_1808 = arith.constant 304 : index
        %get3A_1809 = tpu.vector_load %arg11[%get3A_1808] {strides = array<i32>} : memref<1024xf32, #tpu.memory_space<vmem>>, vector<16xf32>,
        %add3A_1810 = arith.addf %get3A_1807, %get3A_1809 : vector<16xf32>
        %get3A_1811 = arith.constant 304 : index
        %get3A_1812 = tpu.vector_load %arg12[%get3A_1811] {strides = array<i32>} : memref<1024xf32, #tpu.memory_space<vmem>>, vector<16xf32>,
        %mul3A_1813 = arith.mulf %convert_element_type3A, %get3A_1812 : vector<16xf32>
        %add3A_1814 = arith.addf %add3A_1810, %mul3A_1813 : vector<16xf32>
        %swap3A_1815 = arith.index_cast %scan3A_1495 : i32 to index
        %swap3A_1816 = arith.constant 304 : index
        %swap3A_1817 = tpu.vector_load %arg19[%swap3A_1815, %swap3A_1816] {strides = array<i32>} : memref<32x1024xf32, #tpu.memory_space<vmem>>, vector<16xf32>,
        tpu.vector_store %arg19[%swap3A_1815, %swap3A_1816], %add3A_1814 {strides = array<i32>} : memref<32x1024xf32, #tpu.memory_space<vmem>>, vector<16xf32>,
        %add3A_1818 = arith.addf %add3A_1802, %add3A_1814 : vector<16xf32>
        %mul3A_1819 = arith.mulf %add3A_1814, %add3A_1814 : vector<16xf32>
        %add3A_1820 = arith.addf %add3A_1804, %mul3A_1819 : vector<16xf32>
        %get3A_1821 = arith.index_cast %scan3A_1495 : i32 to index
        %get3A_1822 = arith.constant 320 : index
        %get3A_1823 = tpu.vector_load %arg19[%get3A_1821, %get3A_1822] {strides = array<i32>} : memref<32x1024xf32, #tpu.memory_space<vmem>>, vector<16xf32>,
        %get3A_1824 = arith.constant 320 : index
        %get3A_1825 = tpu.vector_load %arg11[%get3A_1824] {strides = array<i32>} : memref<1024xf32, #tpu.memory_space<vmem>>, vector<16xf32>,
        %add3A_1826 = arith.addf %get3A_1823, %get3A_1825 : vector<16xf32>
        %get3A_1827 = arith.constant 320 : index
        %get3A_1828 = tpu.vector_load %arg12[%get3A_1827] {strides = array<i32>} : memref<1024xf32, #tpu.memory_space<vmem>>, vector<16xf32>,
        %mul3A_1829 = arith.mulf %convert_element_type3A, %get3A_1828 : vector<16xf32>
        %add3A_1830 = arith.addf %add3A_1826, %mul3A_1829 : vector<16xf32>
        %swap3A_1831 = arith.index_cast %scan3A_1495 : i32 to index
        %swap3A_1832 = arith.constant 320 : index
        %swap3A_1833 = tpu.vector_load %arg19[%swap3A_1831, %swap3A_1832] {strides = array<i32>} : memref<32x1024xf32, #tpu.memory_space<vmem>>, vector<16xf32>,
        tpu.vector_store %arg19[%swap3A_1831, %swap3A_1832], %add3A_1830 {strides = array<i32>} : memref<32x1024xf32, #tpu.memory_space<vmem>>, vector<16xf32>,
        %add3A_1834 = arith.addf %add3A_1818, %add3A_1830 : vector<16xf32>
        %mul3A_1835 = arith.mulf %add3A_1830, %add3A_1830 : vector<16xf32>
        %add3A_1836 = arith.addf %add3A_1820, %mul3A_1835 : vector<16xf32>
        %get3A_1837 = arith.index_cast %scan3A_1495 : i32 to index
        %get3A_1838 = arith.constant 336 : index
        %get3A_1839 = tpu.vector_load %arg19[%get3A_1837, %get3A_1838] {strides = array<i32>} : memref<32x1024xf32, #tpu.memory_space<vmem>>, vector<16xf32>,
        %get3A_1840 = arith.constant 336 : index
        %get3A_1841 = tpu.vector_load %arg11[%get3A_1840] {strides = array<i32>} : memref<1024xf32, #tpu.memory_space<vmem>>, vector<16xf32>,
        %add3A_1842 = arith.addf %get3A_1839, %get3A_1841 : vector<16xf32>
        %get3A_1843 = arith.constant 336 : index
        %get3A_1844 = tpu.vector_load %arg12[%get3A_1843] {strides = array<i32>} : memref<1024xf32, #tpu.memory_space<vmem>>, vector<16xf32>,
        %mul3A_1845 = arith.mulf %convert_element_type3A, %get3A_1844 : vector<16xf32>
        %add3A_1846 = arith.addf %add3A_1842, %mul3A_1845 : vector<16xf32>
        %swap3A_1847 = arith.index_cast %scan3A_1495 : i32 to index
        %swap3A_1848 = arith.constant 336 : index
        %swap3A_1849 = tpu.vector_load %arg19[%swap3A_1847, %swap3A_1848] {strides = array<i32>} : memref<32x1024xf32, #tpu.memory_space<vmem>>, vector<16xf32>,
        tpu.vector_store %arg19[%swap3A_1847, %swap3A_1848], %add3A_1846 {strides = array<i32>} : memref<32x1024xf32, #tpu.memory_space<vmem>>, vector<16xf32>,
        %add3A_1850 = arith.addf %add3A_1834, %add3A_1846 : vector<16xf32>
        %mul3A_1851 = arith.mulf %add3A_1846, %add3A_1846 : vector<16xf32>
        %add3A_1852 = arith.addf %add3A_1836, %mul3A_1851 : vector<16xf32>
        %get3A_1853 = arith.index_cast %scan3A_1495 : i32 to index
        %get3A_1854 = arith.constant 352 : index
        %get3A_1855 = tpu.vector_load %arg19[%get3A_1853, %get3A_1854] {strides = array<i32>} : memref<32x1024xf32, #tpu.memory_space<vmem>>, vector<16xf32>,
        %get3A_1856 = arith.constant 352 : index
        %get3A_1857 = tpu.vector_load %arg11[%get3A_1856] {strides = array<i32>} : memref<1024xf32, #tpu.memory_space<vmem>>, vector<16xf32>,
        %add3A_1858 = arith.addf %get3A_1855, %get3A_1857 : vector<16xf32>
        %get3A_1859 = arith.constant 352 : index
        %get3A_1860 = tpu.vector_load %arg12[%get3A_1859] {strides = array<i32>} : memref<1024xf32, #tpu.memory_space<vmem>>, vector<16xf32>,
        %mul3A_1861 = arith.mulf %convert_element_type3A, %get3A_1860 : vector<16xf32>
        %add3A_1862 = arith.addf %add3A_1858, %mul3A_1861 : vector<16xf32>
        %swap3A_1863 = arith.index_cast %scan3A_1495 : i32 to index
        %swap3A_1864 = arith.constant 352 : index
        %swap3A_1865 = tpu.vector_load %arg19[%swap3A_1863, %swap3A_1864] {strides = array<i32>} : memref<32x1024xf32, #tpu.memory_space<vmem>>, vector<16xf32>,
        tpu.vector_store %arg19[%swap3A_1863, %swap3A_1864], %add3A_1862 {strides = array<i32>} : memref<32x1024xf32, #tpu.memory_space<vmem>>, vector<16xf32>,
        %add3A_1866 = arith.addf %add3A_1850, %add3A_1862 : vector<16xf32>
        %mul3A_1867 = arith.mulf %add3A_1862, %add3A_1862 : vector<16xf32>
        %add3A_1868 = arith.addf %add3A_1852, %mul3A_1867 : vector<16xf32>
        %get3A_1869 = arith.index_cast %scan3A_1495 : i32 to index
        %get3A_1870 = arith.constant 368 : index
        %get3A_1871 = tpu.vector_load %arg19[%get3A_1869, %get3A_1870] {strides = array<i32>} : memref<32x1024xf32, #tpu.memory_space<vmem>>, vector<16xf32>,
        %get3A_1872 = arith.constant 368 : index
        %get3A_1873 = tpu.vector_load %arg11[%get3A_1872] {strides = array<i32>} : memref<1024xf32, #tpu.memory_space<vmem>>, vector<16xf32>,
        %add3A_1874 = arith.addf %get3A_1871, %get3A_1873 : vector<16xf32>
        %get3A_1875 = arith.constant 368 : index
        %get3A_1876 = tpu.vector_load %arg12[%get3A_1875] {strides = array<i32>} : memref<1024xf32, #tpu.memory_space<vmem>>, vector<16xf32>,
        %mul3A_1877 = arith.mulf %convert_element_type3A, %get3A_1876 : vector<16xf32>
        %add3A_1878 = arith.addf %add3A_1874, %mul3A_1877 : vector<16xf32>
        %swap3A_1879 = arith.index_cast %scan3A_1495 : i32 to index
        %swap3A_1880 = arith.constant 368 : index
        %swap3A_1881 = tpu.vector_load %arg19[%swap3A_1879, %swap3A_1880] {strides = array<i32>} : memref<32x1024xf32, #tpu.memory_space<vmem>>, vector<16xf32>,
        tpu.vector_store %arg19[%swap3A_1879, %swap3A_1880], %add3A_1878 {strides = array<i32>} : memref<32x1024xf32, #tpu.memory_space<vmem>>, vector<16xf32>,
        %add3A_1882 = arith.addf %add3A_1866, %add3A_1878 : vector<16xf32>
        %mul3A_1883 = arith.mulf %add3A_1878, %add3A_1878 : vector<16xf32>
        %add3A_1884 = arith.addf %add3A_1868, %mul3A_1883 : vector<16xf32>
        %get3A_1885 = arith.index_cast %scan3A_1495 : i32 to index
        %get3A_1886 = arith.constant 384 : index
        %get3A_1887 = tpu.vector_load %arg19[%get3A_1885, %get3A_1886] {strides = array<i32>} : memref<32x1024xf32, #tpu.memory_space<vmem>>, vector<16xf32>,
        %get3A_1888 = arith.constant 384 : index
        %get3A_1889 = tpu.vector_load %arg11[%get3A_1888] {strides = array<i32>} : memref<1024xf32, #tpu.memory_space<vmem>>, vector<16xf32>,
        %add3A_1890 = arith.addf %get3A_1887, %get3A_1889 : vector<16xf32>
        %get3A_1891 = arith.constant 384 : index
        %get3A_1892 = tpu.vector_load %arg12[%get3A_1891] {strides = array<i32>} : memref<1024xf32, #tpu.memory_space<vmem>>, vector<16xf32>,
        %mul3A_1893 = arith.mulf %convert_element_type3A, %get3A_1892 : vector<16xf32>
        %add3A_1894 = arith.addf %add3A_1890, %mul3A_1893 : vector<16xf32>
        %swap3A_1895 = arith.index_cast %scan3A_1495 : i32 to index
        %swap3A_1896 = arith.constant 384 : index
        %swap3A_1897 = tpu.vector_load %arg19[%swap3A_1895, %swap3A_1896] {strides = array<i32>} : memref<32x1024xf32, #tpu.memory_space<vmem>>, vector<16xf32>,
        tpu.vector_store %arg19[%swap3A_1895, %swap3A_1896], %add3A_1894 {strides = array<i32>} : memref<32x1024xf32, #tpu.memory_space<vmem>>, vector<16xf32>,
        %add3A_1898 = arith.addf %add3A_1882, %add3A_1894 : vector<16xf32>
        %mul3A_1899 = arith.mulf %add3A_1894, %add3A_1894 : vector<16xf32>
        %add3A_1900 = arith.addf %add3A_1884, %mul3A_1899 : vector<16xf32>
        %get3A_1901 = arith.index_cast %scan3A_1495 : i32 to index
        %get3A_1902 = arith.constant 400 : index
        %get3A_1903 = tpu.vector_load %arg19[%get3A_1901, %get3A_1902] {strides = array<i32>} : memref<32x1024xf32, #tpu.memory_space<vmem>>, vector<16xf32>,
        %get3A_1904 = arith.constant 400 : index
        %get3A_1905 = tpu.vector_load %arg11[%get3A_1904] {strides = array<i32>} : memref<1024xf32, #tpu.memory_space<vmem>>, vector<16xf32>,
        %add3A_1906 = arith.addf %get3A_1903, %get3A_1905 : vector<16xf32>
        %get3A_1907 = arith.constant 400 : index
        %get3A_1908 = tpu.vector_load %arg12[%get3A_1907] {strides = array<i32>} : memref<1024xf32, #tpu.memory_space<vmem>>, vector<16xf32>,
        %mul3A_1909 = arith.mulf %convert_element_type3A, %get3A_1908 : vector<16xf32>
        %add3A_1910 = arith.addf %add3A_1906, %mul3A_1909 : vector<16xf32>
        %swap3A_1911 = arith.index_cast %scan3A_1495 : i32 to index
        %swap3A_1912 = arith.constant 400 : index
        %swap3A_1913 = tpu.vector_load %arg19[%swap3A_1911, %swap3A_1912] {strides = array<i32>} : memref<32x1024xf32, #tpu.memory_space<vmem>>, vector<16xf32>,
        tpu.vector_store %arg19[%swap3A_1911, %swap3A_1912], %add3A_1910 {strides = array<i32>} : memref<32x1024xf32, #tpu.memory_space<vmem>>, vector<16xf32>,
        %add3A_1914 = arith.addf %add3A_1898, %add3A_1910 : vector<16xf32>
        %mul3A_1915 = arith.mulf %add3A_1910, %add3A_1910 : vector<16xf32>
        %add3A_1916 = arith.addf %add3A_1900, %mul3A_1915 : vector<16xf32>
        %get3A_1917 = arith.index_cast %scan3A_1495 : i32 to index
        %get3A_1918 = arith.constant 416 : index
        %get3A_1919 = tpu.vector_load %arg19[%get3A_1917, %get3A_1918] {strides = array<i32>} : memref<32x1024xf32, #tpu.memory_space<vmem>>, vector<16xf32>,
        %get3A_1920 = arith.constant 416 : index
        %get3A_1921 = tpu.vector_load %arg11[%get3A_1920] {strides = array<i32>} : memref<1024xf32, #tpu.memory_space<vmem>>, vector<16xf32>,
        %add3A_1922 = arith.addf %get3A_1919, %get3A_1921 : vector<16xf32>
        %get3A_1923 = arith.constant 416 : index
        %get3A_1924 = tpu.vector_load %arg12[%get3A_1923] {strides = array<i32>} : memref<1024xf32, #tpu.memory_space<vmem>>, vector<16xf32>,
        %mul3A_1925 = arith.mulf %convert_element_type3A, %get3A_1924 : vector<16xf32>
        %add3A_1926 = arith.addf %add3A_1922, %mul3A_1925 : vector<16xf32>
        %swap3A_1927 = arith.index_cast %scan3A_1495 : i32 to index
        %swap3A_1928 = arith.constant 416 : index
        %swap3A_1929 = tpu.vector_load %arg19[%swap3A_1927, %swap3A_1928] {strides = array<i32>} : memref<32x1024xf32, #tpu.memory_space<vmem>>, vector<16xf32>,
        tpu.vector_store %arg19[%swap3A_1927, %swap3A_1928], %add3A_1926 {strides = array<i32>} : memref<32x1024xf32, #tpu.memory_space<vmem>>, vector<16xf32>,
        %add3A_1930 = arith.addf %add3A_1914, %add3A_1926 : vector<16xf32>
        %mul3A_1931 = arith.mulf %add3A_1926, %add3A_1926 : vector<16xf32>
        %add3A_1932 = arith.addf %add3A_1916, %mul3A_1931 : vector<16xf32>
        %get3A_1933 = arith.index_cast %scan3A_1495 : i32 to index
        %get3A_1934 = arith.constant 432 : index
        %get3A_1935 = tpu.vector_load %arg19[%get3A_1933, %get3A_1934] {strides = array<i32>} : memref<32x1024xf32, #tpu.memory_space<vmem>>, vector<16xf32>,
        %get3A_1936 = arith.constant 432 : index
        %get3A_1937 = tpu.vector_load %arg11[%get3A_1936] {strides = array<i32>} : memref<1024xf32, #tpu.memory_space<vmem>>, vector<16xf32>,
        %add3A_1938 = arith.addf %get3A_1935, %get3A_1937 : vector<16xf32>
        %get3A_1939 = arith.constant 432 : index
        %get3A_1940 = tpu.vector_load %arg12[%get3A_1939] {strides = array<i32>} : memref<1024xf32, #tpu.memory_space<vmem>>, vector<16xf32>,
        %mul3A_1941 = arith.mulf %convert_element_type3A, %get3A_1940 : vector<16xf32>
        %add3A_1942 = arith.addf %add3A_1938, %mul3A_1941 : vector<16xf32>
        %swap3A_1943 = arith.index_cast %scan3A_1495 : i32 to index
        %swap3A_1944 = arith.constant 432 : index
        %swap3A_1945 = tpu.vector_load %arg19[%swap3A_1943, %swap3A_1944] {strides = array<i32>} : memref<32x1024xf32, #tpu.memory_space<vmem>>, vector<16xf32>,
        tpu.vector_store %arg19[%swap3A_1943, %swap3A_1944], %add3A_1942 {strides = array<i32>} : memref<32x1024xf32, #tpu.memory_space<vmem>>, vector<16xf32>,
        %add3A_1946 = arith.addf %add3A_1930, %add3A_1942 : vector<16xf32>
        %mul3A_1947 = arith.mulf %add3A_1942, %add3A_1942 : vector<16xf32>
        %add3A_1948 = arith.addf %add3A_1932, %mul3A_1947 : vector<16xf32>
        %get3A_1949 = arith.index_cast %scan3A_1495 : i32 to index
        %get3A_1950 = arith.constant 448 : index
        %get3A_1951 = tpu.vector_load %arg19[%get3A_1949, %get3A_1950] {strides = array<i32>} : memref<32x1024xf32, #tpu.memory_space<vmem>>, vector<16xf32>,
        %get3A_1952 = arith.constant 448 : index
        %get3A_1953 = tpu.vector_load %arg11[%get3A_1952] {strides = array<i32>} : memref<1024xf32, #tpu.memory_space<vmem>>, vector<16xf32>,
        %add3A_1954 = arith.addf %get3A_1951, %get3A_1953 : vector<16xf32>
        %get3A_1955 = arith.constant 448 : index
        %get3A_1956 = tpu.vector_load %arg12[%get3A_1955] {strides = array<i32>} : memref<1024xf32, #tpu.memory_space<vmem>>, vector<16xf32>,
        %mul3A_1957 = arith.mulf %convert_element_type3A, %get3A_1956 : vector<16xf32>
        %add3A_1958 = arith.addf %add3A_1954, %mul3A_1957 : vector<16xf32>
        %swap3A_1959 = arith.index_cast %scan3A_1495 : i32 to index
        %swap3A_1960 = arith.constant 448 : index
        %swap3A_1961 = tpu.vector_load %arg19[%swap3A_1959, %swap3A_1960] {strides = array<i32>} : memref<32x1024xf32, #tpu.memory_space<vmem>>, vector<16xf32>,
        tpu.vector_store %arg19[%swap3A_1959, %swap3A_1960], %add3A_1958 {strides = array<i32>} : memref<32x1024xf32, #tpu.memory_space<vmem>>, vector<16xf32>,
        %add3A_1962 = arith.addf %add3A_1946, %add3A_1958 : vector<16xf32>
        %mul3A_1963 = arith.mulf %add3A_1958, %add3A_1958 : vector<16xf32>
        %add3A_1964 = arith.addf %add3A_1948, %mul3A_1963 : vector<16xf32>
        %get3A_1965 = arith.index_cast %scan3A_1495 : i32 to index
        %get3A_1966 = arith.constant 464 : index
        %get3A_1967 = tpu.vector_load %arg19[%get3A_1965, %get3A_1966] {strides = array<i32>} : memref<32x1024xf32, #tpu.memory_space<vmem>>, vector<16xf32>,
        %get3A_1968 = arith.constant 464 : index
        %get3A_1969 = tpu.vector_load %arg11[%get3A_1968] {strides = array<i32>} : memref<1024xf32, #tpu.memory_space<vmem>>, vector<16xf32>,
        %add3A_1970 = arith.addf %get3A_1967, %get3A_1969 : vector<16xf32>
        %get3A_1971 = arith.constant 464 : index
        %get3A_1972 = tpu.vector_load %arg12[%get3A_1971] {strides = array<i32>} : memref<1024xf32, #tpu.memory_space<vmem>>, vector<16xf32>,
        %mul3A_1973 = arith.mulf %convert_element_type3A, %get3A_1972 : vector<16xf32>
        %add3A_1974 = arith.addf %add3A_1970, %mul3A_1973 : vector<16xf32>
        %swap3A_1975 = arith.index_cast %scan3A_1495 : i32 to index
        %swap3A_1976 = arith.constant 464 : index
        %swap3A_1977 = tpu.vector_load %arg19[%swap3A_1975, %swap3A_1976] {strides = array<i32>} : memref<32x1024xf32, #tpu.memory_space<vmem>>, vector<16xf32>,
        tpu.vector_store %arg19[%swap3A_1975, %swap3A_1976], %add3A_1974 {strides = array<i32>} : memref<32x1024xf32, #tpu.memory_space<vmem>>, vector<16xf32>,
        %add3A_1978 = arith.addf %add3A_1962, %add3A_1974 : vector<16xf32>
        %mul3A_1979 = arith.mulf %add3A_1974, %add3A_1974 : vector<16xf32>
        %add3A_1980 = arith.addf %add3A_1964, %mul3A_1979 : vector<16xf32>
        %get3A_1981 = arith.index_cast %scan3A_1495 : i32 to index
        %get3A_1982 = arith.constant 480 : index
        %get3A_1983 = tpu.vector_load %arg19[%get3A_1981, %get3A_1982] {strides = array<i32>} : memref<32x1024xf32, #tpu.memory_space<vmem>>, vector<16xf32>,
        %get3A_1984 = arith.constant 480 : index
        %get3A_1985 = tpu.vector_load %arg11[%get3A_1984] {strides = array<i32>} : memref<1024xf32, #tpu.memory_space<vmem>>, vector<16xf32>,
        %add3A_1986 = arith.addf %get3A_1983, %get3A_1985 : vector<16xf32>
        %get3A_1987 = arith.constant 480 : index
        %get3A_1988 = tpu.vector_load %arg12[%get3A_1987] {strides = array<i32>} : memref<1024xf32, #tpu.memory_space<vmem>>, vector<16xf32>,
        %mul3A_1989 = arith.mulf %convert_element_type3A, %get3A_1988 : vector<16xf32>
        %add3A_1990 = arith.addf %add3A_1986, %mul3A_1989 : vector<16xf32>
        %swap3A_1991 = arith.index_cast %scan3A_1495 : i32 to index
        %swap3A_1992 = arith.constant 480 : index
        %swap3A_1993 = tpu.vector_load %arg19[%swap3A_1991, %swap3A_1992] {strides = array<i32>} : memref<32x1024xf32, #tpu.memory_space<vmem>>, vector<16xf32>,
        tpu.vector_store %arg19[%swap3A_1991, %swap3A_1992], %add3A_1990 {strides = array<i32>} : memref<32x1024xf32, #tpu.memory_space<vmem>>, vector<16xf32>,
        %add3A_1994 = arith.addf %add3A_1978, %add3A_1990 : vector<16xf32>
        %mul3A_1995 = arith.mulf %add3A_1990, %add3A_1990 : vector<16xf32>
        %add3A_1996 = arith.addf %add3A_1980, %mul3A_1995 : vector<16xf32>
        %get3A_1997 = arith.index_cast %scan3A_1495 : i32 to index
        %get3A_1998 = arith.constant 496 : index
        %get3A_1999 = tpu.vector_load %arg19[%get3A_1997, %get3A_1998] {strides = array<i32>} : memref<32x1024xf32, #tpu.memory_space<vmem>>, vector<16xf32>,
        %get3A_2000 = arith.constant 496 : index
        %get3A_2001 = tpu.vector_load %arg11[%get3A_2000] {strides = array<i32>} : memref<1024xf32, #tpu.memory_space<vmem>>, vector<16xf32>,
        %add3A_2002 = arith.addf %get3A_1999, %get3A_2001 : vector<16xf32>
        %get3A_2003 = arith.constant 496 : index
        %get3A_2004 = tpu.vector_load %arg12[%get3A_2003] {strides = array<i32>} : memref<1024xf32, #tpu.memory_space<vmem>>, vector<16xf32>,
        %mul3A_2005 = arith.mulf %convert_element_type3A, %get3A_2004 : vector<16xf32>
        %add3A_2006 = arith.addf %add3A_2002, %mul3A_2005 : vector<16xf32>
        %swap3A_2007 = arith.index_cast %scan3A_1495 : i32 to index
        %swap3A_2008 = arith.constant 496 : index
        %swap3A_2009 = tpu.vector_load %arg19[%swap3A_2007, %swap3A_2008] {strides = array<i32>} : memref<32x1024xf32, #tpu.memory_space<vmem>>, vector<16xf32>,
        tpu.vector_store %arg19[%swap3A_2007, %swap3A_2008], %add3A_2006 {strides = array<i32>} : memref<32x1024xf32, #tpu.memory_space<vmem>>, vector<16xf32>,
        %add3A_2010 = arith.addf %add3A_1994, %add3A_2006 : vector<16xf32>
        %mul3A_2011 = arith.mulf %add3A_2006, %add3A_2006 : vector<16xf32>
        %add3A_2012 = arith.addf %add3A_1996, %mul3A_2011 : vector<16xf32>
        %get3A_2013 = arith.index_cast %scan3A_1495 : i32 to index
        %get3A_2014 = arith.constant 512 : index
        %get3A_2015 = tpu.vector_load %arg19[%get3A_2013, %get3A_2014] {strides = array<i32>} : memref<32x1024xf32, #tpu.memory_space<vmem>>, vector<16xf32>,
        %get3A_2016 = arith.constant 512 : index
        %get3A_2017 = tpu.vector_load %arg11[%get3A_2016] {strides = array<i32>} : memref<1024xf32, #tpu.memory_space<vmem>>, vector<16xf32>,
        %add3A_2018 = arith.addf %get3A_2015, %get3A_2017 : vector<16xf32>
        %get3A_2019 = arith.constant 512 : index
        %get3A_2020 = tpu.vector_load %arg12[%get3A_2019] {strides = array<i32>} : memref<1024xf32, #tpu.memory_space<vmem>>, vector<16xf32>,
        %mul3A_2021 = arith.mulf %convert_element_type3A, %get3A_2020 : vector<16xf32>
        %add3A_2022 = arith.addf %add3A_2018, %mul3A_2021 : vector<16xf32>
        %swap3A_2023 = arith.index_cast %scan3A_1495 : i32 to index
        %swap3A_2024 = arith.constant 512 : index
        %swap3A_2025 = tpu.vector_load %arg19[%swap3A_2023, %swap3A_2024] {strides = array<i32>} : memref<32x1024xf32, #tpu.memory_space<vmem>>, vector<16xf32>,
        tpu.vector_store %arg19[%swap3A_2023, %swap3A_2024], %add3A_2022 {strides = array<i32>} : memref<32x1024xf32, #tpu.memory_space<vmem>>, vector<16xf32>,
        %add3A_2026 = arith.addf %add3A_2010, %add3A_2022 : vector<16xf32>
        %mul3A_2027 = arith.mulf %add3A_2022, %add3A_2022 : vector<16xf32>
        %add3A_2028 = arith.addf %add3A_2012, %mul3A_2027 : vector<16xf32>
        %get3A_2029 = arith.index_cast %scan3A_1495 : i32 to index
        %get3A_2030 = arith.constant 528 : index
        %get3A_2031 = tpu.vector_load %arg19[%get3A_2029, %get3A_2030] {strides = array<i32>} : memref<32x1024xf32, #tpu.memory_space<vmem>>, vector<16xf32>,
        %get3A_2032 = arith.constant 528 : index
        %get3A_2033 = tpu.vector_load %arg11[%get3A_2032] {strides = array<i32>} : memref<1024xf32, #tpu.memory_space<vmem>>, vector<16xf32>,
        %add3A_2034 = arith.addf %get3A_2031, %get3A_2033 : vector<16xf32>
        %get3A_2035 = arith.constant 528 : index
        %get3A_2036 = tpu.vector_load %arg12[%get3A_2035] {strides = array<i32>} : memref<1024xf32, #tpu.memory_space<vmem>>, vector<16xf32>,
        %mul3A_2037 = arith.mulf %convert_element_type3A, %get3A_2036 : vector<16xf32>
        %add3A_2038 = arith.addf %add3A_2034, %mul3A_2037 : vector<16xf32>
        %swap3A_2039 = arith.index_cast %scan3A_1495 : i32 to index
        %swap3A_2040 = arith.constant 528 : index
        %swap3A_2041 = tpu.vector_load %arg19[%swap3A_2039, %swap3A_2040] {strides = array<i32>} : memref<32x1024xf32, #tpu.memory_space<vmem>>, vector<16xf32>,
        tpu.vector_store %arg19[%swap3A_2039, %swap3A_2040], %add3A_2038 {strides = array<i32>} : memref<32x1024xf32, #tpu.memory_space<vmem>>, vector<16xf32>,
        %add3A_2042 = arith.addf %add3A_2026, %add3A_2038 : vector<16xf32>
        %mul3A_2043 = arith.mulf %add3A_2038, %add3A_2038 : vector<16xf32>
        %add3A_2044 = arith.addf %add3A_2028, %mul3A_2043 : vector<16xf32>
        %get3A_2045 = arith.index_cast %scan3A_1495 : i32 to index
        %get3A_2046 = arith.constant 544 : index
        %get3A_2047 = tpu.vector_load %arg19[%get3A_2045, %get3A_2046] {strides = array<i32>} : memref<32x1024xf32, #tpu.memory_space<vmem>>, vector<16xf32>,
        %get3A_2048 = arith.constant 544 : index
        %get3A_2049 = tpu.vector_load %arg11[%get3A_2048] {strides = array<i32>} : memref<1024xf32, #tpu.memory_space<vmem>>, vector<16xf32>,
        %add3A_2050 = arith.addf %get3A_2047, %get3A_2049 : vector<16xf32>
        %get3A_2051 = arith.constant 544 : index
        %get3A_2052 = tpu.vector_load %arg12[%get3A_2051] {strides = array<i32>} : memref<1024xf32, #tpu.memory_space<vmem>>, vector<16xf32>,
        %mul3A_2053 = arith.mulf %convert_element_type3A, %get3A_2052 : vector<16xf32>
        %add3A_2054 = arith.addf %add3A_2050, %mul3A_2053 : vector<16xf32>
        %swap3A_2055 = arith.index_cast %scan3A_1495 : i32 to index
        %swap3A_2056 = arith.constant 544 : index
        %swap3A_2057 = tpu.vector_load %arg19[%swap3A_2055, %swap3A_2056] {strides = array<i32>} : memref<32x1024xf32, #tpu.memory_space<vmem>>, vector<16xf32>,
        tpu.vector_store %arg19[%swap3A_2055, %swap3A_2056], %add3A_2054 {strides = array<i32>} : memref<32x1024xf32, #tpu.memory_space<vmem>>, vector<16xf32>,
        %add3A_2058 = arith.addf %add3A_2042, %add3A_2054 : vector<16xf32>
        %mul3A_2059 = arith.mulf %add3A_2054, %add3A_2054 : vector<16xf32>
        %add3A_2060 = arith.addf %add3A_2044, %mul3A_2059 : vector<16xf32>
        %get3A_2061 = arith.index_cast %scan3A_1495 : i32 to index
        %get3A_2062 = arith.constant 560 : index
        %get3A_2063 = tpu.vector_load %arg19[%get3A_2061, %get3A_2062] {strides = array<i32>} : memref<32x1024xf32, #tpu.memory_space<vmem>>, vector<16xf32>,
        %get3A_2064 = arith.constant 560 : index
        %get3A_2065 = tpu.vector_load %arg11[%get3A_2064] {strides = array<i32>} : memref<1024xf32, #tpu.memory_space<vmem>>, vector<16xf32>,
        %add3A_2066 = arith.addf %get3A_2063, %get3A_2065 : vector<16xf32>
        %get3A_2067 = arith.constant 560 : index
        %get3A_2068 = tpu.vector_load %arg12[%get3A_2067] {strides = array<i32>} : memref<1024xf32, #tpu.memory_space<vmem>>, vector<16xf32>,
        %mul3A_2069 = arith.mulf %convert_element_type3A, %get3A_2068 : vector<16xf32>
        %add3A_2070 = arith.addf %add3A_2066, %mul3A_2069 : vector<16xf32>
        %swap3A_2071 = arith.index_cast %scan3A_1495 : i32 to index
        %swap3A_2072 = arith.constant 560 : index
        %swap3A_2073 = tpu.vector_load %arg19[%swap3A_2071, %swap3A_2072] {strides = array<i32>} : memref<32x1024xf32, #tpu.memory_space<vmem>>, vector<16xf32>,
        tpu.vector_store %arg19[%swap3A_2071, %swap3A_2072], %add3A_2070 {strides = array<i32>} : memref<32x1024xf32, #tpu.memory_space<vmem>>, vector<16xf32>,
        %add3A_2074 = arith.addf %add3A_2058, %add3A_2070 : vector<16xf32>
        %mul3A_2075 = arith.mulf %add3A_2070, %add3A_2070 : vector<16xf32>
        %add3A_2076 = arith.addf %add3A_2060, %mul3A_2075 : vector<16xf32>
        %get3A_2077 = arith.index_cast %scan3A_1495 : i32 to index
        %get3A_2078 = arith.constant 576 : index
        %get3A_2079 = tpu.vector_load %arg19[%get3A_2077, %get3A_2078] {strides = array<i32>} : memref<32x1024xf32, #tpu.memory_space<vmem>>, vector<16xf32>,
        %get3A_2080 = arith.constant 576 : index
        %get3A_2081 = tpu.vector_load %arg11[%get3A_2080] {strides = array<i32>} : memref<1024xf32, #tpu.memory_space<vmem>>, vector<16xf32>,
        %add3A_2082 = arith.addf %get3A_2079, %get3A_2081 : vector<16xf32>
        %get3A_2083 = arith.constant 576 : index
        %get3A_2084 = tpu.vector_load %arg12[%get3A_2083] {strides = array<i32>} : memref<1024xf32, #tpu.memory_space<vmem>>, vector<16xf32>,
        %mul3A_2085 = arith.mulf %convert_element_type3A, %get3A_2084 : vector<16xf32>
        %add3A_2086 = arith.addf %add3A_2082, %mul3A_2085 : vector<16xf32>
        %swap3A_2087 = arith.index_cast %scan3A_1495 : i32 to index
        %swap3A_2088 = arith.constant 576 : index
        %swap3A_2089 = tpu.vector_load %arg19[%swap3A_2087, %swap3A_2088] {strides = array<i32>} : memref<32x1024xf32, #tpu.memory_space<vmem>>, vector<16xf32>,
        tpu.vector_store %arg19[%swap3A_2087, %swap3A_2088], %add3A_2086 {strides = array<i32>} : memref<32x1024xf32, #tpu.memory_space<vmem>>, vector<16xf32>,
        %add3A_2090 = arith.addf %add3A_2074, %add3A_2086 : vector<16xf32>
        %mul3A_2091 = arith.mulf %add3A_2086, %add3A_2086 : vector<16xf32>
        %add3A_2092 = arith.addf %add3A_2076, %mul3A_2091 : vector<16xf32>
        %get3A_2093 = arith.index_cast %scan3A_1495 : i32 to index
        %get3A_2094 = arith.constant 592 : index
        %get3A_2095 = tpu.vector_load %arg19[%get3A_2093, %get3A_2094] {strides = array<i32>} : memref<32x1024xf32, #tpu.memory_space<vmem>>, vector<16xf32>,
        %get3A_2096 = arith.constant 592 : index
        %get3A_2097 = tpu.vector_load %arg11[%get3A_2096] {strides = array<i32>} : memref<1024xf32, #tpu.memory_space<vmem>>, vector<16xf32>,
        %add3A_2098 = arith.addf %get3A_2095, %get3A_2097 : vector<16xf32>
        %get3A_2099 = arith.constant 592 : index
        %get3A_2100 = tpu.vector_load %arg12[%get3A_2099] {strides = array<i32>} : memref<1024xf32, #tpu.memory_space<vmem>>, vector<16xf32>,
        %mul3A_2101 = arith.mulf %convert_element_type3A, %get3A_2100 : vector<16xf32>
        %add3A_2102 = arith.addf %add3A_2098, %mul3A_2101 : vector<16xf32>
        %swap3A_2103 = arith.index_cast %scan3A_1495 : i32 to index
        %swap3A_2104 = arith.constant 592 : index
        %swap3A_2105 = tpu.vector_load %arg19[%swap3A_2103, %swap3A_2104] {strides = array<i32>} : memref<32x1024xf32, #tpu.memory_space<vmem>>, vector<16xf32>,
        tpu.vector_store %arg19[%swap3A_2103, %swap3A_2104], %add3A_2102 {strides = array<i32>} : memref<32x1024xf32, #tpu.memory_space<vmem>>, vector<16xf32>,
        %add3A_2106 = arith.addf %add3A_2090, %add3A_2102 : vector<16xf32>
        %mul3A_2107 = arith.mulf %add3A_2102, %add3A_2102 : vector<16xf32>
        %add3A_2108 = arith.addf %add3A_2092, %mul3A_2107 : vector<16xf32>
        %get3A_2109 = arith.index_cast %scan3A_1495 : i32 to index
        %get3A_2110 = arith.constant 608 : index
        %get3A_2111 = tpu.vector_load %arg19[%get3A_2109, %get3A_2110] {strides = array<i32>} : memref<32x1024xf32, #tpu.memory_space<vmem>>, vector<16xf32>,
        %get3A_2112 = arith.constant 608 : index
        %get3A_2113 = tpu.vector_load %arg11[%get3A_2112] {strides = array<i32>} : memref<1024xf32, #tpu.memory_space<vmem>>, vector<16xf32>,
        %add3A_2114 = arith.addf %get3A_2111, %get3A_2113 : vector<16xf32>
        %get3A_2115 = arith.constant 608 : index
        %get3A_2116 = tpu.vector_load %arg12[%get3A_2115] {strides = array<i32>} : memref<1024xf32, #tpu.memory_space<vmem>>, vector<16xf32>,
        %mul3A_2117 = arith.mulf %convert_element_type3A, %get3A_2116 : vector<16xf32>
        %add3A_2118 = arith.addf %add3A_2114, %mul3A_2117 : vector<16xf32>
        %swap3A_2119 = arith.index_cast %scan3A_1495 : i32 to index
        %swap3A_2120 = arith.constant 608 : index
        %swap3A_2121 = tpu.vector_load %arg19[%swap3A_2119, %swap3A_2120] {strides = array<i32>} : memref<32x1024xf32, #tpu.memory_space<vmem>>, vector<16xf32>,
        tpu.vector_store %arg19[%swap3A_2119, %swap3A_2120], %add3A_2118 {strides = array<i32>} : memref<32x1024xf32, #tpu.memory_space<vmem>>, vector<16xf32>,
        %add3A_2122 = arith.addf %add3A_2106, %add3A_2118 : vector<16xf32>
        %mul3A_2123 = arith.mulf %add3A_2118, %add3A_2118 : vector<16xf32>
        %add3A_2124 = arith.addf %add3A_2108, %mul3A_2123 : vector<16xf32>
        %get3A_2125 = arith.index_cast %scan3A_1495 : i32 to index
        %get3A_2126 = arith.constant 624 : index
        %get3A_2127 = tpu.vector_load %arg19[%get3A_2125, %get3A_2126] {strides = array<i32>} : memref<32x1024xf32, #tpu.memory_space<vmem>>, vector<16xf32>,
        %get3A_2128 = arith.constant 624 : index
        %get3A_2129 = tpu.vector_load %arg11[%get3A_2128] {strides = array<i32>} : memref<1024xf32, #tpu.memory_space<vmem>>, vector<16xf32>,
        %add3A_2130 = arith.addf %get3A_2127, %get3A_2129 : vector<16xf32>
        %get3A_2131 = arith.constant 624 : index
        %get3A_2132 = tpu.vector_load %arg12[%get3A_2131] {strides = array<i32>} : memref<1024xf32, #tpu.memory_space<vmem>>, vector<16xf32>,
        %mul3A_2133 = arith.mulf %convert_element_type3A, %get3A_2132 : vector<16xf32>
        %add3A_2134 = arith.addf %add3A_2130, %mul3A_2133 : vector<16xf32>
        %swap3A_2135 = arith.index_cast %scan3A_1495 : i32 to index
        %swap3A_2136 = arith.constant 624 : index
        %swap3A_2137 = tpu.vector_load %arg19[%swap3A_2135, %swap3A_2136] {strides = array<i32>} : memref<32x1024xf32, #tpu.memory_space<vmem>>, vector<16xf32>,
        tpu.vector_store %arg19[%swap3A_2135, %swap3A_2136], %add3A_2134 {strides = array<i32>} : memref<32x1024xf32, #tpu.memory_space<vmem>>, vector<16xf32>,
        %add3A_2138 = arith.addf %add3A_2122, %add3A_2134 : vector<16xf32>
        %mul3A_2139 = arith.mulf %add3A_2134, %add3A_2134 : vector<16xf32>
        %add3A_2140 = arith.addf %add3A_2124, %mul3A_2139 : vector<16xf32>
        %get3A_2141 = arith.index_cast %scan3A_1495 : i32 to index
        %get3A_2142 = arith.constant 640 : index
        %get3A_2143 = tpu.vector_load %arg19[%get3A_2141, %get3A_2142] {strides = array<i32>} : memref<32x1024xf32, #tpu.memory_space<vmem>>, vector<16xf32>,
        %get3A_2144 = arith.constant 640 : index
        %get3A_2145 = tpu.vector_load %arg11[%get3A_2144] {strides = array<i32>} : memref<1024xf32, #tpu.memory_space<vmem>>, vector<16xf32>,
        %add3A_2146 = arith.addf %get3A_2143, %get3A_2145 : vector<16xf32>
        %get3A_2147 = arith.constant 640 : index
        %get3A_2148 = tpu.vector_load %arg12[%get3A_2147] {strides = array<i32>} : memref<1024xf32, #tpu.memory_space<vmem>>, vector<16xf32>,
        %mul3A_2149 = arith.mulf %convert_element_type3A, %get3A_2148 : vector<16xf32>
        %add3A_2150 = arith.addf %add3A_2146, %mul3A_2149 : vector<16xf32>
        %swap3A_2151 = arith.index_cast %scan3A_1495 : i32 to index
        %swap3A_2152 = arith.constant 640 : index
        %swap3A_2153 = tpu.vector_load %arg19[%swap3A_2151, %swap3A_2152] {strides = array<i32>} : memref<32x1024xf32, #tpu.memory_space<vmem>>, vector<16xf32>,
        tpu.vector_store %arg19[%swap3A_2151, %swap3A_2152], %add3A_2150 {strides = array<i32>} : memref<32x1024xf32, #tpu.memory_space<vmem>>, vector<16xf32>,
        %add3A_2154 = arith.addf %add3A_2138, %add3A_2150 : vector<16xf32>
        %mul3A_2155 = arith.mulf %add3A_2150, %add3A_2150 : vector<16xf32>
        %add3A_2156 = arith.addf %add3A_2140, %mul3A_2155 : vector<16xf32>
        %get3A_2157 = arith.index_cast %scan3A_1495 : i32 to index
        %get3A_2158 = arith.constant 656 : index
        %get3A_2159 = tpu.vector_load %arg19[%get3A_2157, %get3A_2158] {strides = array<i32>} : memref<32x1024xf32, #tpu.memory_space<vmem>>, vector<16xf32>,
        %get3A_2160 = arith.constant 656 : index
        %get3A_2161 = tpu.vector_load %arg11[%get3A_2160] {strides = array<i32>} : memref<1024xf32, #tpu.memory_space<vmem>>, vector<16xf32>,
        %add3A_2162 = arith.addf %get3A_2159, %get3A_2161 : vector<16xf32>
        %get3A_2163 = arith.constant 656 : index
        %get3A_2164 = tpu.vector_load %arg12[%get3A_2163] {strides = array<i32>} : memref<1024xf32, #tpu.memory_space<vmem>>, vector<16xf32>,
        %mul3A_2165 = arith.mulf %convert_element_type3A, %get3A_2164 : vector<16xf32>
        %add3A_2166 = arith.addf %add3A_2162, %mul3A_2165 : vector<16xf32>
        %swap3A_2167 = arith.index_cast %scan3A_1495 : i32 to index
        %swap3A_2168 = arith.constant 656 : index
        %swap3A_2169 = tpu.vector_load %arg19[%swap3A_2167, %swap3A_2168] {strides = array<i32>} : memref<32x1024xf32, #tpu.memory_space<vmem>>, vector<16xf32>,
        tpu.vector_store %arg19[%swap3A_2167, %swap3A_2168], %add3A_2166 {strides = array<i32>} : memref<32x1024xf32, #tpu.memory_space<vmem>>, vector<16xf32>,
        %add3A_2170 = arith.addf %add3A_2154, %add3A_2166 : vector<16xf32>
        %mul3A_2171 = arith.mulf %add3A_2166, %add3A_2166 : vector<16xf32>
        %add3A_2172 = arith.addf %add3A_2156, %mul3A_2171 : vector<16xf32>
        %get3A_2173 = arith.index_cast %scan3A_1495 : i32 to index
        %get3A_2174 = arith.constant 672 : index
        %get3A_2175 = tpu.vector_load %arg19[%get3A_2173, %get3A_2174] {strides = array<i32>} : memref<32x1024xf32, #tpu.memory_space<vmem>>, vector<16xf32>,
        %get3A_2176 = arith.constant 672 : index
        %get3A_2177 = tpu.vector_load %arg11[%get3A_2176] {strides = array<i32>} : memref<1024xf32, #tpu.memory_space<vmem>>, vector<16xf32>,
        %add3A_2178 = arith.addf %get3A_2175, %get3A_2177 : vector<16xf32>
        %get3A_2179 = arith.constant 672 : index
        %get3A_2180 = tpu.vector_load %arg12[%get3A_2179] {strides = array<i32>} : memref<1024xf32, #tpu.memory_space<vmem>>, vector<16xf32>,
        %mul3A_2181 = arith.mulf %convert_element_type3A, %get3A_2180 : vector<16xf32>
        %add3A_2182 = arith.addf %add3A_2178, %mul3A_2181 : vector<16xf32>
        %swap3A_2183 = arith.index_cast %scan3A_1495 : i32 to index
        %swap3A_2184 = arith.constant 672 : index
        %swap3A_2185 = tpu.vector_load %arg19[%swap3A_2183, %swap3A_2184] {strides = array<i32>} : memref<32x1024xf32, #tpu.memory_space<vmem>>, vector<16xf32>,
        tpu.vector_store %arg19[%swap3A_2183, %swap3A_2184], %add3A_2182 {strides = array<i32>} : memref<32x1024xf32, #tpu.memory_space<vmem>>, vector<16xf32>,
        %add3A_2186 = arith.addf %add3A_2170, %add3A_2182 : vector<16xf32>
        %mul3A_2187 = arith.mulf %add3A_2182, %add3A_2182 : vector<16xf32>
        %add3A_2188 = arith.addf %add3A_2172, %mul3A_2187 : vector<16xf32>
        %get3A_2189 = arith.index_cast %scan3A_1495 : i32 to index
        %get3A_2190 = arith.constant 688 : index
        %get3A_2191 = tpu.vector_load %arg19[%get3A_2189, %get3A_2190] {strides = array<i32>} : memref<32x1024xf32, #tpu.memory_space<vmem>>, vector<16xf32>,
        %get3A_2192 = arith.constant 688 : index
        %get3A_2193 = tpu.vector_load %arg11[%get3A_2192] {strides = array<i32>} : memref<1024xf32, #tpu.memory_space<vmem>>, vector<16xf32>,
        %add3A_2194 = arith.addf %get3A_2191, %get3A_2193 : vector<16xf32>
        %get3A_2195 = arith.constant 688 : index
        %get3A_2196 = tpu.vector_load %arg12[%get3A_2195] {strides = array<i32>} : memref<1024xf32, #tpu.memory_space<vmem>>, vector<16xf32>,
        %mul3A_2197 = arith.mulf %convert_element_type3A, %get3A_2196 : vector<16xf32>
        %add3A_2198 = arith.addf %add3A_2194, %mul3A_2197 : vector<16xf32>
        %swap3A_2199 = arith.index_cast %scan3A_1495 : i32 to index
        %swap3A_2200 = arith.constant 688 : index
        %swap3A_2201 = tpu.vector_load %arg19[%swap3A_2199, %swap3A_2200] {strides = array<i32>} : memref<32x1024xf32, #tpu.memory_space<vmem>>, vector<16xf32>,
        tpu.vector_store %arg19[%swap3A_2199, %swap3A_2200], %add3A_2198 {strides = array<i32>} : memref<32x1024xf32, #tpu.memory_space<vmem>>, vector<16xf32>,
        %add3A_2202 = arith.addf %add3A_2186, %add3A_2198 : vector<16xf32>
        %mul3A_2203 = arith.mulf %add3A_2198, %add3A_2198 : vector<16xf32>
        %add3A_2204 = arith.addf %add3A_2188, %mul3A_2203 : vector<16xf32>
        %get3A_2205 = arith.index_cast %scan3A_1495 : i32 to index
        %get3A_2206 = arith.constant 704 : index
        %get3A_2207 = tpu.vector_load %arg19[%get3A_2205, %get3A_2206] {strides = array<i32>} : memref<32x1024xf32, #tpu.memory_space<vmem>>, vector<16xf32>,
        %get3A_2208 = arith.constant 704 : index
        %get3A_2209 = tpu.vector_load %arg11[%get3A_2208] {strides = array<i32>} : memref<1024xf32, #tpu.memory_space<vmem>>, vector<16xf32>,
        %add3A_2210 = arith.addf %get3A_2207, %get3A_2209 : vector<16xf32>
        %get3A_2211 = arith.constant 704 : index
        %get3A_2212 = tpu.vector_load %arg12[%get3A_2211] {strides = array<i32>} : memref<1024xf32, #tpu.memory_space<vmem>>, vector<16xf32>,
        %mul3A_2213 = arith.mulf %convert_element_type3A, %get3A_2212 : vector<16xf32>
        %add3A_2214 = arith.addf %add3A_2210, %mul3A_2213 : vector<16xf32>
        %swap3A_2215 = arith.index_cast %scan3A_1495 : i32 to index
        %swap3A_2216 = arith.constant 704 : index
        %swap3A_2217 = tpu.vector_load %arg19[%swap3A_2215, %swap3A_2216] {strides = array<i32>} : memref<32x1024xf32, #tpu.memory_space<vmem>>, vector<16xf32>,
        tpu.vector_store %arg19[%swap3A_2215, %swap3A_2216], %add3A_2214 {strides = array<i32>} : memref<32x1024xf32, #tpu.memory_space<vmem>>, vector<16xf32>,
        %add3A_2218 = arith.addf %add3A_2202, %add3A_2214 : vector<16xf32>
        %mul3A_2219 = arith.mulf %add3A_2214, %add3A_2214 : vector<16xf32>
        %add3A_2220 = arith.addf %add3A_2204, %mul3A_2219 : vector<16xf32>
        %get3A_2221 = arith.index_cast %scan3A_1495 : i32 to index
        %get3A_2222 = arith.constant 720 : index
        %get3A_2223 = tpu.vector_load %arg19[%get3A_2221, %get3A_2222] {strides = array<i32>} : memref<32x1024xf32, #tpu.memory_space<vmem>>, vector<16xf32>,
        %get3A_2224 = arith.constant 720 : index
        %get3A_2225 = tpu.vector_load %arg11[%get3A_2224] {strides = array<i32>} : memref<1024xf32, #tpu.memory_space<vmem>>, vector<16xf32>,
        %add3A_2226 = arith.addf %get3A_2223, %get3A_2225 : vector<16xf32>
        %get3A_2227 = arith.constant 720 : index
        %get3A_2228 = tpu.vector_load %arg12[%get3A_2227] {strides = array<i32>} : memref<1024xf32, #tpu.memory_space<vmem>>, vector<16xf32>,
        %mul3A_2229 = arith.mulf %convert_element_type3A, %get3A_2228 : vector<16xf32>
        %add3A_2230 = arith.addf %add3A_2226, %mul3A_2229 : vector<16xf32>
        %swap3A_2231 = arith.index_cast %scan3A_1495 : i32 to index
        %swap3A_2232 = arith.constant 720 : index
        %swap3A_2233 = tpu.vector_load %arg19[%swap3A_2231, %swap3A_2232] {strides = array<i32>} : memref<32x1024xf32, #tpu.memory_space<vmem>>, vector<16xf32>,
        tpu.vector_store %arg19[%swap3A_2231, %swap3A_2232], %add3A_2230 {strides = array<i32>} : memref<32x1024xf32, #tpu.memory_space<vmem>>, vector<16xf32>,
        %add3A_2234 = arith.addf %add3A_2218, %add3A_2230 : vector<16xf32>
        %mul3A_2235 = arith.mulf %add3A_2230, %add3A_2230 : vector<16xf32>
        %add3A_2236 = arith.addf %add3A_2220, %mul3A_2235 : vector<16xf32>
        %get3A_2237 = arith.index_cast %scan3A_1495 : i32 to index
        %get3A_2238 = arith.constant 736 : index
        %get3A_2239 = tpu.vector_load %arg19[%get3A_2237, %get3A_2238] {strides = array<i32>} : memref<32x1024xf32, #tpu.memory_space<vmem>>, vector<16xf32>,
        %get3A_2240 = arith.constant 736 : index
        %get3A_2241 = tpu.vector_load %arg11[%get3A_2240] {strides = array<i32>} : memref<1024xf32, #tpu.memory_space<vmem>>, vector<16xf32>,
        %add3A_2242 = arith.addf %get3A_2239, %get3A_2241 : vector<16xf32>
        %get3A_2243 = arith.constant 736 : index
        %get3A_2244 = tpu.vector_load %arg12[%get3A_2243] {strides = array<i32>} : memref<1024xf32, #tpu.memory_space<vmem>>, vector<16xf32>,
        %mul3A_2245 = arith.mulf %convert_element_type3A, %get3A_2244 : vector<16xf32>
        %add3A_2246 = arith.addf %add3A_2242, %mul3A_2245 : vector<16xf32>
        %swap3A_2247 = arith.index_cast %scan3A_1495 : i32 to index
        %swap3A_2248 = arith.constant 736 : index
        %swap3A_2249 = tpu.vector_load %arg19[%swap3A_2247, %swap3A_2248] {strides = array<i32>} : memref<32x1024xf32, #tpu.memory_space<vmem>>, vector<16xf32>,
        tpu.vector_store %arg19[%swap3A_2247, %swap3A_2248], %add3A_2246 {strides = array<i32>} : memref<32x1024xf32, #tpu.memory_space<vmem>>, vector<16xf32>,
        %add3A_2250 = arith.addf %add3A_2234, %add3A_2246 : vector<16xf32>
        %mul3A_2251 = arith.mulf %add3A_2246, %add3A_2246 : vector<16xf32>
        %add3A_2252 = arith.addf %add3A_2236, %mul3A_2251 : vector<16xf32>
        %get3A_2253 = arith.index_cast %scan3A_1495 : i32 to index
        %get3A_2254 = arith.constant 752 : index
        %get3A_2255 = tpu.vector_load %arg19[%get3A_2253, %get3A_2254] {strides = array<i32>} : memref<32x1024xf32, #tpu.memory_space<vmem>>, vector<16xf32>,
        %get3A_2256 = arith.constant 752 : index
        %get3A_2257 = tpu.vector_load %arg11[%get3A_2256] {strides = array<i32>} : memref<1024xf32, #tpu.memory_space<vmem>>, vector<16xf32>,
        %add3A_2258 = arith.addf %get3A_2255, %get3A_2257 : vector<16xf32>
        %get3A_2259 = arith.constant 752 : index
        %get3A_2260 = tpu.vector_load %arg12[%get3A_2259] {strides = array<i32>} : memref<1024xf32, #tpu.memory_space<vmem>>, vector<16xf32>,
        %mul3A_2261 = arith.mulf %convert_element_type3A, %get3A_2260 : vector<16xf32>
        %add3A_2262 = arith.addf %add3A_2258, %mul3A_2261 : vector<16xf32>
        %swap3A_2263 = arith.index_cast %scan3A_1495 : i32 to index
        %swap3A_2264 = arith.constant 752 : index
        %swap3A_2265 = tpu.vector_load %arg19[%swap3A_2263, %swap3A_2264] {strides = array<i32>} : memref<32x1024xf32, #tpu.memory_space<vmem>>, vector<16xf32>,
        tpu.vector_store %arg19[%swap3A_2263, %swap3A_2264], %add3A_2262 {strides = array<i32>} : memref<32x1024xf32, #tpu.memory_space<vmem>>, vector<16xf32>,
        %add3A_2266 = arith.addf %add3A_2250, %add3A_2262 : vector<16xf32>
        %mul3A_2267 = arith.mulf %add3A_2262, %add3A_2262 : vector<16xf32>
        %add3A_2268 = arith.addf %add3A_2252, %mul3A_2267 : vector<16xf32>
        %get3A_2269 = arith.index_cast %scan3A_1495 : i32 to index
        %get3A_2270 = arith.constant 768 : index
        %get3A_2271 = tpu.vector_load %arg19[%get3A_2269, %get3A_2270] {strides = array<i32>} : memref<32x1024xf32, #tpu.memory_space<vmem>>, vector<16xf32>,
        %get3A_2272 = arith.constant 768 : index
        %get3A_2273 = tpu.vector_load %arg11[%get3A_2272] {strides = array<i32>} : memref<1024xf32, #tpu.memory_space<vmem>>, vector<16xf32>,
        %add3A_2274 = arith.addf %get3A_2271, %get3A_2273 : vector<16xf32>
        %get3A_2275 = arith.constant 768 : index
        %get3A_2276 = tpu.vector_load %arg12[%get3A_2275] {strides = array<i32>} : memref<1024xf32, #tpu.memory_space<vmem>>, vector<16xf32>,
        %mul3A_2277 = arith.mulf %convert_element_type3A, %get3A_2276 : vector<16xf32>
        %add3A_2278 = arith.addf %add3A_2274, %mul3A_2277 : vector<16xf32>
        %swap3A_2279 = arith.index_cast %scan3A_1495 : i32 to index
        %swap3A_2280 = arith.constant 768 : index
        %swap3A_2281 = tpu.vector_load %arg19[%swap3A_2279, %swap3A_2280] {strides = array<i32>} : memref<32x1024xf32, #tpu.memory_space<vmem>>, vector<16xf32>,
        tpu.vector_store %arg19[%swap3A_2279, %swap3A_2280], %add3A_2278 {strides = array<i32>} : memref<32x1024xf32, #tpu.memory_space<vmem>>, vector<16xf32>,
        %add3A_2282 = arith.addf %add3A_2266, %add3A_2278 : vector<16xf32>
        %mul3A_2283 = arith.mulf %add3A_2278, %add3A_2278 : vector<16xf32>
        %add3A_2284 = arith.addf %add3A_2268, %mul3A_2283 : vector<16xf32>
        %get3A_2285 = arith.index_cast %scan3A_1495 : i32 to index
        %get3A_2286 = arith.constant 784 : index
        %get3A_2287 = tpu.vector_load %arg19[%get3A_2285, %get3A_2286] {strides = array<i32>} : memref<32x1024xf32, #tpu.memory_space<vmem>>, vector<16xf32>,
        %get3A_2288 = arith.constant 784 : index
        %get3A_2289 = tpu.vector_load %arg11[%get3A_2288] {strides = array<i32>} : memref<1024xf32, #tpu.memory_space<vmem>>, vector<16xf32>,
        %add3A_2290 = arith.addf %get3A_2287, %get3A_2289 : vector<16xf32>
        %get3A_2291 = arith.constant 784 : index
        %get3A_2292 = tpu.vector_load %arg12[%get3A_2291] {strides = array<i32>} : memref<1024xf32, #tpu.memory_space<vmem>>, vector<16xf32>,
        %mul3A_2293 = arith.mulf %convert_element_type3A, %get3A_2292 : vector<16xf32>
        %add3A_2294 = arith.addf %add3A_2290, %mul3A_2293 : vector<16xf32>
        %swap3A_2295 = arith.index_cast %scan3A_1495 : i32 to index
        %swap3A_2296 = arith.constant 784 : index
        %swap3A_2297 = tpu.vector_load %arg19[%swap3A_2295, %swap3A_2296] {strides = array<i32>} : memref<32x1024xf32, #tpu.memory_space<vmem>>, vector<16xf32>,
        tpu.vector_store %arg19[%swap3A_2295, %swap3A_2296], %add3A_2294 {strides = array<i32>} : memref<32x1024xf32, #tpu.memory_space<vmem>>, vector<16xf32>,
        %add3A_2298 = arith.addf %add3A_2282, %add3A_2294 : vector<16xf32>
        %mul3A_2299 = arith.mulf %add3A_2294, %add3A_2294 : vector<16xf32>
        %add3A_2300 = arith.addf %add3A_2284, %mul3A_2299 : vector<16xf32>
        %get3A_2301 = arith.index_cast %scan3A_1495 : i32 to index
        %get3A_2302 = arith.constant 800 : index
        %get3A_2303 = tpu.vector_load %arg19[%get3A_2301, %get3A_2302] {strides = array<i32>} : memref<32x1024xf32, #tpu.memory_space<vmem>>, vector<16xf32>,
        %get3A_2304 = arith.constant 800 : index
        %get3A_2305 = tpu.vector_load %arg11[%get3A_2304] {strides = array<i32>} : memref<1024xf32, #tpu.memory_space<vmem>>, vector<16xf32>,
        %add3A_2306 = arith.addf %get3A_2303, %get3A_2305 : vector<16xf32>
        %get3A_2307 = arith.constant 800 : index
        %get3A_2308 = tpu.vector_load %arg12[%get3A_2307] {strides = array<i32>} : memref<1024xf32, #tpu.memory_space<vmem>>, vector<16xf32>,
        %mul3A_2309 = arith.mulf %convert_element_type3A, %get3A_2308 : vector<16xf32>
        %add3A_2310 = arith.addf %add3A_2306, %mul3A_2309 : vector<16xf32>
        %swap3A_2311 = arith.index_cast %scan3A_1495 : i32 to index
        %swap3A_2312 = arith.constant 800 : index
        %swap3A_2313 = tpu.vector_load %arg19[%swap3A_2311, %swap3A_2312] {strides = array<i32>} : memref<32x1024xf32, #tpu.memory_space<vmem>>, vector<16xf32>,
        tpu.vector_store %arg19[%swap3A_2311, %swap3A_2312], %add3A_2310 {strides = array<i32>} : memref<32x1024xf32, #tpu.memory_space<vmem>>, vector<16xf32>,
        %add3A_2314 = arith.addf %add3A_2298, %add3A_2310 : vector<16xf32>
        %mul3A_2315 = arith.mulf %add3A_2310, %add3A_2310 : vector<16xf32>
        %add3A_2316 = arith.addf %add3A_2300, %mul3A_2315 : vector<16xf32>
        %get3A_2317 = arith.index_cast %scan3A_1495 : i32 to index
        %get3A_2318 = arith.constant 816 : index
        %get3A_2319 = tpu.vector_load %arg19[%get3A_2317, %get3A_2318] {strides = array<i32>} : memref<32x1024xf32, #tpu.memory_space<vmem>>, vector<16xf32>,
        %get3A_2320 = arith.constant 816 : index
        %get3A_2321 = tpu.vector_load %arg11[%get3A_2320] {strides = array<i32>} : memref<1024xf32, #tpu.memory_space<vmem>>, vector<16xf32>,
        %add3A_2322 = arith.addf %get3A_2319, %get3A_2321 : vector<16xf32>
        %get3A_2323 = arith.constant 816 : index
        %get3A_2324 = tpu.vector_load %arg12[%get3A_2323] {strides = array<i32>} : memref<1024xf32, #tpu.memory_space<vmem>>, vector<16xf32>,
        %mul3A_2325 = arith.mulf %convert_element_type3A, %get3A_2324 : vector<16xf32>
        %add3A_2326 = arith.addf %add3A_2322, %mul3A_2325 : vector<16xf32>
        %swap3A_2327 = arith.index_cast %scan3A_1495 : i32 to index
        %swap3A_2328 = arith.constant 816 : index
        %swap3A_2329 = tpu.vector_load %arg19[%swap3A_2327, %swap3A_2328] {strides = array<i32>} : memref<32x1024xf32, #tpu.memory_space<vmem>>, vector<16xf32>,
        tpu.vector_store %arg19[%swap3A_2327, %swap3A_2328], %add3A_2326 {strides = array<i32>} : memref<32x1024xf32, #tpu.memory_space<vmem>>, vector<16xf32>,
        %add3A_2330 = arith.addf %add3A_2314, %add3A_2326 : vector<16xf32>
        %mul3A_2331 = arith.mulf %add3A_2326, %add3A_2326 : vector<16xf32>
        %add3A_2332 = arith.addf %add3A_2316, %mul3A_2331 : vector<16xf32>
        %get3A_2333 = arith.index_cast %scan3A_1495 : i32 to index
        %get3A_2334 = arith.constant 832 : index
        %get3A_2335 = tpu.vector_load %arg19[%get3A_2333, %get3A_2334] {strides = array<i32>} : memref<32x1024xf32, #tpu.memory_space<vmem>>, vector<16xf32>,
        %get3A_2336 = arith.constant 832 : index
        %get3A_2337 = tpu.vector_load %arg11[%get3A_2336] {strides = array<i32>} : memref<1024xf32, #tpu.memory_space<vmem>>, vector<16xf32>,
        %add3A_2338 = arith.addf %get3A_2335, %get3A_2337 : vector<16xf32>
        %get3A_2339 = arith.constant 832 : index
        %get3A_2340 = tpu.vector_load %arg12[%get3A_2339] {strides = array<i32>} : memref<1024xf32, #tpu.memory_space<vmem>>, vector<16xf32>,
        %mul3A_2341 = arith.mulf %convert_element_type3A, %get3A_2340 : vector<16xf32>
        %add3A_2342 = arith.addf %add3A_2338, %mul3A_2341 : vector<16xf32>
        %swap3A_2343 = arith.index_cast %scan3A_1495 : i32 to index
        %swap3A_2344 = arith.constant 832 : index
        %swap3A_2345 = tpu.vector_load %arg19[%swap3A_2343, %swap3A_2344] {strides = array<i32>} : memref<32x1024xf32, #tpu.memory_space<vmem>>, vector<16xf32>,
        tpu.vector_store %arg19[%swap3A_2343, %swap3A_2344], %add3A_2342 {strides = array<i32>} : memref<32x1024xf32, #tpu.memory_space<vmem>>, vector<16xf32>,
        %add3A_2346 = arith.addf %add3A_2330, %add3A_2342 : vector<16xf32>
        %mul3A_2347 = arith.mulf %add3A_2342, %add3A_2342 : vector<16xf32>
        %add3A_2348 = arith.addf %add3A_2332, %mul3A_2347 : vector<16xf32>
        %get3A_2349 = arith.index_cast %scan3A_1495 : i32 to index
        %get3A_2350 = arith.constant 848 : index
        %get3A_2351 = tpu.vector_load %arg19[%get3A_2349, %get3A_2350] {strides = array<i32>} : memref<32x1024xf32, #tpu.memory_space<vmem>>, vector<16xf32>,
        %get3A_2352 = arith.constant 848 : index
        %get3A_2353 = tpu.vector_load %arg11[%get3A_2352] {strides = array<i32>} : memref<1024xf32, #tpu.memory_space<vmem>>, vector<16xf32>,
        %add3A_2354 = arith.addf %get3A_2351, %get3A_2353 : vector<16xf32>
        %get3A_2355 = arith.constant 848 : index
        %get3A_2356 = tpu.vector_load %arg12[%get3A_2355] {strides = array<i32>} : memref<1024xf32, #tpu.memory_space<vmem>>, vector<16xf32>,
        %mul3A_2357 = arith.mulf %convert_element_type3A, %get3A_2356 : vector<16xf32>
        %add3A_2358 = arith.addf %add3A_2354, %mul3A_2357 : vector<16xf32>
        %swap3A_2359 = arith.index_cast %scan3A_1495 : i32 to index
        %swap3A_2360 = arith.constant 848 : index
        %swap3A_2361 = tpu.vector_load %arg19[%swap3A_2359, %swap3A_2360] {strides = array<i32>} : memref<32x1024xf32, #tpu.memory_space<vmem>>, vector<16xf32>,
        tpu.vector_store %arg19[%swap3A_2359, %swap3A_2360], %add3A_2358 {strides = array<i32>} : memref<32x1024xf32, #tpu.memory_space<vmem>>, vector<16xf32>,
        %add3A_2362 = arith.addf %add3A_2346, %add3A_2358 : vector<16xf32>
        %mul3A_2363 = arith.mulf %add3A_2358, %add3A_2358 : vector<16xf32>
        %add3A_2364 = arith.addf %add3A_2348, %mul3A_2363 : vector<16xf32>
        %get3A_2365 = arith.index_cast %scan3A_1495 : i32 to index
        %get3A_2366 = arith.constant 864 : index
        %get3A_2367 = tpu.vector_load %arg19[%get3A_2365, %get3A_2366] {strides = array<i32>} : memref<32x1024xf32, #tpu.memory_space<vmem>>, vector<16xf32>,
        %get3A_2368 = arith.constant 864 : index
        %get3A_2369 = tpu.vector_load %arg11[%get3A_2368] {strides = array<i32>} : memref<1024xf32, #tpu.memory_space<vmem>>, vector<16xf32>,
        %add3A_2370 = arith.addf %get3A_2367, %get3A_2369 : vector<16xf32>
        %get3A_2371 = arith.constant 864 : index
        %get3A_2372 = tpu.vector_load %arg12[%get3A_2371] {strides = array<i32>} : memref<1024xf32, #tpu.memory_space<vmem>>, vector<16xf32>,
        %mul3A_2373 = arith.mulf %convert_element_type3A, %get3A_2372 : vector<16xf32>
        %add3A_2374 = arith.addf %add3A_2370, %mul3A_2373 : vector<16xf32>
        %swap3A_2375 = arith.index_cast %scan3A_1495 : i32 to index
        %swap3A_2376 = arith.constant 864 : index
        %swap3A_2377 = tpu.vector_load %arg19[%swap3A_2375, %swap3A_2376] {strides = array<i32>} : memref<32x1024xf32, #tpu.memory_space<vmem>>, vector<16xf32>,
        tpu.vector_store %arg19[%swap3A_2375, %swap3A_2376], %add3A_2374 {strides = array<i32>} : memref<32x1024xf32, #tpu.memory_space<vmem>>, vector<16xf32>,
        %add3A_2378 = arith.addf %add3A_2362, %add3A_2374 : vector<16xf32>
        %mul3A_2379 = arith.mulf %add3A_2374, %add3A_2374 : vector<16xf32>
        %add3A_2380 = arith.addf %add3A_2364, %mul3A_2379 : vector<16xf32>
        %get3A_2381 = arith.index_cast %scan3A_1495 : i32 to index
        %get3A_2382 = arith.constant 880 : index
        %get3A_2383 = tpu.vector_load %arg19[%get3A_2381, %get3A_2382] {strides = array<i32>} : memref<32x1024xf32, #tpu.memory_space<vmem>>, vector<16xf32>,
        %get3A_2384 = arith.constant 880 : index
        %get3A_2385 = tpu.vector_load %arg11[%get3A_2384] {strides = array<i32>} : memref<1024xf32, #tpu.memory_space<vmem>>, vector<16xf32>,
        %add3A_2386 = arith.addf %get3A_2383, %get3A_2385 : vector<16xf32>
        %get3A_2387 = arith.constant 880 : index
        %get3A_2388 = tpu.vector_load %arg12[%get3A_2387] {strides = array<i32>} : memref<1024xf32, #tpu.memory_space<vmem>>, vector<16xf32>,
        %mul3A_2389 = arith.mulf %convert_element_type3A, %get3A_2388 : vector<16xf32>
        %add3A_2390 = arith.addf %add3A_2386, %mul3A_2389 : vector<16xf32>
        %swap3A_2391 = arith.index_cast %scan3A_1495 : i32 to index
        %swap3A_2392 = arith.constant 880 : index
        %swap3A_2393 = tpu.vector_load %arg19[%swap3A_2391, %swap3A_2392] {strides = array<i32>} : memref<32x1024xf32, #tpu.memory_space<vmem>>, vector<16xf32>,
        tpu.vector_store %arg19[%swap3A_2391, %swap3A_2392], %add3A_2390 {strides = array<i32>} : memref<32x1024xf32, #tpu.memory_space<vmem>>, vector<16xf32>,
        %add3A_2394 = arith.addf %add3A_2378, %add3A_2390 : vector<16xf32>
        %mul3A_2395 = arith.mulf %add3A_2390, %add3A_2390 : vector<16xf32>
        %add3A_2396 = arith.addf %add3A_2380, %mul3A_2395 : vector<16xf32>
        %get3A_2397 = arith.index_cast %scan3A_1495 : i32 to index
        %get3A_2398 = arith.constant 896 : index
        %get3A_2399 = tpu.vector_load %arg19[%get3A_2397, %get3A_2398] {strides = array<i32>} : memref<32x1024xf32, #tpu.memory_space<vmem>>, vector<16xf32>,
        %get3A_2400 = arith.constant 896 : index
        %get3A_2401 = tpu.vector_load %arg11[%get3A_2400] {strides = array<i32>} : memref<1024xf32, #tpu.memory_space<vmem>>, vector<16xf32>,
        %add3A_2402 = arith.addf %get3A_2399, %get3A_2401 : vector<16xf32>
        %get3A_2403 = arith.constant 896 : index
        %get3A_2404 = tpu.vector_load %arg12[%get3A_2403] {strides = array<i32>} : memref<1024xf32, #tpu.memory_space<vmem>>, vector<16xf32>,
        %mul3A_2405 = arith.mulf %convert_element_type3A, %get3A_2404 : vector<16xf32>
        %add3A_2406 = arith.addf %add3A_2402, %mul3A_2405 : vector<16xf32>
        %swap3A_2407 = arith.index_cast %scan3A_1495 : i32 to index
        %swap3A_2408 = arith.constant 896 : index
        %swap3A_2409 = tpu.vector_load %arg19[%swap3A_2407, %swap3A_2408] {strides = array<i32>} : memref<32x1024xf32, #tpu.memory_space<vmem>>, vector<16xf32>,
        tpu.vector_store %arg19[%swap3A_2407, %swap3A_2408], %add3A_2406 {strides = array<i32>} : memref<32x1024xf32, #tpu.memory_space<vmem>>, vector<16xf32>,
        %add3A_2410 = arith.addf %add3A_2394, %add3A_2406 : vector<16xf32>
        %mul3A_2411 = arith.mulf %add3A_2406, %add3A_2406 : vector<16xf32>
        %add3A_2412 = arith.addf %add3A_2396, %mul3A_2411 : vector<16xf32>
        %get3A_2413 = arith.index_cast %scan3A_1495 : i32 to index
        %get3A_2414 = arith.constant 912 : index
        %get3A_2415 = tpu.vector_load %arg19[%get3A_2413, %get3A_2414] {strides = array<i32>} : memref<32x1024xf32, #tpu.memory_space<vmem>>, vector<16xf32>,
        %get3A_2416 = arith.constant 912 : index
        %get3A_2417 = tpu.vector_load %arg11[%get3A_2416] {strides = array<i32>} : memref<1024xf32, #tpu.memory_space<vmem>>, vector<16xf32>,
        %add3A_2418 = arith.addf %get3A_2415, %get3A_2417 : vector<16xf32>
        %get3A_2419 = arith.constant 912 : index
        %get3A_2420 = tpu.vector_load %arg12[%get3A_2419] {strides = array<i32>} : memref<1024xf32, #tpu.memory_space<vmem>>, vector<16xf32>,
        %mul3A_2421 = arith.mulf %convert_element_type3A, %get3A_2420 : vector<16xf32>
        %add3A_2422 = arith.addf %add3A_2418, %mul3A_2421 : vector<16xf32>
        %swap3A_2423 = arith.index_cast %scan3A_1495 : i32 to index
        %swap3A_2424 = arith.constant 912 : index
        %swap3A_2425 = tpu.vector_load %arg19[%swap3A_2423, %swap3A_2424] {strides = array<i32>} : memref<32x1024xf32, #tpu.memory_space<vmem>>, vector<16xf32>,
        tpu.vector_store %arg19[%swap3A_2423, %swap3A_2424], %add3A_2422 {strides = array<i32>} : memref<32x1024xf32, #tpu.memory_space<vmem>>, vector<16xf32>,
        %add3A_2426 = arith.addf %add3A_2410, %add3A_2422 : vector<16xf32>
        %mul3A_2427 = arith.mulf %add3A_2422, %add3A_2422 : vector<16xf32>
        %add3A_2428 = arith.addf %add3A_2412, %mul3A_2427 : vector<16xf32>
        %get3A_2429 = arith.index_cast %scan3A_1495 : i32 to index
        %get3A_2430 = arith.constant 928 : index
        %get3A_2431 = tpu.vector_load %arg19[%get3A_2429, %get3A_2430] {strides = array<i32>} : memref<32x1024xf32, #tpu.memory_space<vmem>>, vector<16xf32>,
        %get3A_2432 = arith.constant 928 : index
        %get3A_2433 = tpu.vector_load %arg11[%get3A_2432] {strides = array<i32>} : memref<1024xf32, #tpu.memory_space<vmem>>, vector<16xf32>,
        %add3A_2434 = arith.addf %get3A_2431, %get3A_2433 : vector<16xf32>
        %get3A_2435 = arith.constant 928 : index
        %get3A_2436 = tpu.vector_load %arg12[%get3A_2435] {strides = array<i32>} : memref<1024xf32, #tpu.memory_space<vmem>>, vector<16xf32>,
        %mul3A_2437 = arith.mulf %convert_element_type3A, %get3A_2436 : vector<16xf32>
        %add3A_2438 = arith.addf %add3A_2434, %mul3A_2437 : vector<16xf32>
        %swap3A_2439 = arith.index_cast %scan3A_1495 : i32 to index
        %swap3A_2440 = arith.constant 928 : index
        %swap3A_2441 = tpu.vector_load %arg19[%swap3A_2439, %swap3A_2440] {strides = array<i32>} : memref<32x1024xf32, #tpu.memory_space<vmem>>, vector<16xf32>,
        tpu.vector_store %arg19[%swap3A_2439, %swap3A_2440], %add3A_2438 {strides = array<i32>} : memref<32x1024xf32, #tpu.memory_space<vmem>>, vector<16xf32>,
        %add3A_2442 = arith.addf %add3A_2426, %add3A_2438 : vector<16xf32>
        %mul3A_2443 = arith.mulf %add3A_2438, %add3A_2438 : vector<16xf32>
        %add3A_2444 = arith.addf %add3A_2428, %mul3A_2443 : vector<16xf32>
        %get3A_2445 = arith.index_cast %scan3A_1495 : i32 to index
        %get3A_2446 = arith.constant 944 : index
        %get3A_2447 = tpu.vector_load %arg19[%get3A_2445, %get3A_2446] {strides = array<i32>} : memref<32x1024xf32, #tpu.memory_space<vmem>>, vector<16xf32>,
        %get3A_2448 = arith.constant 944 : index
        %get3A_2449 = tpu.vector_load %arg11[%get3A_2448] {strides = array<i32>} : memref<1024xf32, #tpu.memory_space<vmem>>, vector<16xf32>,
        %add3A_2450 = arith.addf %get3A_2447, %get3A_2449 : vector<16xf32>
        %get3A_2451 = arith.constant 944 : index
        %get3A_2452 = tpu.vector_load %arg12[%get3A_2451] {strides = array<i32>} : memref<1024xf32, #tpu.memory_space<vmem>>, vector<16xf32>,
        %mul3A_2453 = arith.mulf %convert_element_type3A, %get3A_2452 : vector<16xf32>
        %add3A_2454 = arith.addf %add3A_2450, %mul3A_2453 : vector<16xf32>
        %swap3A_2455 = arith.index_cast %scan3A_1495 : i32 to index
        %swap3A_2456 = arith.constant 944 : index
        %swap3A_2457 = tpu.vector_load %arg19[%swap3A_2455, %swap3A_2456] {strides = array<i32>} : memref<32x1024xf32, #tpu.memory_space<vmem>>, vector<16xf32>,
        tpu.vector_store %arg19[%swap3A_2455, %swap3A_2456], %add3A_2454 {strides = array<i32>} : memref<32x1024xf32, #tpu.memory_space<vmem>>, vector<16xf32>,
        %add3A_2458 = arith.addf %add3A_2442, %add3A_2454 : vector<16xf32>
        %mul3A_2459 = arith.mulf %add3A_2454, %add3A_2454 : vector<16xf32>
        %add3A_2460 = arith.addf %add3A_2444, %mul3A_2459 : vector<16xf32>
        %get3A_2461 = arith.index_cast %scan3A_1495 : i32 to index
        %get3A_2462 = arith.constant 960 : index
        %get3A_2463 = tpu.vector_load %arg19[%get3A_2461, %get3A_2462] {strides = array<i32>} : memref<32x1024xf32, #tpu.memory_space<vmem>>, vector<16xf32>,
        %get3A_2464 = arith.constant 960 : index
        %get3A_2465 = tpu.vector_load %arg11[%get3A_2464] {strides = array<i32>} : memref<1024xf32, #tpu.memory_space<vmem>>, vector<16xf32>,
        %add3A_2466 = arith.addf %get3A_2463, %get3A_2465 : vector<16xf32>
        %get3A_2467 = arith.constant 960 : index
        %get3A_2468 = tpu.vector_load %arg12[%get3A_2467] {strides = array<i32>} : memref<1024xf32, #tpu.memory_space<vmem>>, vector<16xf32>,
        %mul3A_2469 = arith.mulf %convert_element_type3A, %get3A_2468 : vector<16xf32>
        %add3A_2470 = arith.addf %add3A_2466, %mul3A_2469 : vector<16xf32>
        %swap3A_2471 = arith.index_cast %scan3A_1495 : i32 to index
        %swap3A_2472 = arith.constant 960 : index
        %swap3A_2473 = tpu.vector_load %arg19[%swap3A_2471, %swap3A_2472] {strides = array<i32>} : memref<32x1024xf32, #tpu.memory_space<vmem>>, vector<16xf32>,
        tpu.vector_store %arg19[%swap3A_2471, %swap3A_2472], %add3A_2470 {strides = array<i32>} : memref<32x1024xf32, #tpu.memory_space<vmem>>, vector<16xf32>,
        %add3A_2474 = arith.addf %add3A_2458, %add3A_2470 : vector<16xf32>
        %mul3A_2475 = arith.mulf %add3A_2470, %add3A_2470 : vector<16xf32>
        %add3A_2476 = arith.addf %add3A_2460, %mul3A_2475 : vector<16xf32>
        %get3A_2477 = arith.index_cast %scan3A_1495 : i32 to index
        %get3A_2478 = arith.constant 976 : index
        %get3A_2479 = tpu.vector_load %arg19[%get3A_2477, %get3A_2478] {strides = array<i32>} : memref<32x1024xf32, #tpu.memory_space<vmem>>, vector<16xf32>,
        %get3A_2480 = arith.constant 976 : index
        %get3A_2481 = tpu.vector_load %arg11[%get3A_2480] {strides = array<i32>} : memref<1024xf32, #tpu.memory_space<vmem>>, vector<16xf32>,
        %add3A_2482 = arith.addf %get3A_2479, %get3A_2481 : vector<16xf32>
        %get3A_2483 = arith.constant 976 : index
        %get3A_2484 = tpu.vector_load %arg12[%get3A_2483] {strides = array<i32>} : memref<1024xf32, #tpu.memory_space<vmem>>, vector<16xf32>,
        %mul3A_2485 = arith.mulf %convert_element_type3A, %get3A_2484 : vector<16xf32>
        %add3A_2486 = arith.addf %add3A_2482, %mul3A_2485 : vector<16xf32>
        %swap3A_2487 = arith.index_cast %scan3A_1495 : i32 to index
        %swap3A_2488 = arith.constant 976 : index
        %swap3A_2489 = tpu.vector_load %arg19[%swap3A_2487, %swap3A_2488] {strides = array<i32>} : memref<32x1024xf32, #tpu.memory_space<vmem>>, vector<16xf32>,
        tpu.vector_store %arg19[%swap3A_2487, %swap3A_2488], %add3A_2486 {strides = array<i32>} : memref<32x1024xf32, #tpu.memory_space<vmem>>, vector<16xf32>,
        %add3A_2490 = arith.addf %add3A_2474, %add3A_2486 : vector<16xf32>
        %mul3A_2491 = arith.mulf %add3A_2486, %add3A_2486 : vector<16xf32>
        %add3A_2492 = arith.addf %add3A_2476, %mul3A_2491 : vector<16xf32>
        %get3A_2493 = arith.index_cast %scan3A_1495 : i32 to index
        %get3A_2494 = arith.constant 992 : index
        %get3A_2495 = tpu.vector_load %arg19[%get3A_2493, %get3A_2494] {strides = array<i32>} : memref<32x1024xf32, #tpu.memory_space<vmem>>, vector<16xf32>,
        %get3A_2496 = arith.constant 992 : index
        %get3A_2497 = tpu.vector_load %arg11[%get3A_2496] {strides = array<i32>} : memref<1024xf32, #tpu.memory_space<vmem>>, vector<16xf32>,
        %add3A_2498 = arith.addf %get3A_2495, %get3A_2497 : vector<16xf32>
        %get3A_2499 = arith.constant 992 : index
        %get3A_2500 = tpu.vector_load %arg12[%get3A_2499] {strides = array<i32>} : memref<1024xf32, #tpu.memory_space<vmem>>, vector<16xf32>,
        %mul3A_2501 = arith.mulf %convert_element_type3A, %get3A_2500 : vector<16xf32>
        %add3A_2502 = arith.addf %add3A_2498, %mul3A_2501 : vector<16xf32>
        %swap3A_2503 = arith.index_cast %scan3A_1495 : i32 to index
        %swap3A_2504 = arith.constant 992 : index
        %swap3A_2505 = tpu.vector_load %arg19[%swap3A_2503, %swap3A_2504] {strides = array<i32>} : memref<32x1024xf32, #tpu.memory_space<vmem>>, vector<16xf32>,
        tpu.vector_store %arg19[%swap3A_2503, %swap3A_2504], %add3A_2502 {strides = array<i32>} : memref<32x1024xf32, #tpu.memory_space<vmem>>, vector<16xf32>,
        %add3A_2506 = arith.addf %add3A_2490, %add3A_2502 : vector<16xf32>
        %mul3A_2507 = arith.mulf %add3A_2502, %add3A_2502 : vector<16xf32>
        %add3A_2508 = arith.addf %add3A_2492, %mul3A_2507 : vector<16xf32>
        %get3A_2509 = arith.index_cast %scan3A_1495 : i32 to index
        %get3A_2510 = arith.constant 1008 : index
        %get3A_2511 = tpu.vector_load %arg19[%get3A_2509, %get3A_2510] {strides = array<i32>} : memref<32x1024xf32, #tpu.memory_space<vmem>>, vector<16xf32>,
        %get3A_2512 = arith.constant 1008 : index
        %get3A_2513 = tpu.vector_load %arg11[%get3A_2512] {strides = array<i32>} : memref<1024xf32, #tpu.memory_space<vmem>>, vector<16xf32>,
        %add3A_2514 = arith.addf %get3A_2511, %get3A_2513 : vector<16xf32>
        %get3A_2515 = arith.constant 1008 : index
        %get3A_2516 = tpu.vector_load %arg12[%get3A_2515] {strides = array<i32>} : memref<1024xf32, #tpu.memory_space<vmem>>, vector<16xf32>,
        %mul3A_2517 = arith.mulf %convert_element_type3A, %get3A_2516 : vector<16xf32>
        %add3A_2518 = arith.addf %add3A_2514, %mul3A_2517 : vector<16xf32>
        %swap3A_2519 = arith.index_cast %scan3A_1495 : i32 to index
        %swap3A_2520 = arith.constant 1008 : index
        %swap3A_2521 = tpu.vector_load %arg19[%swap3A_2519, %swap3A_2520] {strides = array<i32>} : memref<32x1024xf32, #tpu.memory_space<vmem>>, vector<16xf32>,
        tpu.vector_store %arg19[%swap3A_2519, %swap3A_2520], %add3A_2518 {strides = array<i32>} : memref<32x1024xf32, #tpu.memory_space<vmem>>, vector<16xf32>,
        %add3A_2522 = arith.addf %add3A_2506, %add3A_2518 : vector<16xf32>
        %mul3A_2523 = arith.mulf %add3A_2518, %add3A_2518 : vector<16xf32>
        %add3A_2524 = arith.addf %add3A_2508, %mul3A_2523 : vector<16xf32>
        %reduce_sum3A = arith.constant true
        %reduce_sum3A_2525 = vector.broadcast %reduce_sum3A : i1 to vector<16xi1>
        %reduce_sum3A_2526 = tpu.scan <sum>, %add3A_2522 masked %reduce_sum3A_2525 : vector<16xf32>, vector<16xi1> -> vector<16xf32>
        %reduce_sum3A_2527 = vector.extract %reduce_sum3A_2526[15] : f32 from vector<16xf32>
        %reduce_sum3A_2528 = arith.constant true
        %reduce_sum3A_2529 = vector.broadcast %reduce_sum3A_2528 : i1 to vector<16xi1>
        %reduce_sum3A_2530 = tpu.scan <sum>, %add3A_2524 masked %reduce_sum3A_2529 : vector<16xf32>, vector<16xi1> -> vector<16xf32>
        %reduce_sum3A_2531 = vector.extract %reduce_sum3A_2530[15] : f32 from vector<16xf32>
        %mul3A_2532 = arith.constant 9.765625E-4 : f32
        %mul3A_2533 = arith.mulf %reduce_sum3A_2527, %mul3A_2532 : f32
        %mul3A_2534 = arith.constant 9.765625E-4 : f32
        %mul3A_2535 = arith.mulf %reduce_sum3A_2531, %mul3A_2534 : f32
        %mul3A_2536 = arith.mulf %mul3A_2533, %mul3A_2533 : f32
        %sub3A_2537 = arith.subf %mul3A_2535, %mul3A_2536 : f32
        %add3A_2538 = arith.constant 9.99999996E-13 : f32
        %add3A_2539 = arith.addf %sub3A_2537, %add3A_2538 : f32
        %broadcast_in_dim3A_2540 = vector.broadcast %add3A_2539 : f32 to vector<16xf32>
        %bitcast3A = vector.bitcast %broadcast_in_dim3A_2540 : vector<16xf32> to vector<16xi32>
        %shift_right_arithmetic3A = arith.constant 1 : i32
        %shift_right_arithmetic3A_2541 = vector.broadcast %shift_right_arithmetic3A : i32 to vector<16xi32>
        %shift_right_arithmetic3A_2542 = arith.shrsi %bitcast3A, %shift_right_arithmetic3A_2541 : vector<16xi32>
        %sub3A_2543 = arith.constant 1597463007 : i32
        %sub3A_2544 = vector.broadcast %sub3A_2543 : i32 to vector<16xi32>
        %sub3A_2545 = arith.subi %sub3A_2544, %shift_right_arithmetic3A_2542 : vector<16xi32>
        %bitcast3A_2546 = vector.bitcast %sub3A_2545 : vector<16xi32> to vector<16xf32>
        %mul3A_2547 = arith.constant -5.000000e-01 : f32
        %mul3A_2548 = vector.broadcast %mul3A_2547 : f32 to vector<16xf32>
        %mul3A_2549 = arith.mulf %mul3A_2548, %broadcast_in_dim3A_2540 : vector<16xf32>
        %mul3A_2550 = arith.mulf %mul3A_2549, %bitcast3A_2546 : vector<16xf32>
        %mul3A_2551 = arith.mulf %mul3A_2550, %bitcast3A_2546 : vector<16xf32>
        %add3A_2552 = arith.constant 1.500000e+00 : f32
        %add3A_2553 = vector.broadcast %add3A_2552 : f32 to vector<16xf32>
        %add3A_2554 = arith.addf %add3A_2553, %mul3A_2551 : vector<16xf32>
        %mul3A_2555 = arith.mulf %bitcast3A_2546, %add3A_2554 : vector<16xf32>
        %mul3A_2556 = arith.mulf %mul3A_2549, %mul3A_2555 : vector<16xf32>
        %mul3A_2557 = arith.mulf %mul3A_2556, %mul3A_2555 : vector<16xf32>
        %add3A_2558 = arith.constant 1.500000e+00 : f32
        %add3A_2559 = vector.broadcast %add3A_2558 : f32 to vector<16xf32>
        %add3A_2560 = arith.addf %add3A_2559, %mul3A_2557 : vector<16xf32>
        %mul3A_2561 = arith.mulf %mul3A_2555, %add3A_2560 : vector<16xf32>
        %mul3A_2562 = arith.mulf %mul3A_2549, %mul3A_2561 : vector<16xf32>
        %mul3A_2563 = arith.mulf %mul3A_2562, %mul3A_2561 : vector<16xf32>
        %add3A_2564 = arith.constant 1.500000e+00 : f32
        %add3A_2565 = vector.broadcast %add3A_2564 : f32 to vector<16xf32>
        %add3A_2566 = arith.addf %add3A_2565, %mul3A_2563 : vector<16xf32>
        %mul3A_2567 = arith.mulf %mul3A_2561, %add3A_2566 : vector<16xf32>
        %neg3A = arith.constant 0.000000e+00 : f32
        %neg3A_2568 = arith.subf %neg3A, %mul3A_2533 : f32
        %broadcast_in_dim3A_2569 = vector.broadcast %neg3A_2568 : f32 to vector<16xf32>
        %mul3A_2570 = arith.mulf %broadcast_in_dim3A_2569, %mul3A_2567 : vector<16xf32>
        %get3A_2571 = arith.index_cast %scan3A_1495 : i32 to index
        %get3A_2572 = arith.constant 0 : index
        %get3A_2573 = tpu.vector_load %arg19[%get3A_2571, %get3A_2572] {strides = array<i32>} : memref<32x1024xf32, #tpu.memory_space<vmem>>, vector<16xf32>,
        %mul3A_2574 = arith.mulf %get3A_2573, %mul3A_2567 : vector<16xf32>
        %add3A_2575 = arith.addf %mul3A_2574, %mul3A_2570 : vector<16xf32>
        %get3A_2576 = arith.constant 0 : index
        %get3A_2577 = tpu.vector_load %arg13[%get3A_2576] {strides = array<i32>} : memref<1024xf32, #tpu.memory_space<vmem>>, vector<16xf32>,
        %mul3A_2578 = arith.mulf %add3A_2575, %get3A_2577 : vector<16xf32>
        %get3A_2579 = arith.constant 0 : index
        %get3A_2580 = tpu.vector_load %arg10[%get3A_2579] {strides = array<i32>} : memref<1024xf32, #tpu.memory_space<vmem>>, vector<16xf32>,
        %add3A_2581 = arith.addf %mul3A_2578, %get3A_2580 : vector<16xf32>
        %swap3A_2582 = arith.index_cast %scan3A_1495 : i32 to index
        %swap3A_2583 = arith.constant 0 : index
        %swap3A_2584 = tpu.vector_load %arg19[%swap3A_2582, %swap3A_2583] {strides = array<i32>} : memref<32x1024xf32, #tpu.memory_space<vmem>>, vector<16xf32>,
        tpu.vector_store %arg19[%swap3A_2582, %swap3A_2583], %add3A_2581 {strides = array<i32>} : memref<32x1024xf32, #tpu.memory_space<vmem>>, vector<16xf32>,
        %get3A_2585 = arith.index_cast %scan3A_1495 : i32 to index
        %get3A_2586 = arith.constant 16 : index
        %get3A_2587 = tpu.vector_load %arg19[%get3A_2585, %get3A_2586] {strides = array<i32>} : memref<32x1024xf32, #tpu.memory_space<vmem>>, vector<16xf32>,
        %mul3A_2588 = arith.mulf %get3A_2587, %mul3A_2567 : vector<16xf32>
        %add3A_2589 = arith.addf %mul3A_2588, %mul3A_2570 : vector<16xf32>
        %get3A_2590 = arith.constant 16 : index
        %get3A_2591 = tpu.vector_load %arg13[%get3A_2590] {strides = array<i32>} : memref<1024xf32, #tpu.memory_space<vmem>>, vector<16xf32>,
        %mul3A_2592 = arith.mulf %add3A_2589, %get3A_2591 : vector<16xf32>
        %get3A_2593 = arith.constant 16 : index
        %get3A_2594 = tpu.vector_load %arg10[%get3A_2593] {strides = array<i32>} : memref<1024xf32, #tpu.memory_space<vmem>>, vector<16xf32>,
        %add3A_2595 = arith.addf %mul3A_2592, %get3A_2594 : vector<16xf32>
        %swap3A_2596 = arith.index_cast %scan3A_1495 : i32 to index
        %swap3A_2597 = arith.constant 16 : index
        %swap3A_2598 = tpu.vector_load %arg19[%swap3A_2596, %swap3A_2597] {strides = array<i32>} : memref<32x1024xf32, #tpu.memory_space<vmem>>, vector<16xf32>,
        tpu.vector_store %arg19[%swap3A_2596, %swap3A_2597], %add3A_2595 {strides = array<i32>} : memref<32x1024xf32, #tpu.memory_space<vmem>>, vector<16xf32>,
        %get3A_2599 = arith.index_cast %scan3A_1495 : i32 to index
        %get3A_2600 = arith.constant 32 : index
        %get3A_2601 = tpu.vector_load %arg19[%get3A_2599, %get3A_2600] {strides = array<i32>} : memref<32x1024xf32, #tpu.memory_space<vmem>>, vector<16xf32>,
        %mul3A_2602 = arith.mulf %get3A_2601, %mul3A_2567 : vector<16xf32>
        %add3A_2603 = arith.addf %mul3A_2602, %mul3A_2570 : vector<16xf32>
        %get3A_2604 = arith.constant 32 : index
        %get3A_2605 = tpu.vector_load %arg13[%get3A_2604] {strides = array<i32>} : memref<1024xf32, #tpu.memory_space<vmem>>, vector<16xf32>,
        %mul3A_2606 = arith.mulf %add3A_2603, %get3A_2605 : vector<16xf32>
        %get3A_2607 = arith.constant 32 : index
        %get3A_2608 = tpu.vector_load %arg10[%get3A_2607] {strides = array<i32>} : memref<1024xf32, #tpu.memory_space<vmem>>, vector<16xf32>,
        %add3A_2609 = arith.addf %mul3A_2606, %get3A_2608 : vector<16xf32>
        %swap3A_2610 = arith.index_cast %scan3A_1495 : i32 to index
        %swap3A_2611 = arith.constant 32 : index
        %swap3A_2612 = tpu.vector_load %arg19[%swap3A_2610, %swap3A_2611] {strides = array<i32>} : memref<32x1024xf32, #tpu.memory_space<vmem>>, vector<16xf32>,
        tpu.vector_store %arg19[%swap3A_2610, %swap3A_2611], %add3A_2609 {strides = array<i32>} : memref<32x1024xf32, #tpu.memory_space<vmem>>, vector<16xf32>,
        %get3A_2613 = arith.index_cast %scan3A_1495 : i32 to index
        %get3A_2614 = arith.constant 48 : index
        %get3A_2615 = tpu.vector_load %arg19[%get3A_2613, %get3A_2614] {strides = array<i32>} : memref<32x1024xf32, #tpu.memory_space<vmem>>, vector<16xf32>,
        %mul3A_2616 = arith.mulf %get3A_2615, %mul3A_2567 : vector<16xf32>
        %add3A_2617 = arith.addf %mul3A_2616, %mul3A_2570 : vector<16xf32>
        %get3A_2618 = arith.constant 48 : index
        %get3A_2619 = tpu.vector_load %arg13[%get3A_2618] {strides = array<i32>} : memref<1024xf32, #tpu.memory_space<vmem>>, vector<16xf32>,
        %mul3A_2620 = arith.mulf %add3A_2617, %get3A_2619 : vector<16xf32>
        %get3A_2621 = arith.constant 48 : index
        %get3A_2622 = tpu.vector_load %arg10[%get3A_2621] {strides = array<i32>} : memref<1024xf32, #tpu.memory_space<vmem>>, vector<16xf32>,
        %add3A_2623 = arith.addf %mul3A_2620, %get3A_2622 : vector<16xf32>
        %swap3A_2624 = arith.index_cast %scan3A_1495 : i32 to index
        %swap3A_2625 = arith.constant 48 : index
        %swap3A_2626 = tpu.vector_load %arg19[%swap3A_2624, %swap3A_2625] {strides = array<i32>} : memref<32x1024xf32, #tpu.memory_space<vmem>>, vector<16xf32>,
        tpu.vector_store %arg19[%swap3A_2624, %swap3A_2625], %add3A_2623 {strides = array<i32>} : memref<32x1024xf32, #tpu.memory_space<vmem>>, vector<16xf32>,
        %get3A_2627 = arith.index_cast %scan3A_1495 : i32 to index
        %get3A_2628 = arith.constant 64 : index
        %get3A_2629 = tpu.vector_load %arg19[%get3A_2627, %get3A_2628] {strides = array<i32>} : memref<32x1024xf32, #tpu.memory_space<vmem>>, vector<16xf32>,
        %mul3A_2630 = arith.mulf %get3A_2629, %mul3A_2567 : vector<16xf32>
        %add3A_2631 = arith.addf %mul3A_2630, %mul3A_2570 : vector<16xf32>
        %get3A_2632 = arith.constant 64 : index
        %get3A_2633 = tpu.vector_load %arg13[%get3A_2632] {strides = array<i32>} : memref<1024xf32, #tpu.memory_space<vmem>>, vector<16xf32>,
        %mul3A_2634 = arith.mulf %add3A_2631, %get3A_2633 : vector<16xf32>
        %get3A_2635 = arith.constant 64 : index
        %get3A_2636 = tpu.vector_load %arg10[%get3A_2635] {strides = array<i32>} : memref<1024xf32, #tpu.memory_space<vmem>>, vector<16xf32>,
        %add3A_2637 = arith.addf %mul3A_2634, %get3A_2636 : vector<16xf32>
        %swap3A_2638 = arith.index_cast %scan3A_1495 : i32 to index
        %swap3A_2639 = arith.constant 64 : index
        %swap3A_2640 = tpu.vector_load %arg19[%swap3A_2638, %swap3A_2639] {strides = array<i32>} : memref<32x1024xf32, #tpu.memory_space<vmem>>, vector<16xf32>,
        tpu.vector_store %arg19[%swap3A_2638, %swap3A_2639], %add3A_2637 {strides = array<i32>} : memref<32x1024xf32, #tpu.memory_space<vmem>>, vector<16xf32>,
        %get3A_2641 = arith.index_cast %scan3A_1495 : i32 to index
        %get3A_2642 = arith.constant 80 : index
        %get3A_2643 = tpu.vector_load %arg19[%get3A_2641, %get3A_2642] {strides = array<i32>} : memref<32x1024xf32, #tpu.memory_space<vmem>>, vector<16xf32>,
        %mul3A_2644 = arith.mulf %get3A_2643, %mul3A_2567 : vector<16xf32>
        %add3A_2645 = arith.addf %mul3A_2644, %mul3A_2570 : vector<16xf32>
        %get3A_2646 = arith.constant 80 : index
        %get3A_2647 = tpu.vector_load %arg13[%get3A_2646] {strides = array<i32>} : memref<1024xf32, #tpu.memory_space<vmem>>, vector<16xf32>,
        %mul3A_2648 = arith.mulf %add3A_2645, %get3A_2647 : vector<16xf32>
        %get3A_2649 = arith.constant 80 : index
        %get3A_2650 = tpu.vector_load %arg10[%get3A_2649] {strides = array<i32>} : memref<1024xf32, #tpu.memory_space<vmem>>, vector<16xf32>,
        %add3A_2651 = arith.addf %mul3A_2648, %get3A_2650 : vector<16xf32>
        %swap3A_2652 = arith.index_cast %scan3A_1495 : i32 to index
        %swap3A_2653 = arith.constant 80 : index
        %swap3A_2654 = tpu.vector_load %arg19[%swap3A_2652, %swap3A_2653] {strides = array<i32>} : memref<32x1024xf32, #tpu.memory_space<vmem>>, vector<16xf32>,
        tpu.vector_store %arg19[%swap3A_2652, %swap3A_2653], %add3A_2651 {strides = array<i32>} : memref<32x1024xf32, #tpu.memory_space<vmem>>, vector<16xf32>,
        %get3A_2655 = arith.index_cast %scan3A_1495 : i32 to index
        %get3A_2656 = arith.constant 96 : index
        %get3A_2657 = tpu.vector_load %arg19[%get3A_2655, %get3A_2656] {strides = array<i32>} : memref<32x1024xf32, #tpu.memory_space<vmem>>, vector<16xf32>,
        %mul3A_2658 = arith.mulf %get3A_2657, %mul3A_2567 : vector<16xf32>
        %add3A_2659 = arith.addf %mul3A_2658, %mul3A_2570 : vector<16xf32>
        %get3A_2660 = arith.constant 96 : index
        %get3A_2661 = tpu.vector_load %arg13[%get3A_2660] {strides = array<i32>} : memref<1024xf32, #tpu.memory_space<vmem>>, vector<16xf32>,
        %mul3A_2662 = arith.mulf %add3A_2659, %get3A_2661 : vector<16xf32>
        %get3A_2663 = arith.constant 96 : index
        %get3A_2664 = tpu.vector_load %arg10[%get3A_2663] {strides = array<i32>} : memref<1024xf32, #tpu.memory_space<vmem>>, vector<16xf32>,
        %add3A_2665 = arith.addf %mul3A_2662, %get3A_2664 : vector<16xf32>
        %swap3A_2666 = arith.index_cast %scan3A_1495 : i32 to index
        %swap3A_2667 = arith.constant 96 : index
        %swap3A_2668 = tpu.vector_load %arg19[%swap3A_2666, %swap3A_2667] {strides = array<i32>} : memref<32x1024xf32, #tpu.memory_space<vmem>>, vector<16xf32>,
        tpu.vector_store %arg19[%swap3A_2666, %swap3A_2667], %add3A_2665 {strides = array<i32>} : memref<32x1024xf32, #tpu.memory_space<vmem>>, vector<16xf32>,
        %get3A_2669 = arith.index_cast %scan3A_1495 : i32 to index
        %get3A_2670 = arith.constant 112 : index
        %get3A_2671 = tpu.vector_load %arg19[%get3A_2669, %get3A_2670] {strides = array<i32>} : memref<32x1024xf32, #tpu.memory_space<vmem>>, vector<16xf32>,
        %mul3A_2672 = arith.mulf %get3A_2671, %mul3A_2567 : vector<16xf32>
        %add3A_2673 = arith.addf %mul3A_2672, %mul3A_2570 : vector<16xf32>
        %get3A_2674 = arith.constant 112 : index
        %get3A_2675 = tpu.vector_load %arg13[%get3A_2674] {strides = array<i32>} : memref<1024xf32, #tpu.memory_space<vmem>>, vector<16xf32>,
        %mul3A_2676 = arith.mulf %add3A_2673, %get3A_2675 : vector<16xf32>
        %get3A_2677 = arith.constant 112 : index
        %get3A_2678 = tpu.vector_load %arg10[%get3A_2677] {strides = array<i32>} : memref<1024xf32, #tpu.memory_space<vmem>>, vector<16xf32>,
        %add3A_2679 = arith.addf %mul3A_2676, %get3A_2678 : vector<16xf32>
        %swap3A_2680 = arith.index_cast %scan3A_1495 : i32 to index
        %swap3A_2681 = arith.constant 112 : index
        %swap3A_2682 = tpu.vector_load %arg19[%swap3A_2680, %swap3A_2681] {strides = array<i32>} : memref<32x1024xf32, #tpu.memory_space<vmem>>, vector<16xf32>,
        tpu.vector_store %arg19[%swap3A_2680, %swap3A_2681], %add3A_2679 {strides = array<i32>} : memref<32x1024xf32, #tpu.memory_space<vmem>>, vector<16xf32>,
        %get3A_2683 = arith.index_cast %scan3A_1495 : i32 to index
        %get3A_2684 = arith.constant 128 : index
        %get3A_2685 = tpu.vector_load %arg19[%get3A_2683, %get3A_2684] {strides = array<i32>} : memref<32x1024xf32, #tpu.memory_space<vmem>>, vector<16xf32>,
        %mul3A_2686 = arith.mulf %get3A_2685, %mul3A_2567 : vector<16xf32>
        %add3A_2687 = arith.addf %mul3A_2686, %mul3A_2570 : vector<16xf32>
        %get3A_2688 = arith.constant 128 : index
        %get3A_2689 = tpu.vector_load %arg13[%get3A_2688] {strides = array<i32>} : memref<1024xf32, #tpu.memory_space<vmem>>, vector<16xf32>,
        %mul3A_2690 = arith.mulf %add3A_2687, %get3A_2689 : vector<16xf32>
        %get3A_2691 = arith.constant 128 : index
        %get3A_2692 = tpu.vector_load %arg10[%get3A_2691] {strides = array<i32>} : memref<1024xf32, #tpu.memory_space<vmem>>, vector<16xf32>,
        %add3A_2693 = arith.addf %mul3A_2690, %get3A_2692 : vector<16xf32>
        %swap3A_2694 = arith.index_cast %scan3A_1495 : i32 to index
        %swap3A_2695 = arith.constant 128 : index
        %swap3A_2696 = tpu.vector_load %arg19[%swap3A_2694, %swap3A_2695] {strides = array<i32>} : memref<32x1024xf32, #tpu.memory_space<vmem>>, vector<16xf32>,
        tpu.vector_store %arg19[%swap3A_2694, %swap3A_2695], %add3A_2693 {strides = array<i32>} : memref<32x1024xf32, #tpu.memory_space<vmem>>, vector<16xf32>,
        %get3A_2697 = arith.index_cast %scan3A_1495 : i32 to index
        %get3A_2698 = arith.constant 144 : index
        %get3A_2699 = tpu.vector_load %arg19[%get3A_2697, %get3A_2698] {strides = array<i32>} : memref<32x1024xf32, #tpu.memory_space<vmem>>, vector<16xf32>,
        %mul3A_2700 = arith.mulf %get3A_2699, %mul3A_2567 : vector<16xf32>
        %add3A_2701 = arith.addf %mul3A_2700, %mul3A_2570 : vector<16xf32>
        %get3A_2702 = arith.constant 144 : index
        %get3A_2703 = tpu.vector_load %arg13[%get3A_2702] {strides = array<i32>} : memref<1024xf32, #tpu.memory_space<vmem>>, vector<16xf32>,
        %mul3A_2704 = arith.mulf %add3A_2701, %get3A_2703 : vector<16xf32>
        %get3A_2705 = arith.constant 144 : index
        %get3A_2706 = tpu.vector_load %arg10[%get3A_2705] {strides = array<i32>} : memref<1024xf32, #tpu.memory_space<vmem>>, vector<16xf32>,
        %add3A_2707 = arith.addf %mul3A_2704, %get3A_2706 : vector<16xf32>
        %swap3A_2708 = arith.index_cast %scan3A_1495 : i32 to index
        %swap3A_2709 = arith.constant 144 : index
        %swap3A_2710 = tpu.vector_load %arg19[%swap3A_2708, %swap3A_2709] {strides = array<i32>} : memref<32x1024xf32, #tpu.memory_space<vmem>>, vector<16xf32>,
        tpu.vector_store %arg19[%swap3A_2708, %swap3A_2709], %add3A_2707 {strides = array<i32>} : memref<32x1024xf32, #tpu.memory_space<vmem>>, vector<16xf32>,
        %get3A_2711 = arith.index_cast %scan3A_1495 : i32 to index
        %get3A_2712 = arith.constant 160 : index
        %get3A_2713 = tpu.vector_load %arg19[%get3A_2711, %get3A_2712] {strides = array<i32>} : memref<32x1024xf32, #tpu.memory_space<vmem>>, vector<16xf32>,
        %mul3A_2714 = arith.mulf %get3A_2713, %mul3A_2567 : vector<16xf32>
        %add3A_2715 = arith.addf %mul3A_2714, %mul3A_2570 : vector<16xf32>
        %get3A_2716 = arith.constant 160 : index
        %get3A_2717 = tpu.vector_load %arg13[%get3A_2716] {strides = array<i32>} : memref<1024xf32, #tpu.memory_space<vmem>>, vector<16xf32>,
        %mul3A_2718 = arith.mulf %add3A_2715, %get3A_2717 : vector<16xf32>
        %get3A_2719 = arith.constant 160 : index
        %get3A_2720 = tpu.vector_load %arg10[%get3A_2719] {strides = array<i32>} : memref<1024xf32, #tpu.memory_space<vmem>>, vector<16xf32>,
        %add3A_2721 = arith.addf %mul3A_2718, %get3A_2720 : vector<16xf32>
        %swap3A_2722 = arith.index_cast %scan3A_1495 : i32 to index
        %swap3A_2723 = arith.constant 160 : index
        %swap3A_2724 = tpu.vector_load %arg19[%swap3A_2722, %swap3A_2723] {strides = array<i32>} : memref<32x1024xf32, #tpu.memory_space<vmem>>, vector<16xf32>,
        tpu.vector_store %arg19[%swap3A_2722, %swap3A_2723], %add3A_2721 {strides = array<i32>} : memref<32x1024xf32, #tpu.memory_space<vmem>>, vector<16xf32>,
        %get3A_2725 = arith.index_cast %scan3A_1495 : i32 to index
        %get3A_2726 = arith.constant 176 : index
        %get3A_2727 = tpu.vector_load %arg19[%get3A_2725, %get3A_2726] {strides = array<i32>} : memref<32x1024xf32, #tpu.memory_space<vmem>>, vector<16xf32>,
        %mul3A_2728 = arith.mulf %get3A_2727, %mul3A_2567 : vector<16xf32>
        %add3A_2729 = arith.addf %mul3A_2728, %mul3A_2570 : vector<16xf32>
        %get3A_2730 = arith.constant 176 : index
        %get3A_2731 = tpu.vector_load %arg13[%get3A_2730] {strides = array<i32>} : memref<1024xf32, #tpu.memory_space<vmem>>, vector<16xf32>,
        %mul3A_2732 = arith.mulf %add3A_2729, %get3A_2731 : vector<16xf32>
        %get3A_2733 = arith.constant 176 : index
        %get3A_2734 = tpu.vector_load %arg10[%get3A_2733] {strides = array<i32>} : memref<1024xf32, #tpu.memory_space<vmem>>, vector<16xf32>,
        %add3A_2735 = arith.addf %mul3A_2732, %get3A_2734 : vector<16xf32>
        %swap3A_2736 = arith.index_cast %scan3A_1495 : i32 to index
        %swap3A_2737 = arith.constant 176 : index
        %swap3A_2738 = tpu.vector_load %arg19[%swap3A_2736, %swap3A_2737] {strides = array<i32>} : memref<32x1024xf32, #tpu.memory_space<vmem>>, vector<16xf32>,
        tpu.vector_store %arg19[%swap3A_2736, %swap3A_2737], %add3A_2735 {strides = array<i32>} : memref<32x1024xf32, #tpu.memory_space<vmem>>, vector<16xf32>,
        %get3A_2739 = arith.index_cast %scan3A_1495 : i32 to index
        %get3A_2740 = arith.constant 192 : index
        %get3A_2741 = tpu.vector_load %arg19[%get3A_2739, %get3A_2740] {strides = array<i32>} : memref<32x1024xf32, #tpu.memory_space<vmem>>, vector<16xf32>,
        %mul3A_2742 = arith.mulf %get3A_2741, %mul3A_2567 : vector<16xf32>
        %add3A_2743 = arith.addf %mul3A_2742, %mul3A_2570 : vector<16xf32>
        %get3A_2744 = arith.constant 192 : index
        %get3A_2745 = tpu.vector_load %arg13[%get3A_2744] {strides = array<i32>} : memref<1024xf32, #tpu.memory_space<vmem>>, vector<16xf32>,
        %mul3A_2746 = arith.mulf %add3A_2743, %get3A_2745 : vector<16xf32>
        %get3A_2747 = arith.constant 192 : index
        %get3A_2748 = tpu.vector_load %arg10[%get3A_2747] {strides = array<i32>} : memref<1024xf32, #tpu.memory_space<vmem>>, vector<16xf32>,
        %add3A_2749 = arith.addf %mul3A_2746, %get3A_2748 : vector<16xf32>
        %swap3A_2750 = arith.index_cast %scan3A_1495 : i32 to index
        %swap3A_2751 = arith.constant 192 : index
        %swap3A_2752 = tpu.vector_load %arg19[%swap3A_2750, %swap3A_2751] {strides = array<i32>} : memref<32x1024xf32, #tpu.memory_space<vmem>>, vector<16xf32>,
        tpu.vector_store %arg19[%swap3A_2750, %swap3A_2751], %add3A_2749 {strides = array<i32>} : memref<32x1024xf32, #tpu.memory_space<vmem>>, vector<16xf32>,
        %get3A_2753 = arith.index_cast %scan3A_1495 : i32 to index
        %get3A_2754 = arith.constant 208 : index
        %get3A_2755 = tpu.vector_load %arg19[%get3A_2753, %get3A_2754] {strides = array<i32>} : memref<32x1024xf32, #tpu.memory_space<vmem>>, vector<16xf32>,
        %mul3A_2756 = arith.mulf %get3A_2755, %mul3A_2567 : vector<16xf32>
        %add3A_2757 = arith.addf %mul3A_2756, %mul3A_2570 : vector<16xf32>
        %get3A_2758 = arith.constant 208 : index
        %get3A_2759 = tpu.vector_load %arg13[%get3A_2758] {strides = array<i32>} : memref<1024xf32, #tpu.memory_space<vmem>>, vector<16xf32>,
        %mul3A_2760 = arith.mulf %add3A_2757, %get3A_2759 : vector<16xf32>
        %get3A_2761 = arith.constant 208 : index
        %get3A_2762 = tpu.vector_load %arg10[%get3A_2761] {strides = array<i32>} : memref<1024xf32, #tpu.memory_space<vmem>>, vector<16xf32>,
        %add3A_2763 = arith.addf %mul3A_2760, %get3A_2762 : vector<16xf32>
        %swap3A_2764 = arith.index_cast %scan3A_1495 : i32 to index
        %swap3A_2765 = arith.constant 208 : index
        %swap3A_2766 = tpu.vector_load %arg19[%swap3A_2764, %swap3A_2765] {strides = array<i32>} : memref<32x1024xf32, #tpu.memory_space<vmem>>, vector<16xf32>,
        tpu.vector_store %arg19[%swap3A_2764, %swap3A_2765], %add3A_2763 {strides = array<i32>} : memref<32x1024xf32, #tpu.memory_space<vmem>>, vector<16xf32>,
        %get3A_2767 = arith.index_cast %scan3A_1495 : i32 to index
        %get3A_2768 = arith.constant 224 : index
        %get3A_2769 = tpu.vector_load %arg19[%get3A_2767, %get3A_2768] {strides = array<i32>} : memref<32x1024xf32, #tpu.memory_space<vmem>>, vector<16xf32>,
        %mul3A_2770 = arith.mulf %get3A_2769, %mul3A_2567 : vector<16xf32>
        %add3A_2771 = arith.addf %mul3A_2770, %mul3A_2570 : vector<16xf32>
        %get3A_2772 = arith.constant 224 : index
        %get3A_2773 = tpu.vector_load %arg13[%get3A_2772] {strides = array<i32>} : memref<1024xf32, #tpu.memory_space<vmem>>, vector<16xf32>,
        %mul3A_2774 = arith.mulf %add3A_2771, %get3A_2773 : vector<16xf32>
        %get3A_2775 = arith.constant 224 : index
        %get3A_2776 = tpu.vector_load %arg10[%get3A_2775] {strides = array<i32>} : memref<1024xf32, #tpu.memory_space<vmem>>, vector<16xf32>,
        %add3A_2777 = arith.addf %mul3A_2774, %get3A_2776 : vector<16xf32>
        %swap3A_2778 = arith.index_cast %scan3A_1495 : i32 to index
        %swap3A_2779 = arith.constant 224 : index
        %swap3A_2780 = tpu.vector_load %arg19[%swap3A_2778, %swap3A_2779] {strides = array<i32>} : memref<32x1024xf32, #tpu.memory_space<vmem>>, vector<16xf32>,
        tpu.vector_store %arg19[%swap3A_2778, %swap3A_2779], %add3A_2777 {strides = array<i32>} : memref<32x1024xf32, #tpu.memory_space<vmem>>, vector<16xf32>,
        %get3A_2781 = arith.index_cast %scan3A_1495 : i32 to index
        %get3A_2782 = arith.constant 240 : index
        %get3A_2783 = tpu.vector_load %arg19[%get3A_2781, %get3A_2782] {strides = array<i32>} : memref<32x1024xf32, #tpu.memory_space<vmem>>, vector<16xf32>,
        %mul3A_2784 = arith.mulf %get3A_2783, %mul3A_2567 : vector<16xf32>
        %add3A_2785 = arith.addf %mul3A_2784, %mul3A_2570 : vector<16xf32>
        %get3A_2786 = arith.constant 240 : index
        %get3A_2787 = tpu.vector_load %arg13[%get3A_2786] {strides = array<i32>} : memref<1024xf32, #tpu.memory_space<vmem>>, vector<16xf32>,
        %mul3A_2788 = arith.mulf %add3A_2785, %get3A_2787 : vector<16xf32>
        %get3A_2789 = arith.constant 240 : index
        %get3A_2790 = tpu.vector_load %arg10[%get3A_2789] {strides = array<i32>} : memref<1024xf32, #tpu.memory_space<vmem>>, vector<16xf32>,
        %add3A_2791 = arith.addf %mul3A_2788, %get3A_2790 : vector<16xf32>
        %swap3A_2792 = arith.index_cast %scan3A_1495 : i32 to index
        %swap3A_2793 = arith.constant 240 : index
        %swap3A_2794 = tpu.vector_load %arg19[%swap3A_2792, %swap3A_2793] {strides = array<i32>} : memref<32x1024xf32, #tpu.memory_space<vmem>>, vector<16xf32>,
        tpu.vector_store %arg19[%swap3A_2792, %swap3A_2793], %add3A_2791 {strides = array<i32>} : memref<32x1024xf32, #tpu.memory_space<vmem>>, vector<16xf32>,
        %get3A_2795 = arith.index_cast %scan3A_1495 : i32 to index
        %get3A_2796 = arith.constant 256 : index
        %get3A_2797 = tpu.vector_load %arg19[%get3A_2795, %get3A_2796] {strides = array<i32>} : memref<32x1024xf32, #tpu.memory_space<vmem>>, vector<16xf32>,
        %mul3A_2798 = arith.mulf %get3A_2797, %mul3A_2567 : vector<16xf32>
        %add3A_2799 = arith.addf %mul3A_2798, %mul3A_2570 : vector<16xf32>
        %get3A_2800 = arith.constant 256 : index
        %get3A_2801 = tpu.vector_load %arg13[%get3A_2800] {strides = array<i32>} : memref<1024xf32, #tpu.memory_space<vmem>>, vector<16xf32>,
        %mul3A_2802 = arith.mulf %add3A_2799, %get3A_2801 : vector<16xf32>
        %get3A_2803 = arith.constant 256 : index
        %get3A_2804 = tpu.vector_load %arg10[%get3A_2803] {strides = array<i32>} : memref<1024xf32, #tpu.memory_space<vmem>>, vector<16xf32>,
        %add3A_2805 = arith.addf %mul3A_2802, %get3A_2804 : vector<16xf32>
        %swap3A_2806 = arith.index_cast %scan3A_1495 : i32 to index
        %swap3A_2807 = arith.constant 256 : index
        %swap3A_2808 = tpu.vector_load %arg19[%swap3A_2806, %swap3A_2807] {strides = array<i32>} : memref<32x1024xf32, #tpu.memory_space<vmem>>, vector<16xf32>,
        tpu.vector_store %arg19[%swap3A_2806, %swap3A_2807], %add3A_2805 {strides = array<i32>} : memref<32x1024xf32, #tpu.memory_space<vmem>>, vector<16xf32>,
        %get3A_2809 = arith.index_cast %scan3A_1495 : i32 to index
        %get3A_2810 = arith.constant 272 : index
        %get3A_2811 = tpu.vector_load %arg19[%get3A_2809, %get3A_2810] {strides = array<i32>} : memref<32x1024xf32, #tpu.memory_space<vmem>>, vector<16xf32>,
        %mul3A_2812 = arith.mulf %get3A_2811, %mul3A_2567 : vector<16xf32>
        %add3A_2813 = arith.addf %mul3A_2812, %mul3A_2570 : vector<16xf32>
        %get3A_2814 = arith.constant 272 : index
        %get3A_2815 = tpu.vector_load %arg13[%get3A_2814] {strides = array<i32>} : memref<1024xf32, #tpu.memory_space<vmem>>, vector<16xf32>,
        %mul3A_2816 = arith.mulf %add3A_2813, %get3A_2815 : vector<16xf32>
        %get3A_2817 = arith.constant 272 : index
        %get3A_2818 = tpu.vector_load %arg10[%get3A_2817] {strides = array<i32>} : memref<1024xf32, #tpu.memory_space<vmem>>, vector<16xf32>,
        %add3A_2819 = arith.addf %mul3A_2816, %get3A_2818 : vector<16xf32>
        %swap3A_2820 = arith.index_cast %scan3A_1495 : i32 to index
        %swap3A_2821 = arith.constant 272 : index
        %swap3A_2822 = tpu.vector_load %arg19[%swap3A_2820, %swap3A_2821] {strides = array<i32>} : memref<32x1024xf32, #tpu.memory_space<vmem>>, vector<16xf32>,
        tpu.vector_store %arg19[%swap3A_2820, %swap3A_2821], %add3A_2819 {strides = array<i32>} : memref<32x1024xf32, #tpu.memory_space<vmem>>, vector<16xf32>,
        %get3A_2823 = arith.index_cast %scan3A_1495 : i32 to index
        %get3A_2824 = arith.constant 288 : index
        %get3A_2825 = tpu.vector_load %arg19[%get3A_2823, %get3A_2824] {strides = array<i32>} : memref<32x1024xf32, #tpu.memory_space<vmem>>, vector<16xf32>,
        %mul3A_2826 = arith.mulf %get3A_2825, %mul3A_2567 : vector<16xf32>
        %add3A_2827 = arith.addf %mul3A_2826, %mul3A_2570 : vector<16xf32>
        %get3A_2828 = arith.constant 288 : index
        %get3A_2829 = tpu.vector_load %arg13[%get3A_2828] {strides = array<i32>} : memref<1024xf32, #tpu.memory_space<vmem>>, vector<16xf32>,
        %mul3A_2830 = arith.mulf %add3A_2827, %get3A_2829 : vector<16xf32>
        %get3A_2831 = arith.constant 288 : index
        %get3A_2832 = tpu.vector_load %arg10[%get3A_2831] {strides = array<i32>} : memref<1024xf32, #tpu.memory_space<vmem>>, vector<16xf32>,
        %add3A_2833 = arith.addf %mul3A_2830, %get3A_2832 : vector<16xf32>
        %swap3A_2834 = arith.index_cast %scan3A_1495 : i32 to index
        %swap3A_2835 = arith.constant 288 : index
        %swap3A_2836 = tpu.vector_load %arg19[%swap3A_2834, %swap3A_2835] {strides = array<i32>} : memref<32x1024xf32, #tpu.memory_space<vmem>>, vector<16xf32>,
        tpu.vector_store %arg19[%swap3A_2834, %swap3A_2835], %add3A_2833 {strides = array<i32>} : memref<32x1024xf32, #tpu.memory_space<vmem>>, vector<16xf32>,
        %get3A_2837 = arith.index_cast %scan3A_1495 : i32 to index
        %get3A_2838 = arith.constant 304 : index
        %get3A_2839 = tpu.vector_load %arg19[%get3A_2837, %get3A_2838] {strides = array<i32>} : memref<32x1024xf32, #tpu.memory_space<vmem>>, vector<16xf32>,
        %mul3A_2840 = arith.mulf %get3A_2839, %mul3A_2567 : vector<16xf32>
        %add3A_2841 = arith.addf %mul3A_2840, %mul3A_2570 : vector<16xf32>
        %get3A_2842 = arith.constant 304 : index
        %get3A_2843 = tpu.vector_load %arg13[%get3A_2842] {strides = array<i32>} : memref<1024xf32, #tpu.memory_space<vmem>>, vector<16xf32>,
        %mul3A_2844 = arith.mulf %add3A_2841, %get3A_2843 : vector<16xf32>
        %get3A_2845 = arith.constant 304 : index
        %get3A_2846 = tpu.vector_load %arg10[%get3A_2845] {strides = array<i32>} : memref<1024xf32, #tpu.memory_space<vmem>>, vector<16xf32>,
        %add3A_2847 = arith.addf %mul3A_2844, %get3A_2846 : vector<16xf32>
        %swap3A_2848 = arith.index_cast %scan3A_1495 : i32 to index
        %swap3A_2849 = arith.constant 304 : index
        %swap3A_2850 = tpu.vector_load %arg19[%swap3A_2848, %swap3A_2849] {strides = array<i32>} : memref<32x1024xf32, #tpu.memory_space<vmem>>, vector<16xf32>,
        tpu.vector_store %arg19[%swap3A_2848, %swap3A_2849], %add3A_2847 {strides = array<i32>} : memref<32x1024xf32, #tpu.memory_space<vmem>>, vector<16xf32>,
        %get3A_2851 = arith.index_cast %scan3A_1495 : i32 to index
        %get3A_2852 = arith.constant 320 : index
        %get3A_2853 = tpu.vector_load %arg19[%get3A_2851, %get3A_2852] {strides = array<i32>} : memref<32x1024xf32, #tpu.memory_space<vmem>>, vector<16xf32>,
        %mul3A_2854 = arith.mulf %get3A_2853, %mul3A_2567 : vector<16xf32>
        %add3A_2855 = arith.addf %mul3A_2854, %mul3A_2570 : vector<16xf32>
        %get3A_2856 = arith.constant 320 : index
        %get3A_2857 = tpu.vector_load %arg13[%get3A_2856] {strides = array<i32>} : memref<1024xf32, #tpu.memory_space<vmem>>, vector<16xf32>,
        %mul3A_2858 = arith.mulf %add3A_2855, %get3A_2857 : vector<16xf32>
        %get3A_2859 = arith.constant 320 : index
        %get3A_2860 = tpu.vector_load %arg10[%get3A_2859] {strides = array<i32>} : memref<1024xf32, #tpu.memory_space<vmem>>, vector<16xf32>,
        %add3A_2861 = arith.addf %mul3A_2858, %get3A_2860 : vector<16xf32>
        %swap3A_2862 = arith.index_cast %scan3A_1495 : i32 to index
        %swap3A_2863 = arith.constant 320 : index
        %swap3A_2864 = tpu.vector_load %arg19[%swap3A_2862, %swap3A_2863] {strides = array<i32>} : memref<32x1024xf32, #tpu.memory_space<vmem>>, vector<16xf32>,
        tpu.vector_store %arg19[%swap3A_2862, %swap3A_2863], %add3A_2861 {strides = array<i32>} : memref<32x1024xf32, #tpu.memory_space<vmem>>, vector<16xf32>,
        %get3A_2865 = arith.index_cast %scan3A_1495 : i32 to index
        %get3A_2866 = arith.constant 336 : index
        %get3A_2867 = tpu.vector_load %arg19[%get3A_2865, %get3A_2866] {strides = array<i32>} : memref<32x1024xf32, #tpu.memory_space<vmem>>, vector<16xf32>,
        %mul3A_2868 = arith.mulf %get3A_2867, %mul3A_2567 : vector<16xf32>
        %add3A_2869 = arith.addf %mul3A_2868, %mul3A_2570 : vector<16xf32>
        %get3A_2870 = arith.constant 336 : index
        %get3A_2871 = tpu.vector_load %arg13[%get3A_2870] {strides = array<i32>} : memref<1024xf32, #tpu.memory_space<vmem>>, vector<16xf32>,
        %mul3A_2872 = arith.mulf %add3A_2869, %get3A_2871 : vector<16xf32>
        %get3A_2873 = arith.constant 336 : index
        %get3A_2874 = tpu.vector_load %arg10[%get3A_2873] {strides = array<i32>} : memref<1024xf32, #tpu.memory_space<vmem>>, vector<16xf32>,
        %add3A_2875 = arith.addf %mul3A_2872, %get3A_2874 : vector<16xf32>
        %swap3A_2876 = arith.index_cast %scan3A_1495 : i32 to index
        %swap3A_2877 = arith.constant 336 : index
        %swap3A_2878 = tpu.vector_load %arg19[%swap3A_2876, %swap3A_2877] {strides = array<i32>} : memref<32x1024xf32, #tpu.memory_space<vmem>>, vector<16xf32>,
        tpu.vector_store %arg19[%swap3A_2876, %swap3A_2877], %add3A_2875 {strides = array<i32>} : memref<32x1024xf32, #tpu.memory_space<vmem>>, vector<16xf32>,
        %get3A_2879 = arith.index_cast %scan3A_1495 : i32 to index
        %get3A_2880 = arith.constant 352 : index
        %get3A_2881 = tpu.vector_load %arg19[%get3A_2879, %get3A_2880] {strides = array<i32>} : memref<32x1024xf32, #tpu.memory_space<vmem>>, vector<16xf32>,
        %mul3A_2882 = arith.mulf %get3A_2881, %mul3A_2567 : vector<16xf32>
        %add3A_2883 = arith.addf %mul3A_2882, %mul3A_2570 : vector<16xf32>
        %get3A_2884 = arith.constant 352 : index
        %get3A_2885 = tpu.vector_load %arg13[%get3A_2884] {strides = array<i32>} : memref<1024xf32, #tpu.memory_space<vmem>>, vector<16xf32>,
        %mul3A_2886 = arith.mulf %add3A_2883, %get3A_2885 : vector<16xf32>
        %get3A_2887 = arith.constant 352 : index
        %get3A_2888 = tpu.vector_load %arg10[%get3A_2887] {strides = array<i32>} : memref<1024xf32, #tpu.memory_space<vmem>>, vector<16xf32>,
        %add3A_2889 = arith.addf %mul3A_2886, %get3A_2888 : vector<16xf32>
        %swap3A_2890 = arith.index_cast %scan3A_1495 : i32 to index
        %swap3A_2891 = arith.constant 352 : index
        %swap3A_2892 = tpu.vector_load %arg19[%swap3A_2890, %swap3A_2891] {strides = array<i32>} : memref<32x1024xf32, #tpu.memory_space<vmem>>, vector<16xf32>,
        tpu.vector_store %arg19[%swap3A_2890, %swap3A_2891], %add3A_2889 {strides = array<i32>} : memref<32x1024xf32, #tpu.memory_space<vmem>>, vector<16xf32>,
        %get3A_2893 = arith.index_cast %scan3A_1495 : i32 to index
        %get3A_2894 = arith.constant 368 : index
        %get3A_2895 = tpu.vector_load %arg19[%get3A_2893, %get3A_2894] {strides = array<i32>} : memref<32x1024xf32, #tpu.memory_space<vmem>>, vector<16xf32>,
        %mul3A_2896 = arith.mulf %get3A_2895, %mul3A_2567 : vector<16xf32>
        %add3A_2897 = arith.addf %mul3A_2896, %mul3A_2570 : vector<16xf32>
        %get3A_2898 = arith.constant 368 : index
        %get3A_2899 = tpu.vector_load %arg13[%get3A_2898] {strides = array<i32>} : memref<1024xf32, #tpu.memory_space<vmem>>, vector<16xf32>,
        %mul3A_2900 = arith.mulf %add3A_2897, %get3A_2899 : vector<16xf32>
        %get3A_2901 = arith.constant 368 : index
        %get3A_2902 = tpu.vector_load %arg10[%get3A_2901] {strides = array<i32>} : memref<1024xf32, #tpu.memory_space<vmem>>, vector<16xf32>,
        %add3A_2903 = arith.addf %mul3A_2900, %get3A_2902 : vector<16xf32>
        %swap3A_2904 = arith.index_cast %scan3A_1495 : i32 to index
        %swap3A_2905 = arith.constant 368 : index
        %swap3A_2906 = tpu.vector_load %arg19[%swap3A_2904, %swap3A_2905] {strides = array<i32>} : memref<32x1024xf32, #tpu.memory_space<vmem>>, vector<16xf32>,
        tpu.vector_store %arg19[%swap3A_2904, %swap3A_2905], %add3A_2903 {strides = array<i32>} : memref<32x1024xf32, #tpu.memory_space<vmem>>, vector<16xf32>,
        %get3A_2907 = arith.index_cast %scan3A_1495 : i32 to index
        %get3A_2908 = arith.constant 384 : index
        %get3A_2909 = tpu.vector_load %arg19[%get3A_2907, %get3A_2908] {strides = array<i32>} : memref<32x1024xf32, #tpu.memory_space<vmem>>, vector<16xf32>,
        %mul3A_2910 = arith.mulf %get3A_2909, %mul3A_2567 : vector<16xf32>
        %add3A_2911 = arith.addf %mul3A_2910, %mul3A_2570 : vector<16xf32>
        %get3A_2912 = arith.constant 384 : index
        %get3A_2913 = tpu.vector_load %arg13[%get3A_2912] {strides = array<i32>} : memref<1024xf32, #tpu.memory_space<vmem>>, vector<16xf32>,
        %mul3A_2914 = arith.mulf %add3A_2911, %get3A_2913 : vector<16xf32>
        %get3A_2915 = arith.constant 384 : index
        %get3A_2916 = tpu.vector_load %arg10[%get3A_2915] {strides = array<i32>} : memref<1024xf32, #tpu.memory_space<vmem>>, vector<16xf32>,
        %add3A_2917 = arith.addf %mul3A_2914, %get3A_2916 : vector<16xf32>
        %swap3A_2918 = arith.index_cast %scan3A_1495 : i32 to index
        %swap3A_2919 = arith.constant 384 : index
        %swap3A_2920 = tpu.vector_load %arg19[%swap3A_2918, %swap3A_2919] {strides = array<i32>} : memref<32x1024xf32, #tpu.memory_space<vmem>>, vector<16xf32>,
        tpu.vector_store %arg19[%swap3A_2918, %swap3A_2919], %add3A_2917 {strides = array<i32>} : memref<32x1024xf32, #tpu.memory_space<vmem>>, vector<16xf32>,
        %get3A_2921 = arith.index_cast %scan3A_1495 : i32 to index
        %get3A_2922 = arith.constant 400 : index
        %get3A_2923 = tpu.vector_load %arg19[%get3A_2921, %get3A_2922] {strides = array<i32>} : memref<32x1024xf32, #tpu.memory_space<vmem>>, vector<16xf32>,
        %mul3A_2924 = arith.mulf %get3A_2923, %mul3A_2567 : vector<16xf32>
        %add3A_2925 = arith.addf %mul3A_2924, %mul3A_2570 : vector<16xf32>
        %get3A_2926 = arith.constant 400 : index
        %get3A_2927 = tpu.vector_load %arg13[%get3A_2926] {strides = array<i32>} : memref<1024xf32, #tpu.memory_space<vmem>>, vector<16xf32>,
        %mul3A_2928 = arith.mulf %add3A_2925, %get3A_2927 : vector<16xf32>
        %get3A_2929 = arith.constant 400 : index
        %get3A_2930 = tpu.vector_load %arg10[%get3A_2929] {strides = array<i32>} : memref<1024xf32, #tpu.memory_space<vmem>>, vector<16xf32>,
        %add3A_2931 = arith.addf %mul3A_2928, %get3A_2930 : vector<16xf32>
        %swap3A_2932 = arith.index_cast %scan3A_1495 : i32 to index
        %swap3A_2933 = arith.constant 400 : index
        %swap3A_2934 = tpu.vector_load %arg19[%swap3A_2932, %swap3A_2933] {strides = array<i32>} : memref<32x1024xf32, #tpu.memory_space<vmem>>, vector<16xf32>,
        tpu.vector_store %arg19[%swap3A_2932, %swap3A_2933], %add3A_2931 {strides = array<i32>} : memref<32x1024xf32, #tpu.memory_space<vmem>>, vector<16xf32>,
        %get3A_2935 = arith.index_cast %scan3A_1495 : i32 to index
        %get3A_2936 = arith.constant 416 : index
        %get3A_2937 = tpu.vector_load %arg19[%get3A_2935, %get3A_2936] {strides = array<i32>} : memref<32x1024xf32, #tpu.memory_space<vmem>>, vector<16xf32>,
        %mul3A_2938 = arith.mulf %get3A_2937, %mul3A_2567 : vector<16xf32>
        %add3A_2939 = arith.addf %mul3A_2938, %mul3A_2570 : vector<16xf32>
        %get3A_2940 = arith.constant 416 : index
        %get3A_2941 = tpu.vector_load %arg13[%get3A_2940] {strides = array<i32>} : memref<1024xf32, #tpu.memory_space<vmem>>, vector<16xf32>,
        %mul3A_2942 = arith.mulf %add3A_2939, %get3A_2941 : vector<16xf32>
        %get3A_2943 = arith.constant 416 : index
        %get3A_2944 = tpu.vector_load %arg10[%get3A_2943] {strides = array<i32>} : memref<1024xf32, #tpu.memory_space<vmem>>, vector<16xf32>,
        %add3A_2945 = arith.addf %mul3A_2942, %get3A_2944 : vector<16xf32>
        %swap3A_2946 = arith.index_cast %scan3A_1495 : i32 to index
        %swap3A_2947 = arith.constant 416 : index
        %swap3A_2948 = tpu.vector_load %arg19[%swap3A_2946, %swap3A_2947] {strides = array<i32>} : memref<32x1024xf32, #tpu.memory_space<vmem>>, vector<16xf32>,
        tpu.vector_store %arg19[%swap3A_2946, %swap3A_2947], %add3A_2945 {strides = array<i32>} : memref<32x1024xf32, #tpu.memory_space<vmem>>, vector<16xf32>,
        %get3A_2949 = arith.index_cast %scan3A_1495 : i32 to index
        %get3A_2950 = arith.constant 432 : index
        %get3A_2951 = tpu.vector_load %arg19[%get3A_2949, %get3A_2950] {strides = array<i32>} : memref<32x1024xf32, #tpu.memory_space<vmem>>, vector<16xf32>,
        %mul3A_2952 = arith.mulf %get3A_2951, %mul3A_2567 : vector<16xf32>
        %add3A_2953 = arith.addf %mul3A_2952, %mul3A_2570 : vector<16xf32>
        %get3A_2954 = arith.constant 432 : index
        %get3A_2955 = tpu.vector_load %arg13[%get3A_2954] {strides = array<i32>} : memref<1024xf32, #tpu.memory_space<vmem>>, vector<16xf32>,
        %mul3A_2956 = arith.mulf %add3A_2953, %get3A_2955 : vector<16xf32>
        %get3A_2957 = arith.constant 432 : index
        %get3A_2958 = tpu.vector_load %arg10[%get3A_2957] {strides = array<i32>} : memref<1024xf32, #tpu.memory_space<vmem>>, vector<16xf32>,
        %add3A_2959 = arith.addf %mul3A_2956, %get3A_2958 : vector<16xf32>
        %swap3A_2960 = arith.index_cast %scan3A_1495 : i32 to index
        %swap3A_2961 = arith.constant 432 : index
        %swap3A_2962 = tpu.vector_load %arg19[%swap3A_2960, %swap3A_2961] {strides = array<i32>} : memref<32x1024xf32, #tpu.memory_space<vmem>>, vector<16xf32>,
        tpu.vector_store %arg19[%swap3A_2960, %swap3A_2961], %add3A_2959 {strides = array<i32>} : memref<32x1024xf32, #tpu.memory_space<vmem>>, vector<16xf32>,
        %get3A_2963 = arith.index_cast %scan3A_1495 : i32 to index
        %get3A_2964 = arith.constant 448 : index
        %get3A_2965 = tpu.vector_load %arg19[%get3A_2963, %get3A_2964] {strides = array<i32>} : memref<32x1024xf32, #tpu.memory_space<vmem>>, vector<16xf32>,
        %mul3A_2966 = arith.mulf %get3A_2965, %mul3A_2567 : vector<16xf32>
        %add3A_2967 = arith.addf %mul3A_2966, %mul3A_2570 : vector<16xf32>
        %get3A_2968 = arith.constant 448 : index
        %get3A_2969 = tpu.vector_load %arg13[%get3A_2968] {strides = array<i32>} : memref<1024xf32, #tpu.memory_space<vmem>>, vector<16xf32>,
        %mul3A_2970 = arith.mulf %add3A_2967, %get3A_2969 : vector<16xf32>
        %get3A_2971 = arith.constant 448 : index
        %get3A_2972 = tpu.vector_load %arg10[%get3A_2971] {strides = array<i32>} : memref<1024xf32, #tpu.memory_space<vmem>>, vector<16xf32>,
        %add3A_2973 = arith.addf %mul3A_2970, %get3A_2972 : vector<16xf32>
        %swap3A_2974 = arith.index_cast %scan3A_1495 : i32 to index
        %swap3A_2975 = arith.constant 448 : index
        %swap3A_2976 = tpu.vector_load %arg19[%swap3A_2974, %swap3A_2975] {strides = array<i32>} : memref<32x1024xf32, #tpu.memory_space<vmem>>, vector<16xf32>,
        tpu.vector_store %arg19[%swap3A_2974, %swap3A_2975], %add3A_2973 {strides = array<i32>} : memref<32x1024xf32, #tpu.memory_space<vmem>>, vector<16xf32>,
        %get3A_2977 = arith.index_cast %scan3A_1495 : i32 to index
        %get3A_2978 = arith.constant 464 : index
        %get3A_2979 = tpu.vector_load %arg19[%get3A_2977, %get3A_2978] {strides = array<i32>} : memref<32x1024xf32, #tpu.memory_space<vmem>>, vector<16xf32>,
        %mul3A_2980 = arith.mulf %get3A_2979, %mul3A_2567 : vector<16xf32>
        %add3A_2981 = arith.addf %mul3A_2980, %mul3A_2570 : vector<16xf32>
        %get3A_2982 = arith.constant 464 : index
        %get3A_2983 = tpu.vector_load %arg13[%get3A_2982] {strides = array<i32>} : memref<1024xf32, #tpu.memory_space<vmem>>, vector<16xf32>,
        %mul3A_2984 = arith.mulf %add3A_2981, %get3A_2983 : vector<16xf32>
        %get3A_2985 = arith.constant 464 : index
        %get3A_2986 = tpu.vector_load %arg10[%get3A_2985] {strides = array<i32>} : memref<1024xf32, #tpu.memory_space<vmem>>, vector<16xf32>,
        %add3A_2987 = arith.addf %mul3A_2984, %get3A_2986 : vector<16xf32>
        %swap3A_2988 = arith.index_cast %scan3A_1495 : i32 to index
        %swap3A_2989 = arith.constant 464 : index
        %swap3A_2990 = tpu.vector_load %arg19[%swap3A_2988, %swap3A_2989] {strides = array<i32>} : memref<32x1024xf32, #tpu.memory_space<vmem>>, vector<16xf32>,
        tpu.vector_store %arg19[%swap3A_2988, %swap3A_2989], %add3A_2987 {strides = array<i32>} : memref<32x1024xf32, #tpu.memory_space<vmem>>, vector<16xf32>,
        %get3A_2991 = arith.index_cast %scan3A_1495 : i32 to index
        %get3A_2992 = arith.constant 480 : index
        %get3A_2993 = tpu.vector_load %arg19[%get3A_2991, %get3A_2992] {strides = array<i32>} : memref<32x1024xf32, #tpu.memory_space<vmem>>, vector<16xf32>,
        %mul3A_2994 = arith.mulf %get3A_2993, %mul3A_2567 : vector<16xf32>
        %add3A_2995 = arith.addf %mul3A_2994, %mul3A_2570 : vector<16xf32>
        %get3A_2996 = arith.constant 480 : index
        %get3A_2997 = tpu.vector_load %arg13[%get3A_2996] {strides = array<i32>} : memref<1024xf32, #tpu.memory_space<vmem>>, vector<16xf32>,
        %mul3A_2998 = arith.mulf %add3A_2995, %get3A_2997 : vector<16xf32>
        %get3A_2999 = arith.constant 480 : index
        %get3A_3000 = tpu.vector_load %arg10[%get3A_2999] {strides = array<i32>} : memref<1024xf32, #tpu.memory_space<vmem>>, vector<16xf32>,
        %add3A_3001 = arith.addf %mul3A_2998, %get3A_3000 : vector<16xf32>
        %swap3A_3002 = arith.index_cast %scan3A_1495 : i32 to index
        %swap3A_3003 = arith.constant 480 : index
        %swap3A_3004 = tpu.vector_load %arg19[%swap3A_3002, %swap3A_3003] {strides = array<i32>} : memref<32x1024xf32, #tpu.memory_space<vmem>>, vector<16xf32>,
        tpu.vector_store %arg19[%swap3A_3002, %swap3A_3003], %add3A_3001 {strides = array<i32>} : memref<32x1024xf32, #tpu.memory_space<vmem>>, vector<16xf32>,
        %get3A_3005 = arith.index_cast %scan3A_1495 : i32 to index
        %get3A_3006 = arith.constant 496 : index
        %get3A_3007 = tpu.vector_load %arg19[%get3A_3005, %get3A_3006] {strides = array<i32>} : memref<32x1024xf32, #tpu.memory_space<vmem>>, vector<16xf32>,
        %mul3A_3008 = arith.mulf %get3A_3007, %mul3A_2567 : vector<16xf32>
        %add3A_3009 = arith.addf %mul3A_3008, %mul3A_2570 : vector<16xf32>
        %get3A_3010 = arith.constant 496 : index
        %get3A_3011 = tpu.vector_load %arg13[%get3A_3010] {strides = array<i32>} : memref<1024xf32, #tpu.memory_space<vmem>>, vector<16xf32>,
        %mul3A_3012 = arith.mulf %add3A_3009, %get3A_3011 : vector<16xf32>
        %get3A_3013 = arith.constant 496 : index
        %get3A_3014 = tpu.vector_load %arg10[%get3A_3013] {strides = array<i32>} : memref<1024xf32, #tpu.memory_space<vmem>>, vector<16xf32>,
        %add3A_3015 = arith.addf %mul3A_3012, %get3A_3014 : vector<16xf32>
        %swap3A_3016 = arith.index_cast %scan3A_1495 : i32 to index
        %swap3A_3017 = arith.constant 496 : index
        %swap3A_3018 = tpu.vector_load %arg19[%swap3A_3016, %swap3A_3017] {strides = array<i32>} : memref<32x1024xf32, #tpu.memory_space<vmem>>, vector<16xf32>,
        tpu.vector_store %arg19[%swap3A_3016, %swap3A_3017], %add3A_3015 {strides = array<i32>} : memref<32x1024xf32, #tpu.memory_space<vmem>>, vector<16xf32>,
        %get3A_3019 = arith.index_cast %scan3A_1495 : i32 to index
        %get3A_3020 = arith.constant 512 : index
        %get3A_3021 = tpu.vector_load %arg19[%get3A_3019, %get3A_3020] {strides = array<i32>} : memref<32x1024xf32, #tpu.memory_space<vmem>>, vector<16xf32>,
        %mul3A_3022 = arith.mulf %get3A_3021, %mul3A_2567 : vector<16xf32>
        %add3A_3023 = arith.addf %mul3A_3022, %mul3A_2570 : vector<16xf32>
        %get3A_3024 = arith.constant 512 : index
        %get3A_3025 = tpu.vector_load %arg13[%get3A_3024] {strides = array<i32>} : memref<1024xf32, #tpu.memory_space<vmem>>, vector<16xf32>,
        %mul3A_3026 = arith.mulf %add3A_3023, %get3A_3025 : vector<16xf32>
        %get3A_3027 = arith.constant 512 : index
        %get3A_3028 = tpu.vector_load %arg10[%get3A_3027] {strides = array<i32>} : memref<1024xf32, #tpu.memory_space<vmem>>, vector<16xf32>,
        %add3A_3029 = arith.addf %mul3A_3026, %get3A_3028 : vector<16xf32>
        %swap3A_3030 = arith.index_cast %scan3A_1495 : i32 to index
        %swap3A_3031 = arith.constant 512 : index
        %swap3A_3032 = tpu.vector_load %arg19[%swap3A_3030, %swap3A_3031] {strides = array<i32>} : memref<32x1024xf32, #tpu.memory_space<vmem>>, vector<16xf32>,
        tpu.vector_store %arg19[%swap3A_3030, %swap3A_3031], %add3A_3029 {strides = array<i32>} : memref<32x1024xf32, #tpu.memory_space<vmem>>, vector<16xf32>,
        %get3A_3033 = arith.index_cast %scan3A_1495 : i32 to index
        %get3A_3034 = arith.constant 528 : index
        %get3A_3035 = tpu.vector_load %arg19[%get3A_3033, %get3A_3034] {strides = array<i32>} : memref<32x1024xf32, #tpu.memory_space<vmem>>, vector<16xf32>,
        %mul3A_3036 = arith.mulf %get3A_3035, %mul3A_2567 : vector<16xf32>
        %add3A_3037 = arith.addf %mul3A_3036, %mul3A_2570 : vector<16xf32>
        %get3A_3038 = arith.constant 528 : index
        %get3A_3039 = tpu.vector_load %arg13[%get3A_3038] {strides = array<i32>} : memref<1024xf32, #tpu.memory_space<vmem>>, vector<16xf32>,
        %mul3A_3040 = arith.mulf %add3A_3037, %get3A_3039 : vector<16xf32>
        %get3A_3041 = arith.constant 528 : index
        %get3A_3042 = tpu.vector_load %arg10[%get3A_3041] {strides = array<i32>} : memref<1024xf32, #tpu.memory_space<vmem>>, vector<16xf32>,
        %add3A_3043 = arith.addf %mul3A_3040, %get3A_3042 : vector<16xf32>
        %swap3A_3044 = arith.index_cast %scan3A_1495 : i32 to index
        %swap3A_3045 = arith.constant 528 : index
        %swap3A_3046 = tpu.vector_load %arg19[%swap3A_3044, %swap3A_3045] {strides = array<i32>} : memref<32x1024xf32, #tpu.memory_space<vmem>>, vector<16xf32>,
        tpu.vector_store %arg19[%swap3A_3044, %swap3A_3045], %add3A_3043 {strides = array<i32>} : memref<32x1024xf32, #tpu.memory_space<vmem>>, vector<16xf32>,
        %get3A_3047 = arith.index_cast %scan3A_1495 : i32 to index
        %get3A_3048 = arith.constant 544 : index
        %get3A_3049 = tpu.vector_load %arg19[%get3A_3047, %get3A_3048] {strides = array<i32>} : memref<32x1024xf32, #tpu.memory_space<vmem>>, vector<16xf32>,
        %mul3A_3050 = arith.mulf %get3A_3049, %mul3A_2567 : vector<16xf32>
        %add3A_3051 = arith.addf %mul3A_3050, %mul3A_2570 : vector<16xf32>
        %get3A_3052 = arith.constant 544 : index
        %get3A_3053 = tpu.vector_load %arg13[%get3A_3052] {strides = array<i32>} : memref<1024xf32, #tpu.memory_space<vmem>>, vector<16xf32>,
        %mul3A_3054 = arith.mulf %add3A_3051, %get3A_3053 : vector<16xf32>
        %get3A_3055 = arith.constant 544 : index
        %get3A_3056 = tpu.vector_load %arg10[%get3A_3055] {strides = array<i32>} : memref<1024xf32, #tpu.memory_space<vmem>>, vector<16xf32>,
        %add3A_3057 = arith.addf %mul3A_3054, %get3A_3056 : vector<16xf32>
        %swap3A_3058 = arith.index_cast %scan3A_1495 : i32 to index
        %swap3A_3059 = arith.constant 544 : index
        %swap3A_3060 = tpu.vector_load %arg19[%swap3A_3058, %swap3A_3059] {strides = array<i32>} : memref<32x1024xf32, #tpu.memory_space<vmem>>, vector<16xf32>,
        tpu.vector_store %arg19[%swap3A_3058, %swap3A_3059], %add3A_3057 {strides = array<i32>} : memref<32x1024xf32, #tpu.memory_space<vmem>>, vector<16xf32>,
        %get3A_3061 = arith.index_cast %scan3A_1495 : i32 to index
        %get3A_3062 = arith.constant 560 : index
        %get3A_3063 = tpu.vector_load %arg19[%get3A_3061, %get3A_3062] {strides = array<i32>} : memref<32x1024xf32, #tpu.memory_space<vmem>>, vector<16xf32>,
        %mul3A_3064 = arith.mulf %get3A_3063, %mul3A_2567 : vector<16xf32>
        %add3A_3065 = arith.addf %mul3A_3064, %mul3A_2570 : vector<16xf32>
        %get3A_3066 = arith.constant 560 : index
        %get3A_3067 = tpu.vector_load %arg13[%get3A_3066] {strides = array<i32>} : memref<1024xf32, #tpu.memory_space<vmem>>, vector<16xf32>,
        %mul3A_3068 = arith.mulf %add3A_3065, %get3A_3067 : vector<16xf32>
        %get3A_3069 = arith.constant 560 : index
        %get3A_3070 = tpu.vector_load %arg10[%get3A_3069] {strides = array<i32>} : memref<1024xf32, #tpu.memory_space<vmem>>, vector<16xf32>,
        %add3A_3071 = arith.addf %mul3A_3068, %get3A_3070 : vector<16xf32>
        %swap3A_3072 = arith.index_cast %scan3A_1495 : i32 to index
        %swap3A_3073 = arith.constant 560 : index
        %swap3A_3074 = tpu.vector_load %arg19[%swap3A_3072, %swap3A_3073] {strides = array<i32>} : memref<32x1024xf32, #tpu.memory_space<vmem>>, vector<16xf32>,
        tpu.vector_store %arg19[%swap3A_3072, %swap3A_3073], %add3A_3071 {strides = array<i32>} : memref<32x1024xf32, #tpu.memory_space<vmem>>, vector<16xf32>,
        %get3A_3075 = arith.index_cast %scan3A_1495 : i32 to index
        %get3A_3076 = arith.constant 576 : index
        %get3A_3077 = tpu.vector_load %arg19[%get3A_3075, %get3A_3076] {strides = array<i32>} : memref<32x1024xf32, #tpu.memory_space<vmem>>, vector<16xf32>,
        %mul3A_3078 = arith.mulf %get3A_3077, %mul3A_2567 : vector<16xf32>
        %add3A_3079 = arith.addf %mul3A_3078, %mul3A_2570 : vector<16xf32>
        %get3A_3080 = arith.constant 576 : index
        %get3A_3081 = tpu.vector_load %arg13[%get3A_3080] {strides = array<i32>} : memref<1024xf32, #tpu.memory_space<vmem>>, vector<16xf32>,
        %mul3A_3082 = arith.mulf %add3A_3079, %get3A_3081 : vector<16xf32>
        %get3A_3083 = arith.constant 576 : index
        %get3A_3084 = tpu.vector_load %arg10[%get3A_3083] {strides = array<i32>} : memref<1024xf32, #tpu.memory_space<vmem>>, vector<16xf32>,
        %add3A_3085 = arith.addf %mul3A_3082, %get3A_3084 : vector<16xf32>
        %swap3A_3086 = arith.index_cast %scan3A_1495 : i32 to index
        %swap3A_3087 = arith.constant 576 : index
        %swap3A_3088 = tpu.vector_load %arg19[%swap3A_3086, %swap3A_3087] {strides = array<i32>} : memref<32x1024xf32, #tpu.memory_space<vmem>>, vector<16xf32>,
        tpu.vector_store %arg19[%swap3A_3086, %swap3A_3087], %add3A_3085 {strides = array<i32>} : memref<32x1024xf32, #tpu.memory_space<vmem>>, vector<16xf32>,
        %get3A_3089 = arith.index_cast %scan3A_1495 : i32 to index
        %get3A_3090 = arith.constant 592 : index
        %get3A_3091 = tpu.vector_load %arg19[%get3A_3089, %get3A_3090] {strides = array<i32>} : memref<32x1024xf32, #tpu.memory_space<vmem>>, vector<16xf32>,
        %mul3A_3092 = arith.mulf %get3A_3091, %mul3A_2567 : vector<16xf32>
        %add3A_3093 = arith.addf %mul3A_3092, %mul3A_2570 : vector<16xf32>
        %get3A_3094 = arith.constant 592 : index
        %get3A_3095 = tpu.vector_load %arg13[%get3A_3094] {strides = array<i32>} : memref<1024xf32, #tpu.memory_space<vmem>>, vector<16xf32>,
        %mul3A_3096 = arith.mulf %add3A_3093, %get3A_3095 : vector<16xf32>
        %get3A_3097 = arith.constant 592 : index
        %get3A_3098 = tpu.vector_load %arg10[%get3A_3097] {strides = array<i32>} : memref<1024xf32, #tpu.memory_space<vmem>>, vector<16xf32>,
        %add3A_3099 = arith.addf %mul3A_3096, %get3A_3098 : vector<16xf32>
        %swap3A_3100 = arith.index_cast %scan3A_1495 : i32 to index
        %swap3A_3101 = arith.constant 592 : index
        %swap3A_3102 = tpu.vector_load %arg19[%swap3A_3100, %swap3A_3101] {strides = array<i32>} : memref<32x1024xf32, #tpu.memory_space<vmem>>, vector<16xf32>,
        tpu.vector_store %arg19[%swap3A_3100, %swap3A_3101], %add3A_3099 {strides = array<i32>} : memref<32x1024xf32, #tpu.memory_space<vmem>>, vector<16xf32>,
        %get3A_3103 = arith.index_cast %scan3A_1495 : i32 to index
        %get3A_3104 = arith.constant 608 : index
        %get3A_3105 = tpu.vector_load %arg19[%get3A_3103, %get3A_3104] {strides = array<i32>} : memref<32x1024xf32, #tpu.memory_space<vmem>>, vector<16xf32>,
        %mul3A_3106 = arith.mulf %get3A_3105, %mul3A_2567 : vector<16xf32>
        %add3A_3107 = arith.addf %mul3A_3106, %mul3A_2570 : vector<16xf32>
        %get3A_3108 = arith.constant 608 : index
        %get3A_3109 = tpu.vector_load %arg13[%get3A_3108] {strides = array<i32>} : memref<1024xf32, #tpu.memory_space<vmem>>, vector<16xf32>,
        %mul3A_3110 = arith.mulf %add3A_3107, %get3A_3109 : vector<16xf32>
        %get3A_3111 = arith.constant 608 : index
        %get3A_3112 = tpu.vector_load %arg10[%get3A_3111] {strides = array<i32>} : memref<1024xf32, #tpu.memory_space<vmem>>, vector<16xf32>,
        %add3A_3113 = arith.addf %mul3A_3110, %get3A_3112 : vector<16xf32>
        %swap3A_3114 = arith.index_cast %scan3A_1495 : i32 to index
        %swap3A_3115 = arith.constant 608 : index
        %swap3A_3116 = tpu.vector_load %arg19[%swap3A_3114, %swap3A_3115] {strides = array<i32>} : memref<32x1024xf32, #tpu.memory_space<vmem>>, vector<16xf32>,
        tpu.vector_store %arg19[%swap3A_3114, %swap3A_3115], %add3A_3113 {strides = array<i32>} : memref<32x1024xf32, #tpu.memory_space<vmem>>, vector<16xf32>,
        %get3A_3117 = arith.index_cast %scan3A_1495 : i32 to index
        %get3A_3118 = arith.constant 624 : index
        %get3A_3119 = tpu.vector_load %arg19[%get3A_3117, %get3A_3118] {strides = array<i32>} : memref<32x1024xf32, #tpu.memory_space<vmem>>, vector<16xf32>,
        %mul3A_3120 = arith.mulf %get3A_3119, %mul3A_2567 : vector<16xf32>
        %add3A_3121 = arith.addf %mul3A_3120, %mul3A_2570 : vector<16xf32>
        %get3A_3122 = arith.constant 624 : index
        %get3A_3123 = tpu.vector_load %arg13[%get3A_3122] {strides = array<i32>} : memref<1024xf32, #tpu.memory_space<vmem>>, vector<16xf32>,
        %mul3A_3124 = arith.mulf %add3A_3121, %get3A_3123 : vector<16xf32>
        %get3A_3125 = arith.constant 624 : index
        %get3A_3126 = tpu.vector_load %arg10[%get3A_3125] {strides = array<i32>} : memref<1024xf32, #tpu.memory_space<vmem>>, vector<16xf32>,
        %add3A_3127 = arith.addf %mul3A_3124, %get3A_3126 : vector<16xf32>
        %swap3A_3128 = arith.index_cast %scan3A_1495 : i32 to index
        %swap3A_3129 = arith.constant 624 : index
        %swap3A_3130 = tpu.vector_load %arg19[%swap3A_3128, %swap3A_3129] {strides = array<i32>} : memref<32x1024xf32, #tpu.memory_space<vmem>>, vector<16xf32>,
        tpu.vector_store %arg19[%swap3A_3128, %swap3A_3129], %add3A_3127 {strides = array<i32>} : memref<32x1024xf32, #tpu.memory_space<vmem>>, vector<16xf32>,
        %get3A_3131 = arith.index_cast %scan3A_1495 : i32 to index
        %get3A_3132 = arith.constant 640 : index
        %get3A_3133 = tpu.vector_load %arg19[%get3A_3131, %get3A_3132] {strides = array<i32>} : memref<32x1024xf32, #tpu.memory_space<vmem>>, vector<16xf32>,
        %mul3A_3134 = arith.mulf %get3A_3133, %mul3A_2567 : vector<16xf32>
        %add3A_3135 = arith.addf %mul3A_3134, %mul3A_2570 : vector<16xf32>
        %get3A_3136 = arith.constant 640 : index
        %get3A_3137 = tpu.vector_load %arg13[%get3A_3136] {strides = array<i32>} : memref<1024xf32, #tpu.memory_space<vmem>>, vector<16xf32>,
        %mul3A_3138 = arith.mulf %add3A_3135, %get3A_3137 : vector<16xf32>
        %get3A_3139 = arith.constant 640 : index
        %get3A_3140 = tpu.vector_load %arg10[%get3A_3139] {strides = array<i32>} : memref<1024xf32, #tpu.memory_space<vmem>>, vector<16xf32>,
        %add3A_3141 = arith.addf %mul3A_3138, %get3A_3140 : vector<16xf32>
        %swap3A_3142 = arith.index_cast %scan3A_1495 : i32 to index
        %swap3A_3143 = arith.constant 640 : index
        %swap3A_3144 = tpu.vector_load %arg19[%swap3A_3142, %swap3A_3143] {strides = array<i32>} : memref<32x1024xf32, #tpu.memory_space<vmem>>, vector<16xf32>,
        tpu.vector_store %arg19[%swap3A_3142, %swap3A_3143], %add3A_3141 {strides = array<i32>} : memref<32x1024xf32, #tpu.memory_space<vmem>>, vector<16xf32>,
        %get3A_3145 = arith.index_cast %scan3A_1495 : i32 to index
        %get3A_3146 = arith.constant 656 : index
        %get3A_3147 = tpu.vector_load %arg19[%get3A_3145, %get3A_3146] {strides = array<i32>} : memref<32x1024xf32, #tpu.memory_space<vmem>>, vector<16xf32>,
        %mul3A_3148 = arith.mulf %get3A_3147, %mul3A_2567 : vector<16xf32>
        %add3A_3149 = arith.addf %mul3A_3148, %mul3A_2570 : vector<16xf32>
        %get3A_3150 = arith.constant 656 : index
        %get3A_3151 = tpu.vector_load %arg13[%get3A_3150] {strides = array<i32>} : memref<1024xf32, #tpu.memory_space<vmem>>, vector<16xf32>,
        %mul3A_3152 = arith.mulf %add3A_3149, %get3A_3151 : vector<16xf32>
        %get3A_3153 = arith.constant 656 : index
        %get3A_3154 = tpu.vector_load %arg10[%get3A_3153] {strides = array<i32>} : memref<1024xf32, #tpu.memory_space<vmem>>, vector<16xf32>,
        %add3A_3155 = arith.addf %mul3A_3152, %get3A_3154 : vector<16xf32>
        %swap3A_3156 = arith.index_cast %scan3A_1495 : i32 to index
        %swap3A_3157 = arith.constant 656 : index
        %swap3A_3158 = tpu.vector_load %arg19[%swap3A_3156, %swap3A_3157] {strides = array<i32>} : memref<32x1024xf32, #tpu.memory_space<vmem>>, vector<16xf32>,
        tpu.vector_store %arg19[%swap3A_3156, %swap3A_3157], %add3A_3155 {strides = array<i32>} : memref<32x1024xf32, #tpu.memory_space<vmem>>, vector<16xf32>,
        %get3A_3159 = arith.index_cast %scan3A_1495 : i32 to index
        %get3A_3160 = arith.constant 672 : index
        %get3A_3161 = tpu.vector_load %arg19[%get3A_3159, %get3A_3160] {strides = array<i32>} : memref<32x1024xf32, #tpu.memory_space<vmem>>, vector<16xf32>,
        %mul3A_3162 = arith.mulf %get3A_3161, %mul3A_2567 : vector<16xf32>
        %add3A_3163 = arith.addf %mul3A_3162, %mul3A_2570 : vector<16xf32>
        %get3A_3164 = arith.constant 672 : index
        %get3A_3165 = tpu.vector_load %arg13[%get3A_3164] {strides = array<i32>} : memref<1024xf32, #tpu.memory_space<vmem>>, vector<16xf32>,
        %mul3A_3166 = arith.mulf %add3A_3163, %get3A_3165 : vector<16xf32>
        %get3A_3167 = arith.constant 672 : index
        %get3A_3168 = tpu.vector_load %arg10[%get3A_3167] {strides = array<i32>} : memref<1024xf32, #tpu.memory_space<vmem>>, vector<16xf32>,
        %add3A_3169 = arith.addf %mul3A_3166, %get3A_3168 : vector<16xf32>
        %swap3A_3170 = arith.index_cast %scan3A_1495 : i32 to index
        %swap3A_3171 = arith.constant 672 : index
        %swap3A_3172 = tpu.vector_load %arg19[%swap3A_3170, %swap3A_3171] {strides = array<i32>} : memref<32x1024xf32, #tpu.memory_space<vmem>>, vector<16xf32>,
        tpu.vector_store %arg19[%swap3A_3170, %swap3A_3171], %add3A_3169 {strides = array<i32>} : memref<32x1024xf32, #tpu.memory_space<vmem>>, vector<16xf32>,
        %get3A_3173 = arith.index_cast %scan3A_1495 : i32 to index
        %get3A_3174 = arith.constant 688 : index
        %get3A_3175 = tpu.vector_load %arg19[%get3A_3173, %get3A_3174] {strides = array<i32>} : memref<32x1024xf32, #tpu.memory_space<vmem>>, vector<16xf32>,
        %mul3A_3176 = arith.mulf %get3A_3175, %mul3A_2567 : vector<16xf32>
        %add3A_3177 = arith.addf %mul3A_3176, %mul3A_2570 : vector<16xf32>
        %get3A_3178 = arith.constant 688 : index
        %get3A_3179 = tpu.vector_load %arg13[%get3A_3178] {strides = array<i32>} : memref<1024xf32, #tpu.memory_space<vmem>>, vector<16xf32>,
        %mul3A_3180 = arith.mulf %add3A_3177, %get3A_3179 : vector<16xf32>
        %get3A_3181 = arith.constant 688 : index
        %get3A_3182 = tpu.vector_load %arg10[%get3A_3181] {strides = array<i32>} : memref<1024xf32, #tpu.memory_space<vmem>>, vector<16xf32>,
        %add3A_3183 = arith.addf %mul3A_3180, %get3A_3182 : vector<16xf32>
        %swap3A_3184 = arith.index_cast %scan3A_1495 : i32 to index
        %swap3A_3185 = arith.constant 688 : index
        %swap3A_3186 = tpu.vector_load %arg19[%swap3A_3184, %swap3A_3185] {strides = array<i32>} : memref<32x1024xf32, #tpu.memory_space<vmem>>, vector<16xf32>,
        tpu.vector_store %arg19[%swap3A_3184, %swap3A_3185], %add3A_3183 {strides = array<i32>} : memref<32x1024xf32, #tpu.memory_space<vmem>>, vector<16xf32>,
        %get3A_3187 = arith.index_cast %scan3A_1495 : i32 to index
        %get3A_3188 = arith.constant 704 : index
        %get3A_3189 = tpu.vector_load %arg19[%get3A_3187, %get3A_3188] {strides = array<i32>} : memref<32x1024xf32, #tpu.memory_space<vmem>>, vector<16xf32>,
        %mul3A_3190 = arith.mulf %get3A_3189, %mul3A_2567 : vector<16xf32>
        %add3A_3191 = arith.addf %mul3A_3190, %mul3A_2570 : vector<16xf32>
        %get3A_3192 = arith.constant 704 : index
        %get3A_3193 = tpu.vector_load %arg13[%get3A_3192] {strides = array<i32>} : memref<1024xf32, #tpu.memory_space<vmem>>, vector<16xf32>,
        %mul3A_3194 = arith.mulf %add3A_3191, %get3A_3193 : vector<16xf32>
        %get3A_3195 = arith.constant 704 : index
        %get3A_3196 = tpu.vector_load %arg10[%get3A_3195] {strides = array<i32>} : memref<1024xf32, #tpu.memory_space<vmem>>, vector<16xf32>,
        %add3A_3197 = arith.addf %mul3A_3194, %get3A_3196 : vector<16xf32>
        %swap3A_3198 = arith.index_cast %scan3A_1495 : i32 to index
        %swap3A_3199 = arith.constant 704 : index
        %swap3A_3200 = tpu.vector_load %arg19[%swap3A_3198, %swap3A_3199] {strides = array<i32>} : memref<32x1024xf32, #tpu.memory_space<vmem>>, vector<16xf32>,
        tpu.vector_store %arg19[%swap3A_3198, %swap3A_3199], %add3A_3197 {strides = array<i32>} : memref<32x1024xf32, #tpu.memory_space<vmem>>, vector<16xf32>,
        %get3A_3201 = arith.index_cast %scan3A_1495 : i32 to index
        %get3A_3202 = arith.constant 720 : index
        %get3A_3203 = tpu.vector_load %arg19[%get3A_3201, %get3A_3202] {strides = array<i32>} : memref<32x1024xf32, #tpu.memory_space<vmem>>, vector<16xf32>,
        %mul3A_3204 = arith.mulf %get3A_3203, %mul3A_2567 : vector<16xf32>
        %add3A_3205 = arith.addf %mul3A_3204, %mul3A_2570 : vector<16xf32>
        %get3A_3206 = arith.constant 720 : index
        %get3A_3207 = tpu.vector_load %arg13[%get3A_3206] {strides = array<i32>} : memref<1024xf32, #tpu.memory_space<vmem>>, vector<16xf32>,
        %mul3A_3208 = arith.mulf %add3A_3205, %get3A_3207 : vector<16xf32>
        %get3A_3209 = arith.constant 720 : index
        %get3A_3210 = tpu.vector_load %arg10[%get3A_3209] {strides = array<i32>} : memref<1024xf32, #tpu.memory_space<vmem>>, vector<16xf32>,
        %add3A_3211 = arith.addf %mul3A_3208, %get3A_3210 : vector<16xf32>
        %swap3A_3212 = arith.index_cast %scan3A_1495 : i32 to index
        %swap3A_3213 = arith.constant 720 : index
        %swap3A_3214 = tpu.vector_load %arg19[%swap3A_3212, %swap3A_3213] {strides = array<i32>} : memref<32x1024xf32, #tpu.memory_space<vmem>>, vector<16xf32>,
        tpu.vector_store %arg19[%swap3A_3212, %swap3A_3213], %add3A_3211 {strides = array<i32>} : memref<32x1024xf32, #tpu.memory_space<vmem>>, vector<16xf32>,
        %get3A_3215 = arith.index_cast %scan3A_1495 : i32 to index
        %get3A_3216 = arith.constant 736 : index
        %get3A_3217 = tpu.vector_load %arg19[%get3A_3215, %get3A_3216] {strides = array<i32>} : memref<32x1024xf32, #tpu.memory_space<vmem>>, vector<16xf32>,
        %mul3A_3218 = arith.mulf %get3A_3217, %mul3A_2567 : vector<16xf32>
        %add3A_3219 = arith.addf %mul3A_3218, %mul3A_2570 : vector<16xf32>
        %get3A_3220 = arith.constant 736 : index
        %get3A_3221 = tpu.vector_load %arg13[%get3A_3220] {strides = array<i32>} : memref<1024xf32, #tpu.memory_space<vmem>>, vector<16xf32>,
        %mul3A_3222 = arith.mulf %add3A_3219, %get3A_3221 : vector<16xf32>
        %get3A_3223 = arith.constant 736 : index
        %get3A_3224 = tpu.vector_load %arg10[%get3A_3223] {strides = array<i32>} : memref<1024xf32, #tpu.memory_space<vmem>>, vector<16xf32>,
        %add3A_3225 = arith.addf %mul3A_3222, %get3A_3224 : vector<16xf32>
        %swap3A_3226 = arith.index_cast %scan3A_1495 : i32 to index
        %swap3A_3227 = arith.constant 736 : index
        %swap3A_3228 = tpu.vector_load %arg19[%swap3A_3226, %swap3A_3227] {strides = array<i32>} : memref<32x1024xf32, #tpu.memory_space<vmem>>, vector<16xf32>,
        tpu.vector_store %arg19[%swap3A_3226, %swap3A_3227], %add3A_3225 {strides = array<i32>} : memref<32x1024xf32, #tpu.memory_space<vmem>>, vector<16xf32>,
        %get3A_3229 = arith.index_cast %scan3A_1495 : i32 to index
        %get3A_3230 = arith.constant 752 : index
        %get3A_3231 = tpu.vector_load %arg19[%get3A_3229, %get3A_3230] {strides = array<i32>} : memref<32x1024xf32, #tpu.memory_space<vmem>>, vector<16xf32>,
        %mul3A_3232 = arith.mulf %get3A_3231, %mul3A_2567 : vector<16xf32>
        %add3A_3233 = arith.addf %mul3A_3232, %mul3A_2570 : vector<16xf32>
        %get3A_3234 = arith.constant 752 : index
        %get3A_3235 = tpu.vector_load %arg13[%get3A_3234] {strides = array<i32>} : memref<1024xf32, #tpu.memory_space<vmem>>, vector<16xf32>,
        %mul3A_3236 = arith.mulf %add3A_3233, %get3A_3235 : vector<16xf32>
        %get3A_3237 = arith.constant 752 : index
        %get3A_3238 = tpu.vector_load %arg10[%get3A_3237] {strides = array<i32>} : memref<1024xf32, #tpu.memory_space<vmem>>, vector<16xf32>,
        %add3A_3239 = arith.addf %mul3A_3236, %get3A_3238 : vector<16xf32>
        %swap3A_3240 = arith.index_cast %scan3A_1495 : i32 to index
        %swap3A_3241 = arith.constant 752 : index
        %swap3A_3242 = tpu.vector_load %arg19[%swap3A_3240, %swap3A_3241] {strides = array<i32>} : memref<32x1024xf32, #tpu.memory_space<vmem>>, vector<16xf32>,
        tpu.vector_store %arg19[%swap3A_3240, %swap3A_3241], %add3A_3239 {strides = array<i32>} : memref<32x1024xf32, #tpu.memory_space<vmem>>, vector<16xf32>,
        %get3A_3243 = arith.index_cast %scan3A_1495 : i32 to index
        %get3A_3244 = arith.constant 768 : index
        %get3A_3245 = tpu.vector_load %arg19[%get3A_3243, %get3A_3244] {strides = array<i32>} : memref<32x1024xf32, #tpu.memory_space<vmem>>, vector<16xf32>,
        %mul3A_3246 = arith.mulf %get3A_3245, %mul3A_2567 : vector<16xf32>
        %add3A_3247 = arith.addf %mul3A_3246, %mul3A_2570 : vector<16xf32>
        %get3A_3248 = arith.constant 768 : index
        %get3A_3249 = tpu.vector_load %arg13[%get3A_3248] {strides = array<i32>} : memref<1024xf32, #tpu.memory_space<vmem>>, vector<16xf32>,
        %mul3A_3250 = arith.mulf %add3A_3247, %get3A_3249 : vector<16xf32>
        %get3A_3251 = arith.constant 768 : index
        %get3A_3252 = tpu.vector_load %arg10[%get3A_3251] {strides = array<i32>} : memref<1024xf32, #tpu.memory_space<vmem>>, vector<16xf32>,
        %add3A_3253 = arith.addf %mul3A_3250, %get3A_3252 : vector<16xf32>
        %swap3A_3254 = arith.index_cast %scan3A_1495 : i32 to index
        %swap3A_3255 = arith.constant 768 : index
        %swap3A_3256 = tpu.vector_load %arg19[%swap3A_3254, %swap3A_3255] {strides = array<i32>} : memref<32x1024xf32, #tpu.memory_space<vmem>>, vector<16xf32>,
        tpu.vector_store %arg19[%swap3A_3254, %swap3A_3255], %add3A_3253 {strides = array<i32>} : memref<32x1024xf32, #tpu.memory_space<vmem>>, vector<16xf32>,
        %get3A_3257 = arith.index_cast %scan3A_1495 : i32 to index
        %get3A_3258 = arith.constant 784 : index
        %get3A_3259 = tpu.vector_load %arg19[%get3A_3257, %get3A_3258] {strides = array<i32>} : memref<32x1024xf32, #tpu.memory_space<vmem>>, vector<16xf32>,
        %mul3A_3260 = arith.mulf %get3A_3259, %mul3A_2567 : vector<16xf32>
        %add3A_3261 = arith.addf %mul3A_3260, %mul3A_2570 : vector<16xf32>
        %get3A_3262 = arith.constant 784 : index
        %get3A_3263 = tpu.vector_load %arg13[%get3A_3262] {strides = array<i32>} : memref<1024xf32, #tpu.memory_space<vmem>>, vector<16xf32>,
        %mul3A_3264 = arith.mulf %add3A_3261, %get3A_3263 : vector<16xf32>
        %get3A_3265 = arith.constant 784 : index
        %get3A_3266 = tpu.vector_load %arg10[%get3A_3265] {strides = array<i32>} : memref<1024xf32, #tpu.memory_space<vmem>>, vector<16xf32>,
        %add3A_3267 = arith.addf %mul3A_3264, %get3A_3266 : vector<16xf32>
        %swap3A_3268 = arith.index_cast %scan3A_1495 : i32 to index
        %swap3A_3269 = arith.constant 784 : index
        %swap3A_3270 = tpu.vector_load %arg19[%swap3A_3268, %swap3A_3269] {strides = array<i32>} : memref<32x1024xf32, #tpu.memory_space<vmem>>, vector<16xf32>,
        tpu.vector_store %arg19[%swap3A_3268, %swap3A_3269], %add3A_3267 {strides = array<i32>} : memref<32x1024xf32, #tpu.memory_space<vmem>>, vector<16xf32>,
        %get3A_3271 = arith.index_cast %scan3A_1495 : i32 to index
        %get3A_3272 = arith.constant 800 : index
        %get3A_3273 = tpu.vector_load %arg19[%get3A_3271, %get3A_3272] {strides = array<i32>} : memref<32x1024xf32, #tpu.memory_space<vmem>>, vector<16xf32>,
        %mul3A_3274 = arith.mulf %get3A_3273, %mul3A_2567 : vector<16xf32>
        %add3A_3275 = arith.addf %mul3A_3274, %mul3A_2570 : vector<16xf32>
        %get3A_3276 = arith.constant 800 : index
        %get3A_3277 = tpu.vector_load %arg13[%get3A_3276] {strides = array<i32>} : memref<1024xf32, #tpu.memory_space<vmem>>, vector<16xf32>,
        %mul3A_3278 = arith.mulf %add3A_3275, %get3A_3277 : vector<16xf32>
        %get3A_3279 = arith.constant 800 : index
        %get3A_3280 = tpu.vector_load %arg10[%get3A_3279] {strides = array<i32>} : memref<1024xf32, #tpu.memory_space<vmem>>, vector<16xf32>,
        %add3A_3281 = arith.addf %mul3A_3278, %get3A_3280 : vector<16xf32>
        %swap3A_3282 = arith.index_cast %scan3A_1495 : i32 to index
        %swap3A_3283 = arith.constant 800 : index
        %swap3A_3284 = tpu.vector_load %arg19[%swap3A_3282, %swap3A_3283] {strides = array<i32>} : memref<32x1024xf32, #tpu.memory_space<vmem>>, vector<16xf32>,
        tpu.vector_store %arg19[%swap3A_3282, %swap3A_3283], %add3A_3281 {strides = array<i32>} : memref<32x1024xf32, #tpu.memory_space<vmem>>, vector<16xf32>,
        %get3A_3285 = arith.index_cast %scan3A_1495 : i32 to index
        %get3A_3286 = arith.constant 816 : index
        %get3A_3287 = tpu.vector_load %arg19[%get3A_3285, %get3A_3286] {strides = array<i32>} : memref<32x1024xf32, #tpu.memory_space<vmem>>, vector<16xf32>,
        %mul3A_3288 = arith.mulf %get3A_3287, %mul3A_2567 : vector<16xf32>
        %add3A_3289 = arith.addf %mul3A_3288, %mul3A_2570 : vector<16xf32>
        %get3A_3290 = arith.constant 816 : index
        %get3A_3291 = tpu.vector_load %arg13[%get3A_3290] {strides = array<i32>} : memref<1024xf32, #tpu.memory_space<vmem>>, vector<16xf32>,
        %mul3A_3292 = arith.mulf %add3A_3289, %get3A_3291 : vector<16xf32>
        %get3A_3293 = arith.constant 816 : index
        %get3A_3294 = tpu.vector_load %arg10[%get3A_3293] {strides = array<i32>} : memref<1024xf32, #tpu.memory_space<vmem>>, vector<16xf32>,
        %add3A_3295 = arith.addf %mul3A_3292, %get3A_3294 : vector<16xf32>
        %swap3A_3296 = arith.index_cast %scan3A_1495 : i32 to index
        %swap3A_3297 = arith.constant 816 : index
        %swap3A_3298 = tpu.vector_load %arg19[%swap3A_3296, %swap3A_3297] {strides = array<i32>} : memref<32x1024xf32, #tpu.memory_space<vmem>>, vector<16xf32>,
        tpu.vector_store %arg19[%swap3A_3296, %swap3A_3297], %add3A_3295 {strides = array<i32>} : memref<32x1024xf32, #tpu.memory_space<vmem>>, vector<16xf32>,
        %get3A_3299 = arith.index_cast %scan3A_1495 : i32 to index
        %get3A_3300 = arith.constant 832 : index
        %get3A_3301 = tpu.vector_load %arg19[%get3A_3299, %get3A_3300] {strides = array<i32>} : memref<32x1024xf32, #tpu.memory_space<vmem>>, vector<16xf32>,
        %mul3A_3302 = arith.mulf %get3A_3301, %mul3A_2567 : vector<16xf32>
        %add3A_3303 = arith.addf %mul3A_3302, %mul3A_2570 : vector<16xf32>
        %get3A_3304 = arith.constant 832 : index
        %get3A_3305 = tpu.vector_load %arg13[%get3A_3304] {strides = array<i32>} : memref<1024xf32, #tpu.memory_space<vmem>>, vector<16xf32>,
        %mul3A_3306 = arith.mulf %add3A_3303, %get3A_3305 : vector<16xf32>
        %get3A_3307 = arith.constant 832 : index
        %get3A_3308 = tpu.vector_load %arg10[%get3A_3307] {strides = array<i32>} : memref<1024xf32, #tpu.memory_space<vmem>>, vector<16xf32>,
        %add3A_3309 = arith.addf %mul3A_3306, %get3A_3308 : vector<16xf32>
        %swap3A_3310 = arith.index_cast %scan3A_1495 : i32 to index
        %swap3A_3311 = arith.constant 832 : index
        %swap3A_3312 = tpu.vector_load %arg19[%swap3A_3310, %swap3A_3311] {strides = array<i32>} : memref<32x1024xf32, #tpu.memory_space<vmem>>, vector<16xf32>,
        tpu.vector_store %arg19[%swap3A_3310, %swap3A_3311], %add3A_3309 {strides = array<i32>} : memref<32x1024xf32, #tpu.memory_space<vmem>>, vector<16xf32>,
        %get3A_3313 = arith.index_cast %scan3A_1495 : i32 to index
        %get3A_3314 = arith.constant 848 : index
        %get3A_3315 = tpu.vector_load %arg19[%get3A_3313, %get3A_3314] {strides = array<i32>} : memref<32x1024xf32, #tpu.memory_space<vmem>>, vector<16xf32>,
        %mul3A_3316 = arith.mulf %get3A_3315, %mul3A_2567 : vector<16xf32>
        %add3A_3317 = arith.addf %mul3A_3316, %mul3A_2570 : vector<16xf32>
        %get3A_3318 = arith.constant 848 : index
        %get3A_3319 = tpu.vector_load %arg13[%get3A_3318] {strides = array<i32>} : memref<1024xf32, #tpu.memory_space<vmem>>, vector<16xf32>,
        %mul3A_3320 = arith.mulf %add3A_3317, %get3A_3319 : vector<16xf32>
        %get3A_3321 = arith.constant 848 : index
        %get3A_3322 = tpu.vector_load %arg10[%get3A_3321] {strides = array<i32>} : memref<1024xf32, #tpu.memory_space<vmem>>, vector<16xf32>,
        %add3A_3323 = arith.addf %mul3A_3320, %get3A_3322 : vector<16xf32>
        %swap3A_3324 = arith.index_cast %scan3A_1495 : i32 to index
        %swap3A_3325 = arith.constant 848 : index
        %swap3A_3326 = tpu.vector_load %arg19[%swap3A_3324, %swap3A_3325] {strides = array<i32>} : memref<32x1024xf32, #tpu.memory_space<vmem>>, vector<16xf32>,
        tpu.vector_store %arg19[%swap3A_3324, %swap3A_3325], %add3A_3323 {strides = array<i32>} : memref<32x1024xf32, #tpu.memory_space<vmem>>, vector<16xf32>,
        %get3A_3327 = arith.index_cast %scan3A_1495 : i32 to index
        %get3A_3328 = arith.constant 864 : index
        %get3A_3329 = tpu.vector_load %arg19[%get3A_3327, %get3A_3328] {strides = array<i32>} : memref<32x1024xf32, #tpu.memory_space<vmem>>, vector<16xf32>,
        %mul3A_3330 = arith.mulf %get3A_3329, %mul3A_2567 : vector<16xf32>
        %add3A_3331 = arith.addf %mul3A_3330, %mul3A_2570 : vector<16xf32>
        %get3A_3332 = arith.constant 864 : index
        %get3A_3333 = tpu.vector_load %arg13[%get3A_3332] {strides = array<i32>} : memref<1024xf32, #tpu.memory_space<vmem>>, vector<16xf32>,
        %mul3A_3334 = arith.mulf %add3A_3331, %get3A_3333 : vector<16xf32>
        %get3A_3335 = arith.constant 864 : index
        %get3A_3336 = tpu.vector_load %arg10[%get3A_3335] {strides = array<i32>} : memref<1024xf32, #tpu.memory_space<vmem>>, vector<16xf32>,
        %add3A_3337 = arith.addf %mul3A_3334, %get3A_3336 : vector<16xf32>
        %swap3A_3338 = arith.index_cast %scan3A_1495 : i32 to index
        %swap3A_3339 = arith.constant 864 : index
        %swap3A_3340 = tpu.vector_load %arg19[%swap3A_3338, %swap3A_3339] {strides = array<i32>} : memref<32x1024xf32, #tpu.memory_space<vmem>>, vector<16xf32>,
        tpu.vector_store %arg19[%swap3A_3338, %swap3A_3339], %add3A_3337 {strides = array<i32>} : memref<32x1024xf32, #tpu.memory_space<vmem>>, vector<16xf32>,
        %get3A_3341 = arith.index_cast %scan3A_1495 : i32 to index
        %get3A_3342 = arith.constant 880 : index
        %get3A_3343 = tpu.vector_load %arg19[%get3A_3341, %get3A_3342] {strides = array<i32>} : memref<32x1024xf32, #tpu.memory_space<vmem>>, vector<16xf32>,
        %mul3A_3344 = arith.mulf %get3A_3343, %mul3A_2567 : vector<16xf32>
        %add3A_3345 = arith.addf %mul3A_3344, %mul3A_2570 : vector<16xf32>
        %get3A_3346 = arith.constant 880 : index
        %get3A_3347 = tpu.vector_load %arg13[%get3A_3346] {strides = array<i32>} : memref<1024xf32, #tpu.memory_space<vmem>>, vector<16xf32>,
        %mul3A_3348 = arith.mulf %add3A_3345, %get3A_3347 : vector<16xf32>
        %get3A_3349 = arith.constant 880 : index
        %get3A_3350 = tpu.vector_load %arg10[%get3A_3349] {strides = array<i32>} : memref<1024xf32, #tpu.memory_space<vmem>>, vector<16xf32>,
        %add3A_3351 = arith.addf %mul3A_3348, %get3A_3350 : vector<16xf32>
        %swap3A_3352 = arith.index_cast %scan3A_1495 : i32 to index
        %swap3A_3353 = arith.constant 880 : index
        %swap3A_3354 = tpu.vector_load %arg19[%swap3A_3352, %swap3A_3353] {strides = array<i32>} : memref<32x1024xf32, #tpu.memory_space<vmem>>, vector<16xf32>,
        tpu.vector_store %arg19[%swap3A_3352, %swap3A_3353], %add3A_3351 {strides = array<i32>} : memref<32x1024xf32, #tpu.memory_space<vmem>>, vector<16xf32>,
        %get3A_3355 = arith.index_cast %scan3A_1495 : i32 to index
        %get3A_3356 = arith.constant 896 : index
        %get3A_3357 = tpu.vector_load %arg19[%get3A_3355, %get3A_3356] {strides = array<i32>} : memref<32x1024xf32, #tpu.memory_space<vmem>>, vector<16xf32>,
        %mul3A_3358 = arith.mulf %get3A_3357, %mul3A_2567 : vector<16xf32>
        %add3A_3359 = arith.addf %mul3A_3358, %mul3A_2570 : vector<16xf32>
        %get3A_3360 = arith.constant 896 : index
        %get3A_3361 = tpu.vector_load %arg13[%get3A_3360] {strides = array<i32>} : memref<1024xf32, #tpu.memory_space<vmem>>, vector<16xf32>,
        %mul3A_3362 = arith.mulf %add3A_3359, %get3A_3361 : vector<16xf32>
        %get3A_3363 = arith.constant 896 : index
        %get3A_3364 = tpu.vector_load %arg10[%get3A_3363] {strides = array<i32>} : memref<1024xf32, #tpu.memory_space<vmem>>, vector<16xf32>,
        %add3A_3365 = arith.addf %mul3A_3362, %get3A_3364 : vector<16xf32>
        %swap3A_3366 = arith.index_cast %scan3A_1495 : i32 to index
        %swap3A_3367 = arith.constant 896 : index
        %swap3A_3368 = tpu.vector_load %arg19[%swap3A_3366, %swap3A_3367] {strides = array<i32>} : memref<32x1024xf32, #tpu.memory_space<vmem>>, vector<16xf32>,
        tpu.vector_store %arg19[%swap3A_3366, %swap3A_3367], %add3A_3365 {strides = array<i32>} : memref<32x1024xf32, #tpu.memory_space<vmem>>, vector<16xf32>,
        %get3A_3369 = arith.index_cast %scan3A_1495 : i32 to index
        %get3A_3370 = arith.constant 912 : index
        %get3A_3371 = tpu.vector_load %arg19[%get3A_3369, %get3A_3370] {strides = array<i32>} : memref<32x1024xf32, #tpu.memory_space<vmem>>, vector<16xf32>,
        %mul3A_3372 = arith.mulf %get3A_3371, %mul3A_2567 : vector<16xf32>
        %add3A_3373 = arith.addf %mul3A_3372, %mul3A_2570 : vector<16xf32>
        %get3A_3374 = arith.constant 912 : index
        %get3A_3375 = tpu.vector_load %arg13[%get3A_3374] {strides = array<i32>} : memref<1024xf32, #tpu.memory_space<vmem>>, vector<16xf32>,
        %mul3A_3376 = arith.mulf %add3A_3373, %get3A_3375 : vector<16xf32>
        %get3A_3377 = arith.constant 912 : index
        %get3A_3378 = tpu.vector_load %arg10[%get3A_3377] {strides = array<i32>} : memref<1024xf32, #tpu.memory_space<vmem>>, vector<16xf32>,
        %add3A_3379 = arith.addf %mul3A_3376, %get3A_3378 : vector<16xf32>
        %swap3A_3380 = arith.index_cast %scan3A_1495 : i32 to index
        %swap3A_3381 = arith.constant 912 : index
        %swap3A_3382 = tpu.vector_load %arg19[%swap3A_3380, %swap3A_3381] {strides = array<i32>} : memref<32x1024xf32, #tpu.memory_space<vmem>>, vector<16xf32>,
        tpu.vector_store %arg19[%swap3A_3380, %swap3A_3381], %add3A_3379 {strides = array<i32>} : memref<32x1024xf32, #tpu.memory_space<vmem>>, vector<16xf32>,
        %get3A_3383 = arith.index_cast %scan3A_1495 : i32 to index
        %get3A_3384 = arith.constant 928 : index
        %get3A_3385 = tpu.vector_load %arg19[%get3A_3383, %get3A_3384] {strides = array<i32>} : memref<32x1024xf32, #tpu.memory_space<vmem>>, vector<16xf32>,
        %mul3A_3386 = arith.mulf %get3A_3385, %mul3A_2567 : vector<16xf32>
        %add3A_3387 = arith.addf %mul3A_3386, %mul3A_2570 : vector<16xf32>
        %get3A_3388 = arith.constant 928 : index
        %get3A_3389 = tpu.vector_load %arg13[%get3A_3388] {strides = array<i32>} : memref<1024xf32, #tpu.memory_space<vmem>>, vector<16xf32>,
        %mul3A_3390 = arith.mulf %add3A_3387, %get3A_3389 : vector<16xf32>
        %get3A_3391 = arith.constant 928 : index
        %get3A_3392 = tpu.vector_load %arg10[%get3A_3391] {strides = array<i32>} : memref<1024xf32, #tpu.memory_space<vmem>>, vector<16xf32>,
        %add3A_3393 = arith.addf %mul3A_3390, %get3A_3392 : vector<16xf32>
        %swap3A_3394 = arith.index_cast %scan3A_1495 : i32 to index
        %swap3A_3395 = arith.constant 928 : index
        %swap3A_3396 = tpu.vector_load %arg19[%swap3A_3394, %swap3A_3395] {strides = array<i32>} : memref<32x1024xf32, #tpu.memory_space<vmem>>, vector<16xf32>,
        tpu.vector_store %arg19[%swap3A_3394, %swap3A_3395], %add3A_3393 {strides = array<i32>} : memref<32x1024xf32, #tpu.memory_space<vmem>>, vector<16xf32>,
        %get3A_3397 = arith.index_cast %scan3A_1495 : i32 to index
        %get3A_3398 = arith.constant 944 : index
        %get3A_3399 = tpu.vector_load %arg19[%get3A_3397, %get3A_3398] {strides = array<i32>} : memref<32x1024xf32, #tpu.memory_space<vmem>>, vector<16xf32>,
        %mul3A_3400 = arith.mulf %get3A_3399, %mul3A_2567 : vector<16xf32>
        %add3A_3401 = arith.addf %mul3A_3400, %mul3A_2570 : vector<16xf32>
        %get3A_3402 = arith.constant 944 : index
        %get3A_3403 = tpu.vector_load %arg13[%get3A_3402] {strides = array<i32>} : memref<1024xf32, #tpu.memory_space<vmem>>, vector<16xf32>,
        %mul3A_3404 = arith.mulf %add3A_3401, %get3A_3403 : vector<16xf32>
        %get3A_3405 = arith.constant 944 : index
        %get3A_3406 = tpu.vector_load %arg10[%get3A_3405] {strides = array<i32>} : memref<1024xf32, #tpu.memory_space<vmem>>, vector<16xf32>,
        %add3A_3407 = arith.addf %mul3A_3404, %get3A_3406 : vector<16xf32>
        %swap3A_3408 = arith.index_cast %scan3A_1495 : i32 to index
        %swap3A_3409 = arith.constant 944 : index
        %swap3A_3410 = tpu.vector_load %arg19[%swap3A_3408, %swap3A_3409] {strides = array<i32>} : memref<32x1024xf32, #tpu.memory_space<vmem>>, vector<16xf32>,
        tpu.vector_store %arg19[%swap3A_3408, %swap3A_3409], %add3A_3407 {strides = array<i32>} : memref<32x1024xf32, #tpu.memory_space<vmem>>, vector<16xf32>,
        %get3A_3411 = arith.index_cast %scan3A_1495 : i32 to index
        %get3A_3412 = arith.constant 960 : index
        %get3A_3413 = tpu.vector_load %arg19[%get3A_3411, %get3A_3412] {strides = array<i32>} : memref<32x1024xf32, #tpu.memory_space<vmem>>, vector<16xf32>,
        %mul3A_3414 = arith.mulf %get3A_3413, %mul3A_2567 : vector<16xf32>
        %add3A_3415 = arith.addf %mul3A_3414, %mul3A_2570 : vector<16xf32>
        %get3A_3416 = arith.constant 960 : index
        %get3A_3417 = tpu.vector_load %arg13[%get3A_3416] {strides = array<i32>} : memref<1024xf32, #tpu.memory_space<vmem>>, vector<16xf32>,
        %mul3A_3418 = arith.mulf %add3A_3415, %get3A_3417 : vector<16xf32>
        %get3A_3419 = arith.constant 960 : index
        %get3A_3420 = tpu.vector_load %arg10[%get3A_3419] {strides = array<i32>} : memref<1024xf32, #tpu.memory_space<vmem>>, vector<16xf32>,
        %add3A_3421 = arith.addf %mul3A_3418, %get3A_3420 : vector<16xf32>
        %swap3A_3422 = arith.index_cast %scan3A_1495 : i32 to index
        %swap3A_3423 = arith.constant 960 : index
        %swap3A_3424 = tpu.vector_load %arg19[%swap3A_3422, %swap3A_3423] {strides = array<i32>} : memref<32x1024xf32, #tpu.memory_space<vmem>>, vector<16xf32>,
        tpu.vector_store %arg19[%swap3A_3422, %swap3A_3423], %add3A_3421 {strides = array<i32>} : memref<32x1024xf32, #tpu.memory_space<vmem>>, vector<16xf32>,
        %get3A_3425 = arith.index_cast %scan3A_1495 : i32 to index
        %get3A_3426 = arith.constant 976 : index
        %get3A_3427 = tpu.vector_load %arg19[%get3A_3425, %get3A_3426] {strides = array<i32>} : memref<32x1024xf32, #tpu.memory_space<vmem>>, vector<16xf32>,
        %mul3A_3428 = arith.mulf %get3A_3427, %mul3A_2567 : vector<16xf32>
        %add3A_3429 = arith.addf %mul3A_3428, %mul3A_2570 : vector<16xf32>
        %get3A_3430 = arith.constant 976 : index
        %get3A_3431 = tpu.vector_load %arg13[%get3A_3430] {strides = array<i32>} : memref<1024xf32, #tpu.memory_space<vmem>>, vector<16xf32>,
        %mul3A_3432 = arith.mulf %add3A_3429, %get3A_3431 : vector<16xf32>
        %get3A_3433 = arith.constant 976 : index
        %get3A_3434 = tpu.vector_load %arg10[%get3A_3433] {strides = array<i32>} : memref<1024xf32, #tpu.memory_space<vmem>>, vector<16xf32>,
        %add3A_3435 = arith.addf %mul3A_3432, %get3A_3434 : vector<16xf32>
        %swap3A_3436 = arith.index_cast %scan3A_1495 : i32 to index
        %swap3A_3437 = arith.constant 976 : index
        %swap3A_3438 = tpu.vector_load %arg19[%swap3A_3436, %swap3A_3437] {strides = array<i32>} : memref<32x1024xf32, #tpu.memory_space<vmem>>, vector<16xf32>,
        tpu.vector_store %arg19[%swap3A_3436, %swap3A_3437], %add3A_3435 {strides = array<i32>} : memref<32x1024xf32, #tpu.memory_space<vmem>>, vector<16xf32>,
        %get3A_3439 = arith.index_cast %scan3A_1495 : i32 to index
        %get3A_3440 = arith.constant 992 : index
        %get3A_3441 = tpu.vector_load %arg19[%get3A_3439, %get3A_3440] {strides = array<i32>} : memref<32x1024xf32, #tpu.memory_space<vmem>>, vector<16xf32>,
        %mul3A_3442 = arith.mulf %get3A_3441, %mul3A_2567 : vector<16xf32>
        %add3A_3443 = arith.addf %mul3A_3442, %mul3A_2570 : vector<16xf32>
        %get3A_3444 = arith.constant 992 : index
        %get3A_3445 = tpu.vector_load %arg13[%get3A_3444] {strides = array<i32>} : memref<1024xf32, #tpu.memory_space<vmem>>, vector<16xf32>,
        %mul3A_3446 = arith.mulf %add3A_3443, %get3A_3445 : vector<16xf32>
        %get3A_3447 = arith.constant 992 : index
        %get3A_3448 = tpu.vector_load %arg10[%get3A_3447] {strides = array<i32>} : memref<1024xf32, #tpu.memory_space<vmem>>, vector<16xf32>,
        %add3A_3449 = arith.addf %mul3A_3446, %get3A_3448 : vector<16xf32>
        %swap3A_3450 = arith.index_cast %scan3A_1495 : i32 to index
        %swap3A_3451 = arith.constant 992 : index
        %swap3A_3452 = tpu.vector_load %arg19[%swap3A_3450, %swap3A_3451] {strides = array<i32>} : memref<32x1024xf32, #tpu.memory_space<vmem>>, vector<16xf32>,
        tpu.vector_store %arg19[%swap3A_3450, %swap3A_3451], %add3A_3449 {strides = array<i32>} : memref<32x1024xf32, #tpu.memory_space<vmem>>, vector<16xf32>,
        %get3A_3453 = arith.index_cast %scan3A_1495 : i32 to index
        %get3A_3454 = arith.constant 1008 : index
        %get3A_3455 = tpu.vector_load %arg19[%get3A_3453, %get3A_3454] {strides = array<i32>} : memref<32x1024xf32, #tpu.memory_space<vmem>>, vector<16xf32>,
        %mul3A_3456 = arith.mulf %get3A_3455, %mul3A_2567 : vector<16xf32>
        %add3A_3457 = arith.addf %mul3A_3456, %mul3A_2570 : vector<16xf32>
        %get3A_3458 = arith.constant 1008 : index
        %get3A_3459 = tpu.vector_load %arg13[%get3A_3458] {strides = array<i32>} : memref<1024xf32, #tpu.memory_space<vmem>>, vector<16xf32>,
        %mul3A_3460 = arith.mulf %add3A_3457, %get3A_3459 : vector<16xf32>
        %get3A_3461 = arith.constant 1008 : index
        %get3A_3462 = tpu.vector_load %arg10[%get3A_3461] {strides = array<i32>} : memref<1024xf32, #tpu.memory_space<vmem>>, vector<16xf32>,
        %add3A_3463 = arith.addf %mul3A_3460, %get3A_3462 : vector<16xf32>
        %swap3A_3464 = arith.index_cast %scan3A_1495 : i32 to index
        %swap3A_3465 = arith.constant 1008 : index
        %swap3A_3466 = tpu.vector_load %arg19[%swap3A_3464, %swap3A_3465] {strides = array<i32>} : memref<32x1024xf32, #tpu.memory_space<vmem>>, vector<16xf32>,
        tpu.vector_store %arg19[%swap3A_3464, %swap3A_3465], %add3A_3463 {strides = array<i32>} : memref<32x1024xf32, #tpu.memory_space<vmem>>, vector<16xf32>,
        %scan3A_3467 = arith.constant 0 : i32
        scf.yield %scan3A_3467 : i32
      }
      %scan3A_1493 = arith.constant 32 : i32
      "tpu.region"() ({
        %run_scoped3A = tpu.sem_alloc : memref<!tpu.dma_semaphore, #tpu.memory_space<semaphore_mem>>
        %dma_start3A_1495 = arith.constant 0 : i32
        %dma_start3A_1496 = tpu.memref_slice %arg9[%add3A_1482, %dma_start3A_1495] : memref<16384x1024xf32, #tpu.memory_space<hbm>> -> memref<32x1024xf32, #tpu.memory_space<hbm>>
        %dma_start3A_1497 = arith.constant 0 : i32
        %dma_start3A_1498 = tpu.memref_slice %arg9[%add3A_1482, %dma_start3A_1497] : memref<16384x1024xf32, #tpu.memory_space<hbm>> -> memref<32x1024xf32, #tpu.memory_space<hbm>>
        tpu.enqueue_dma source(%arg19 : memref<32x1024xf32, #tpu.memory_space<vmem>>) target(%dma_start3A_1498 : memref<32x1024xf32, #tpu.memory_space<hbm>>) target_semaphore(%run_scoped3A : memref<!tpu.dma_semaphore, #tpu.memory_space<semaphore_mem>>)
        %dma_wait3A_1499 = arith.constant 0 : i32
        %dma_wait3A_1500 = tpu.memref_slice %arg9[%add3A_1482, %dma_wait3A_1499] : memref<16384x1024xf32, #tpu.memory_space<hbm>> -> memref<32x1024xf32, #tpu.memory_space<hbm>>
        %dma_wait3A_1501 = arith.constant 0 : i32
        %dma_wait3A_1502 = tpu.memref_slice %arg9[%add3A_1482, %dma_wait3A_1501] : memref<16384x1024xf32, #tpu.memory_space<hbm>> -> memref<32x1024xf32, #tpu.memory_space<hbm>>
        tpu.wait_dma2 semaphore(%run_scoped3A : memref<!tpu.dma_semaphore, #tpu.memory_space<semaphore_mem>>) src(%arg19 : memref<32x1024xf32, #tpu.memory_space<vmem>>) dst(%dma_wait3A_1502 : memref<32x1024xf32, #tpu.memory_space<hbm>>)
        tpu.yield
      }) : () -> ()
      %scan3A_1494 = arith.constant 0 : i32
      scf.yield %scan3A_1494 : i32
    }
    %scan3A_1475 = arith.constant 16 : i32
    return
  }
}

</mosaic_0001>

<sc_bundles>
// kernel: kernel.3.cloned.1.call-start
scs
__scs_entry_jumppad:
0x0: {  	(pc) =	sbr.rel $0x88, $3  }
0x1: {  	(tag) =	ssettag $0x0;
	lr =	simm.s32 $0x1  }
0x2: {  	[smem:$0x3F9A] =	sst lr;
	_ =	strace $0xD0000000  }
0x3: {  	_ = 	snop  }
0x4: {  	_ = 	snop  }
0x5: {  	_ = 	snop  }
0x6: {  	_ = 	snop  }
0x7: {  	_ = 	snop  }
__scs_overlays_trampoline_lowered:
0x8: {  	[smem:$0x3FA9] =	sst s0  }
0x9: {  	[smem:$0x3FAA] =	sst s1  }
0xa: {  	[smem:$0x3FAB] =	sst s2  }
0xb: {  	[smem:$0x3FAC] =	sst s3  }
0xc: {  	[smem:$0x3FAD] =	sst s4  }
0xd: {  	[smem:$0x3FAE] =	sst s5  }
0xe: {  	[smem:$0x3FAF] =	sst s6  }
0xf: {  	[smem:$0x3FB0] =	sst s7  }
0x10: {  	[smem:$0x3FB1] =	sst s8  }
0x11: {  	[smem:$0x3FB2] =	sst s9;
	s0 =	simm.s32 @!p0 $0x0  }
0x12: {  	s1 =	sld [smem:$0x3F98];
	s0 =	simm.s32 @p0 $0x1  }
0x13: {  	[smem:$0x3FB3] =	sst s0;
	s0 =	simm.s32 @!p1 $0x0  }
0x14: {  	s2 =	sld [smem:$0x3F97];
	s0 =	simm.s32 @p1 $0x1  }
0x15: {  	[smem:$0x3FB4] =	sst s0;
	s0 =	simm.s32 @!p2 $0x0  }
0x16: {  	s3 =	sld [smem:$0x3FDB];
	s0 =	simm.s32 @p2 $0x1  }
0x17: {  	s4 =	simm.s32 $0x1BF5;
	[smem:$0x3FB6] =	sst s0  }
0x18: {  	s0 =	sld [smem:$0x3F99];
	_ =	swait.ge [sflag:s4], $0x0  }
0x19: {  	s7 =	sld [smem:$0x3F9A]  }
0x1a: {  	s8 =	sadd.s32 $0xFFFFE003, lr  }
0x1b: {  	s9 =	sadd.s32 $0xFFFFFEF7, lr;
	s5 =	simm.s32 $0xFFFFFFFF;
	p2 =	slt.u32 s8, $0xFFFFF086  }
0x1c: {  	p1 =	slt.u32 s9, $0xF7A;
	s5 =	simm.s32 @!p2 $0x0  }
0x1d: {  	s5 =	simm.s32 @p1 $0x1;
	p0 =	seq.s32 s7, s2  }
0x1e: {  	s7 =	smul.u32 @!p0 $0xF7A, s2;
	p2 =	seq.s32 @!p0 s5, $0x0  }
0x1f: {  	s9 =	smul.u32 $0xF7A, s1;
	s8 =	simm.s32 @!p0 $0x1BF5;
	p2 =	por !p2, p0  }
0x20: {  	[sflag:s8] =	ssyncset.s32 @!p0 $0xFFFFF086;
	s6 =	sadd.s32 @!p0 s3, s7;
	s7 =	simm.s32 @!p0 $0x108  }
0x21: {  	s3 =	sadd.s32 s3, s9;
	s6 =	sadd.s32 @!p0 $0x88, s6;
	s7 =	simm.s32 @p2 $0x1082  }
0x22: {  	[simem:s7], [sflag:s8] =	dma.local @!p0 [hbm:s6], $0xF7A  }
0x23: {  	s9 =	sor.u32 $0xD0000000, s2;
	s6 =	simm.s32 $0x108;
	_ =	swait.ge @!p0 [sflag:s8], $0x0  }
0x24: {  	s3 =	sadd.s32 $0x88, s3;
	s6 =	simm.s32 @!p1 $0x1082;
	[sflag:s4] =	ssyncset.s32 $0xFFFFF086  }
0x25: {  	[simem:s6], [sflag:s4] =	dma.local [hbm:s3], $0xF7A  }
0x26: {  	[smem:$0x3F9A] =	sst s1;
	(tag) =	ssettag s2;
	_ =	strace s9  }
0x27: {  	s1 =	sld [smem:$0x3FAA]  }
0x28: {  	s2 =	sld [smem:$0x3FAB]  }
0x29: {  	s4 =	sld [smem:$0x3FAD]  }
0x2a: {  	p0 =	seq.s32 s5, $0x0;
	s5 =	sld [smem:$0x3FAE]  }
0x2b: {  	s6 =	sld [smem:$0x3FAF]  }
0x2c: {  	s7 =	sld [smem:$0x3FB0]  }
0x2d: {  	s3 =	simm.s32 $0x108;
	s8 =	sld [smem:$0x3FB1]  }
0x2e: {  	s3 =	simm.s32 @!p0 $0x1082;
	s9 =	sld [smem:$0x3FB2]  }
0x2f: {  	lr =	sadd.s32 s0, s3;
	s0 =	sld [smem:$0x3FA9]  }
0x30: {  	s3 =	sld [smem:$0x3FAC]  }
0x31: {  	[smem:$0x3FB5] =	sst s10  }
0x32: {  	s10 =	sld [smem:$0x3FB3];
	_ =	sdelay $0x3  }
0x33: {  	p0 =	seq.s32 s10, $0x1;
	s10 =	sld [smem:$0x3FB5];
	_ =	sdelay $0x3  }
0x34: {  	[smem:$0x3FB5] =	sst s10  }
0x35: {  	s10 =	sld [smem:$0x3FB4];
	_ =	sdelay $0x3  }
0x36: {  	p1 =	seq.s32 s10, $0x1;
	s10 =	sld [smem:$0x3FB5];
	_ =	sdelay $0x3  }
0x37: {  	[smem:$0x3FB5] =	sst s10  }
0x38: {  	s10 =	sld [smem:$0x3FB6]  }
0x39: {  	_ = 	snop;
	(pc) =	sbr.ind lr, $3  }
0x3a: {  	_ = 	snop  }
0x3b: {  	_ = 	snop  }
0x3c: {  	p2 =	seq.s32 s10, $0x1;
	s10 =	sld [smem:$0x3FB5]  }
0x3d: {  	_ =	shalt  }
0x3e: {  	_ =	shalt  }
0x3f: {  	_ =	shalt  }
0x40: {  	_ =	shalt  }
0x41: {  	_ =	shalt  }
0x42: {  	_ =	shalt  }
0x43: {  	_ =	shalt  }
0x44: {  	_ =	shalt  }
0x45: {  	_ =	shalt  }
0x46: {  	_ =	shalt  }
0x47: {  	_ =	shalt  }
0x48: {  	_ =	shalt  }
0x49: {  	_ =	shalt  }
0x4a: {  	_ =	shalt  }
0x4b: {  	_ =	shalt  }
0x4c: {  	_ =	shalt  }
0x4d: {  	_ =	shalt  }
0x4e: {  	_ =	shalt  }
0x4f: {  	_ =	shalt  }
0x50: {  	_ =	shalt  }
0x51: {  	_ =	shalt  }
0x52: {  	_ =	shalt  }
0x53: {  	_ =	shalt  }
0x54: {  	_ =	shalt  }
0x55: {  	_ =	shalt  }
0x56: {  	_ =	shalt  }
0x57: {  	_ =	shalt  }
0x58: {  	_ =	shalt  }
0x59: {  	_ =	shalt  }
0x5a: {  	_ =	shalt  }
0x5b: {  	_ =	shalt  }
0x5c: {  	_ =	shalt  }
0x5d: {  	_ =	shalt  }
0x5e: {  	_ =	shalt  }
0x5f: {  	_ =	shalt  }
0x60: {  	_ =	shalt  }
0x61: {  	_ =	shalt  }
0x62: {  	_ =	shalt  }
0x63: {  	_ =	shalt  }
0x64: {  	_ =	shalt  }
0x65: {  	_ =	shalt  }
0x66: {  	_ =	shalt  }
0x67: {  	_ =	shalt  }
0x68: {  	_ =	shalt  }
0x69: {  	_ =	shalt  }
0x6a: {  	_ =	shalt  }
0x6b: {  	_ =	shalt  }
0x6c: {  	_ =	shalt  }
0x6d: {  	_ =	shalt  }
0x6e: {  	_ =	shalt  }
0x6f: {  	_ =	shalt  }
0x70: {  	_ =	shalt  }
0x71: {  	_ =	shalt  }
0x72: {  	_ =	shalt  }
0x73: {  	_ =	shalt  }
0x74: {  	_ =	shalt  }
0x75: {  	_ =	shalt  }
0x76: {  	_ =	shalt  }
0x77: {  	_ =	shalt  }
0x78: {  	_ =	shalt  }
0x79: {  	_ =	shalt  }
0x7a: {  	_ =	shalt  }
0x7b: {  	_ =	shalt  }
0x7c: {  	_ =	shalt  }
0x7d: {  	_ =	shalt  }
0x7e: {  	_ =	shalt  }
0x7f: {  	_ =	shalt  }
0x80: {  	_ =	shalt  }
0x81: {  	_ =	shalt  }
0x82: {  	_ =	shalt  }
0x83: {  	_ =	shalt  }
0x84: {  	_ =	shalt  }
0x85: {  	_ =	shalt  }
0x86: {  	_ =	shalt  }
0x87: {  	_ =	shalt  }
.Lfunc_end0:
.L_simem_size_0:
called_computation_lowered:
.L_overlay_start_0:
0x88: {  	s2 =	sld [smem:$0x3FD9]  }
0x89: {  	s3 =	sld [smem:$0x3FFE];
	_ =	sdelay $0x1  }
0x8a: {  	s1 =	srdreg.scid  }
0x8b: {  	s0 =	sand.u32 $0x1, s1  }
0x8c: {  	s17 =	sshll.u32 s0, $0xA;
	s2 =	sadd.s32 s3, s2  }
0x8d: {  	s2 =	sadd.s32 s2, s17  }
0x8e: {  	[smem:$0x3FC1] =	sst s2  }
0x8f: {  	_ = 	snop  }
0x90: {  	s2 =	sld [smem:$0x3FC7]  }
0x91: {  	s18 =	sld [smem:$0x3FC6]  }
0x92: {  	s4 =	sld [smem:$0x3FC5]  }
0x93: {  	s5 =	sld [smem:$0x3FC4]  }
0x94: {  	s6 =	sld [smem:$0x3FC3]  }
0x95: {  	s7 =	sld [smem:$0x3FD0];
	(tm) =	ssettm $0x1  }
0x96: {  	s8 =	sld [smem:$0x3FFB];
	_ =	sdelay $0x3  }
0x97: {  	_ =	strace s8  }
0x98: {  	s8 =	sld [smem:$0x3FFC];
	_ =	sdelay $0x3  }
0x99: {  	_ =	strace s8  }
0x9a: {  	s8 =	sld [smem:$0x3FFD];
	_ =	sdelay $0x3  }
0x9b: {  	_ =	strace s8  }
0x9c: {  	_ =	strace $0x8FFFFFFF  }
0x9d: {  	s19 =	sld [smem:$0x3FDB];
	_ =	sdelay $0x1  }
0x9e: {  	s9 =	simm.s32 $_scs_section_size  }
0x9f: {  	s10 =	simm.s32 $_size__tile_overlayer_lowered;
	s11 =	simm.s32 $_tile_overlayer_lowered  }
0xa0: {  	s22 =	simm.s32 $0x1BFF;
	s21 =	sshll.u32 s11, $0x1;
	s8 =	sadd.s32 s9, s19  }
0xa1: {  	s12 =	simm.s32 $0x0;
	s20 =	sshll.u32 s10, $0x1;
	s10 =	sadd.s32 s21, s8  }
0xa2: {  	[timem:s12], [sflag:s22] =	dma.local [hbm:s10], s20  }
0xa3: {  	_ =	swait.ge [sflag:s22], s20  }
0xa4: {  	s9 =	ssub.s32 $0x0, s20;
	[sflag:s22] =	ssyncset.done $0x0  }
0xa5: {  	[sflag:s22] =	ssyncadd.s32 s9;
	_ =	sdelay $0x1  }
0xa6: {  	s23 =	simm.s32 $0x1B8B  }
0xa7: {  	_ =	swait.ge [sflag:s23], $0x1  }
0xa8: {  	[sflag:s23] =	ssyncset.done $0x0  }
0xa9: {  	s25 =	simm.s32 $0x1B8E;
	s24 =	sld [smem:$0x3FFE];
	[sflag:s23] =	ssyncadd.s32 $0xFFFFFFFF  }
0xaa: {  	s26 =	simm.s32 $execute0_lowered;
	[smem:$0x3FD2] =	sst s25  }
0xab: {  	s10 =	sshll.u32 s26, $0x1;
	_ =	strace $0x80000046;
	[dreg:$0x1] =	wrdreg $0xFFFFFFFF  }
0xac: {  	s28 =	simm.s32 $_size_execute0_lowered;
	s8 =	sadd.s32 s8, s10;
	[dreg:$0x0] =	wrdreg $0x0  }
0xad: {  	s10 =	sshll.u32 s28, $0x1;
	[dreg:$0x2] =	wrdreg s8  }
0xae: {  	[dreg:$0x3] =	wrdreg s10  }
0xaf: {  	[dreg:$0x4] =	wrdreg $0xC0  }
0xb0: {  	_ =	task [dreg:s12], $0x5FFFF  }
0xb1: {  	[dreg:$0x1] =	wrdreg $0xFFFFFFFF  }
0xb2: {  	[dreg:$0x0] =	wrdreg $0x60  }
0xb3: {  	[dreg:$0x2] =	wrdreg s24  }
0xb4: {  	[dreg:$0x3] =	wrdreg s2  }
0xb5: {  	[dreg:$0x4] =	wrdreg s18  }
0xb6: {  	[dreg:$0x5] =	wrdreg s4  }
0xb7: {  	[dreg:$0x6] =	wrdreg s5  }
0xb8: {  	[dreg:$0x7] =	wrdreg s6  }
0xb9: {  	[dreg:$0x8] =	wrdreg s7  }
0xba: {  	[dreg:$0x9] =	wrdreg $0x9  }
0xbb: {  	_ =	task.clear_ibuf [dreg:s12], $0xAFFFF;
	_ =	strace $0x90000046  }
0xbc: {  	s29 =	simm.s32 $0x9;
	_ =	strace $0x80000048  }
0xbd: {  	_ =	swait.ge [sflag:s29], $0x1  }
0xbe: {  	[sflag:s29] =	ssyncadd.s32 $0xFFFFFFFF  }
0xbf: {  	_ =	strace $0x90000048  }
0xc0: {  	_ =	sfence  }
0xc1: {  	s30 =	sld [smem:$0x0];
	_ =	sdelay $0x2  }
0xc2: {  	s31 =	sshll.u32 s1, $0xD;
	s1 =	sshrl.u32 s1, $0x2  }
0xc3: {  	s3 =	sand.u32 $0x4000, s31;
	s1 =	sadd.s32 s1, s30  }
0xc4: {  	s0 =	sor.u32 s3, s0;
	s1 =	sshll.u32 s1, $0x11  }
0xc5: {  	s0 =	sor.u32 s1, s0  }
0xc6: {  	s0 =	sadd.s32 $0x8F2B, s0  }
0xc7: {  	[sflag:s0] =	ssyncadd.remote.s32 $0x1  }
0xc8: {  	_ =	sfence.sel $0xFFFF  }
0xc9: {  	[dreg:$0x0] =	wrdreg $0xFFFFFFFF;
	(pc) =	sbr.abs _section_cstart, $3  }
0xca: {  	[dreg:$0x1] =	wrdreg $0xFFFFFFFF  }
0xcb: {  	_ =	task.clear_ibuf [dreg:s12], $0x2FFFF;
	_ =	strace $0x9FFFFFFF  }
0xcc: {  	(tm) =	ssettm $0x7FFFFFFF  }
0xcd: {  	_ =	shalt  }
tec
execute0_lowered:
.L_overlay_start_1:
0x0: {  	(tag) =	ssettag $0x1  }
0x1: {  	s0 =	rddreg [dreg:$0x0]  }
0x2: {  	s1 =	rddreg [dreg:$0x1];
	s7 =	simm.s32 $0x0  }
0x3: {  	s2 =	srdreg.scid;
	s5 =	stileid.u32;
	s17 =	simm.s32 $0x2  }
0x4: {  	s23 =	simm.s32 $0x1080;
	s24 =	simm.s32 $0x2100;
	s19 =	simm.s32 $0x9900  }
0x5: {  	s20 =	simm.s32 $0x1;
	[smem:$0x7FF] =	sst s7;
	s2 =	sand.u32 $0x1, s2  }
0x6: {  	s9 =	sadd.s32 $0x400, s0;
	s5 =	sshll.u32 s5, $0xA;
	s3 =	ssub.s32 $0x2, s2  }
0x7: {  	s10 =	sadd.s32 $0xC00, s0;
	s12 =	sadd.s32 $0x100, s1;
	s4 =	sshrl.u32 s3, $0x1  }
0x8: {  	s13 =	sadd.s32 $0x200, s1;
	s14 =	sadd.s32 $0x300, s1;
	s31 =	ssub.s32 s3, s4  }
0x9: {  	_ =	strace $0x80000047;
	s2 =	sshll.u32 s2, $0x9;
	s0 =	smax.u32 s31, $0x1  }
0xa: {  	v0 =	vlaneseq.u32;
	vm0 =	vmmov $0xffff;
	s11 =	sor.u32 s2, s5;
	s2 =	simm.s32 $0x0;
	[dreg:$0x8] =	wrdreg s0  }
.LBB2_1:
0xb: {  	[dreg:$0x9] =	wrdreg s2  }
0xc: {  	s0 =	rddreg [dreg:$0x3];
	s25 =	simm.s32 $0x1900  }
0xd: {  	[tilespmem:s25], [sflag:$0x2] =	stream.linear.gather [hbm4b:s0+s7], $0x800, $0x38;
	[tilespmem:$0xA100] =	vst v63  }
0xe: {  	_ =	swait.ge [sflag:s17], $0x800  }
0xf: {  	[sflag:s17] =	ssyncset.done $0x0  }
0x10: {  	s28 =	simm.s32 $0x100;
	[sflag:s17] =	ssyncadd.s32 $0xFFFFF800  }
0x11: {  	s3 =	simm.s32 $0x400;
	s4 =	simm.s32 $0x1100;
	s26 =	rddreg [dreg:$0x2]  }
0x12: {  	[tilespmem:s4], [sflag:$0x2] =	stream.strided.gather [hbm4b:s26+s28], $0x800, s3, s28, $0x38;
	[tilespmem:$0xA100] =	vst v63  }
0x13: {  	_ =	swait.ge [sflag:s17], $0x800  }
0x14: {  	[sflag:s17] =	ssyncset.done $0x0  }
0x15: {  	[sflag:s17] =	ssyncadd.s32 $0xFFFFF800  }
0x16: {  	s30 =	simm.s32 $0xC00;
	s29 =	rddreg [dreg:$0x4]  }
0x17: {  	[tilespmem:s30], [sflag:$0x2] =	stream.linear.gather [hbm4b:s29+s7], $0x400, $0x38;
	[tilespmem:$0xA100] =	vst v63  }
0x18: {  	_ =	swait.ge [sflag:s17], $0x400  }
0x19: {  	[sflag:s17] =	ssyncset.done $0x0  }
0x1a: {  	[sflag:s17] =	ssyncadd.s32 $0xFFFFFC00  }
0x1b: {  	s31 =	rddreg [dreg:$0x5]  }
0x1c: {  	[tilespmem:s7], [sflag:$0x2] =	stream.linear.gather [hbm4b:s31+s7], $0x400, $0x38;
	[tilespmem:$0xA100] =	vst v63  }
0x1d: {  	_ =	swait.ge [sflag:s17], $0x400  }
0x1e: {  	[sflag:s17] =	ssyncset.done $0x0  }
0x1f: {  	[sflag:s17] =	ssyncadd.s32 $0xFFFFFC00  }
0x20: {  	v9 =	vld [tilespmem:$0x1900]  }
0x21: {  	v5 =	vld [tilespmem:$0x1100]  }
0x22: {  	v6 =	vld [tilespmem:$0x1980]  }
0x23: {  	v1 =	vld [tilespmem:$0x1180]  }
0x24: {  	v7 =	vld [tilespmem:$0x1910]  }
0x25: {  	v2 =	vld [tilespmem:$0x1110]  }
0x26: {  	v4 =	vld [tilespmem:$0x1990]  }
0x27: {  	v3 =	vld [tilespmem:$0x1190]  }
0x28: {  	v11 =	vld [tilespmem:$0x1920]  }
0x29: {  	v8 =	vld [tilespmem:$0x1120]  }
0x2a: {  	v12 =	vld [tilespmem:$0x19A0]  }
0x2b: {  	v10 =	vld [tilespmem:$0x11A0]  }
0x2c: {  	v15 =	vld [tilespmem:$0x1930]  }
0x2d: {  	v13 =	vld [tilespmem:$0x1130]  }
0x2e: {  	v16 =	vld [tilespmem:$0x19B0]  }
0x2f: {  	v14 =	vld [tilespmem:$0x11B0]  }
0x30: {  	v19 =	vld [tilespmem:$0x1940]  }
0x31: {  	v17 =	vld [tilespmem:$0x1140]  }
0x32: {  	v20 =	vld [tilespmem:$0x19C0]  }
0x33: {  	v18 =	vld [tilespmem:$0x11C0]  }
0x34: {  	v23 =	vld [tilespmem:$0x1950]  }
0x35: {  	v21 =	vld [tilespmem:$0x1150]  }
0x36: {  	v24 =	vld [tilespmem:$0x19D0]  }
0x37: {  	v22 =	vld [tilespmem:$0x11D0]  }
0x38: {  	v27 =	vld [tilespmem:$0x1960]  }
0x39: {  	v25 =	vld [tilespmem:$0x1160]  }
0x3a: {  	v28 =	vld [tilespmem:$0x19E0]  }
0x3b: {  	v26 =	vld [tilespmem:$0x11E0]  }
0x3c: {  	v31 =	vld [tilespmem:$0x1970]  }
0x3d: {  	v29 =	vld [tilespmem:$0x1170]  }
0x3e: {  	v32 =	vld [tilespmem:$0x19F0]  }
0x3f: {  	v30 =	vld [tilespmem:$0x11F0]  }
0x40: {  	v35 =	vld [tilespmem:$0x1A00]  }
0x41: {  	v33 =	vld [tilespmem:$0x1200]  }
0x42: {  	v36 =	vld [tilespmem:$0x1A80]  }
0x43: {  	v34 =	vld [tilespmem:$0x1280]  }
0x44: {  	v57 =	vld [tilespmem:$0x1A10]  }
0x45: {  	v37 =	vld [tilespmem:$0x1210]  }
0x46: {  	v60 =	vld [tilespmem:$0x1A90]  }
0x47: {  	v38 =	vld [tilespmem:$0x1290]  }
0x48: {  	v47 =	vld [tilespmem:$0x1A20]  }
0x49: {  	v39 =	vld [tilespmem:$0x1220]  }
0x4a: {  	v48 =	vld [tilespmem:$0x1AA0]  }
0x4b: {  	v40 =	vld [tilespmem:$0x12A0]  }
0x4c: {  	v43 =	vld [tilespmem:$0x1A30]  }
0x4d: {  	v41 =	vld [tilespmem:$0x1230]  }
0x4e: {  	v44 =	vld [tilespmem:$0x1AB0]  }
0x4f: {  	v42 =	vld [tilespmem:$0x12B0]  }
0x50: {  	v49 =	vld [tilespmem:$0x1A40]  }
0x51: {  	v45 =	vld [tilespmem:$0x1240]  }
0x52: {  	v50 =	vld [tilespmem:$0x1AC0]  }
0x53: {  	v46 =	vld [tilespmem:$0x12C0]  }
0x54: {  	v52 =	vld [tilespmem:$0x1A50]  }
0x55: {  	v51 =	vld [tilespmem:$0x1250]  }
0x56: {  	v54 =	vld [tilespmem:$0x1AD0]  }
0x57: {  	v53 =	vld [tilespmem:$0x12D0]  }
0x58: {  	v56 =	vld [tilespmem:$0x1A60]  }
0x59: {  	v55 =	vld [tilespmem:$0x1260]  }
0x5a: {  	v59 =	vld [tilespmem:$0x1AE0]  }
0x5b: {  	v58 =	vld [tilespmem:$0x12E0]  }
0x5c: {  	v61 =	vld [tilespmem:$0x1A70]  }
0x5d: {  	v62 =	vld [tilespmem:$0x1AF0];
	_ =	sdelay $0x4  }
0x5e: {  	[tilespmem:$0x1FA90] =	vst v62;
	v62 =	vld [tilespmem:$0x1B00];
	_ =	sdelay $0x4  }
0x5f: {  	[tilespmem:$0x1FAA0] =	vst v62;
	v62 =	vld [tilespmem:$0x1300];
	_ =	sdelay $0x4  }
0x60: {  	[tilespmem:$0x1FAB0] =	vst v62;
	v62 =	vld [tilespmem:$0x1B80];
	_ =	sdelay $0x4  }
0x61: {  	[tilespmem:$0x1FAC0] =	vst v62;
	v62 =	vld [tilespmem:$0x1380];
	_ =	sdelay $0x4  }
0x62: {  	[tilespmem:$0x1FAD0] =	vst v62;
	v62 =	vld [tilespmem:$0x1B10];
	_ =	sdelay $0x4  }
0x63: {  	[tilespmem:$0x1FAE0] =	vst v62;
	v62 =	vld [tilespmem:$0x1310];
	_ =	sdelay $0x4  }
0x64: {  	[tilespmem:$0x1FAF0] =	vst v62;
	v62 =	vld [tilespmem:$0x1B90];
	_ =	sdelay $0x4  }
0x65: {  	[tilespmem:$0x1FB00] =	vst v62;
	v62 =	vld [tilespmem:$0x1390];
	_ =	sdelay $0x4  }
0x66: {  	[tilespmem:$0x1FB10] =	vst v62;
	v62 =	vld [tilespmem:$0x1B20];
	_ =	sdelay $0x4  }
0x67: {  	[tilespmem:$0x1FB20] =	vst v62;
	v62 =	vld [tilespmem:$0x1320];
	_ =	sdelay $0x4  }
0x68: {  	[tilespmem:$0x1FB30] =	vst v62;
	v62 =	vld [tilespmem:$0x1BA0];
	_ =	sdelay $0x4  }
0x69: {  	[tilespmem:$0x1FB40] =	vst v62;
	v62 =	vld [tilespmem:$0x13A0];
	_ =	sdelay $0x4  }
0x6a: {  	[tilespmem:$0x1FB50] =	vst v62;
	v62 =	vld [tilespmem:$0x1B30];
	_ =	sdelay $0x4  }
0x6b: {  	[tilespmem:$0x1FB60] =	vst v62;
	v62 =	vld [tilespmem:$0x1330];
	_ =	sdelay $0x4  }
0x6c: {  	[tilespmem:$0x1FB70] =	vst v62;
	v62 =	vld [tilespmem:$0x1BB0];
	_ =	sdelay $0x4  }
0x6d: {  	[tilespmem:$0x1FB80] =	vst v62;
	v62 =	vld [tilespmem:$0x13B0];
	_ =	sdelay $0x4  }
0x6e: {  	[tilespmem:$0x1FB90] =	vst v62;
	v62 =	vld [tilespmem:$0x1B40];
	_ =	sdelay $0x4  }
0x6f: {  	[tilespmem:$0x1FBA0] =	vst v62;
	v62 =	vld [tilespmem:$0x1340];
	_ =	sdelay $0x4  }
0x70: {  	[tilespmem:$0x1FBB0] =	vst v62;
	v62 =	vld [tilespmem:$0x1BC0];
	_ =	sdelay $0x4  }
0x71: {  	[tilespmem:$0x1FBC0] =	vst v62;
	v62 =	vld [tilespmem:$0x13C0];
	_ =	sdelay $0x4  }
0x72: {  	[tilespmem:$0x1FBD0] =	vst v62;
	v62 =	vld [tilespmem:$0x1B50];
	_ =	sdelay $0x4  }
0x73: {  	[tilespmem:$0x1FBE0] =	vst v62;
	v62 =	vld [tilespmem:$0x1350];
	_ =	sdelay $0x4  }
0x74: {  	[tilespmem:$0x1FBF0] =	vst v62;
	v62 =	vld [tilespmem:$0x1BD0];
	_ =	sdelay $0x4  }
0x75: {  	[tilespmem:$0x1FC00] =	vst v62;
	v62 =	vld [tilespmem:$0x13D0];
	_ =	sdelay $0x4  }
0x76: {  	[tilespmem:$0x1FC10] =	vst v62;
	v62 =	vld [tilespmem:$0x1B60];
	_ =	sdelay $0x4  }
0x77: {  	[tilespmem:$0x1FC20] =	vst v62;
	v62 =	vld [tilespmem:$0x1360];
	_ =	sdelay $0x4  }
0x78: {  	[tilespmem:$0x1FC30] =	vst v62;
	v62 =	vld [tilespmem:$0x1BE0];
	_ =	sdelay $0x4  }
0x79: {  	[tilespmem:$0x1FC40] =	vst v62;
	v62 =	vld [tilespmem:$0x13E0];
	_ =	sdelay $0x4  }
0x7a: {  	[tilespmem:$0x1FC50] =	vst v62;
	v62 =	vld [tilespmem:$0x1B70];
	_ =	sdelay $0x4  }
0x7b: {  	[tilespmem:$0x1FC60] =	vst v62;
	v62 =	vld [tilespmem:$0x1370];
	_ =	sdelay $0x4  }
0x7c: {  	[tilespmem:$0x1FC70] =	vst v62;
	v62 =	vld [tilespmem:$0x1BF0];
	_ =	sdelay $0x4  }
0x7d: {  	[tilespmem:$0x1FC80] =	vst v62;
	v62 =	vld [tilespmem:$0x13F0];
	_ =	sdelay $0x2  }
0x7e: {  	v63 =	vld [tilespmem:$0x12F0]  }
0x7f: {  	[tilespmem:$0x1FA80] =	vst v61;
	v61 =	vld [tilespmem:$0x1270]  }
0x80: {  	[tilespmem:$0x1FC90] =	vst v62;
	v62 =	vld [tilespmem:$0x1C00]  }
0x81: {  	v5 =	vadd.f32 v5, v9;
	v9 =	vld [tilespmem:$0x1D90]  }
0x82: {  	v17 =	vadd.f32 v17, v19;
	v19 =	vld [tilespmem:$0x1530]  }
0x83: {  	v25 =	vadd.f32 v25, v27;
	v27 =	vld [tilespmem:$0x1540]  }
0x84: {  	v1 =	vadd.f32 v1, v6;
	v6 =	vld [tilespmem:$0x1680]  }
0x85: {  	v2 =	vadd.f32 v2, v7;
	v3 =	vadd.f32 v3, v4;
	[tilespmem:$0x1FCA0] =	vst v62;
	v62 =	vld [tilespmem:$0x1400]  }
0x86: {  	v4 =	vld [tilespmem:$0x1690]  }
0x87: {  	v3 =	vsub.f32 v3, v2;
	[tilespmem:$0x410] =	vst v2;
	v2 =	vadd.f32 v13, v15;
	v15 =	vld [tilespmem:$0x15A0]  }
0x88: {  	v1 =	vsub.f32 v1, v5;
	[tilespmem:$0x400] =	vst v5;
	v5 =	vld [tilespmem:$0x1E20]  }
0x89: {  	v13 =	vld [tilespmem:$0x1EB0]  }
0x8a: {  	[tilespmem:$0x1FCB0] =	vst v62;
	v62 =	vld [tilespmem:$0x1C80]  }
0x8b: {  	[tilespmem:$0x800] =	vst v1;
	v1 =	vadd.f32 v10, v12;
	v12 =	vld [tilespmem:$0x1DA0]  }
0x8c: {  	[tilespmem:$0x810] =	vst v3;
	v3 =	vadd.f32 v14, v16;
	v16 =	vld [tilespmem:$0x1D30]  }
0x8d: {  	v14 =	vld [tilespmem:$0x1600]  }
0x8e: {  	v10 =	vld [tilespmem:$0x1E30]  }
0x8f: {  	[tilespmem:$0x1FCC0] =	vst v62;
	v62 =	vld [tilespmem:$0x1480]  }
0x90: {  	[tilespmem:$0x1FEF0] =	vst v9;
	v9 =	vld [tilespmem:$0x1590];
	v3 =	vsub.f32 v3, v2  }
0x91: {  	[tilespmem:$0x430] =	vst v2;
	v2 =	vadd.f32 v21, v23;
	v23 =	vld [tilespmem:$0x15B0]  }
0x92: {  	[tilespmem:$0x830] =	vst v3;
	v3 =	vadd.f32 v22, v24;
	v24 =	vld [tilespmem:$0x1D40]  }
0x93: {  	v22 =	vld [tilespmem:$0x15F0]  }
0x94: {  	[tilespmem:$0x1FCD0] =	vst v62;
	v62 =	vld [tilespmem:$0x1C10]  }
0x95: {  	[tilespmem:$0x1FF30] =	vst v12;
	v12 =	vld [tilespmem:$0x1E80]  }
0x96: {  	[tilespmem:$0x1FF50] =	vst v16;
	v16 =	vld [tilespmem:$0x1E40]  }
0x97: {  	[tilespmem:$0x1FF00] =	vst v9;
	v9 =	vld [tilespmem:$0x1D20]  }
0x98: {  	[tilespmem:$0x450] =	vst v2;
	v3 =	vsub.f32 v3, v2;
	v2 =	vadd.f32 v29, v31;
	v29 =	vld [tilespmem:$0x15C0]  }
0x99: {  	[tilespmem:$0x1FCE0] =	vst v62;
	v62 =	vld [tilespmem:$0x1410]  }
0x9a: {  	v31 =	vld [tilespmem:$0x1D50]  }
0x9b: {  	[tilespmem:$0x850] =	vst v3;
	v3 =	vadd.f32 v30, v32;
	v32 =	vadd.f32 v33, v35;
	v33 =	vld [tilespmem:$0x1550]  }
0x9c: {  	v35 =	vadd.f32 v39, v47;
	v47 =	vld [tilespmem:$0x1560]  }
0x9d: {  	v39 =	vld [tilespmem:$0x15E0]  }
0x9e: {  	[tilespmem:$0x1FCF0] =	vst v62;
	v62 =	vld [tilespmem:$0x1C90]  }
0x9f: {  	v30 =	vld [tilespmem:$0x1DF0]  }
0xa0: {  	[tilespmem:$0x470] =	vst v2;
	v3 =	vsub.f32 v3, v2;
	v2 =	vadd.f32 v37, v57;
	v57 =	vld [tilespmem:$0x15D0]  }
0xa1: {  	v6 =	vadd.f32 v6, v12;
	v12 =	vld [tilespmem:$0x1FD0]  }
0xa2: {  	[tilespmem:$0x1FF10] =	vst v9;
	v9 =	vadd.f32 v8, v11;
	v11 =	vld [tilespmem:$0x1520]  }
0xa3: {  	[tilespmem:$0x1FD00] =	vst v62;
	v62 =	vld [tilespmem:$0x1490]  }
0xa4: {  	[tilespmem:$0x1FFC0] =	vst v29;
	v29 =	vld [tilespmem:$0x1570]  }
0xa5: {  	v8 =	vld [tilespmem:$0x1EA0];
	v1 =	vsub.f32 v1, v9  }
0xa6: {  	[tilespmem:$0x870] =	vst v3;
	v3 =	vadd.f32 v38, v60;
	v60 =	vld [tilespmem:$0x1D60]  }
0xa7: {  	v38 =	vld [tilespmem:$0x1D70];
	[tilespmem:$0x820] =	vst v1  }
0xa8: {  	v1 =	vadd.f32 v18, v20;
	[tilespmem:$0x1FD10] =	vst v62;
	v62 =	vld [tilespmem:$0x1C20]  }
0xa9: {  	v22 =	vadd.f32 v22, v30;
	v30 =	vld [tilespmem:$0x1F50];
	v3 =	vsub.f32 v3, v2  }
0xaa: {  	[tilespmem:$0x490] =	vst v2;
	v20 =	vld [tilespmem:$0x1DB0];
	v1 =	vsub.f32 v1, v17  }
0xab: {  	v2 =	vadd.f32 v41, v43;
	v18 =	vld [tilespmem:$0x1EC0];
	[tilespmem:$0x890] =	vst v3;
	v3 =	vadd.f32 v42, v44  }
0xac: {  	v42 =	vld [tilespmem:$0x1FAB0];
	[tilespmem:$0x840] =	vst v1  }
0xad: {  	v3 =	vsub.f32 v3, v2;
	v1 =	vadd.f32 v26, v28;
	[tilespmem:$0x1FD20] =	vst v62;
	v62 =	vld [tilespmem:$0x1420]  }
0xae: {  	[tilespmem:$0x4B0] =	vst v2;
	v44 =	vld [tilespmem:$0x1FAC0];
	v60 =	vadd.f32 v47, v60;
	v2 =	vadd.f32 v51, v52  }
0xaf: {  	v47 =	vld [tilespmem:$0x1740];
	[tilespmem:$0x8B0] =	vst v3;
	v3 =	vadd.f32 v53, v54;
	v1 =	vsub.f32 v1, v25  }
0xb0: {  	v28 =	vld [tilespmem:$0x1DC0];
	[tilespmem:$0x4D0] =	vst v2  }
0xb1: {  	v3 =	vsub.f32 v3, v2;
	v2 =	vld [tilespmem:$0x1FA80];
	[tilespmem:$0x860] =	vst v1;
	v1 =	vadd.f32 v34, v36  }
0xb2: {  	[tilespmem:$0x1FD30] =	vst v62;
	v62 =	vld [tilespmem:$0x1CA0]  }
0xb3: {  	[tilespmem:$0x1FF70] =	vst v20;
	v20 =	vld [tilespmem:$0x1E00];
	v1 =	vsub.f32 v1, v32  }
0xb4: {  	v34 =	vld [tilespmem:$0x1DD0]  }
0xb5: {  	v36 =	vadd.f32 v45, v49;
	v45 =	vld [tilespmem:$0x1FAD0];
	[tilespmem:$0x880] =	vst v1;
	v1 =	vadd.f32 v40, v48  }
0xb6: {  	v40 =	vadd.f32 v61, v2;
	v2 =	vld [tilespmem:$0x1FA90]  }
0xb7: {  	v1 =	vsub.f32 v1, v35;
	[tilespmem:$0x1FD40] =	vst v62;
	v62 =	vld [tilespmem:$0x14A0]  }
0xb8: {  	v49 =	vld [tilespmem:$0x1FAE0];
	[tilespmem:$0x8D0] =	vst v3  }
0xb9: {  	v3 =	vld [tilespmem:$0x1E10];
	[tilespmem:$0x8A0] =	vst v1;
	v1 =	vadd.f32 v46, v50  }
0xba: {  	v14 =	vadd.f32 v14, v20;
	v20 =	vld [tilespmem:$0x1750]  }
0xbb: {  	v50 =	vld [tilespmem:$0x1FAF0];
	v1 =	vsub.f32 v1, v36  }
0xbc: {  	v2 =	vadd.f32 v63, v2;
	[tilespmem:$0x1FD50] =	vst v62;
	v62 =	vld [tilespmem:$0x1C30]  }
0xbd: {  	v37 =	vadd.f32 v55, v56;
	v52 =	vld [tilespmem:$0x1FB00];
	[tilespmem:$0x8C0] =	vst v1;
	v1 =	vadd.f32 v58, v59  }
0xbe: {  	v46 =	vsub.f32 v2, v40;
	v2 =	vld [tilespmem:$0x1E90]  }
0xbf: {  	v41 =	vsub.f32 v1, v37;
	v1 =	vld [tilespmem:$0x1FAA0]  }
0xc0: {  	v53 =	vld [tilespmem:$0x1FB10]  }
0xc1: {  	[tilespmem:$0x1FD60] =	vst v62;
	v62 =	vld [tilespmem:$0x1430]  }
0xc2: {  	v48 =	vld [tilespmem:$0x1DE0]  }
0xc3: {  	v2 =	vadd.f32 v4, v2;
	v4 =	vld [tilespmem:$0x1F60]  }
0xc4: {  	v43 =	vadd.f32 v42, v1;
	v1 =	vld [tilespmem:$0x1610]  }
0xc5: {  	[tilespmem:$0x420] =	vst v9;
	v7 =	vadd.f32 v45, v44;
	v55 =	vld [tilespmem:$0x1FB20]  }
0xc6: {  	v51 =	vadd.f32 v50, v49;
	v9 =	vadd.f32 v53, v52;
	[tilespmem:$0x1FD70] =	vst v62;
	v62 =	vld [tilespmem:$0x1CB0]  }
0xc7: {  	v54 =	vsub.f32 v7, v43;
	v7 =	vld [tilespmem:$0x1620]  }
0xc8: {  	v63 =	vsub.f32 v9, v51;
	v9 =	vld [tilespmem:$0x16A0]  }
0xc9: {  	v56 =	vld [tilespmem:$0x1FB30]  }
0xca: {  	v59 =	vld [tilespmem:$0x1FB40]  }
0xcb: {  	[tilespmem:$0x1FD80] =	vst v62;
	v62 =	vld [tilespmem:$0x14B0]  }
0xcc: {  	v61 =	vld [tilespmem:$0x1FB50]  }
0xcd: {  	v1 =	vadd.f32 v1, v3;
	v3 =	vld [tilespmem:$0x17D0]  }
0xce: {  	v5 =	vadd.f32 v7, v5;
	v7 =	vld [tilespmem:$0x1760]  }
0xcf: {  	v6 =	vsub.f32 v6, v14;
	[tilespmem:$0x680] =	vst v14;
	v14 =	vadd.f32 v9, v8;
	v8 =	vld [tilespmem:$0x1FE0]  }
0xd0: {  	[tilespmem:$0x1FD90] =	vst v62;
	v62 =	vld [tilespmem:$0x1C40]  }
0xd1: {  	[tilespmem:$0x1FF20] =	vst v11;
	v9 =	vld [tilespmem:$0x17E0];
	v58 =	vadd.f32 v56, v55;
	v11 =	vadd.f32 v61, v59  }
0xd2: {  	v21 =	vld [tilespmem:$0x1FB60]  }
0xd3: {  	[tilespmem:$0x1FFA0] =	vst v27;
	v27 =	vsub.f32 v11, v58;
	v11 =	vld [tilespmem:$0x1630]  }
0xd4: {  	[tilespmem:$0x1FF80] =	vst v23;
	v23 =	vld [tilespmem:$0x1FB70]  }
0xd5: {  	[tilespmem:$0x1FDA0] =	vst v62;
	v62 =	vld [tilespmem:$0x1440]  }
0xd6: {  	[tilespmem:$0x460] =	vst v25;
	v2 =	vsub.f32 v2, v1;
	v25 =	vld [tilespmem:$0x1FB80]  }
0xd7: {  	v26 =	vld [tilespmem:$0x1FB90]  }
0xd8: {  	[tilespmem:$0xA90] =	vst v2;
	v2 =	vsub.f32 v14, v5;
	v14 =	vld [tilespmem:$0x17F0]  }
0xd9: {  	[tilespmem:$0x690] =	vst v1;
	v1 =	vadd.f32 v11, v10;
	v10 =	vld [tilespmem:$0x1F70]  }
0xda: {  	[tilespmem:$0x1FDB0] =	vst v62;
	v62 =	vld [tilespmem:$0x1CC0]  }
0xdb: {  	[tilespmem:$0x1FF40] =	vst v15;
	v11 =	vld [tilespmem:$0x1770]  }
0xdc: {  	[tilespmem:$0x1FF90] =	vst v24;
	v24 =	vadd.f32 v23, v21;
	v21 =	vld [tilespmem:$0x1E50];
	v15 =	vadd.f32 v26, v25  }
0xdd: {  	[tilespmem:$0x1FFB0] =	vst v28;
	v28 =	vld [tilespmem:$0x1FBA0]  }
0xde: {  	[tilespmem:$0x4A0] =	vst v35;
	v35 =	vsub.f32 v15, v24;
	v15 =	vld [tilespmem:$0x16B0]  }
0xdf: {  	[tilespmem:$0x1FDC0] =	vst v62;
	v62 =	vld [tilespmem:$0x14C0]  }
0xe0: {  	v26 =	vld [tilespmem:$0x1E60]  }
0xe1: {  	[tilespmem:$0x530] =	vst v24;
	v24 =	vld [tilespmem:$0x1ED0]  }
0xe2: {  	[tilespmem:$0x1FFD0] =	vst v31;
	v31 =	vld [tilespmem:$0x1FBB0]  }
0xe3: {  	v15 =	vadd.f32 v15, v13;
	v13 =	vld [tilespmem:$0x1FF0]  }
0xe4: {  	[tilespmem:$0x1FDD0] =	vst v62;
	v62 =	vld [tilespmem:$0x1C50]  }
0xe5: {  	[tilespmem:$0xAA0] =	vst v2;
	v2 =	vsub.f32 v15, v1;
	v15 =	vld [tilespmem:$0x2000]  }
0xe6: {  	[tilespmem:$0x1FFE0] =	vst v33;
	v33 =	vld [tilespmem:$0x1FBC0]  }
0xe7: {  	[tilespmem:$0x480] =	vst v32;
	v32 =	vadd.f32 v31, v28;
	v28 =	vld [tilespmem:$0x1EE0]  }
0xe8: {  	[tilespmem:$0x1FFF0] =	vst v34;
	v34 =	vld [tilespmem:$0x1FBD0]  }
0xe9: {  	[tilespmem:$0x1FDE0] =	vst v62;
	v62 =	vld [tilespmem:$0x1450]  }
0xea: {  	[tilespmem:$0x4C0] =	vst v36;
	v36 =	vld [tilespmem:$0x1FBE0]  }
0xeb: {  	[tilespmem:$0x4E0] =	vst v37;
	v37 =	vld [tilespmem:$0x1FBF0]  }
0xec: {  	[tilespmem:$0x8E0] =	vst v41;
	v41 =	vld [tilespmem:$0x1FC00]  }
0xed: {  	[tilespmem:$0x440] =	vst v17;
	v42 =	vld [tilespmem:$0x1FC10]  }
0xee: {  	v17 =	vadd.f32 v34, v33;
	[tilespmem:$0x1FDF0] =	vst v62;
	v62 =	vld [tilespmem:$0x1CD0]  }
0xef: {  	[tilespmem:$0x1FF60] =	vst v19;
	v34 =	vld [tilespmem:$0x1EF0]  }
0xf0: {  	[tilespmem:$0x500] =	vst v43;
	v43 =	vsub.f32 v17, v32;
	v17 =	vld [tilespmem:$0x1640]  }
0xf1: {  	[tilespmem:$0x540] =	vst v32;
	v32 =	vld [tilespmem:$0x1E70]  }
0xf2: {  	[tilespmem:$0x4F0] =	vst v40;
	v40 =	vadd.f32 v37, v36;
	v19 =	vadd.f32 v42, v41;
	v44 =	vld [tilespmem:$0x1FC20]  }
0xf3: {  	[tilespmem:$0x1FE00] =	vst v62;
	v62 =	vld [tilespmem:$0x14D0]  }
0xf4: {  	[tilespmem:$0x510] =	vst v51;
	v51 =	vsub.f32 v19, v40;
	v19 =	vld [tilespmem:$0x16C0]  }
0xf5: {  	v29 =	vadd.f32 v29, v38;
	v45 =	vld [tilespmem:$0x1FC30]  }
0xf6: {  	v49 =	vld [tilespmem:$0x1FC40]  }
0xf7: {  	v22 =	vsub.f32 v22, v29;
	v50 =	vld [tilespmem:$0x1FC50]  }
0xf8: {  	[tilespmem:$0x1FE10] =	vst v62;
	v62 =	vld [tilespmem:$0x1C60]  }
0xf9: {  	[tilespmem:$0xA70] =	vst v22;
	v22 =	vadd.f32 v17, v16;
	v16 =	vld [tilespmem:$0x1800]  }
0xfa: {  	v17 =	vld [tilespmem:$0x2080]  }
0xfb: {  	[tilespmem:$0x670] =	vst v29;
	v29 =	vadd.f32 v19, v18;
	v18 =	vld [tilespmem:$0x1880]  }
0xfc: {  	[tilespmem:$0x8F0] =	vst v46;
	v19 =	vld [tilespmem:$0x2010]  }
0xfd: {  	v46 =	vadd.f32 v45, v44;
	v23 =	vadd.f32 v50, v49;
	[tilespmem:$0x1FE20] =	vst v62;
	v62 =	vld [tilespmem:$0x1460]  }
0xfe: {  	v52 =	vld [tilespmem:$0x1FC60]  }
0xff: {  	[tilespmem:$0x520] =	vst v58;
	v58 =	vsub.f32 v23, v46;
	v23 =	vld [tilespmem:$0x1650]  }
0x100: {  	v53 =	vld [tilespmem:$0x1FC70]  }
0x101: {  	v55 =	vld [tilespmem:$0x1FC80]  }
0x102: {  	[tilespmem:$0x1FE30] =	vst v62;
	v62 =	vld [tilespmem:$0x1CE0]  }
0x103: {  	v56 =	vld [tilespmem:$0x1FC90]  }
0x104: {  	v59 =	vld [tilespmem:$0x1FCA0]  }
0x105: {  	[tilespmem:$0x900] =	vst v54;
	v61 =	vld [tilespmem:$0x1FCB0]  }
0x106: {  	[tilespmem:$0x6B0] =	vst v1;
	v36 =	vld [tilespmem:$0x1FCC0]  }
0x107: {  	[tilespmem:$0x1FE40] =	vst v62;
	v62 =	vld [tilespmem:$0x14E0]  }
0x108: {  	[tilespmem:$0xAB0] =	vst v2;
	v37 =	vld [tilespmem:$0x1FCD0]  }
0x109: {  	[tilespmem:$0x6C0] =	vst v22;
	v2 =	vsub.f32 v29, v22;
	v22 =	vld [tilespmem:$0x2090];
	v1 =	vadd.f32 v23, v21  }
0x10a: {  	[tilespmem:$0x910] =	vst v63;
	v21 =	vld [tilespmem:$0x1810];
	v54 =	vadd.f32 v53, v52;
	v25 =	vadd.f32 v56, v55  }
0x10b: {  	[tilespmem:$0x550] =	vst v40;
	v23 =	vld [tilespmem:$0x1890]  }
0x10c: {  	v40 =	vsub.f32 v25, v54;
	[tilespmem:$0x1FE50] =	vst v62;
	v62 =	vld [tilespmem:$0x1C70]  }
0x10d: {  	[tilespmem:$0x920] =	vst v27;
	v25 =	vld [tilespmem:$0x16D0];
	v63 =	vadd.f32 v61, v59;
	v27 =	vadd.f32 v37, v36  }
0x10e: {  	v41 =	vld [tilespmem:$0x1FCE0]  }
0x10f: {  	[tilespmem:$0x560] =	vst v46;
	v46 =	vsub.f32 v27, v63;
	v27 =	vld [tilespmem:$0x1660]  }
0x110: {  	v42 =	vld [tilespmem:$0x1FCF0]  }
0x111: {  	[tilespmem:$0x1FE60] =	vst v62;
	v62 =	vld [tilespmem:$0x1470]  }
0x112: {  	v44 =	vld [tilespmem:$0x1FD00]  }
0x113: {  	v45 =	vld [tilespmem:$0x1FD10]  }
0x114: {  	v49 =	vld [tilespmem:$0x1FD20]  }
0x115: {  	v50 =	vld [tilespmem:$0x1FD30]  }
0x116: {  	[tilespmem:$0x1FE70] =	vst v62;
	v62 =	vld [tilespmem:$0x1CF0]  }
0x117: {  	v52 =	vld [tilespmem:$0x1FD40]  }
0x118: {  	v53 =	vld [tilespmem:$0x1FD50]  }
0x119: {  	v55 =	vld [tilespmem:$0x1FD60]  }
0x11a: {  	v56 =	vld [tilespmem:$0x1FD70]  }
0x11b: {  	[tilespmem:$0x1FE80] =	vst v62;
	v62 =	vld [tilespmem:$0x14F0]  }
0x11c: {  	v59 =	vld [tilespmem:$0x1FD80]  }
0x11d: {  	v61 =	vld [tilespmem:$0x1FD90]  }
0x11e: {  	[tilespmem:$0x930] =	vst v35;
	v31 =	vadd.f32 v45, v44;
	v44 =	vld [tilespmem:$0x1FDA0]  }
0x11f: {  	[tilespmem:$0x940] =	vst v43;
	v45 =	vld [tilespmem:$0x1FDB0]  }
0x120: {  	[tilespmem:$0x1FE90] =	vst v62;
	v62 =	vld [tilespmem:$0x1D00]  }
0x121: {  	[tilespmem:$0x950] =	vst v51;
	v51 =	vadd.f32 v50, v49;
	v49 =	vld [tilespmem:$0x1FDC0]  }
0x122: {  	[tilespmem:$0x960] =	vst v58;
	v43 =	vadd.f32 v42, v41;
	v50 =	vld [tilespmem:$0x1FDD0]  }
0x123: {  	[tilespmem:$0x570] =	vst v54;
	v33 =	vadd.f32 v53, v52;
	v52 =	vld [tilespmem:$0x1FDE0]  }
0x124: {  	[tilespmem:$0x580] =	vst v63;
	v54 =	vsub.f32 v31, v43;
	v53 =	vld [tilespmem:$0x1FDF0]  }
0x125: {  	[tilespmem:$0x1FEA0] =	vst v62;
	v62 =	vld [tilespmem:$0x1500]  }
0x126: {  	[tilespmem:$0x990] =	vst v54;
	v58 =	vadd.f32 v56, v55;
	v35 =	vadd.f32 v61, v59;
	v54 =	vld [tilespmem:$0x1FE00]  }
0x127: {  	[tilespmem:$0x5A0] =	vst v51;
	v56 =	vld [tilespmem:$0x1FE20]  }
0x128: {  	v63 =	vsub.f32 v33, v51;
	[tilespmem:$0x5B0] =	vst v58;
	v51 =	vsub.f32 v35, v58;
	v58 =	vld [tilespmem:$0x1FE30]  }
0x129: {  	v59 =	vld [tilespmem:$0x1FE40]  }
0x12a: {  	[tilespmem:$0x1FEB0] =	vst v62;
	v62 =	vld [tilespmem:$0x1D80]  }
0x12b: {  	v61 =	vld [tilespmem:$0x1FE50]  }
0x12c: {  	[tilespmem:$0x980] =	vst v46;
	v46 =	vadd.f32 v45, v44;
	v37 =	vadd.f32 v50, v49;
	v55 =	vld [tilespmem:$0x1FE10]  }
0x12d: {  	[tilespmem:$0x970] =	vst v40;
	v40 =	vadd.f32 v58, v56;
	v58 =	vld [tilespmem:$0x1FEF0]  }
0x12e: {  	[tilespmem:$0x9A0] =	vst v63;
	v37 =	vsub.f32 v37, v46;
	v63 =	vld [tilespmem:$0x1FE60]  }
0x12f: {  	[tilespmem:$0x1FEC0] =	vst v62;
	v62 =	vld [tilespmem:$0x1580]  }
0x130: {  	[tilespmem:$0x9C0] =	vst v37;
	v37 =	vadd.f32 v61, v59;
	v59 =	vld [tilespmem:$0x1FF00]  }
0x131: {  	v49 =	vld [tilespmem:$0x1FE70]  }
0x132: {  	v50 =	vld [tilespmem:$0x1FE80]  }
0x133: {  	[tilespmem:$0x9B0] =	vst v51;
	v51 =	vld [tilespmem:$0x1FE90]  }
0x134: {  	[tilespmem:$0x1FED0] =	vst v62;
	v62 =	vld [tilespmem:$0x1D10]  }
0x135: {  	v36 =	vadd.f32 v53, v52;
	v52 =	vld [tilespmem:$0x1FEA0]  }
0x136: {  	v41 =	vadd.f32 v55, v54;
	v53 =	vld [tilespmem:$0x1FEB0]  }
0x137: {  	v54 =	vld [tilespmem:$0x1FEC0]  }
0x138: {  	[tilespmem:$0x5D0] =	vst v36;
	v41 =	vsub.f32 v41, v36;
	v55 =	vld [tilespmem:$0x1FED0]  }
0x139: {  	[tilespmem:$0x1FEE0] =	vst v62;
	v62 =	vld [tilespmem:$0x1510]  }
0x13a: {  	[tilespmem:$0x9D0] =	vst v41;
	v36 =	vadd.f32 v49, v63;
	v41 =	vadd.f32 v51, v50;
	v56 =	vld [tilespmem:$0x1FEE0]  }
0x13b: {  	v42 =	vld [tilespmem:$0x1F00];
	v37 =	vsub.f32 v37, v40  }
0x13c: {  	[tilespmem:$0x5E0] =	vst v40;
	v61 =	vld [tilespmem:$0x1FF10];
	v41 =	vsub.f32 v41, v36  }
0x13d: {  	[tilespmem:$0x9E0] =	vst v37;
	v63 =	vld [tilespmem:$0x1FF30]  }
0x13e: {  	[tilespmem:$0x9F0] =	vst v41;
	v41 =	vadd.f32 v59, v58;
	v58 =	vld [tilespmem:$0x1FF40];
	v40 =	vadd.f32 v53, v52  }
0x13f: {  	[tilespmem:$0x5F0] =	vst v36;
	v37 =	vadd.f32 v55, v54;
	v36 =	vadd.f32 v62, v56;
	v62 =	vld [tilespmem:$0x1FF20]  }
0x140: {  	v31 =	vld [tilespmem:$0x16E0]  }
0x141: {  	[tilespmem:$0x590] =	vst v43;
	v43 =	vld [tilespmem:$0x1700];
	v37 =	vsub.f32 v37, v40  }
0x142: {  	v59 =	vld [tilespmem:$0x1FF50]  }
0x143: {  	[tilespmem:$0xA00] =	vst v37;
	v37 =	vadd.f32 v58, v63;
	v63 =	vld [tilespmem:$0x1FF80]  }
0x144: {  	[tilespmem:$0x600] =	vst v40;
	v40 =	vadd.f32 v62, v61;
	v61 =	vld [tilespmem:$0x1FF60]  }
0x145: {  	v62 =	vld [tilespmem:$0x1FF70]  }
0x146: {  	v43 =	vadd.f32 v43, v42;
	v42 =	vld [tilespmem:$0x20B0]  }
0x147: {  	v44 =	vld [tilespmem:$0x1F80]  }
0x148: {  	v45 =	vld [tilespmem:$0x1780];
	v41 =	vsub.f32 v41, v36  }
0x149: {  	[tilespmem:$0x610] =	vst v36;
	v36 =	vadd.f32 v61, v59;
	v61 =	vld [tilespmem:$0x1FF90]  }
0x14a: {  	[tilespmem:$0xA10] =	vst v41;
	v41 =	vadd.f32 v63, v62;
	v62 =	vld [tilespmem:$0x1FFA0]  }
0x14b: {  	v33 =	vld [tilespmem:$0x1670]  }
0x14c: {  	v35 =	vld [tilespmem:$0x16F0]  }
0x14d: {  	[tilespmem:$0x660] =	vst v60;
	v39 =	vadd.f32 v39, v48;
	v48 =	vadd.f32 v45, v44;
	v44 =	vld [tilespmem:$0x2040]  }
0x14e: {  	[tilespmem:$0xA80] =	vst v6;
	v63 =	vld [tilespmem:$0x1FFB0]  }
0x14f: {  	v37 =	vsub.f32 v37, v40;
	[tilespmem:$0x620] =	vst v40;
	v40 =	vadd.f32 v62, v61;
	v61 =	vld [tilespmem:$0x1FFC0]  }
0x150: {  	v4 =	vadd.f32 v7, v4;
	[tilespmem:$0x5C0] =	vst v46;
	v46 =	vld [tilespmem:$0x1F10]  }
0x151: {  	[tilespmem:$0x6A0] =	vst v5;
	v49 =	vld [tilespmem:$0x1710]  }
0x152: {  	[tilespmem:$0x760] =	vst v4;
	v50 =	vld [tilespmem:$0x1F90]  }
0x153: {  	[tilespmem:$0xAC0] =	vst v2;
	v51 =	vld [tilespmem:$0x1790]  }
0x154: {  	[tilespmem:$0xA20] =	vst v37;
	v37 =	vsub.f32 v41, v36;
	v41 =	vadd.f32 v61, v63;
	v63 =	vld [tilespmem:$0x1FFF0]  }
0x155: {  	[tilespmem:$0x6D0] =	vst v1;
	v52 =	vld [tilespmem:$0x1F20]  }
0x156: {  	v38 =	vadd.f32 v27, v26;
	v53 =	vld [tilespmem:$0x1720];
	[tilespmem:$0xA30] =	vst v37;
	v37 =	vadd.f32 v25, v24  }
0x157: {  	[tilespmem:$0x630] =	vst v36;
	v36 =	vld [tilespmem:$0x1FFD0]  }
0x158: {  	[tilespmem:$0x6E0] =	vst v38;
	v2 =	vsub.f32 v37, v1;
	v1 =	vadd.f32 v33, v32;
	v61 =	vld [tilespmem:$0x1FFE0]  }
0x159: {  	[tilespmem:$0x700] =	vst v43;
	v54 =	vld [tilespmem:$0x1FA0];
	v62 =	vsub.f32 v41, v40;
	v41 =	vadd.f32 v57, v63  }
0x15a: {  	v55 =	vld [tilespmem:$0x17A0];
	[tilespmem:$0x640] =	vst v40;
	v63 =	vsub.f32 v39, v60;
	v39 =	vadd.f32 v31, v28  }
0x15b: {  	v58 =	vld [tilespmem:$0x1730];
	[tilespmem:$0xAD0] =	vst v2  }
0x15c: {  	v56 =	vld [tilespmem:$0x1F30];
	[tilespmem:$0x6F0] =	vst v1;
	v40 =	vadd.f32 v35, v34;
	v2 =	vsub.f32 v39, v38  }
0x15d: {  	v59 =	vld [tilespmem:$0x1FB0];
	[tilespmem:$0xA40] =	vst v62;
	v36 =	vadd.f32 v61, v36  }
0x15e: {  	v61 =	vld [tilespmem:$0x17B0];
	[tilespmem:$0xAE0] =	vst v2;
	v2 =	vsub.f32 v40, v1  }
0x15f: {  	v51 =	vadd.f32 v51, v50;
	v57 =	vld [tilespmem:$0x1F40];
	v62 =	vsub.f32 v41, v36;
	[tilespmem:$0x650] =	vst v36  }
0x160: {  	v41 =	vld [tilespmem:$0x1FC0];
	v1 =	vadd.f32 v49, v46;
	[tilespmem:$0xAF0] =	vst v2;
	v2 =	vsub.f32 v48, v43  }
0x161: {  	v33 =	vadd.f32 v55, v54;
	v36 =	vld [tilespmem:$0x17C0];
	[tilespmem:$0xA50] =	vst v62  }
0x162: {  	v45 =	vld [tilespmem:$0x1840];
	v62 =	vadd.f32 v53, v52;
	[tilespmem:$0xB00] =	vst v2;
	v2 =	vsub.f32 v51, v1  }
0x163: {  	v50 =	vld [tilespmem:$0x1850];
	v37 =	vadd.f32 v61, v59;
	[tilespmem:$0x710] =	vst v1  }
0x164: {  	v55 =	vld [tilespmem:$0x1860];
	v1 =	vadd.f32 v58, v56;
	[tilespmem:$0xB10] =	vst v2;
	v2 =	vsub.f32 v33, v62  }
0x165: {  	v34 =	vld [tilespmem:$0x20A0];
	[tilespmem:$0xA60] =	vst v63;
	v39 =	vadd.f32 v47, v57  }
0x166: {  	v35 =	vld [tilespmem:$0x18A0];
	v41 =	vadd.f32 v36, v41;
	[tilespmem:$0xB20] =	vst v2;
	v2 =	vsub.f32 v37, v1  }
0x167: {  	v3 =	vadd.f32 v3, v12;
	v60 =	vld [tilespmem:$0x2020];
	[tilespmem:$0x730] =	vst v1  }
0x168: {  	v63 =	vld [tilespmem:$0x1820];
	v1 =	vadd.f32 v20, v30;
	[tilespmem:$0xB30] =	vst v2;
	v2 =	vsub.f32 v41, v39  }
0x169: {  	v38 =	vld [tilespmem:$0x2030];
	[tilespmem:$0x720] =	vst v62  }
0x16a: {  	v40 =	vld [tilespmem:$0x1830];
	[tilespmem:$0xB40] =	vst v2;
	v2 =	vsub.f32 v3, v1;
	v3 =	vadd.f32 v9, v8  }
0x16b: {  	v46 =	vld [tilespmem:$0x20C0];
	v49 =	vadd.f32 v16, v15;
	[tilespmem:$0x750] =	vst v1;
	v1 =	vadd.f32 v11, v10  }
0x16c: {  	v52 =	vld [tilespmem:$0x18D0];
	[tilespmem:$0xB50] =	vst v2;
	v2 =	vsub.f32 v3, v4;
	v3 =	vadd.f32 v14, v13  }
0x16d: {  	v53 =	vld [tilespmem:$0x2060];
	[tilespmem:$0x780] =	vst v49  }
0x16e: {  	v47 =	vld [tilespmem:$0x18C0];
	[tilespmem:$0xB60] =	vst v2;
	v2 =	vsub.f32 v3, v1;
	v3 =	vadd.f32 v18, v17  }
0x16f: {  	v43 =	vld [tilespmem:$0x18B0];
	[tilespmem:$0x770] =	vst v1;
	v1 =	vadd.f32 v21, v19  }
0x170: {  	v57 =	vld [tilespmem:$0x18E0];
	[tilespmem:$0xB70] =	vst v2;
	v2 =	vsub.f32 v3, v49;
	v3 =	vadd.f32 v23, v22  }
0x171: {  	v61 =	vld [tilespmem:$0x20F0];
	[tilespmem:$0x740] =	vst v39;
	v54 =	vadd.f32 v63, v60  }
0x172: {  	v48 =	vld [tilespmem:$0x2050];
	[tilespmem:$0xB80] =	vst v2;
	v2 =	vsub.f32 v3, v1;
	v3 =	vadd.f32 v35, v34  }
0x173: {  	v59 =	vadd.f32 v45, v44;
	v51 =	vld [tilespmem:$0x20D0];
	[tilespmem:$0x790] =	vst v1;
	v1 =	vadd.f32 v40, v38  }
0x174: {  	v60 =	vld [tilespmem:$0x1870];
	[tilespmem:$0xB90] =	vst v2;
	v2 =	vsub.f32 v3, v54;
	v3 =	vadd.f32 v43, v42  }
0x175: {  	[tilespmem:$0x7C0] =	vst v59;
	v56 =	vld [tilespmem:$0x20E0]  }
0x176: {  	v58 =	vld [tilespmem:$0x2070];
	[tilespmem:$0xBA0] =	vst v2;
	v2 =	vsub.f32 v3, v1  }
0x177: {  	v62 =	vld [tilespmem:$0x18F0];
	[tilespmem:$0x7B0] =	vst v1;
	v3 =	vadd.f32 v47, v46  }
0x178: {  	v1 =	vadd.f32 v50, v48;
	[tilespmem:$0xBB0] =	vst v2;
	v2 =	vadd.f32 v52, v51  }
0x179: {  	[tilespmem:$0x7A0] =	vst v54;
	v3 =	vsub.f32 v3, v59  }
0x17a: {  	[tilespmem:$0x7D0] =	vst v1;
	v2 =	vsub.f32 v2, v1  }
0x17b: {  	v63 =	vadd.f32 v55, v53;
	[tilespmem:$0xBC0] =	vst v3;
	v3 =	vadd.f32 v57, v56  }
0x17c: {  	v1 =	vadd.f32 v60, v58;
	[tilespmem:$0xBD0] =	vst v2;
	v2 =	vadd.f32 v62, v61  }
0x17d: {  	[tilespmem:$0x7E0] =	vst v63;
	v3 =	vsub.f32 v3, v63  }
0x17e: {  	[tilespmem:$0x7F0] =	vst v1;
	v2 =	vsub.f32 v2, v1  }
0x17f: {  	[tilespmem:$0xBE0] =	vst v3  }
0x180: {  	s15 =	simm.s32 $0x0;
	[tilespmem:$0xBF0] =	vst v2  }
.LBB2_2:
0x181: {  	s0 =	sshll.u32 s15, $0x5  }
0x182: {  	s21 =	sadd.s32 s11, s0  }
0x183: {  	s0 =	sshrl.u32 s21, $0x3  }
0x184: {  	s6 =	simm.s32 $0x0;
	s3 =	simm.s32 $0x1000;
	s2 =	sadd.s32 s9, s0  }
0x185: {  	[tilespmem:s3], [sflag:$0x2] =	stream.linear.gather [hbm4b:s2+s6], $0x20, $0x38;
	[tilespmem:$0xA100] =	vst v63  }
0x186: {  	_ =	swait.ge [sflag:s17], $0x20  }
0x187: {  	[sflag:s17] =	ssyncset.done $0x0  }
0x188: {  	s0 =	sadd.s32 s10, s0;
	[sflag:s17] =	ssyncadd.s32 $0xFFFFFFE0  }
0x189: {  	[tilespmem:s23], [sflag:$0x2] =	stream.linear.gather [hbm4b:s0+s6], $0x20, $0x38;
	[tilespmem:$0xA100] =	vst v63  }
0x18a: {  	_ =	swait.ge [sflag:s17], $0x20  }
0x18b: {  	[sflag:s17] =	ssyncset.done $0x0  }
0x18c: {  	[sflag:s17] =	ssyncadd.s32 $0xFFFFFFE0  }
0x18d: {  	v1 =	vld [tilespmem:$0x1000];
	_ =	sdelay $0x4  }
0x18e: {  	v2 =	vshll.u32 v1, $0x3  }
0x18f: {  	v1 =	vand.u32 $0x7, v1;
	v2 =	vand.u32 $0xFFFFFFC0, v2  }
0x190: {  	v3 =	vshrl.u32 v0, $0x3;
	v1 =	vor.u32 v1, v2;
	v2 =	vand.u32 $0x7, v0  }
0x191: {  	v3 =	vmul.u32 $0x8, v3;
	v4 =	vperm.xlane v1, v2;
	_ =	sdelay $0x1  }
0x192: {  	v4 =	vadd.s32 v3, v4;
	_ =	sdelay $0x4  }
0x193: {  	v5 =	vor.u32 $0x8, v0;
	[tilespmem:s24], [sflag:$0x1] =	stream.indirect_vreg.gather [hbm4b:s1+s6], $0x80, v4, vm0, $0xb8;
	[tilespmem:$0xA100] =	vst v63  }
0x194: {  	s2 =	simm.s32 $0x2900;
	v1 =	vperm.xlane v1, v5  }
0x195: {  	[tilespmem:s2], [sflag:$0x1] =	stream.indirect_vreg.gather [hbm4b:s12+s6], $0x80, v4, vm0, $0xb8;
	[tilespmem:$0xA100] =	vst v63  }
0x196: {  	s3 =	simm.s32 $0x3100;
	v1 =	vadd.s32 v3, v1  }
0x197: {  	[tilespmem:s3], [sflag:$0x1] =	stream.indirect_vreg.gather [hbm4b:s13+s6], $0x80, v4, vm0, $0xb8;
	[tilespmem:$0xA100] =	vst v63  }
0x198: {  	s4 =	simm.s32 $0x3900  }
0x199: {  	[tilespmem:s4], [sflag:$0x1] =	stream.indirect_vreg.gather [hbm4b:s14+s6], $0x80, v4, vm0, $0xb8;
	[tilespmem:$0xA100] =	vst v63  }
0x19a: {  	s5 =	simm.s32 $0x4100  }
0x19b: {  	[tilespmem:s5], [sflag:$0x1] =	stream.indirect_vreg.gather [hbm4b:s1+s6], $0x80, v1, vm0, $0xb8;
	[tilespmem:$0xA100] =	vst v63  }
0x19c: {  	s8 =	simm.s32 $0x4900  }
0x19d: {  	[tilespmem:s8], [sflag:$0x1] =	stream.indirect_vreg.gather [hbm4b:s12+s6], $0x80, v1, vm0, $0xb8;
	[tilespmem:$0xA100] =	vst v63  }
0x19e: {  	s16 =	simm.s32 $0x5100  }
0x19f: {  	[tilespmem:s16], [sflag:$0x1] =	stream.indirect_vreg.gather [hbm4b:s13+s6], $0x80, v1, vm0, $0xb8;
	[tilespmem:$0xA100] =	vst v63  }
0x1a0: {  	s18 =	simm.s32 $0x5900  }
0x1a1: {  	[tilespmem:s18], [sflag:$0x1] =	stream.indirect_vreg.gather [hbm4b:s14+s6], $0x80, v1, vm0, $0xb8;
	[tilespmem:$0xA100] =	vst v63  }
0x1a2: {  	v1 =	vld [tilespmem:$0x1010];
	_ =	sdelay $0x4  }
0x1a3: {  	v63 =	vshll.u32 v1, $0x3  }
0x1a4: {  	v1 =	vand.u32 $0x7, v1;
	v4 =	vand.u32 $0xFFFFFFC0, v63  }
0x1a5: {  	v1 =	vor.u32 v1, v4  }
0x1a6: {  	v2 =	vperm.xlane v1, v2;
	_ =	sdelay $0x1  }
0x1a7: {  	v2 =	vadd.s32 v3, v2;
	_ =	sdelay $0x3  }
0x1a8: {  	s22 =	simm.s32 $0x6100  }
0x1a9: {  	[tilespmem:s22], [sflag:$0x1] =	stream.indirect_vreg.gather [hbm4b:s1+s6], $0x80, v2, vm0, $0xb8;
	[tilespmem:$0xA100] =	vst v63  }
0x1aa: {  	s25 =	simm.s32 $0x6900;
	v1 =	vperm.xlane v1, v5  }
0x1ab: {  	[tilespmem:s25], [sflag:$0x1] =	stream.indirect_vreg.gather [hbm4b:s12+s6], $0x80, v2, vm0, $0xb8;
	[tilespmem:$0xA100] =	vst v63  }
0x1ac: {  	s26 =	simm.s32 $0x7100;
	v1 =	vadd.s32 v3, v1  }
0x1ad: {  	[tilespmem:s26], [sflag:$0x1] =	stream.indirect_vreg.gather [hbm4b:s13+s6], $0x80, v2, vm0, $0xb8;
	[tilespmem:$0xA100] =	vst v63  }
0x1ae: {  	s28 =	simm.s32 $0x7900  }
0x1af: {  	[tilespmem:s28], [sflag:$0x1] =	stream.indirect_vreg.gather [hbm4b:s14+s6], $0x80, v2, vm0, $0xb8;
	[tilespmem:$0xA100] =	vst v63  }
0x1b0: {  	s29 =	simm.s32 $0x8100  }
0x1b1: {  	[tilespmem:s29], [sflag:$0x1] =	stream.indirect_vreg.gather [hbm4b:s1+s6], $0x80, v1, vm0, $0xb8;
	[tilespmem:$0xA100] =	vst v63  }
0x1b2: {  	s30 =	simm.s32 $0x8900  }
0x1b3: {  	[tilespmem:s30], [sflag:$0x1] =	stream.indirect_vreg.gather [hbm4b:s12+s6], $0x80, v1, vm0, $0xb8;
	[tilespmem:$0xA100] =	vst v63  }
0x1b4: {  	s31 =	simm.s32 $0x9100  }
0x1b5: {  	[tilespmem:s31], [sflag:$0x1] =	stream.indirect_vreg.gather [hbm4b:s13+s6], $0x80, v1, vm0, $0xb8;
	[tilespmem:$0xA100] =	vst v63  }
0x1b6: {  	_ = 	snop  }
0x1b7: {  	[tilespmem:s19], [sflag:$0x1] =	stream.indirect_vreg.gather [hbm4b:s14+s6], $0x80, v1, vm0, $0xb8;
	[tilespmem:$0xA100] =	vst v63  }
0x1b8: {  	_ =	swait.ge [sflag:s20], $0x8000  }
0x1b9: {  	s22 =	simm.s32 $0x0;
	[sflag:s20] =	ssyncset.done $0x0  }
0x1ba: {  	s25 =	simm.s32 $0x0;
	s26 =	simm.s32 $0x0;
	[sflag:s20] =	ssyncadd.s32 $0xFFFF8000  }
.LBB2_3:
0x1bb: {  	v1 =	vmov s26;
	_ =	sdelay $0x3  }
0x1bc: {  	v3 =	vld [tilespmem:$0x400]  }
0x1bd: {  	s0 =	sand.u32 $0x6000, s22;
	s2 =	sand.u32 $0x380, s25;
	v1 =	vld.idx.msk [tilespmem:v1+s23+$0x0], $0xffff  }
0x1be: {  	v4 =	vld [tilespmem:$0x800];
	s28 =	sor.u32 s2, s0  }
0x1bf: {  	v2 =	vld [tilespmem:s28+$0x2100];
	_ =	sdelay $0x2  }
0x1c0: {  	v1 =	vcvt.s32.f32 v1;
	_ =	sdelay $0x1  }
0x1c1: {  	v2 =	vadd.f32 v3, v2;
	v3 =	vmul.f32 v1, v4;
	_ =	sdelay $0x1  }
0x1c2: {  	v2 =	vadd.f32 v3, v2;
	_ =	sdelay $0x1  }
0x1c3: {  	v3 =	vld [tilespmem:s28+$0x2110];
	[tilespmem:s28+$0x2100] =	vst v2  }
0x1c4: {  	v63 =	vld [tilespmem:$0x410]  }
0x1c5: {  	v5 =	vld [tilespmem:$0x810];
	_ =	sdelay $0x4  }
0x1c6: {  	v3 =	vadd.f32 v63, v3;
	v8 =	vmul.f32 v1, v5;
	_ =	sdelay $0x1  }
0x1c7: {  	v3 =	vadd.f32 v8, v3;
	_ =	sdelay $0x1  }
0x1c8: {  	v9 =	vld [tilespmem:s28+$0x2120];
	[tilespmem:s28+$0x2110] =	vst v3  }
0x1c9: {  	v10 =	vld [tilespmem:$0x420]  }
0x1ca: {  	v6 =	vld [tilespmem:$0x820];
	_ =	sdelay $0x4  }
0x1cb: {  	v4 =	vadd.f32 v10, v9;
	v11 =	vmul.f32 v1, v6;
	_ =	sdelay $0x1  }
0x1cc: {  	v4 =	vadd.f32 v11, v4;
	_ =	sdelay $0x1  }
0x1cd: {  	v12 =	vld [tilespmem:s28+$0x2130];
	[tilespmem:s28+$0x2120] =	vst v4  }
0x1ce: {  	v13 =	vld [tilespmem:$0x430]  }
0x1cf: {  	v7 =	vld [tilespmem:$0x830];
	_ =	sdelay $0x4  }
0x1d0: {  	v5 =	vadd.f32 v13, v12;
	v14 =	vmul.f32 v1, v7;
	_ =	sdelay $0x1  }
0x1d1: {  	v5 =	vadd.f32 v14, v5;
	_ =	sdelay $0x1  }
0x1d2: {  	v15 =	vld [tilespmem:s28+$0x2140];
	[tilespmem:s28+$0x2130] =	vst v5  }
0x1d3: {  	v16 =	vld [tilespmem:$0x440]  }
0x1d4: {  	v8 =	vld [tilespmem:$0x840];
	_ =	sdelay $0x4  }
0x1d5: {  	v6 =	vadd.f32 v16, v15;
	v17 =	vmul.f32 v1, v8;
	_ =	sdelay $0x1  }
0x1d6: {  	v6 =	vadd.f32 v17, v6;
	_ =	sdelay $0x1  }
0x1d7: {  	[tilespmem:s28+$0x2140] =	vst v6  }
0x1d8: {  	v18 =	vld [tilespmem:s28+$0x2150]  }
0x1d9: {  	v19 =	vld [tilespmem:$0x450]  }
0x1da: {  	v9 =	vld [tilespmem:$0x850];
	_ =	sdelay $0x4  }
0x1db: {  	v7 =	vadd.f32 v19, v18;
	v20 =	vmul.f32 v1, v9;
	_ =	sdelay $0x1  }
0x1dc: {  	v7 =	vadd.f32 v20, v7;
	_ =	sdelay $0x1  }
0x1dd: {  	v21 =	vld [tilespmem:s28+$0x2160];
	[tilespmem:s28+$0x2150] =	vst v7  }
0x1de: {  	v22 =	vld [tilespmem:$0x460]  }
0x1df: {  	v10 =	vld [tilespmem:$0x860];
	_ =	sdelay $0x4  }
0x1e0: {  	v8 =	vadd.f32 v22, v21;
	v23 =	vmul.f32 v1, v10;
	_ =	sdelay $0x1  }
0x1e1: {  	v8 =	vadd.f32 v23, v8;
	_ =	sdelay $0x1  }
0x1e2: {  	v24 =	vld [tilespmem:s28+$0x2170];
	[tilespmem:s28+$0x2160] =	vst v8  }
0x1e3: {  	v25 =	vld [tilespmem:$0x470]  }
0x1e4: {  	v11 =	vld [tilespmem:$0x870];
	_ =	sdelay $0x4  }
0x1e5: {  	v9 =	vadd.f32 v25, v24;
	v26 =	vmul.f32 v1, v11;
	_ =	sdelay $0x1  }
0x1e6: {  	v9 =	vadd.f32 v26, v9;
	_ =	sdelay $0x1  }
0x1e7: {  	v27 =	vld [tilespmem:s28+$0x2500];
	[tilespmem:s28+$0x2170] =	vst v9  }
0x1e8: {  	v28 =	vld [tilespmem:$0x480]  }
0x1e9: {  	v12 =	vld [tilespmem:$0x880];
	_ =	sdelay $0x4  }
0x1ea: {  	v10 =	vadd.f32 v28, v27;
	v29 =	vmul.f32 v1, v12;
	_ =	sdelay $0x1  }
0x1eb: {  	v10 =	vadd.f32 v29, v10;
	_ =	sdelay $0x1  }
0x1ec: {  	v30 =	vld [tilespmem:s28+$0x2510];
	[tilespmem:s28+$0x2500] =	vst v10  }
0x1ed: {  	v31 =	vld [tilespmem:$0x490]  }
0x1ee: {  	v13 =	vld [tilespmem:$0x890];
	_ =	sdelay $0x4  }
0x1ef: {  	v11 =	vadd.f32 v31, v30;
	v32 =	vmul.f32 v1, v13;
	_ =	sdelay $0x1  }
0x1f0: {  	v11 =	vadd.f32 v32, v11;
	_ =	sdelay $0x1  }
0x1f1: {  	v33 =	vld [tilespmem:s28+$0x2520];
	[tilespmem:s28+$0x2510] =	vst v11  }
0x1f2: {  	v34 =	vld [tilespmem:$0x4A0]  }
0x1f3: {  	v14 =	vld [tilespmem:$0x8A0];
	_ =	sdelay $0x4  }
0x1f4: {  	v12 =	vadd.f32 v34, v33;
	v35 =	vmul.f32 v1, v14;
	_ =	sdelay $0x1  }
0x1f5: {  	v12 =	vadd.f32 v35, v12;
	_ =	sdelay $0x1  }
0x1f6: {  	v36 =	vld [tilespmem:s28+$0x2530];
	[tilespmem:s28+$0x2520] =	vst v12  }
0x1f7: {  	v37 =	vld [tilespmem:$0x4B0]  }
0x1f8: {  	v15 =	vld [tilespmem:$0x8B0];
	_ =	sdelay $0x4  }
0x1f9: {  	v13 =	vadd.f32 v37, v36;
	v38 =	vmul.f32 v1, v15;
	_ =	sdelay $0x1  }
0x1fa: {  	v13 =	vadd.f32 v38, v13;
	_ =	sdelay $0x1  }
0x1fb: {  	v39 =	vld [tilespmem:s28+$0x2540];
	[tilespmem:s28+$0x2530] =	vst v13  }
0x1fc: {  	v40 =	vld [tilespmem:$0x4C0]  }
0x1fd: {  	v16 =	vld [tilespmem:$0x8C0];
	_ =	sdelay $0x4  }
0x1fe: {  	v14 =	vadd.f32 v40, v39;
	v41 =	vmul.f32 v1, v16;
	_ =	sdelay $0x1  }
0x1ff: {  	v14 =	vadd.f32 v41, v14;
	_ =	sdelay $0x1  }
0x200: {  	v42 =	vld [tilespmem:s28+$0x2550];
	[tilespmem:s28+$0x2540] =	vst v14  }
0x201: {  	v43 =	vld [tilespmem:$0x4D0]  }
0x202: {  	v17 =	vld [tilespmem:$0x8D0];
	_ =	sdelay $0x4  }
0x203: {  	v15 =	vadd.f32 v43, v42;
	v44 =	vmul.f32 v1, v17;
	_ =	sdelay $0x1  }
0x204: {  	v15 =	vadd.f32 v44, v15;
	_ =	sdelay $0x1  }
0x205: {  	v45 =	vld [tilespmem:s28+$0x2560];
	[tilespmem:s28+$0x2550] =	vst v15  }
0x206: {  	v46 =	vld [tilespmem:$0x4E0]  }
0x207: {  	v18 =	vld [tilespmem:$0x8E0];
	_ =	sdelay $0x4  }
0x208: {  	v16 =	vadd.f32 v46, v45;
	v47 =	vmul.f32 v1, v18;
	_ =	sdelay $0x1  }
0x209: {  	v16 =	vadd.f32 v47, v16;
	_ =	sdelay $0x1  }
0x20a: {  	v48 =	vld [tilespmem:s28+$0x2570];
	[tilespmem:s28+$0x2560] =	vst v16  }
0x20b: {  	v49 =	vld [tilespmem:$0x4F0]  }
0x20c: {  	v19 =	vld [tilespmem:$0x8F0];
	_ =	sdelay $0x4  }
0x20d: {  	v17 =	vadd.f32 v49, v48;
	v50 =	vmul.f32 v1, v19;
	_ =	sdelay $0x1  }
0x20e: {  	v17 =	vadd.f32 v50, v17;
	_ =	sdelay $0x1  }
0x20f: {  	v51 =	vld [tilespmem:s28+$0x2900];
	[tilespmem:s28+$0x2570] =	vst v17  }
0x210: {  	v52 =	vld [tilespmem:$0x500]  }
0x211: {  	v20 =	vld [tilespmem:$0x900];
	_ =	sdelay $0x4  }
0x212: {  	v18 =	vadd.f32 v52, v51;
	v53 =	vmul.f32 v1, v20;
	_ =	sdelay $0x1  }
0x213: {  	v18 =	vadd.f32 v53, v18;
	_ =	sdelay $0x1  }
0x214: {  	v54 =	vld [tilespmem:s28+$0x2910];
	[tilespmem:s28+$0x2900] =	vst v18  }
0x215: {  	v55 =	vld [tilespmem:$0x510]  }
0x216: {  	v21 =	vld [tilespmem:$0x910];
	_ =	sdelay $0x4  }
0x217: {  	v19 =	vadd.f32 v55, v54;
	v56 =	vmul.f32 v1, v21;
	_ =	sdelay $0x1  }
0x218: {  	v19 =	vadd.f32 v56, v19;
	_ =	sdelay $0x1  }
0x219: {  	v57 =	vld [tilespmem:s28+$0x2920];
	[tilespmem:s28+$0x2910] =	vst v19  }
0x21a: {  	v58 =	vld [tilespmem:$0x520]  }
0x21b: {  	v22 =	vld [tilespmem:$0x920];
	_ =	sdelay $0x4  }
0x21c: {  	v20 =	vadd.f32 v58, v57;
	v59 =	vmul.f32 v1, v22;
	_ =	sdelay $0x1  }
0x21d: {  	v20 =	vadd.f32 v59, v20;
	_ =	sdelay $0x1  }
0x21e: {  	v60 =	vld [tilespmem:s28+$0x2930];
	[tilespmem:s28+$0x2920] =	vst v20  }
0x21f: {  	v61 =	vld [tilespmem:$0x530]  }
0x220: {  	v23 =	vld [tilespmem:$0x930];
	_ =	sdelay $0x4  }
0x221: {  	v21 =	vadd.f32 v61, v60;
	v62 =	vmul.f32 v1, v23;
	_ =	sdelay $0x1  }
0x222: {  	v21 =	vadd.f32 v62, v21;
	_ =	sdelay $0x1  }
0x223: {  	v63 =	vld [tilespmem:s28+$0x2940];
	[tilespmem:s28+$0x2930] =	vst v21  }
0x224: {  	v28 =	vld [tilespmem:$0x540]  }
0x225: {  	v24 =	vld [tilespmem:$0x940];
	_ =	sdelay $0x4  }
0x226: {  	v22 =	vadd.f32 v28, v63;
	v29 =	vmul.f32 v1, v24;
	_ =	sdelay $0x1  }
0x227: {  	v22 =	vadd.f32 v29, v22;
	_ =	sdelay $0x1  }
0x228: {  	v30 =	vld [tilespmem:s28+$0x2950];
	[tilespmem:s28+$0x2940] =	vst v22  }
0x229: {  	v31 =	vld [tilespmem:$0x550]  }
0x22a: {  	v25 =	vld [tilespmem:$0x950];
	_ =	sdelay $0x4  }
0x22b: {  	v23 =	vadd.f32 v31, v30;
	v32 =	vmul.f32 v1, v25;
	_ =	sdelay $0x1  }
0x22c: {  	v23 =	vadd.f32 v32, v23;
	_ =	sdelay $0x1  }
0x22d: {  	v33 =	vld [tilespmem:s28+$0x2960];
	[tilespmem:s28+$0x2950] =	vst v23  }
0x22e: {  	v34 =	vld [tilespmem:$0x560]  }
0x22f: {  	v26 =	vld [tilespmem:$0x960];
	_ =	sdelay $0x4  }
0x230: {  	v24 =	vadd.f32 v34, v33;
	v35 =	vmul.f32 v1, v26;
	_ =	sdelay $0x1  }
0x231: {  	v24 =	vadd.f32 v35, v24;
	_ =	sdelay $0x1  }
0x232: {  	v36 =	vld [tilespmem:s28+$0x2970];
	[tilespmem:s28+$0x2960] =	vst v24  }
0x233: {  	v37 =	vld [tilespmem:$0x570]  }
0x234: {  	v27 =	vld [tilespmem:$0x970];
	_ =	sdelay $0x4  }
0x235: {  	v25 =	vadd.f32 v37, v36;
	v38 =	vmul.f32 v1, v27;
	_ =	sdelay $0x1  }
0x236: {  	v25 =	vadd.f32 v38, v25;
	_ =	sdelay $0x1  }
0x237: {  	v39 =	vld [tilespmem:s28+$0x2D00];
	[tilespmem:s28+$0x2970] =	vst v25  }
0x238: {  	v40 =	vld [tilespmem:$0x580]  }
0x239: {  	v28 =	vld [tilespmem:$0x980];
	_ =	sdelay $0x4  }
0x23a: {  	v26 =	vadd.f32 v40, v39;
	v41 =	vmul.f32 v1, v28;
	_ =	sdelay $0x1  }
0x23b: {  	v26 =	vadd.f32 v41, v26;
	_ =	sdelay $0x1  }
0x23c: {  	v42 =	vld [tilespmem:s28+$0x2D10];
	[tilespmem:s28+$0x2D00] =	vst v26  }
0x23d: {  	v43 =	vld [tilespmem:$0x590]  }
0x23e: {  	v29 =	vld [tilespmem:$0x990];
	_ =	sdelay $0x4  }
0x23f: {  	v27 =	vadd.f32 v43, v42;
	v44 =	vmul.f32 v1, v29;
	_ =	sdelay $0x1  }
0x240: {  	v27 =	vadd.f32 v44, v27;
	_ =	sdelay $0x1  }
0x241: {  	v45 =	vld [tilespmem:s28+$0x2D20];
	[tilespmem:s28+$0x2D10] =	vst v27  }
0x242: {  	v46 =	vld [tilespmem:$0x5A0]  }
0x243: {  	v30 =	vld [tilespmem:$0x9A0];
	_ =	sdelay $0x4  }
0x244: {  	v28 =	vadd.f32 v46, v45;
	v47 =	vmul.f32 v1, v30;
	_ =	sdelay $0x1  }
0x245: {  	v28 =	vadd.f32 v47, v28;
	_ =	sdelay $0x1  }
0x246: {  	v48 =	vld [tilespmem:s28+$0x2D30];
	[tilespmem:s28+$0x2D20] =	vst v28  }
0x247: {  	v49 =	vld [tilespmem:$0x5B0]  }
0x248: {  	v31 =	vld [tilespmem:$0x9B0];
	_ =	sdelay $0x4  }
0x249: {  	v29 =	vadd.f32 v49, v48;
	v50 =	vmul.f32 v1, v31;
	_ =	sdelay $0x1  }
0x24a: {  	v29 =	vadd.f32 v50, v29;
	_ =	sdelay $0x1  }
0x24b: {  	v51 =	vld [tilespmem:s28+$0x2D40];
	[tilespmem:s28+$0x2D30] =	vst v29  }
0x24c: {  	v52 =	vld [tilespmem:$0x5C0]  }
0x24d: {  	v32 =	vld [tilespmem:$0x9C0];
	_ =	sdelay $0x4  }
0x24e: {  	v30 =	vadd.f32 v52, v51;
	v53 =	vmul.f32 v1, v32;
	_ =	sdelay $0x1  }
0x24f: {  	v30 =	vadd.f32 v53, v30;
	_ =	sdelay $0x1  }
0x250: {  	v54 =	vld [tilespmem:s28+$0x2D50];
	[tilespmem:s28+$0x2D40] =	vst v30  }
0x251: {  	v55 =	vld [tilespmem:$0x5D0]  }
0x252: {  	v33 =	vld [tilespmem:$0x9D0];
	_ =	sdelay $0x4  }
0x253: {  	v31 =	vadd.f32 v55, v54;
	v56 =	vmul.f32 v1, v33;
	_ =	sdelay $0x1  }
0x254: {  	v31 =	vadd.f32 v56, v31;
	_ =	sdelay $0x1  }
0x255: {  	v57 =	vld [tilespmem:s28+$0x2D60];
	[tilespmem:s28+$0x2D50] =	vst v31  }
0x256: {  	v58 =	vld [tilespmem:$0x5E0]  }
0x257: {  	v34 =	vld [tilespmem:$0x9E0];
	_ =	sdelay $0x4  }
0x258: {  	v32 =	vadd.f32 v58, v57;
	v59 =	vmul.f32 v1, v34;
	_ =	sdelay $0x1  }
0x259: {  	v32 =	vadd.f32 v59, v32;
	_ =	sdelay $0x1  }
0x25a: {  	v60 =	vld [tilespmem:s28+$0x2D70];
	[tilespmem:s28+$0x2D60] =	vst v32  }
0x25b: {  	v61 =	vld [tilespmem:$0x5F0]  }
0x25c: {  	v35 =	vld [tilespmem:$0x9F0];
	_ =	sdelay $0x4  }
0x25d: {  	v33 =	vadd.f32 v61, v60;
	v62 =	vmul.f32 v1, v35;
	_ =	sdelay $0x1  }
0x25e: {  	v33 =	vadd.f32 v62, v33;
	_ =	sdelay $0x1  }
0x25f: {  	v63 =	vld [tilespmem:s28+$0x3100];
	[tilespmem:s28+$0x2D70] =	vst v33  }
0x260: {  	v40 =	vld [tilespmem:$0x600]  }
0x261: {  	v36 =	vld [tilespmem:$0xA00];
	_ =	sdelay $0x4  }
0x262: {  	v34 =	vadd.f32 v40, v63;
	v41 =	vmul.f32 v1, v36;
	_ =	sdelay $0x1  }
0x263: {  	v34 =	vadd.f32 v41, v34;
	_ =	sdelay $0x1  }
0x264: {  	v42 =	vld [tilespmem:s28+$0x3110];
	[tilespmem:s28+$0x3100] =	vst v34  }
0x265: {  	v43 =	vld [tilespmem:$0x610]  }
0x266: {  	v37 =	vld [tilespmem:$0xA10];
	_ =	sdelay $0x4  }
0x267: {  	v35 =	vadd.f32 v43, v42;
	v44 =	vmul.f32 v1, v37;
	_ =	sdelay $0x1  }
0x268: {  	v35 =	vadd.f32 v44, v35;
	_ =	sdelay $0x1  }
0x269: {  	v45 =	vld [tilespmem:s28+$0x3120];
	[tilespmem:s28+$0x3110] =	vst v35  }
0x26a: {  	v46 =	vld [tilespmem:$0x620]  }
0x26b: {  	v38 =	vld [tilespmem:$0xA20];
	_ =	sdelay $0x4  }
0x26c: {  	v36 =	vadd.f32 v46, v45;
	v47 =	vmul.f32 v1, v38;
	_ =	sdelay $0x1  }
0x26d: {  	v36 =	vadd.f32 v47, v36;
	_ =	sdelay $0x1  }
0x26e: {  	v48 =	vld [tilespmem:s28+$0x3130];
	[tilespmem:s28+$0x3120] =	vst v36  }
0x26f: {  	v49 =	vld [tilespmem:$0x630]  }
0x270: {  	v39 =	vld [tilespmem:$0xA30];
	_ =	sdelay $0x4  }
0x271: {  	v37 =	vadd.f32 v49, v48;
	v50 =	vmul.f32 v1, v39;
	_ =	sdelay $0x1  }
0x272: {  	v37 =	vadd.f32 v50, v37;
	_ =	sdelay $0x1  }
0x273: {  	v51 =	vld [tilespmem:s28+$0x3140];
	[tilespmem:s28+$0x3130] =	vst v37  }
0x274: {  	v52 =	vld [tilespmem:$0x640]  }
0x275: {  	v40 =	vld [tilespmem:$0xA40];
	_ =	sdelay $0x4  }
0x276: {  	v38 =	vadd.f32 v52, v51;
	v53 =	vmul.f32 v1, v40;
	_ =	sdelay $0x1  }
0x277: {  	v38 =	vadd.f32 v53, v38;
	_ =	sdelay $0x1  }
0x278: {  	v54 =	vld [tilespmem:s28+$0x3150];
	[tilespmem:s28+$0x3140] =	vst v38  }
0x279: {  	v55 =	vld [tilespmem:$0x650]  }
0x27a: {  	v41 =	vld [tilespmem:$0xA50];
	_ =	sdelay $0x4  }
0x27b: {  	v39 =	vadd.f32 v55, v54;
	v56 =	vmul.f32 v1, v41;
	_ =	sdelay $0x1  }
0x27c: {  	v39 =	vadd.f32 v56, v39;
	_ =	sdelay $0x1  }
0x27d: {  	v57 =	vld [tilespmem:s28+$0x3160];
	[tilespmem:s28+$0x3150] =	vst v39  }
0x27e: {  	v58 =	vld [tilespmem:$0x660]  }
0x27f: {  	v42 =	vld [tilespmem:$0xA60];
	_ =	sdelay $0x4  }
0x280: {  	v40 =	vadd.f32 v58, v57;
	v59 =	vmul.f32 v1, v42;
	_ =	sdelay $0x1  }
0x281: {  	v40 =	vadd.f32 v59, v40;
	_ =	sdelay $0x1  }
0x282: {  	v60 =	vld [tilespmem:s28+$0x3170];
	[tilespmem:s28+$0x3160] =	vst v40  }
0x283: {  	v61 =	vld [tilespmem:$0x670]  }
0x284: {  	v43 =	vld [tilespmem:$0xA70];
	_ =	sdelay $0x4  }
0x285: {  	v41 =	vadd.f32 v61, v60;
	v62 =	vmul.f32 v1, v43;
	_ =	sdelay $0x1  }
0x286: {  	v41 =	vadd.f32 v62, v41;
	_ =	sdelay $0x1  }
0x287: {  	v63 =	vld [tilespmem:s28+$0x3500];
	[tilespmem:s28+$0x3170] =	vst v41  }
0x288: {  	v48 =	vld [tilespmem:$0x680]  }
0x289: {  	v44 =	vld [tilespmem:$0xA80];
	_ =	sdelay $0x4  }
0x28a: {  	v42 =	vadd.f32 v48, v63;
	v49 =	vmul.f32 v1, v44;
	_ =	sdelay $0x1  }
0x28b: {  	v42 =	vadd.f32 v49, v42;
	_ =	sdelay $0x1  }
0x28c: {  	v50 =	vld [tilespmem:s28+$0x3510];
	[tilespmem:s28+$0x3500] =	vst v42  }
0x28d: {  	v51 =	vld [tilespmem:$0x690]  }
0x28e: {  	v45 =	vld [tilespmem:$0xA90];
	_ =	sdelay $0x4  }
0x28f: {  	v43 =	vadd.f32 v51, v50;
	v52 =	vmul.f32 v1, v45;
	_ =	sdelay $0x1  }
0x290: {  	v43 =	vadd.f32 v52, v43;
	_ =	sdelay $0x1  }
0x291: {  	v53 =	vld [tilespmem:s28+$0x3520];
	[tilespmem:s28+$0x3510] =	vst v43  }
0x292: {  	v54 =	vld [tilespmem:$0x6A0]  }
0x293: {  	v46 =	vld [tilespmem:$0xAA0];
	_ =	sdelay $0x4  }
0x294: {  	v44 =	vadd.f32 v54, v53;
	v55 =	vmul.f32 v1, v46;
	_ =	sdelay $0x1  }
0x295: {  	v44 =	vadd.f32 v55, v44;
	_ =	sdelay $0x1  }
0x296: {  	v56 =	vld [tilespmem:s28+$0x3530];
	[tilespmem:s28+$0x3520] =	vst v44  }
0x297: {  	v57 =	vld [tilespmem:$0x6B0]  }
0x298: {  	v47 =	vld [tilespmem:$0xAB0];
	_ =	sdelay $0x4  }
0x299: {  	v45 =	vadd.f32 v57, v56;
	v58 =	vmul.f32 v1, v47;
	_ =	sdelay $0x1  }
0x29a: {  	v45 =	vadd.f32 v58, v45;
	_ =	sdelay $0x1  }
0x29b: {  	v59 =	vld [tilespmem:s28+$0x3540];
	[tilespmem:s28+$0x3530] =	vst v45  }
0x29c: {  	v60 =	vld [tilespmem:$0x6C0]  }
0x29d: {  	v48 =	vld [tilespmem:$0xAC0];
	_ =	sdelay $0x4  }
0x29e: {  	v46 =	vadd.f32 v60, v59;
	v61 =	vmul.f32 v1, v48;
	_ =	sdelay $0x1  }
0x29f: {  	v46 =	vadd.f32 v61, v46;
	_ =	sdelay $0x1  }
0x2a0: {  	v62 =	vld [tilespmem:s28+$0x3550];
	[tilespmem:s28+$0x3540] =	vst v46  }
0x2a1: {  	v63 =	vld [tilespmem:$0x6D0]  }
0x2a2: {  	v49 =	vld [tilespmem:$0xAD0];
	_ =	sdelay $0x4  }
0x2a3: {  	v47 =	vadd.f32 v63, v62;
	v52 =	vmul.f32 v1, v49;
	_ =	sdelay $0x1  }
0x2a4: {  	v47 =	vadd.f32 v52, v47;
	_ =	sdelay $0x1  }
0x2a5: {  	v53 =	vld [tilespmem:s28+$0x3560];
	[tilespmem:s28+$0x3550] =	vst v47  }
0x2a6: {  	v54 =	vld [tilespmem:$0x6E0]  }
0x2a7: {  	v50 =	vld [tilespmem:$0xAE0];
	_ =	sdelay $0x4  }
0x2a8: {  	v48 =	vadd.f32 v54, v53;
	v55 =	vmul.f32 v1, v50;
	_ =	sdelay $0x1  }
0x2a9: {  	v48 =	vadd.f32 v55, v48;
	_ =	sdelay $0x1  }
0x2aa: {  	v56 =	vld [tilespmem:s28+$0x3570];
	[tilespmem:s28+$0x3560] =	vst v48  }
0x2ab: {  	v57 =	vld [tilespmem:$0x6F0]  }
0x2ac: {  	v51 =	vld [tilespmem:$0xAF0];
	_ =	sdelay $0x4  }
0x2ad: {  	v49 =	vadd.f32 v57, v56;
	v58 =	vmul.f32 v1, v51;
	_ =	sdelay $0x1  }
0x2ae: {  	v49 =	vadd.f32 v58, v49;
	_ =	sdelay $0x1  }
0x2af: {  	v59 =	vld [tilespmem:s28+$0x3900];
	[tilespmem:s28+$0x3570] =	vst v49  }
0x2b0: {  	v60 =	vld [tilespmem:$0x700]  }
0x2b1: {  	v52 =	vld [tilespmem:$0xB00];
	_ =	sdelay $0x4  }
0x2b2: {  	v50 =	vadd.f32 v60, v59;
	v61 =	vmul.f32 v1, v52;
	_ =	sdelay $0x1  }
0x2b3: {  	v50 =	vadd.f32 v61, v50;
	_ =	sdelay $0x1  }
0x2b4: {  	v62 =	vld [tilespmem:s28+$0x3910];
	[tilespmem:s28+$0x3900] =	vst v50  }
0x2b5: {  	v63 =	vld [tilespmem:$0x710]  }
0x2b6: {  	v53 =	vld [tilespmem:$0xB10];
	_ =	sdelay $0x4  }
0x2b7: {  	v51 =	vadd.f32 v63, v62;
	v56 =	vmul.f32 v1, v53;
	_ =	sdelay $0x1  }
0x2b8: {  	v51 =	vadd.f32 v56, v51;
	_ =	sdelay $0x1  }
0x2b9: {  	v57 =	vld [tilespmem:s28+$0x3920];
	[tilespmem:s28+$0x3910] =	vst v51  }
0x2ba: {  	v58 =	vld [tilespmem:$0x720]  }
0x2bb: {  	v54 =	vld [tilespmem:$0xB20];
	_ =	sdelay $0x4  }
0x2bc: {  	v52 =	vadd.f32 v58, v57;
	v59 =	vmul.f32 v1, v54;
	_ =	sdelay $0x1  }
0x2bd: {  	v52 =	vadd.f32 v59, v52;
	_ =	sdelay $0x1  }
0x2be: {  	v60 =	vld [tilespmem:s28+$0x3930];
	[tilespmem:s28+$0x3920] =	vst v52  }
0x2bf: {  	v61 =	vld [tilespmem:$0x730]  }
0x2c0: {  	v55 =	vld [tilespmem:$0xB30];
	_ =	sdelay $0x4  }
0x2c1: {  	v53 =	vadd.f32 v61, v60;
	v62 =	vmul.f32 v1, v55;
	_ =	sdelay $0x1  }
0x2c2: {  	v53 =	vadd.f32 v62, v53;
	_ =	sdelay $0x1  }
0x2c3: {  	v63 =	vld [tilespmem:s28+$0x3940];
	[tilespmem:s28+$0x3930] =	vst v53  }
0x2c4: {  	v60 =	vld [tilespmem:$0x740]  }
0x2c5: {  	v56 =	vld [tilespmem:$0xB40];
	_ =	sdelay $0x4  }
0x2c6: {  	v54 =	vadd.f32 v60, v63;
	v61 =	vmul.f32 v1, v56;
	_ =	sdelay $0x1  }
0x2c7: {  	v54 =	vadd.f32 v61, v54;
	_ =	sdelay $0x1  }
0x2c8: {  	v62 =	vld [tilespmem:s28+$0x3950];
	[tilespmem:s28+$0x3940] =	vst v54  }
0x2c9: {  	v63 =	vld [tilespmem:$0x750]  }
0x2ca: {  	v57 =	vadd.f32 $0.0e+00, v2;
	v2 =	vmul.f32 v2, v2;
	v58 =	vmul.f32 v3, v3;
	v59 =	vld [tilespmem:$0xB50];
	_ =	sdelay $0x1  }
0x2cb: {  	v2 =	vadd.f32 v58, v2;
	v60 =	vmul.f32 v4, v4;
	_ =	sdelay $0x1  }
0x2cc: {  	v3 =	vadd.f32 v3, v57;
	v2 =	vadd.f32 v60, v2  }
0x2cd: {  	v61 =	vadd.f32 v63, v62;
	v62 =	vmul.f32 v5, v5;
	v63 =	vmul.f32 v1, v59  }
0x2ce: {  	v3 =	vadd.f32 v4, v3  }
0x2cf: {  	v59 =	vadd.f32 v62, v2;
	v2 =	vadd.f32 v63, v61  }
0x2d0: {  	v3 =	vadd.f32 v5, v3  }
0x2d1: {  	v60 =	vmul.f32 v6, v6;
	v63 =	vld [tilespmem:s28+$0x3960];
	[tilespmem:s28+$0x3950] =	vst v2  }
0x2d2: {  	v3 =	vadd.f32 v6, v3;
	v57 =	vld [tilespmem:$0x760]  }
0x2d3: {  	v62 =	vmul.f32 v7, v7;
	v61 =	vadd.f32 v60, v59;
	v59 =	vld [tilespmem:$0xB60]  }
0x2d4: {  	v3 =	vadd.f32 v7, v3  }
0x2d5: {  	v58 =	vmul.f32 v8, v8;
	v4 =	vadd.f32 v62, v61  }
0x2d6: {  	v3 =	vadd.f32 v8, v3  }
0x2d7: {  	v60 =	vmul.f32 v9, v9;
	v4 =	vadd.f32 v58, v4  }
0x2d8: {  	v3 =	vadd.f32 v9, v3;
	v61 =	vadd.f32 v57, v63;
	v7 =	vmul.f32 v1, v59  }
0x2d9: {  	v62 =	vmul.f32 v10, v10;
	v4 =	vadd.f32 v60, v4  }
0x2da: {  	v63 =	vadd.f32 v10, v3;
	v3 =	vadd.f32 v7, v61  }
0x2db: {  	v10 =	vmul.f32 v11, v11;
	v4 =	vadd.f32 v62, v4  }
0x2dc: {  	v57 =	vld [tilespmem:s28+$0x3970];
	v55 =	vadd.f32 v11, v63;
	[tilespmem:s28+$0x3960] =	vst v3  }
0x2dd: {  	v56 =	vmul.f32 v12, v12;
	v4 =	vadd.f32 v10, v4;
	v58 =	vld [tilespmem:$0x770]  }
0x2de: {  	v5 =	vadd.f32 v12, v55;
	v60 =	vld [tilespmem:$0xB70]  }
0x2df: {  	v59 =	vmul.f32 v13, v13;
	v4 =	vadd.f32 v56, v4  }
0x2e0: {  	v5 =	vadd.f32 v13, v5  }
0x2e1: {  	v61 =	vmul.f32 v14, v14;
	v4 =	vadd.f32 v59, v4  }
0x2e2: {  	v62 =	vmul.f32 v15, v15;
	v5 =	vadd.f32 v14, v5  }
0x2e3: {  	v4 =	vadd.f32 v61, v4;
	v7 =	vadd.f32 v58, v57;
	v63 =	vmul.f32 v1, v60  }
0x2e4: {  	s31 =	sand.u32 $0x7, s6;
	v5 =	vadd.f32 v15, v5  }
0x2e5: {  	s0 =	sshll.u32 s31, $0x7;
	v12 =	vmul.f32 v16, v16;
	v6 =	vadd.f32 v62, v4;
	v4 =	vadd.f32 v63, v7  }
0x2e6: {  	s4 =	sadd.s32 s0, s22;
	v5 =	vadd.f32 v16, v5  }
0x2e7: {  	s29 =	sor.u32 $0x1C00, s4;
	v13 =	vmul.f32 v17, v17;
	v6 =	vadd.f32 v12, v6;
	[tilespmem:s28+$0x3970] =	vst v4  }
0x2e8: {  	v5 =	vadd.f32 v17, v5;
	v15 =	vld [tilespmem:s29+$0x2100]  }
0x2e9: {  	v14 =	vmul.f32 v18, v18;
	v16 =	vld [tilespmem:$0x780];
	v6 =	vadd.f32 v13, v6  }
0x2ea: {  	v5 =	vadd.f32 v18, v5;
	v18 =	vld [tilespmem:$0xB80]  }
0x2eb: {  	v17 =	vmul.f32 v19, v19;
	v6 =	vadd.f32 v14, v6  }
0x2ec: {  	v5 =	vadd.f32 v19, v5  }
0x2ed: {  	v19 =	vmul.f32 v20, v20;
	v6 =	vadd.f32 v17, v6  }
0x2ee: {  	v55 =	vmul.f32 v21, v21;
	v5 =	vadd.f32 v20, v5  }
0x2ef: {  	v8 =	vadd.f32 v16, v15;
	v56 =	vmul.f32 v1, v18;
	v6 =	vadd.f32 v19, v6  }
0x2f0: {  	v57 =	vadd.f32 v21, v5  }
0x2f1: {  	v58 =	vmul.f32 v22, v22;
	v5 =	vadd.f32 v56, v8;
	v6 =	vadd.f32 v55, v6  }
0x2f2: {  	v59 =	vadd.f32 v22, v57  }
0x2f3: {  	s30 =	sor.u32 $0x1C10, s4;
	v60 =	vmul.f32 v23, v23;
	[tilespmem:s29+$0x2100] =	vst v5;
	v6 =	vadd.f32 v58, v6  }
0x2f4: {  	v8 =	vadd.f32 v23, v59;
	v62 =	vld [tilespmem:s30+$0x2100]  }
0x2f5: {  	v61 =	vmul.f32 v24, v24;
	v63 =	vld [tilespmem:$0x790];
	v6 =	vadd.f32 v60, v6  }
0x2f6: {  	v13 =	vld [tilespmem:$0xB90];
	v8 =	vadd.f32 v24, v8  }
0x2f7: {  	v12 =	vmul.f32 v25, v25;
	v6 =	vadd.f32 v61, v6  }
0x2f8: {  	v8 =	vadd.f32 v25, v8  }
0x2f9: {  	v14 =	vmul.f32 v26, v26;
	v6 =	vadd.f32 v12, v6  }
0x2fa: {  	v15 =	vmul.f32 v27, v27;
	v8 =	vadd.f32 v26, v8  }
0x2fb: {  	v9 =	vadd.f32 v63, v62;
	v16 =	vmul.f32 v1, v13;
	v6 =	vadd.f32 v14, v6  }
0x2fc: {  	v8 =	vadd.f32 v27, v8  }
0x2fd: {  	v17 =	vmul.f32 v28, v28;
	v7 =	vadd.f32 v15, v6;
	v6 =	vadd.f32 v16, v9  }
0x2fe: {  	v8 =	vadd.f32 v28, v8  }
0x2ff: {  	s31 =	sor.u32 $0x1C20, s4;
	v18 =	vmul.f32 v29, v29;
	v7 =	vadd.f32 v17, v7;
	[tilespmem:s30+$0x2100] =	vst v6  }
0x300: {  	v8 =	vadd.f32 v29, v8;
	v20 =	vld [tilespmem:s31+$0x2100]  }
0x301: {  	v19 =	vmul.f32 v30, v30;
	v21 =	vld [tilespmem:$0x7A0];
	v7 =	vadd.f32 v18, v7  }
0x302: {  	v23 =	vld [tilespmem:$0xBA0];
	v8 =	vadd.f32 v30, v8  }
0x303: {  	v22 =	vmul.f32 v31, v31;
	v7 =	vadd.f32 v19, v7  }
0x304: {  	v8 =	vadd.f32 v31, v8  }
0x305: {  	v24 =	vmul.f32 v32, v32;
	v7 =	vadd.f32 v22, v7  }
0x306: {  	v25 =	vmul.f32 v33, v33;
	v8 =	vadd.f32 v32, v8  }
0x307: {  	v10 =	vadd.f32 v21, v20;
	v26 =	vmul.f32 v1, v23;
	v7 =	vadd.f32 v24, v7  }
0x308: {  	v8 =	vadd.f32 v33, v8  }
0x309: {  	v27 =	vmul.f32 v34, v34;
	v10 =	vadd.f32 v26, v10;
	v7 =	vadd.f32 v25, v7  }
0x30a: {  	v8 =	vadd.f32 v34, v8  }
0x30b: {  	s0 =	sor.u32 $0x1C30, s4;
	v28 =	vmul.f32 v35, v35;
	[tilespmem:s31+$0x2100] =	vst v10;
	v7 =	vadd.f32 v27, v7  }
0x30c: {  	v30 =	vld [tilespmem:s0+$0x2100];
	v8 =	vadd.f32 v35, v8  }
0x30d: {  	v29 =	vmul.f32 v36, v36;
	v31 =	vld [tilespmem:$0x7B0];
	v7 =	vadd.f32 v28, v7  }
0x30e: {  	v33 =	vld [tilespmem:$0xBB0];
	v8 =	vadd.f32 v36, v8  }
0x30f: {  	v32 =	vmul.f32 v37, v37;
	v7 =	vadd.f32 v29, v7  }
0x310: {  	v8 =	vadd.f32 v37, v8  }
0x311: {  	v34 =	vmul.f32 v38, v38;
	v7 =	vadd.f32 v32, v7  }
0x312: {  	v35 =	vmul.f32 v39, v39;
	v8 =	vadd.f32 v38, v8  }
0x313: {  	v11 =	vadd.f32 v31, v30;
	v36 =	vmul.f32 v1, v33;
	v7 =	vadd.f32 v34, v7  }
0x314: {  	v8 =	vadd.f32 v39, v8  }
0x315: {  	v37 =	vmul.f32 v40, v40;
	v11 =	vadd.f32 v36, v11;
	v7 =	vadd.f32 v35, v7  }
0x316: {  	v8 =	vadd.f32 v40, v8  }
0x317: {  	v38 =	vmul.f32 v41, v41;
	[tilespmem:s0+$0x2100] =	vst v11;
	v7 =	vadd.f32 v37, v7  }
0x318: {  	s8 =	sor.u32 $0x1C40, s4;
	v56 =	vld [tilespmem:$0xBC0];
	v8 =	vadd.f32 v41, v8  }
0x319: {  	v39 =	vmul.f32 v42, v42;
	v40 =	vld [tilespmem:s8+$0x2100];
	v7 =	vadd.f32 v38, v7  }
0x31a: {  	v41 =	vld [tilespmem:$0x7C0];
	v8 =	vadd.f32 v42, v8  }
0x31b: {  	v55 =	vmul.f32 v43, v43;
	v7 =	vadd.f32 v39, v7  }
0x31c: {  	v8 =	vadd.f32 v43, v8  }
0x31d: {  	v57 =	vmul.f32 v44, v44;
	v7 =	vadd.f32 v55, v7  }
0x31e: {  	v58 =	vmul.f32 v45, v45;
	v8 =	vadd.f32 v44, v8  }
0x31f: {  	v59 =	vmul.f32 v1, v56;
	v12 =	vadd.f32 v41, v40;
	v7 =	vadd.f32 v57, v7  }
0x320: {  	v8 =	vadd.f32 v45, v8  }
0x321: {  	v60 =	vmul.f32 v46, v46;
	v12 =	vadd.f32 v59, v12;
	v7 =	vadd.f32 v58, v7  }
0x322: {  	v8 =	vadd.f32 v46, v8  }
0x323: {  	s2 =	sor.u32 $0x1C50, s4;
	v61 =	vmul.f32 v47, v47;
	[tilespmem:s8+$0x2100] =	vst v12;
	v7 =	vadd.f32 v60, v7  }
0x324: {  	v63 =	vld [tilespmem:s2+$0x2100];
	v8 =	vadd.f32 v47, v8  }
0x325: {  	v62 =	vmul.f32 v48, v48;
	v18 =	vld [tilespmem:$0x7D0];
	v7 =	vadd.f32 v61, v7  }
0x326: {  	v20 =	vld [tilespmem:$0xBD0];
	v8 =	vadd.f32 v48, v8  }
0x327: {  	v19 =	vmul.f32 v49, v49;
	v7 =	vadd.f32 v62, v7  }
0x328: {  	v8 =	vadd.f32 v49, v8  }
0x329: {  	v21 =	vmul.f32 v50, v50;
	v7 =	vadd.f32 v19, v7  }
0x32a: {  	v22 =	vmul.f32 v51, v51;
	v8 =	vadd.f32 v50, v8  }
0x32b: {  	v13 =	vadd.f32 v18, v63;
	v23 =	vmul.f32 v1, v20;
	v7 =	vadd.f32 v21, v7  }
0x32c: {  	v8 =	vadd.f32 v51, v8  }
0x32d: {  	v24 =	vmul.f32 v52, v52;
	v13 =	vadd.f32 v23, v13;
	v7 =	vadd.f32 v22, v7  }
0x32e: {  	v8 =	vadd.f32 v52, v8  }
0x32f: {  	s3 =	sor.u32 $0x1C60, s4;
	v25 =	vmul.f32 v53, v53;
	[tilespmem:s2+$0x2100] =	vst v13;
	v7 =	vadd.f32 v24, v7  }
0x330: {  	v27 =	vld [tilespmem:s3+$0x2100];
	v8 =	vadd.f32 v53, v8  }
0x331: {  	v26 =	vmul.f32 v54, v54;
	v28 =	vld [tilespmem:$0x7E0];
	v7 =	vadd.f32 v25, v7  }
0x332: {  	v30 =	vld [tilespmem:$0xBE0];
	v8 =	vadd.f32 v54, v8  }
0x333: {  	v29 =	vmul.f32 v2, v2;
	v7 =	vadd.f32 v26, v7  }
0x334: {  	v2 =	vadd.f32 v2, v8  }
0x335: {  	v31 =	vmul.f32 v3, v3;
	v7 =	vadd.f32 v29, v7  }
0x336: {  	v32 =	vmul.f32 v4, v4;
	v2 =	vadd.f32 v3, v2  }
0x337: {  	v33 =	vadd.f32 v28, v27;
	v34 =	vmul.f32 v1, v30;
	v3 =	vadd.f32 v31, v7  }
0x338: {  	v2 =	vadd.f32 v4, v2  }
0x339: {  	v35 =	vmul.f32 v5, v5;
	v36 =	vadd.f32 v34, v33;
	v3 =	vadd.f32 v32, v3  }
0x33a: {  	v2 =	vadd.f32 v5, v2  }
0x33b: {  	s4 =	sor.u32 $0x1C70, s4;
	v37 =	vmul.f32 v6, v6;
	[tilespmem:s3+$0x2100] =	vst v36;
	v3 =	vadd.f32 v35, v3  }
0x33c: {  	v39 =	vld [tilespmem:s4+$0x2100];
	v2 =	vadd.f32 v6, v2  }
0x33d: {  	v38 =	vmul.f32 v10, v10;
	v40 =	vld [tilespmem:$0x7F0];
	v3 =	vadd.f32 v37, v3  }
0x33e: {  	v42 =	vld [tilespmem:$0xBF0];
	v2 =	vadd.f32 v10, v2  }
0x33f: {  	v41 =	vmul.f32 v11, v11;
	v3 =	vadd.f32 v38, v3  }
0x340: {  	v2 =	vadd.f32 v11, v2  }
0x341: {  	v43 =	vmul.f32 v12, v12;
	v3 =	vadd.f32 v41, v3  }
0x342: {  	v45 =	vmul.f32 v13, v13;
	v2 =	vadd.f32 v12, v2  }
0x343: {  	v44 =	vadd.f32 v40, v39;
	v1 =	vmul.f32 v1, v42;
	v3 =	vadd.f32 v43, v3  }
0x344: {  	v2 =	vadd.f32 v13, v2  }
0x345: {  	v46 =	vmul.f32 v36, v36;
	v1 =	vadd.f32 v1, v44;
	v3 =	vadd.f32 v45, v3  }
0x346: {  	v2 =	vadd.f32 v36, v2  }
0x347: {  	v47 =	vmul.f32 v1, v1;
	v3 =	vadd.f32 v46, v3  }
0x348: {  	v2 =	vadd.f32 v1, v2  }
0x349: {  	v3 =	vadd.f32 v47, v3  }
0x34a: {  	(xrf2) =	vadd.scan.msk.f32 $0xffff, v2  }
0x34b: {  	(xrf2) =	vadd.scan.msk.f32 $0xffff, v3;
	_ =	sdelay $0x8  }
0x34c: {  	v2, _, _ =	vpop (xrf2)  }
0x34d: {  	(v2sf) =	vpush v2, $0xF;
	v2, _, _ =	vpop (xrf2)  }
0x34e: {  	(v2sf) =	vpush v2, $0xF;
	_ =	sdelay $0xd  }
0x34f: {  	s5 =	spop (v2sf)  }
0x350: {  	s5 =	smul.f32 $9.765625000e-04, s5;
	s16 =	spop (v2sf)  }
0x351: {  	s16 =	smul.f32 $9.765625000e-04, s16  }
0x352: {  	s18 =	smul.f32 s5, s5;
	_ =	sdelay $0x1  }
0x353: {  	s16 =	ssub.f32 s16, s18;
	_ =	sdelay $0x1  }
0x354: {  	s16 =	sadd.f32 $9.999999960e-13, s16;
	_ =	sdelay $0x1  }
0x355: {  	v2 =	vmov s16  }
0x356: {  	v3 =	vshra.s32 v2, $0x1;
	v2 =	vmul.f32 $-5.000000000e-01, v2  }
0x357: {  	v3 =	vsub.s32 $0x5F3759DF, v3  }
0x358: {  	v48 =	vmul.f32 v3, v2;
	_ =	sdelay $0x1  }
0x359: {  	v4 =	vmul.f32 v3, v48;
	_ =	sdelay $0x1  }
0x35a: {  	v4 =	vadd.f32 $1.500000000e+00, v4;
	_ =	sdelay $0x1  }
0x35b: {  	v3 =	vmul.f32 v3, v4;
	_ =	sdelay $0x1  }
0x35c: {  	v4 =	vmul.f32 v3, v2;
	_ =	sdelay $0x1  }
0x35d: {  	v4 =	vmul.f32 v4, v3;
	_ =	sdelay $0x1  }
0x35e: {  	v4 =	vadd.f32 $1.500000000e+00, v4;
	_ =	sdelay $0x1  }
0x35f: {  	v3 =	vmul.f32 v4, v3;
	_ =	sdelay $0x1  }
0x360: {  	v2 =	vmul.f32 v3, v2;
	_ =	sdelay $0x1  }
0x361: {  	[tilespmem:s4+$0x2100] =	vst v1;
	v1 =	vmul.f32 v2, v3  }
0x362: {  	v49 =	vld [tilespmem:s28+$0x2100]  }
0x363: {  	v1 =	vadd.f32 $1.500000000e+00, v1;
	_ =	sdelay $0x1  }
0x364: {  	s5 =	ssub.f32 $0.0e+00, s5;
	v1 =	vmul.f32 v1, v3  }
0x365: {  	v3 =	vld [tilespmem:$0xC00]  }
0x366: {  	v2 =	vmul.f32 s5, v1;
	v4 =	vmul.f32 v1, v49  }
0x367: {  	v50 =	vld [tilespmem:$0x0]  }
0x368: {  	v4 =	vadd.f32 v2, v4;
	_ =	sdelay $0x1  }
0x369: {  	v3 =	vmul.f32 v4, v3  }
0x36a: {  	v51 =	vld [tilespmem:s28+$0x2110]  }
0x36b: {  	v3 =	vadd.f32 v3, v50;
	_ =	sdelay $0x1  }
0x36c: {  	[tilespmem:s28+$0x2100] =	vst v3  }
0x36d: {  	v3 =	vld [tilespmem:$0xC10]  }
0x36e: {  	v4 =	vmul.f32 v1, v51  }
0x36f: {  	v52 =	vld [tilespmem:$0x10]  }
0x370: {  	v4 =	vadd.f32 v2, v4;
	_ =	sdelay $0x1  }
0x371: {  	v3 =	vmul.f32 v4, v3  }
0x372: {  	v53 =	vld [tilespmem:s28+$0x2120]  }
0x373: {  	v3 =	vadd.f32 v3, v52;
	_ =	sdelay $0x1  }
0x374: {  	[tilespmem:s28+$0x2110] =	vst v3  }
0x375: {  	v3 =	vld [tilespmem:$0xC20]  }
0x376: {  	v4 =	vmul.f32 v1, v53  }
0x377: {  	v54 =	vld [tilespmem:$0x20]  }
0x378: {  	v4 =	vadd.f32 v2, v4;
	_ =	sdelay $0x1  }
0x379: {  	v3 =	vmul.f32 v4, v3  }
0x37a: {  	v55 =	vld [tilespmem:s28+$0x2130]  }
0x37b: {  	v3 =	vadd.f32 v3, v54;
	_ =	sdelay $0x1  }
0x37c: {  	[tilespmem:s28+$0x2120] =	vst v3  }
0x37d: {  	v3 =	vld [tilespmem:$0xC30]  }
0x37e: {  	v4 =	vmul.f32 v1, v55  }
0x37f: {  	v56 =	vld [tilespmem:$0x30]  }
0x380: {  	v4 =	vadd.f32 v2, v4;
	_ =	sdelay $0x1  }
0x381: {  	v3 =	vmul.f32 v4, v3  }
0x382: {  	v57 =	vld [tilespmem:s28+$0x2140]  }
0x383: {  	v3 =	vadd.f32 v3, v56;
	_ =	sdelay $0x1  }
0x384: {  	[tilespmem:s28+$0x2130] =	vst v3  }
0x385: {  	v3 =	vld [tilespmem:$0xC40]  }
0x386: {  	v4 =	vmul.f32 v1, v57  }
0x387: {  	v58 =	vld [tilespmem:$0x40]  }
0x388: {  	v4 =	vadd.f32 v2, v4;
	_ =	sdelay $0x1  }
0x389: {  	v3 =	vmul.f32 v4, v3  }
0x38a: {  	v59 =	vld [tilespmem:s28+$0x2150]  }
0x38b: {  	v3 =	vadd.f32 v3, v58;
	_ =	sdelay $0x1  }
0x38c: {  	[tilespmem:s28+$0x2140] =	vst v3  }
0x38d: {  	v3 =	vld [tilespmem:$0xC50]  }
0x38e: {  	v4 =	vmul.f32 v1, v59  }
0x38f: {  	v60 =	vld [tilespmem:$0x50]  }
0x390: {  	v4 =	vadd.f32 v2, v4;
	_ =	sdelay $0x1  }
0x391: {  	v3 =	vmul.f32 v4, v3  }
0x392: {  	v61 =	vld [tilespmem:s28+$0x2160]  }
0x393: {  	v3 =	vadd.f32 v3, v60;
	_ =	sdelay $0x1  }
0x394: {  	[tilespmem:s28+$0x2150] =	vst v3  }
0x395: {  	v3 =	vld [tilespmem:$0xC60]  }
0x396: {  	v4 =	vmul.f32 v1, v61  }
0x397: {  	v62 =	vld [tilespmem:$0x60]  }
0x398: {  	v4 =	vadd.f32 v2, v4;
	_ =	sdelay $0x1  }
0x399: {  	v3 =	vmul.f32 v4, v3  }
0x39a: {  	v63 =	vld [tilespmem:s28+$0x2170]  }
0x39b: {  	v3 =	vadd.f32 v3, v62;
	_ =	sdelay $0x1  }
0x39c: {  	[tilespmem:s28+$0x2160] =	vst v3  }
0x39d: {  	v3 =	vld [tilespmem:$0xC70]  }
0x39e: {  	v4 =	vmul.f32 v63, v1  }
0x39f: {  	v8 =	vld [tilespmem:$0x70]  }
0x3a0: {  	v4 =	vadd.f32 v4, v2;
	_ =	sdelay $0x1  }
0x3a1: {  	v3 =	vmul.f32 v4, v3  }
0x3a2: {  	v9 =	vld [tilespmem:s28+$0x2500]  }
0x3a3: {  	v3 =	vadd.f32 v3, v8;
	_ =	sdelay $0x1  }
0x3a4: {  	[tilespmem:s28+$0x2170] =	vst v3  }
0x3a5: {  	v3 =	vld [tilespmem:$0xC80]  }
0x3a6: {  	v4 =	vmul.f32 v9, v1  }
0x3a7: {  	v10 =	vld [tilespmem:$0x80]  }
0x3a8: {  	v4 =	vadd.f32 v4, v2;
	_ =	sdelay $0x1  }
0x3a9: {  	v3 =	vmul.f32 v4, v3  }
0x3aa: {  	v11 =	vld [tilespmem:s28+$0x2510]  }
0x3ab: {  	v3 =	vadd.f32 v3, v10;
	_ =	sdelay $0x1  }
0x3ac: {  	[tilespmem:s28+$0x2500] =	vst v3  }
0x3ad: {  	v3 =	vld [tilespmem:$0xC90]  }
0x3ae: {  	v4 =	vmul.f32 v11, v1  }
0x3af: {  	v12 =	vld [tilespmem:$0x90]  }
0x3b0: {  	v4 =	vadd.f32 v4, v2;
	_ =	sdelay $0x1  }
0x3b1: {  	v3 =	vmul.f32 v4, v3  }
0x3b2: {  	v13 =	vld [tilespmem:s28+$0x2520]  }
0x3b3: {  	v3 =	vadd.f32 v3, v12;
	_ =	sdelay $0x1  }
0x3b4: {  	[tilespmem:s28+$0x2510] =	vst v3  }
0x3b5: {  	v3 =	vld [tilespmem:$0xCA0]  }
0x3b6: {  	v4 =	vmul.f32 v13, v1  }
0x3b7: {  	v14 =	vld [tilespmem:$0xA0]  }
0x3b8: {  	v4 =	vadd.f32 v4, v2;
	_ =	sdelay $0x1  }
0x3b9: {  	v3 =	vmul.f32 v4, v3  }
0x3ba: {  	v15 =	vld [tilespmem:s28+$0x2530]  }
0x3bb: {  	v3 =	vadd.f32 v3, v14;
	_ =	sdelay $0x1  }
0x3bc: {  	[tilespmem:s28+$0x2520] =	vst v3  }
0x3bd: {  	v3 =	vld [tilespmem:$0xCB0]  }
0x3be: {  	v4 =	vmul.f32 v15, v1  }
0x3bf: {  	v16 =	vld [tilespmem:$0xB0]  }
0x3c0: {  	v4 =	vadd.f32 v4, v2;
	_ =	sdelay $0x1  }
0x3c1: {  	v3 =	vmul.f32 v4, v3  }
0x3c2: {  	v17 =	vld [tilespmem:s28+$0x2540]  }
0x3c3: {  	v3 =	vadd.f32 v3, v16;
	_ =	sdelay $0x1  }
0x3c4: {  	[tilespmem:s28+$0x2530] =	vst v3  }
0x3c5: {  	v3 =	vld [tilespmem:$0xCC0]  }
0x3c6: {  	v4 =	vmul.f32 v17, v1  }
0x3c7: {  	v18 =	vld [tilespmem:$0xC0]  }
0x3c8: {  	v4 =	vadd.f32 v4, v2;
	_ =	sdelay $0x1  }
0x3c9: {  	v3 =	vmul.f32 v4, v3  }
0x3ca: {  	v19 =	vld [tilespmem:s28+$0x2550]  }
0x3cb: {  	v3 =	vadd.f32 v3, v18;
	_ =	sdelay $0x1  }
0x3cc: {  	[tilespmem:s28+$0x2540] =	vst v3  }
0x3cd: {  	v3 =	vld [tilespmem:$0xCD0]  }
0x3ce: {  	v4 =	vmul.f32 v19, v1  }
0x3cf: {  	v20 =	vld [tilespmem:$0xD0]  }
0x3d0: {  	v4 =	vadd.f32 v4, v2;
	_ =	sdelay $0x1  }
0x3d1: {  	v3 =	vmul.f32 v4, v3  }
0x3d2: {  	v21 =	vld [tilespmem:s28+$0x2560]  }
0x3d3: {  	v3 =	vadd.f32 v3, v20;
	_ =	sdelay $0x1  }
0x3d4: {  	[tilespmem:s28+$0x2550] =	vst v3  }
0x3d5: {  	v3 =	vld [tilespmem:$0xCE0]  }
0x3d6: {  	v4 =	vmul.f32 v21, v1  }
0x3d7: {  	v22 =	vld [tilespmem:$0xE0]  }
0x3d8: {  	v4 =	vadd.f32 v4, v2;
	_ =	sdelay $0x1  }
0x3d9: {  	v3 =	vmul.f32 v4, v3  }
0x3da: {  	v23 =	vld [tilespmem:s28+$0x2570]  }
0x3db: {  	v3 =	vadd.f32 v3, v22;
	_ =	sdelay $0x1  }
0x3dc: {  	[tilespmem:s28+$0x2560] =	vst v3  }
0x3dd: {  	v3 =	vld [tilespmem:$0xCF0]  }
0x3de: {  	v4 =	vmul.f32 v23, v1  }
0x3df: {  	v24 =	vld [tilespmem:$0xF0]  }
0x3e0: {  	v4 =	vadd.f32 v4, v2;
	_ =	sdelay $0x1  }
0x3e1: {  	v3 =	vmul.f32 v4, v3  }
0x3e2: {  	v25 =	vld [tilespmem:s28+$0x2900]  }
0x3e3: {  	v3 =	vadd.f32 v3, v24;
	_ =	sdelay $0x1  }
0x3e4: {  	[tilespmem:s28+$0x2570] =	vst v3  }
0x3e5: {  	v3 =	vld [tilespmem:$0xD00]  }
0x3e6: {  	v4 =	vmul.f32 v25, v1  }
0x3e7: {  	v26 =	vld [tilespmem:$0x100]  }
0x3e8: {  	v4 =	vadd.f32 v4, v2;
	_ =	sdelay $0x1  }
0x3e9: {  	v3 =	vmul.f32 v4, v3  }
0x3ea: {  	v27 =	vld [tilespmem:s28+$0x2910]  }
0x3eb: {  	v3 =	vadd.f32 v3, v26;
	_ =	sdelay $0x1  }
0x3ec: {  	[tilespmem:s28+$0x2900] =	vst v3  }
0x3ed: {  	v3 =	vld [tilespmem:$0xD10]  }
0x3ee: {  	v4 =	vmul.f32 v27, v1  }
0x3ef: {  	v28 =	vld [tilespmem:$0x110]  }
0x3f0: {  	v4 =	vadd.f32 v4, v2;
	_ =	sdelay $0x1  }
0x3f1: {  	v3 =	vmul.f32 v4, v3  }
0x3f2: {  	v29 =	vld [tilespmem:s28+$0x2920]  }
0x3f3: {  	v3 =	vadd.f32 v3, v28;
	_ =	sdelay $0x1  }
0x3f4: {  	[tilespmem:s28+$0x2910] =	vst v3  }
0x3f5: {  	v3 =	vld [tilespmem:$0xD20]  }
0x3f6: {  	v4 =	vmul.f32 v29, v1  }
0x3f7: {  	v30 =	vld [tilespmem:$0x120]  }
0x3f8: {  	v4 =	vadd.f32 v4, v2;
	_ =	sdelay $0x1  }
0x3f9: {  	v3 =	vmul.f32 v4, v3  }
0x3fa: {  	v31 =	vld [tilespmem:s28+$0x2930]  }
0x3fb: {  	v3 =	vadd.f32 v3, v30;
	_ =	sdelay $0x1  }
0x3fc: {  	[tilespmem:s28+$0x2920] =	vst v3  }
0x3fd: {  	v3 =	vld [tilespmem:$0xD30]  }
0x3fe: {  	v4 =	vmul.f32 v31, v1  }
0x3ff: {  	v32 =	vld [tilespmem:$0x130]  }
0x400: {  	v4 =	vadd.f32 v4, v2;
	_ =	sdelay $0x1  }
0x401: {  	v3 =	vmul.f32 v4, v3  }
0x402: {  	v33 =	vld [tilespmem:s28+$0x2940]  }
0x403: {  	v3 =	vadd.f32 v3, v32;
	_ =	sdelay $0x1  }
0x404: {  	[tilespmem:s28+$0x2930] =	vst v3  }
0x405: {  	v3 =	vld [tilespmem:$0xD40]  }
0x406: {  	v4 =	vmul.f32 v33, v1  }
0x407: {  	v34 =	vld [tilespmem:$0x140]  }
0x408: {  	v4 =	vadd.f32 v4, v2;
	_ =	sdelay $0x1  }
0x409: {  	v3 =	vmul.f32 v4, v3  }
0x40a: {  	v35 =	vld [tilespmem:s28+$0x2950]  }
0x40b: {  	v3 =	vadd.f32 v3, v34;
	_ =	sdelay $0x1  }
0x40c: {  	[tilespmem:s28+$0x2940] =	vst v3  }
0x40d: {  	v3 =	vld [tilespmem:$0xD50]  }
0x40e: {  	v4 =	vmul.f32 v35, v1  }
0x40f: {  	v36 =	vld [tilespmem:$0x150]  }
0x410: {  	v4 =	vadd.f32 v4, v2;
	_ =	sdelay $0x1  }
0x411: {  	v3 =	vmul.f32 v4, v3  }
0x412: {  	v37 =	vld [tilespmem:s28+$0x2960]  }
0x413: {  	v3 =	vadd.f32 v3, v36;
	_ =	sdelay $0x1  }
0x414: {  	[tilespmem:s28+$0x2950] =	vst v3  }
0x415: {  	v3 =	vld [tilespmem:$0xD60]  }
0x416: {  	v4 =	vmul.f32 v37, v1  }
0x417: {  	v38 =	vld [tilespmem:$0x160]  }
0x418: {  	v4 =	vadd.f32 v4, v2;
	_ =	sdelay $0x1  }
0x419: {  	v3 =	vmul.f32 v4, v3  }
0x41a: {  	v39 =	vld [tilespmem:s28+$0x2970]  }
0x41b: {  	v3 =	vadd.f32 v3, v38;
	_ =	sdelay $0x1  }
0x41c: {  	[tilespmem:s28+$0x2960] =	vst v3  }
0x41d: {  	v3 =	vld [tilespmem:$0xD70]  }
0x41e: {  	v4 =	vmul.f32 v39, v1  }
0x41f: {  	v40 =	vld [tilespmem:$0x170]  }
0x420: {  	v4 =	vadd.f32 v4, v2;
	_ =	sdelay $0x1  }
0x421: {  	v3 =	vmul.f32 v4, v3  }
0x422: {  	v41 =	vld [tilespmem:s28+$0x2D00]  }
0x423: {  	v3 =	vadd.f32 v3, v40;
	_ =	sdelay $0x1  }
0x424: {  	[tilespmem:s28+$0x2970] =	vst v3  }
0x425: {  	v3 =	vld [tilespmem:$0xD80]  }
0x426: {  	v4 =	vmul.f32 v41, v1  }
0x427: {  	v42 =	vld [tilespmem:$0x180]  }
0x428: {  	v4 =	vadd.f32 v4, v2;
	_ =	sdelay $0x1  }
0x429: {  	v3 =	vmul.f32 v4, v3  }
0x42a: {  	v43 =	vld [tilespmem:s28+$0x2D10]  }
0x42b: {  	v3 =	vadd.f32 v3, v42;
	_ =	sdelay $0x1  }
0x42c: {  	[tilespmem:s28+$0x2D00] =	vst v3  }
0x42d: {  	v3 =	vld [tilespmem:$0xD90]  }
0x42e: {  	v4 =	vmul.f32 v43, v1  }
0x42f: {  	v44 =	vld [tilespmem:$0x190]  }
0x430: {  	v4 =	vadd.f32 v4, v2;
	_ =	sdelay $0x1  }
0x431: {  	v3 =	vmul.f32 v4, v3  }
0x432: {  	v45 =	vld [tilespmem:s28+$0x2D20]  }
0x433: {  	v3 =	vadd.f32 v3, v44;
	_ =	sdelay $0x1  }
0x434: {  	[tilespmem:s28+$0x2D10] =	vst v3  }
0x435: {  	v3 =	vld [tilespmem:$0xDA0]  }
0x436: {  	v4 =	vmul.f32 v45, v1  }
0x437: {  	v46 =	vld [tilespmem:$0x1A0]  }
0x438: {  	v4 =	vadd.f32 v4, v2;
	_ =	sdelay $0x1  }
0x439: {  	v3 =	vmul.f32 v4, v3  }
0x43a: {  	v47 =	vld [tilespmem:s28+$0x2D30]  }
0x43b: {  	v3 =	vadd.f32 v3, v46;
	_ =	sdelay $0x1  }
0x43c: {  	[tilespmem:s28+$0x2D20] =	vst v3  }
0x43d: {  	v3 =	vld [tilespmem:$0xDB0]  }
0x43e: {  	v4 =	vmul.f32 v47, v1  }
0x43f: {  	v48 =	vld [tilespmem:$0x1B0]  }
0x440: {  	v4 =	vadd.f32 v4, v2;
	_ =	sdelay $0x1  }
0x441: {  	v3 =	vmul.f32 v4, v3  }
0x442: {  	v49 =	vld [tilespmem:s28+$0x2D40]  }
0x443: {  	v3 =	vadd.f32 v3, v48;
	_ =	sdelay $0x1  }
0x444: {  	[tilespmem:s28+$0x2D30] =	vst v3  }
0x445: {  	v3 =	vld [tilespmem:$0xDC0]  }
0x446: {  	v4 =	vmul.f32 v49, v1  }
0x447: {  	v50 =	vld [tilespmem:$0x1C0]  }
0x448: {  	v4 =	vadd.f32 v4, v2;
	_ =	sdelay $0x1  }
0x449: {  	v3 =	vmul.f32 v4, v3  }
0x44a: {  	v51 =	vld [tilespmem:s28+$0x2D50]  }
0x44b: {  	v3 =	vadd.f32 v3, v50;
	_ =	sdelay $0x1  }
0x44c: {  	[tilespmem:s28+$0x2D40] =	vst v3  }
0x44d: {  	v3 =	vld [tilespmem:$0xDD0]  }
0x44e: {  	v4 =	vmul.f32 v51, v1  }
0x44f: {  	v52 =	vld [tilespmem:$0x1D0]  }
0x450: {  	v4 =	vadd.f32 v4, v2;
	_ =	sdelay $0x1  }
0x451: {  	v3 =	vmul.f32 v4, v3  }
0x452: {  	v53 =	vld [tilespmem:s28+$0x2D60]  }
0x453: {  	v3 =	vadd.f32 v3, v52;
	_ =	sdelay $0x1  }
0x454: {  	[tilespmem:s28+$0x2D50] =	vst v3  }
0x455: {  	v3 =	vld [tilespmem:$0xDE0]  }
0x456: {  	v4 =	vmul.f32 v53, v1  }
0x457: {  	v54 =	vld [tilespmem:$0x1E0]  }
0x458: {  	v4 =	vadd.f32 v4, v2;
	_ =	sdelay $0x1  }
0x459: {  	v3 =	vmul.f32 v4, v3  }
0x45a: {  	v55 =	vld [tilespmem:s28+$0x2D70]  }
0x45b: {  	v3 =	vadd.f32 v3, v54;
	_ =	sdelay $0x1  }
0x45c: {  	[tilespmem:s28+$0x2D60] =	vst v3  }
0x45d: {  	v3 =	vld [tilespmem:$0xDF0]  }
0x45e: {  	v4 =	vmul.f32 v55, v1  }
0x45f: {  	v56 =	vld [tilespmem:$0x1F0]  }
0x460: {  	v4 =	vadd.f32 v4, v2;
	_ =	sdelay $0x1  }
0x461: {  	v3 =	vmul.f32 v4, v3  }
0x462: {  	v57 =	vld [tilespmem:s28+$0x3100]  }
0x463: {  	v3 =	vadd.f32 v3, v56;
	_ =	sdelay $0x1  }
0x464: {  	[tilespmem:s28+$0x2D70] =	vst v3  }
0x465: {  	v3 =	vld [tilespmem:$0xE00]  }
0x466: {  	v4 =	vmul.f32 v57, v1  }
0x467: {  	v58 =	vld [tilespmem:$0x200]  }
0x468: {  	v4 =	vadd.f32 v4, v2;
	_ =	sdelay $0x1  }
0x469: {  	v3 =	vmul.f32 v4, v3  }
0x46a: {  	v59 =	vld [tilespmem:s28+$0x3110]  }
0x46b: {  	v3 =	vadd.f32 v3, v58;
	_ =	sdelay $0x1  }
0x46c: {  	[tilespmem:s28+$0x3100] =	vst v3  }
0x46d: {  	v3 =	vld [tilespmem:$0xE10]  }
0x46e: {  	v4 =	vmul.f32 v59, v1  }
0x46f: {  	v60 =	vld [tilespmem:$0x210]  }
0x470: {  	v4 =	vadd.f32 v4, v2;
	_ =	sdelay $0x1  }
0x471: {  	v3 =	vmul.f32 v4, v3  }
0x472: {  	v61 =	vld [tilespmem:s28+$0x3120]  }
0x473: {  	v3 =	vadd.f32 v3, v60;
	_ =	sdelay $0x1  }
0x474: {  	[tilespmem:s28+$0x3110] =	vst v3  }
0x475: {  	v3 =	vld [tilespmem:$0xE20]  }
0x476: {  	v4 =	vmul.f32 v61, v1  }
0x477: {  	v62 =	vld [tilespmem:$0x220]  }
0x478: {  	v4 =	vadd.f32 v4, v2;
	_ =	sdelay $0x1  }
0x479: {  	v3 =	vmul.f32 v4, v3  }
0x47a: {  	v63 =	vld [tilespmem:s28+$0x3130]  }
0x47b: {  	v3 =	vadd.f32 v3, v62;
	_ =	sdelay $0x1  }
0x47c: {  	[tilespmem:s28+$0x3120] =	vst v3  }
0x47d: {  	v3 =	vld [tilespmem:$0xE30]  }
0x47e: {  	v4 =	vmul.f32 v63, v1  }
0x47f: {  	v8 =	vld [tilespmem:$0x230]  }
0x480: {  	v4 =	vadd.f32 v4, v2;
	_ =	sdelay $0x1  }
0x481: {  	v3 =	vmul.f32 v4, v3  }
0x482: {  	v9 =	vld [tilespmem:s28+$0x3140]  }
0x483: {  	v3 =	vadd.f32 v3, v8;
	_ =	sdelay $0x1  }
0x484: {  	[tilespmem:s28+$0x3130] =	vst v3  }
0x485: {  	v3 =	vld [tilespmem:$0xE40]  }
0x486: {  	v4 =	vmul.f32 v9, v1  }
0x487: {  	v10 =	vld [tilespmem:$0x240]  }
0x488: {  	v4 =	vadd.f32 v4, v2;
	_ =	sdelay $0x1  }
0x489: {  	v3 =	vmul.f32 v4, v3  }
0x48a: {  	v11 =	vld [tilespmem:s28+$0x3150]  }
0x48b: {  	v3 =	vadd.f32 v3, v10;
	_ =	sdelay $0x1  }
0x48c: {  	[tilespmem:s28+$0x3140] =	vst v3  }
0x48d: {  	v3 =	vld [tilespmem:$0xE50]  }
0x48e: {  	v4 =	vmul.f32 v11, v1  }
0x48f: {  	v12 =	vld [tilespmem:$0x250]  }
0x490: {  	v4 =	vadd.f32 v4, v2;
	_ =	sdelay $0x1  }
0x491: {  	v3 =	vmul.f32 v4, v3  }
0x492: {  	v13 =	vld [tilespmem:s28+$0x3160]  }
0x493: {  	v3 =	vadd.f32 v3, v12;
	_ =	sdelay $0x1  }
0x494: {  	[tilespmem:s28+$0x3150] =	vst v3  }
0x495: {  	v3 =	vld [tilespmem:$0xE60]  }
0x496: {  	v4 =	vmul.f32 v13, v1  }
0x497: {  	v14 =	vld [tilespmem:$0x260]  }
0x498: {  	v4 =	vadd.f32 v4, v2;
	_ =	sdelay $0x1  }
0x499: {  	v3 =	vmul.f32 v4, v3  }
0x49a: {  	v15 =	vld [tilespmem:s28+$0x3170]  }
0x49b: {  	v3 =	vadd.f32 v3, v14;
	_ =	sdelay $0x1  }
0x49c: {  	[tilespmem:s28+$0x3160] =	vst v3  }
0x49d: {  	v3 =	vld [tilespmem:$0xE70]  }
0x49e: {  	v4 =	vmul.f32 v15, v1  }
0x49f: {  	v16 =	vld [tilespmem:$0x270]  }
0x4a0: {  	v4 =	vadd.f32 v4, v2;
	_ =	sdelay $0x1  }
0x4a1: {  	v3 =	vmul.f32 v4, v3  }
0x4a2: {  	v17 =	vld [tilespmem:s28+$0x3500]  }
0x4a3: {  	v3 =	vadd.f32 v3, v16;
	_ =	sdelay $0x1  }
0x4a4: {  	[tilespmem:s28+$0x3170] =	vst v3  }
0x4a5: {  	v3 =	vld [tilespmem:$0xE80]  }
0x4a6: {  	v4 =	vmul.f32 v17, v1  }
0x4a7: {  	v18 =	vld [tilespmem:$0x280]  }
0x4a8: {  	v4 =	vadd.f32 v4, v2;
	_ =	sdelay $0x1  }
0x4a9: {  	v3 =	vmul.f32 v4, v3  }
0x4aa: {  	v19 =	vld [tilespmem:s28+$0x3510]  }
0x4ab: {  	v3 =	vadd.f32 v3, v18;
	_ =	sdelay $0x1  }
0x4ac: {  	[tilespmem:s28+$0x3500] =	vst v3  }
0x4ad: {  	v3 =	vld [tilespmem:$0xE90]  }
0x4ae: {  	v4 =	vmul.f32 v19, v1  }
0x4af: {  	v20 =	vld [tilespmem:$0x290]  }
0x4b0: {  	v4 =	vadd.f32 v4, v2;
	_ =	sdelay $0x1  }
0x4b1: {  	v3 =	vmul.f32 v4, v3  }
0x4b2: {  	v21 =	vld [tilespmem:s28+$0x3520]  }
0x4b3: {  	v3 =	vadd.f32 v3, v20;
	_ =	sdelay $0x1  }
0x4b4: {  	[tilespmem:s28+$0x3510] =	vst v3  }
0x4b5: {  	v3 =	vld [tilespmem:$0xEA0]  }
0x4b6: {  	v4 =	vmul.f32 v21, v1  }
0x4b7: {  	v22 =	vld [tilespmem:$0x2A0]  }
0x4b8: {  	v4 =	vadd.f32 v4, v2;
	_ =	sdelay $0x1  }
0x4b9: {  	v3 =	vmul.f32 v4, v3  }
0x4ba: {  	v23 =	vld [tilespmem:s28+$0x3530]  }
0x4bb: {  	v3 =	vadd.f32 v3, v22;
	_ =	sdelay $0x1  }
0x4bc: {  	[tilespmem:s28+$0x3520] =	vst v3  }
0x4bd: {  	v3 =	vld [tilespmem:$0xEB0]  }
0x4be: {  	v4 =	vmul.f32 v23, v1  }
0x4bf: {  	v24 =	vld [tilespmem:$0x2B0]  }
0x4c0: {  	v4 =	vadd.f32 v4, v2;
	_ =	sdelay $0x1  }
0x4c1: {  	v3 =	vmul.f32 v4, v3  }
0x4c2: {  	v25 =	vld [tilespmem:s28+$0x3540]  }
0x4c3: {  	v3 =	vadd.f32 v3, v24;
	_ =	sdelay $0x1  }
0x4c4: {  	[tilespmem:s28+$0x3530] =	vst v3  }
0x4c5: {  	v3 =	vld [tilespmem:$0xEC0]  }
0x4c6: {  	v4 =	vmul.f32 v25, v1  }
0x4c7: {  	v26 =	vld [tilespmem:$0x2C0]  }
0x4c8: {  	v4 =	vadd.f32 v4, v2;
	_ =	sdelay $0x1  }
0x4c9: {  	v3 =	vmul.f32 v4, v3  }
0x4ca: {  	v27 =	vld [tilespmem:s28+$0x3550]  }
0x4cb: {  	v3 =	vadd.f32 v3, v26;
	_ =	sdelay $0x1  }
0x4cc: {  	[tilespmem:s28+$0x3540] =	vst v3  }
0x4cd: {  	v3 =	vld [tilespmem:$0xED0]  }
0x4ce: {  	v4 =	vmul.f32 v27, v1  }
0x4cf: {  	v28 =	vld [tilespmem:$0x2D0]  }
0x4d0: {  	v4 =	vadd.f32 v4, v2;
	_ =	sdelay $0x1  }
0x4d1: {  	v3 =	vmul.f32 v4, v3  }
0x4d2: {  	v29 =	vld [tilespmem:s28+$0x3560]  }
0x4d3: {  	v3 =	vadd.f32 v3, v28;
	_ =	sdelay $0x1  }
0x4d4: {  	[tilespmem:s28+$0x3550] =	vst v3  }
0x4d5: {  	v3 =	vld [tilespmem:$0xEE0]  }
0x4d6: {  	v4 =	vmul.f32 v29, v1  }
0x4d7: {  	v30 =	vld [tilespmem:$0x2E0]  }
0x4d8: {  	v4 =	vadd.f32 v4, v2;
	_ =	sdelay $0x1  }
0x4d9: {  	v3 =	vmul.f32 v4, v3  }
0x4da: {  	v31 =	vld [tilespmem:s28+$0x3570]  }
0x4db: {  	v3 =	vadd.f32 v3, v30;
	_ =	sdelay $0x1  }
0x4dc: {  	[tilespmem:s28+$0x3560] =	vst v3  }
0x4dd: {  	v3 =	vld [tilespmem:$0xEF0]  }
0x4de: {  	v4 =	vmul.f32 v31, v1  }
0x4df: {  	v32 =	vld [tilespmem:$0x2F0]  }
0x4e0: {  	v4 =	vadd.f32 v4, v2;
	_ =	sdelay $0x1  }
0x4e1: {  	v3 =	vmul.f32 v4, v3  }
0x4e2: {  	v33 =	vld [tilespmem:s28+$0x3900]  }
0x4e3: {  	v3 =	vadd.f32 v3, v32;
	_ =	sdelay $0x1  }
0x4e4: {  	[tilespmem:s28+$0x3570] =	vst v3  }
0x4e5: {  	v3 =	vld [tilespmem:$0xF00]  }
0x4e6: {  	v4 =	vmul.f32 v33, v1  }
0x4e7: {  	v34 =	vld [tilespmem:$0x300]  }
0x4e8: {  	v4 =	vadd.f32 v4, v2;
	_ =	sdelay $0x1  }
0x4e9: {  	v3 =	vmul.f32 v4, v3  }
0x4ea: {  	v35 =	vld [tilespmem:s28+$0x3910]  }
0x4eb: {  	v3 =	vadd.f32 v3, v34;
	_ =	sdelay $0x1  }
0x4ec: {  	[tilespmem:s28+$0x3900] =	vst v3  }
0x4ed: {  	v3 =	vld [tilespmem:$0xF10]  }
0x4ee: {  	v4 =	vmul.f32 v35, v1  }
0x4ef: {  	v36 =	vld [tilespmem:$0x310]  }
0x4f0: {  	v4 =	vadd.f32 v4, v2;
	_ =	sdelay $0x1  }
0x4f1: {  	v3 =	vmul.f32 v4, v3  }
0x4f2: {  	v37 =	vld [tilespmem:s28+$0x3920]  }
0x4f3: {  	v3 =	vadd.f32 v3, v36;
	_ =	sdelay $0x1  }
0x4f4: {  	[tilespmem:s28+$0x3910] =	vst v3  }
0x4f5: {  	v3 =	vld [tilespmem:$0xF20]  }
0x4f6: {  	v4 =	vmul.f32 v37, v1  }
0x4f7: {  	v38 =	vld [tilespmem:$0x320]  }
0x4f8: {  	v4 =	vadd.f32 v4, v2;
	_ =	sdelay $0x1  }
0x4f9: {  	v3 =	vmul.f32 v4, v3  }
0x4fa: {  	v39 =	vld [tilespmem:s28+$0x3930]  }
0x4fb: {  	v3 =	vadd.f32 v3, v38;
	_ =	sdelay $0x1  }
0x4fc: {  	[tilespmem:s28+$0x3920] =	vst v3  }
0x4fd: {  	v3 =	vld [tilespmem:$0xF30]  }
0x4fe: {  	v4 =	vmul.f32 v39, v1  }
0x4ff: {  	v40 =	vld [tilespmem:$0x330]  }
0x500: {  	v4 =	vadd.f32 v4, v2;
	_ =	sdelay $0x1  }
0x501: {  	v3 =	vmul.f32 v4, v3  }
0x502: {  	v41 =	vld [tilespmem:s28+$0x3940]  }
0x503: {  	v3 =	vadd.f32 v3, v40;
	_ =	sdelay $0x1  }
0x504: {  	[tilespmem:s28+$0x3930] =	vst v3  }
0x505: {  	v3 =	vld [tilespmem:$0xF40]  }
0x506: {  	v4 =	vmul.f32 v41, v1  }
0x507: {  	v42 =	vld [tilespmem:$0x340]  }
0x508: {  	v4 =	vadd.f32 v4, v2;
	_ =	sdelay $0x1  }
0x509: {  	v3 =	vmul.f32 v4, v3  }
0x50a: {  	v43 =	vld [tilespmem:s28+$0x3950]  }
0x50b: {  	v3 =	vadd.f32 v3, v42;
	_ =	sdelay $0x1  }
0x50c: {  	[tilespmem:s28+$0x3940] =	vst v3  }
0x50d: {  	v3 =	vld [tilespmem:$0xF50]  }
0x50e: {  	v4 =	vmul.f32 v43, v1  }
0x50f: {  	v44 =	vld [tilespmem:$0x350]  }
0x510: {  	v4 =	vadd.f32 v4, v2;
	_ =	sdelay $0x1  }
0x511: {  	v3 =	vmul.f32 v4, v3  }
0x512: {  	v45 =	vld [tilespmem:s28+$0x3960]  }
0x513: {  	v3 =	vadd.f32 v3, v44;
	_ =	sdelay $0x1  }
0x514: {  	[tilespmem:s28+$0x3950] =	vst v3  }
0x515: {  	v3 =	vld [tilespmem:$0xF60]  }
0x516: {  	v4 =	vmul.f32 v45, v1  }
0x517: {  	v46 =	vld [tilespmem:$0x360]  }
0x518: {  	v4 =	vadd.f32 v4, v2;
	_ =	sdelay $0x1  }
0x519: {  	v3 =	vmul.f32 v4, v3  }
0x51a: {  	v47 =	vld [tilespmem:s28+$0x3970]  }
0x51b: {  	v3 =	vadd.f32 v3, v46;
	_ =	sdelay $0x1  }
0x51c: {  	[tilespmem:s28+$0x3960] =	vst v3  }
0x51d: {  	v3 =	vld [tilespmem:$0xF70]  }
0x51e: {  	v4 =	vmul.f32 v47, v1  }
0x51f: {  	v48 =	vld [tilespmem:$0x370]  }
0x520: {  	v4 =	vadd.f32 v4, v2;
	_ =	sdelay $0x1  }
0x521: {  	v3 =	vmul.f32 v4, v3;
	_ =	sdelay $0x1  }
0x522: {  	v3 =	vadd.f32 v3, v48;
	_ =	sdelay $0x1  }
0x523: {  	[tilespmem:s28+$0x3970] =	vst v3  }
0x524: {  	v3 =	vld [tilespmem:s29+$0x2100];
	_ =	sdelay $0x3  }
0x525: {  	v49 =	vld [tilespmem:$0xF80]  }
0x526: {  	v3 =	vmul.f32 v3, v1  }
0x527: {  	v50 =	vld [tilespmem:$0x380]  }
0x528: {  	v3 =	vadd.f32 v3, v2;
	_ =	sdelay $0x1  }
0x529: {  	v3 =	vmul.f32 v3, v49;
	_ =	sdelay $0x1  }
0x52a: {  	v3 =	vadd.f32 v3, v50;
	_ =	sdelay $0x1  }
0x52b: {  	[tilespmem:s29+$0x2100] =	vst v3  }
0x52c: {  	v3 =	vld [tilespmem:s30+$0x2100];
	_ =	sdelay $0x3  }
0x52d: {  	v51 =	vld [tilespmem:$0xF90]  }
0x52e: {  	v3 =	vmul.f32 v3, v1  }
0x52f: {  	v52 =	vld [tilespmem:$0x390]  }
0x530: {  	v3 =	vadd.f32 v3, v2;
	_ =	sdelay $0x1  }
0x531: {  	v3 =	vmul.f32 v3, v51;
	_ =	sdelay $0x1  }
0x532: {  	v3 =	vadd.f32 v3, v52;
	_ =	sdelay $0x1  }
0x533: {  	[tilespmem:s30+$0x2100] =	vst v3  }
0x534: {  	v3 =	vld [tilespmem:s31+$0x2100];
	_ =	sdelay $0x3  }
0x535: {  	v53 =	vld [tilespmem:$0xFA0]  }
0x536: {  	v3 =	vmul.f32 v3, v1  }
0x537: {  	v54 =	vld [tilespmem:$0x3A0]  }
0x538: {  	v3 =	vadd.f32 v3, v2;
	_ =	sdelay $0x1  }
0x539: {  	v3 =	vmul.f32 v3, v53;
	_ =	sdelay $0x1  }
0x53a: {  	v3 =	vadd.f32 v3, v54;
	_ =	sdelay $0x1  }
0x53b: {  	[tilespmem:s31+$0x2100] =	vst v3  }
0x53c: {  	v3 =	vld [tilespmem:s0+$0x2100];
	_ =	sdelay $0x3  }
0x53d: {  	v55 =	vld [tilespmem:$0xFB0]  }
0x53e: {  	v3 =	vmul.f32 v3, v1  }
0x53f: {  	v56 =	vld [tilespmem:$0x3B0]  }
0x540: {  	v3 =	vadd.f32 v3, v2;
	_ =	sdelay $0x1  }
0x541: {  	v3 =	vmul.f32 v3, v55;
	_ =	sdelay $0x1  }
0x542: {  	v3 =	vadd.f32 v3, v56;
	_ =	sdelay $0x1  }
0x543: {  	[tilespmem:s0+$0x2100] =	vst v3  }
0x544: {  	v3 =	vld [tilespmem:s8+$0x2100];
	_ =	sdelay $0x3  }
0x545: {  	v57 =	vld [tilespmem:$0xFC0]  }
0x546: {  	v3 =	vmul.f32 v3, v1  }
0x547: {  	v58 =	vld [tilespmem:$0x3C0]  }
0x548: {  	v3 =	vadd.f32 v3, v2;
	_ =	sdelay $0x1  }
0x549: {  	v3 =	vmul.f32 v3, v57;
	_ =	sdelay $0x1  }
0x54a: {  	v3 =	vadd.f32 v3, v58;
	_ =	sdelay $0x1  }
0x54b: {  	[tilespmem:s8+$0x2100] =	vst v3  }
0x54c: {  	v3 =	vld [tilespmem:s2+$0x2100];
	_ =	sdelay $0x3  }
0x54d: {  	v59 =	vld [tilespmem:$0xFD0]  }
0x54e: {  	v3 =	vmul.f32 v3, v1  }
0x54f: {  	v60 =	vld [tilespmem:$0x3D0]  }
0x550: {  	v3 =	vadd.f32 v3, v2;
	_ =	sdelay $0x1  }
0x551: {  	v3 =	vmul.f32 v3, v59;
	_ =	sdelay $0x1  }
0x552: {  	v3 =	vadd.f32 v3, v60;
	_ =	sdelay $0x1  }
0x553: {  	[tilespmem:s2+$0x2100] =	vst v3  }
0x554: {  	v3 =	vld [tilespmem:s3+$0x2100];
	_ =	sdelay $0x3  }
0x555: {  	v61 =	vld [tilespmem:$0xFE0]  }
0x556: {  	v3 =	vmul.f32 v3, v1  }
0x557: {  	v62 =	vld [tilespmem:$0x3E0]  }
0x558: {  	v3 =	vadd.f32 v3, v2;
	_ =	sdelay $0x1  }
0x559: {  	v3 =	vmul.f32 v3, v61;
	_ =	sdelay $0x1  }
0x55a: {  	v3 =	vadd.f32 v3, v62;
	_ =	sdelay $0x1  }
0x55b: {  	[tilespmem:s3+$0x2100] =	vst v3  }
0x55c: {  	v3 =	vld [tilespmem:s4+$0x2100];
	_ =	sdelay $0x3  }
0x55d: {  	v63 =	vld [tilespmem:$0xFF0]  }
0x55e: {  	v1 =	vmul.f32 v3, v1  }
0x55f: {  	v3 =	vld [tilespmem:$0x3F0]  }
0x560: {  	v1 =	vadd.f32 v1, v2  }
0x561: {  	p0 =	sne.s32 s26, $0x1F  }
.Ltmp0:
0x562: {  	v1 =	vmul.f32 v1, v63;
	(pc) =	sbr.rel @p0 .LBB2_3-.Ltmp0, $4  }
0x563: {  	_ = 	snop  }
0x564: {  	v1 =	vadd.f32 v1, v3  }
0x565: {  	s25 =	sadd.s32 $0x80, s25  }
0x566: {  	s6 =	sadd.s32 $0x1, s6;
	s26 =	sadd.s32 $0x1, s26;
	s22 =	sadd.s32 $0x400, s22;
	[tilespmem:s4+$0x2100] =	vst v1  }
0x567: {  	s15 =	sadd.s32 $0x1, s15  }
0x568: {  	s0 =	sshll.u32 s21, $0x7;
	s2 =	rddreg [dreg:$0x6];
	p0 =	sne.s32 s15, $0x10  }
.Ltmp1:
0x569: {  	s0 =	sadd.s32 s2, s0;
	(pc) =	sbr.rel @p0 .LBB2_2-.Ltmp1, $4  }
0x56a: {  	[hbm4b:s0+s7] =	stream.linear.scatter [tilespmem:s24], [sflag:$0x2], $0x8000, $0x38;
	[tilespmem:$0xA100] =	vst v63  }
0x56b: {  	_ =	swait.ge [sflag:s17], $0x8000  }
0x56c: {  	[sflag:s17] =	ssyncset.done $0x0  }
0x56d: {  	[sflag:s17] =	ssyncadd.s32 $0xFFFF8000  }
0x56e: {  	s2 =	rddreg [dreg:$0x9]  }
0x56f: {  	s0 =	rddreg [dreg:$0x8];
	s2 =	sadd.s32 $0x1, s2  }
0x570: {  	p0 =	sne.s32 s2, s0  }
.Ltmp2:
0x571: {  	_ = 	snop;
	(pc) =	sbr.rel @p0 .LBB2_1-.Ltmp2, $1  }
0x572: {  	_ =	sdelay $0x3  }
0x573: {  	_ =	sfence.sel $0x180000  }
0x574: {  	[bflag:$0x0] =	sbarrier.arrive $0xFFFF  }
0x575: {  	_ =	strace $0x90000047  }
0x576: {  	s0 =	stileid.u32;
	[bflag:$0x2] =	sbarrier.arrive $0xFFFF  }
0x577: {  	p0 =	sne.s32 s0, $0x0;
	s0 =	rddreg [dreg:$0x7]  }
0x578: {  	s0 =	sadd.s32 @!p0 $0x100000, s0  }
0x579: {  	[sflag:s0] =	ssyncadd.tile.s32 @!p0 $0x1;
	_ =	shalt  }
.Lfunc_end2:
_tile_overlayer_lowered:
.L_overlay_start_2:
0x57a: {  	(tag) =	ssettag $0x2  }
0x57b: {  	s0 =	rddreg [dreg:$0x0];
	s2 =	stileid.u32  }
0x57c: {  	s1 =	rddreg [dreg:$0x1];
	p0 =	sne.s32 s2, $0x0  }
0x57d: {  	s3 =	rddreg [dreg:$0x2];
	[bflag:$0x3] =	sbarrier.arrive $0xFFFF;
	s2 =	simm.s32 @!p0 $0x1C02  }
0x57e: {  	[timem:s3], [sflag:s2] =	dma.local @!p0 [hbm:s0], s1  }
0x57f: {  	s0 =	simm.s32 @!p0 $0x2  }
0x580: {  	_ =	swait.ge @!p0 [sflag:s0], s1  }
0x581: {  	s1 =	ssub.s32 @!p0 $0x0, s1;
	[sflag:s0] =	ssyncset.done @!p0 $0x0  }
0x582: {  	[sflag:s0] =	ssyncadd.s32 @!p0 s1  }
0x583: {  	[bflag:$0x3] =	sbarrier.arrive $0xFFFF  }
0x584: {  	_ =	shalt  }

</sc_bundles>
